<compile_context>
chip_gen: v7x
topology: tpu7x:2x2x1
jax: 0.10.2.dev20260603
libtpu: 0.0.44.dev20260713+nightly
codegen_flags: <defaults>
</compile_context>

<pallas_src>
import functools

import jax
import jax.numpy as jnp
from jax import lax
from jax.experimental import pallas as pl
from jax.experimental.pallas import tpu as pltpu
from jax.experimental.pallas import tpu_sc as plsc

_B = 16384
_K = 16
_DIM = 64
_CH = 128
_APAD = 782
_PK = 8
_M = _B * _K // 128


def _make_sc_gather_a(nc, ns, nl):
    nw = nc * ns
    bpw = _B // nw
    nch = bpw // _CH
    opw = bpw * _K // 128
    mesh = plsc.VectorSubcoreMesh(core_axis_name="c", subcore_axis_name="s")

    @functools.partial(
        pl.kernel,
        out_type=jax.ShapeDtypeStruct((_M, 128), jnp.float32),
        mesh=mesh,
        scratch_types=[
            pltpu.VMEM((bpw,), jnp.int32),
            pltpu.VMEM((_CH, _K), jnp.float32),
            pltpu.VMEM((opw, 128), jnp.float32),
            pltpu.SemaphoreType.DMA,
        ],
        compiler_params=pltpu.CompilerParams(use_tc_tiling_on_sc=False,
                                             needs_layout_passes=False),
    )
    def gather_a(idx_hbm, A_hbm, A_out, idx_v, Ac, Av_v, sem):
        wid = lax.axis_index("s") * nc + lax.axis_index("c")
        base = wid * bpw
        pltpu.sync_copy(idx_hbm.at[pl.ds(base, bpw)], idx_v)
        iota = lax.iota(jnp.int32, nl)
        for j in range(nch):
            iv = idx_v.at[pl.ds(j * _CH, _CH)]
            pltpu.async_copy(A_hbm.at[iv], Ac, sem).wait()

            def row_block(t, _):
                for u in range(nl):
                    r = t * nl + u
                    b = j * _CH + r
                    rr = jnp.full((nl,), r, dtype=jnp.int32)
                    arow = plsc.load_gather(Ac, [rr, iota])
                    Av_v[b >> 3, pl.ds((b & 7) * _K, _K)] = arow
                return _

            lax.fori_loop(0, _CH // nl, row_block, None)
        pltpu.sync_copy(Av_v, A_out.at[pl.ds(wid * opw, opw)])

    return gather_a


def _make_sc_gather_p(nc, ns, nl):
    nw = nc * ns
    bpw = _B // nw
    nch = bpw // _CH
    opw = bpw * _K // 128
    mesh = plsc.VectorSubcoreMesh(core_axis_name="c", subcore_axis_name="s")

    @functools.partial(
        pl.kernel,
        out_type=(
            jax.ShapeDtypeStruct((_M, 128), jnp.float32),
            jax.ShapeDtypeStruct((_M, 128), jnp.float32),
        ),
        mesh=mesh,
        scratch_types=[
            pltpu.VMEM((bpw,), jnp.int32),
            pltpu.VMEM((bpw,), jnp.int32),
            pltpu.VMEM((bpw,), jnp.float32),
            pltpu.VMEM((_K,), jnp.float32),
            pltpu.VMEM((_CH, _K), jnp.float32),
            pltpu.VMEM((_CH, 128), jnp.float32),
            pltpu.VMEM((opw, 128), jnp.float32),
            pltpu.VMEM((opw, 128), jnp.float32),
            pltpu.SemaphoreType.DMA,
        ],
        compiler_params=pltpu.CompilerParams(use_tc_tiling_on_sc=False,
                                             needs_layout_passes=False),
    )
    def gather_p(idx_hbm, tau_hbm, om_hbm, ap_hbm, P_hbm,
                 ph_out, at_out,
                 idx_v, idx7_v, tau_v, om_v, Pc, ac, ph_v, at_v, sem):
        wid = lax.axis_index("s") * nc + lax.axis_index("c")
        base = wid * bpw
        pltpu.sync_copy(idx_hbm.at[pl.ds(base, bpw)], idx_v)
        pltpu.sync_copy(tau_hbm.at[pl.ds(base, bpw)], tau_v)
        pltpu.sync_copy(om_hbm, om_v)
        for t in range(bpw // nl):
            sl = pl.ds(t * nl, nl)
            idx7_v[sl] = idx_v[sl] >> 7
        omega = om_v[:]
        iota = lax.iota(jnp.int32, nl)
        for j in range(nch):
            iv = idx_v.at[pl.ds(j * _CH, _CH)]
            i7 = idx7_v.at[pl.ds(j * _CH, _CH)]
            cp = pltpu.async_copy(P_hbm.at[iv], Pc, sem)
            cq = pltpu.async_copy(ap_hbm.at[i7], ac, sem)
            cp.wait()
            cq.wait()

            def row_block(t, _):
                for u in range(nl):
                    r = t * nl + u
                    b = j * _CH + r
                    bb = jnp.full((nl,), b, dtype=jnp.int32)
                    rr = jnp.full((nl,), r, dtype=jnp.int32)
                    rv = plsc.load_gather(idx_v, [bb])
                    tb = plsc.load_gather(tau_v, [bb])
                    prow = plsc.load_gather(Pc, [rr, iota])
                    av = plsc.load_gather(ac, [rr, rv & 127])
                    orow = b >> 3
                    ocol = (b & 7) * _K
                    ph_v[orow, pl.ds(ocol, _K)] = tb * omega + prow
                    at_v[orow, pl.ds(ocol, _K)] = av * tb
                return _

            lax.fori_loop(0, _CH // nl, row_block, None)
        osl = pl.ds(wid * opw, opw)
        pltpu.sync_copy(ph_v, ph_out.at[osl])
        pltpu.sync_copy(at_v, at_out.at[osl])

    return gather_p


def _dense_body(ph_ref, A_ref, at_ref, w_ref, b_ref, out_ref):
    zp = A_ref[:] * jnp.sin(ph_ref[:])
    zcat = jnp.concatenate([zp, at_ref[:]], axis=1)
    m = jnp.tanh(
        jnp.dot(zcat, w_ref[:], preferred_element_type=jnp.float32)
        + b_ref[:])
    cs = jnp.sum(m, axis=0, keepdims=True)
    mean = cs[:, 0:_DIM]
    for j in range(1, _PK):
        mean = mean + cs[:, j * _DIM:(j + 1) * _DIM]
    mean = mean * (1.0 / _B)
    mt = jnp.concatenate([mean] * _PK, axis=1)
    out_ref[:] = m - mt


def kernel(rel_id, tau, a_r, A_r, P_r, omega, W_proj, b_proj):
    info = plsc.get_sparse_core_info()
    nc, ns, nl = info.num_cores, info.num_subcores, info.num_lanes
    gather_a = _make_sc_gather_a(nc, ns, nl)
    gather_p = _make_sc_gather_p(nc, ns, nl)
    a_pad = jnp.pad(a_r, (0, _APAD * 128 - a_r.shape[0])).reshape(_APAD, 128)
    gA = gather_a(rel_id, A_r)
    ph, at16 = gather_p(rel_id, tau, omega, a_pad, P_r)

    eye = jnp.eye(_PK, dtype=jnp.float32)
    wk = W_proj[:, 1:].T
    w0 = W_proj[:, 0]
    w_top = jnp.kron(eye, wk)
    w_bot = jnp.kron(eye, jnp.ones((_K, 1), jnp.float32) * (w0[None, :] / _K))
    w_ext = jnp.concatenate([w_top, w_bot], axis=0)
    b_tile = jnp.tile(b_proj, _PK)[None, :]

    m = pl.pallas_call(
        _dense_body,
        out_shape=jax.ShapeDtypeStruct((_M, _PK * _DIM), jnp.float32),
    )(ph, gA, at16, w_ext, b_tile)
    return m.reshape(_B, _DIM)

# --- scband reference (transcript-rebuilt; emitter-appended) ---
"""Pipeline reference for scband-relation-conditioned-time-encoder-74818330296646 (READ-ONLY COPY).

The authoritative reference and input builder live on the scoring server;
editing this copy changes nothing except your own understanding.
"""

import jax, jax.numpy as jnp
import numpy as np

N_REL = 100000
DIM = 64
K = 16
BATCH = 16384

def setup_inputs(seed: int = 0) -> dict:
    key = jax.random.key(seed)
    k1, k2, k3, k4, k5, k6 = jax.random.split(key, 6)
    rel_id = jax.random.randint(k1, (BATCH,), 0, N_REL, dtype=jnp.int64 if jax.config.jax_enable_x64 else jnp.int32).astype(jnp.int32)
    tau = jax.random.uniform(k2, (BATCH,), dtype=jnp.float32)
    a_r = jax.random.normal(k3, (N_REL,), dtype=jnp.float32) * 0.01
    A_r = jax.random.normal(k4, (N_REL, K), dtype=jnp.float32) * 0.1
    P_r = jax.random.uniform(k5, (N_REL, K), dtype=jnp.float32) * 2 * np.pi - np.pi
    omega = jnp.logspace(0, np.log10(10), K, dtype=jnp.float32)
    # xavier uniform for W_proj (dim, 1+K), then *3.0
    fan_in, fan_out = 1 + K, DIM
    limit = float(np.sqrt(6.0 / (fan_in + fan_out)))
    W_proj = jax.random.uniform(k6, (DIM, 1 + K), minval=-limit, maxval=limit, dtype=jnp.float32) * 3.0
    b_proj = jnp.zeros((DIM,), dtype=jnp.float32)
    return {"rel_id": rel_id, "tau": tau, "a_r": a_r, "A_r": A_r, "P_r": P_r, "omega": omega, "W_proj": W_proj, "b_proj": b_proj}

def reference(rel_id, tau, a_r, A_r, P_r, omega, W_proj, b_proj):
    a = jnp.take(a_r, rel_id, axis=0)            # (B,)
    A = jnp.take(A_r, rel_id, axis=0)            # (B, K)
    P = jnp.take(P_r, rel_id, axis=0)            # (B, K)
    z_trend = a * tau                            # (B,)
    phase = omega[None, :] * tau[:, None] + P    # (B, K)
    z_periodic = A * jnp.sin(phase)              # (B, K)
    z = jnp.concatenate([z_trend[:, None], z_periodic], axis=1)  # (B, 1+K)
    m = jnp.tanh(z @ W_proj.T + b_proj)          # (B, dim)
    m = m - jnp.mean(m, axis=0, keepdims=True)
    return m

if __name__ == "__main__":
    import jax
    _d = setup_inputs()
    print(jax.jit(kernel)(*tuple(_d.values())))

</pallas_src>

<mosaic_0001>
#map = affine_map<(d0, d1) -> (0)>
#map1 = affine_map<(d0, d1) -> (0, 0)>
module attributes {stable_mosaic.version = 14 : i64} {
  func.func @gather_a(%arg0: i32, %arg1: i32, %arg2: memref<16384xi32, #tpu.memory_space<hbm>>, %arg3: memref<100000x16xf32, #tpu.memory_space<hbm>>, %arg4: memref<2048x128xf32, #tpu.memory_space<hbm>>, %arg5: memref<512xi32, #tpu.memory_space<vmem>>, %arg6: memref<128x16xf32, #tpu.memory_space<vmem>>, %arg7: memref<64x128xf32, #tpu.memory_space<vmem>>, %arg8: memref<!tpu.dma_semaphore, #tpu.memory_space<semaphore_mem>>) attributes {dimension_semantics = [#tpu.dimension_semantics<core_parallel>, #tpu.dimension_semantics<subcore_parallel>], iteration_bounds = array<i64: 2, 16>, scalar_prefetch = 0 : i64, scratch_operands = 4 : i64, tpu.core_type = #tpu.core_type<sc_vector_subcore>, window_params = [{transform_indices = #map}, {transform_indices = #map1}, {transform_indices = #map1}]} {
    %mul3A = arith.constant 2 : i32
    %mul3A_0 = arith.muli %arg1, %mul3A : i32
    %add3A = arith.addi %mul3A_0, %arg0 : i32
    %mul3A_1 = arith.constant 512 : i32
    %mul3A_2 = arith.muli %add3A, %mul3A_1 : i32
    "tpu.region"() ({
      %run_scoped3A = tpu.sem_alloc : memref<!tpu.dma_semaphore, #tpu.memory_space<semaphore_mem>>
      %dma_start3A_62 = tpu.memref_slice %arg2[%mul3A_2] : memref<16384xi32, #tpu.memory_space<hbm>> -> memref<512xi32, #tpu.memory_space<hbm>>
      %dma_start3A_63 = tpu.memref_slice %arg2[%mul3A_2] : memref<16384xi32, #tpu.memory_space<hbm>> -> memref<512xi32, #tpu.memory_space<hbm>>
      tpu.enqueue_dma source(%dma_start3A_63 : memref<512xi32, #tpu.memory_space<hbm>>) target(%arg5 : memref<512xi32, #tpu.memory_space<vmem>>) target_semaphore(%run_scoped3A : memref<!tpu.dma_semaphore, #tpu.memory_space<semaphore_mem>>)
      %dma_wait3A_64 = tpu.memref_slice %arg2[%mul3A_2] : memref<16384xi32, #tpu.memory_space<hbm>> -> memref<512xi32, #tpu.memory_space<hbm>>
      %dma_wait3A_65 = tpu.memref_slice %arg2[%mul3A_2] : memref<16384xi32, #tpu.memory_space<hbm>> -> memref<512xi32, #tpu.memory_space<hbm>>
      tpu.wait_dma2 semaphore(%run_scoped3A : memref<!tpu.dma_semaphore, #tpu.memory_space<semaphore_mem>>) src(%dma_wait3A_65 : memref<512xi32, #tpu.memory_space<hbm>>) dst(%arg5 : memref<512xi32, #tpu.memory_space<vmem>>)
      tpu.yield
    }) : () -> ()
    %iota3A = tpu.iota {dimensions = array<i32: 0>} : vector<16xi32>
    %dma_start3A = arith.constant 0 : i32
    %dma_start3A_3 = tpu.memref_slice %arg5[%dma_start3A] : memref<512xi32, #tpu.memory_space<vmem>> -> memref<128xi32, #tpu.memory_space<vmem>>
    %dma_start3A_4 = arith.constant 0 : i32
    %dma_start3A_5 = arith.constant 0 : i32
    %dma_start3A_6 = tpu.memref_slice %arg3[%dma_start3A_4, %dma_start3A_5] : memref<100000x16xf32, #tpu.memory_space<hbm>> -> memref<100000x16xf32, #tpu.memory_space<hbm>>
    tpu.enqueue_indirect_dma source(%dma_start3A_6 : memref<100000x16xf32, #tpu.memory_space<hbm>>) target(%arg6 : memref<128x16xf32, #tpu.memory_space<vmem>>) offsets(%dma_start3A_3 : memref<128xi32, #tpu.memory_space<vmem>>) semaphore(%arg8 : memref<!tpu.dma_semaphore, #tpu.memory_space<semaphore_mem>>)
    %dma_wait3A = arith.constant 0 : i32
    %dma_wait3A_7 = tpu.memref_slice %arg5[%dma_wait3A] : memref<512xi32, #tpu.memory_space<vmem>> -> memref<128xi32, #tpu.memory_space<vmem>>
    %dma_wait3A_8 = arith.constant 0 : i32
    %dma_wait3A_9 = arith.constant 0 : i32
    %dma_wait3A_10 = tpu.memref_slice %arg3[%dma_wait3A_8, %dma_wait3A_9] : memref<100000x16xf32, #tpu.memory_space<hbm>> -> memref<100000x16xf32, #tpu.memory_space<hbm>>
    tpu.wait_indirect_dma semaphore(%arg8 : memref<!tpu.dma_semaphore, #tpu.memory_space<semaphore_mem>>) src(%dma_wait3A_10 : memref<100000x16xf32, #tpu.memory_space<hbm>>) dst(%arg6 : memref<128x16xf32, #tpu.memory_space<vmem>>)
    %scan3A = arith.constant 0 : i32
    %scan3A_11 = arith.constant 8 : i32
    %scan3A_12 = arith.addi %scan3A, %scan3A_11 : i32
    %scan3A_13 = arith.constant 1 : i32
    scf.for %scan3A_62 = %scan3A to %scan3A_12 step %scan3A_13  : i32 {
      %mul3A_63 = arith.constant 16 : i32
      %mul3A_64 = arith.muli %scan3A_62, %mul3A_63 : i32
      %add3A_65 = arith.constant 0 : i32
      %add3A_66 = arith.addi %mul3A_64, %add3A_65 : i32
      %add3A_67 = arith.constant 0 : i32
      %add3A_68 = arith.addi %add3A_67, %add3A_66 : i32
      %broadcast_in_dim3A = vector.broadcast %add3A_66 : i32 to vector<16xi32>
      %gather3A = tpu.vector_load_idx %arg6[%broadcast_in_dim3A, %iota3A] : memref<128x16xf32, #tpu.memory_space<vmem>>[vector<16xi32>, vector<16xi32>], vector<16xf32>,
      %shift_right_arithmetic3A = arith.constant 3 : i32
      %shift_right_arithmetic3A_69 = arith.shrsi %add3A_68, %shift_right_arithmetic3A : i32
      %and3A = arith.constant 7 : i32
      %and3A_70 = arith.andi %add3A_68, %and3A : i32
      %mul3A_71 = arith.constant 16 : i32
      %mul3A_72 = arith.muli %and3A_70, %mul3A_71 : i32
      %swap3A = arith.index_cast %shift_right_arithmetic3A_69 : i32 to index
      %swap3A_73 = arith.index_cast %mul3A_72 : i32 to index
      %swap3A_74 = tpu.vector_load %arg7[%swap3A, %swap3A_73] {strides = array<i32>} : memref<64x128xf32, #tpu.memory_space<vmem>>, vector<16xf32>,
      tpu.vector_store %arg7[%swap3A, %swap3A_73], %gather3A {strides = array<i32>} : memref<64x128xf32, #tpu.memory_space<vmem>>, vector<16xf32>,
      %mul3A_75 = arith.constant 16 : i32
      %mul3A_76 = arith.muli %scan3A_62, %mul3A_75 : i32
      %add3A_77 = arith.constant 1 : i32
      %add3A_78 = arith.addi %mul3A_76, %add3A_77 : i32
      %add3A_79 = arith.constant 0 : i32
      %add3A_80 = arith.addi %add3A_79, %add3A_78 : i32
      %broadcast_in_dim3A_81 = vector.broadcast %add3A_78 : i32 to vector<16xi32>
      %gather3A_82 = tpu.vector_load_idx %arg6[%broadcast_in_dim3A_81, %iota3A] : memref<128x16xf32, #tpu.memory_space<vmem>>[vector<16xi32>, vector<16xi32>], vector<16xf32>,
      %shift_right_arithmetic3A_83 = arith.constant 3 : i32
      %shift_right_arithmetic3A_84 = arith.shrsi %add3A_80, %shift_right_arithmetic3A_83 : i32
      %and3A_85 = arith.constant 7 : i32
      %and3A_86 = arith.andi %add3A_80, %and3A_85 : i32
      %mul3A_87 = arith.constant 16 : i32
      %mul3A_88 = arith.muli %and3A_86, %mul3A_87 : i32
      %swap3A_89 = arith.index_cast %shift_right_arithmetic3A_84 : i32 to index
      %swap3A_90 = arith.index_cast %mul3A_88 : i32 to index
      %swap3A_91 = tpu.vector_load %arg7[%swap3A_89, %swap3A_90] {strides = array<i32>} : memref<64x128xf32, #tpu.memory_space<vmem>>, vector<16xf32>,
      tpu.vector_store %arg7[%swap3A_89, %swap3A_90], %gather3A_82 {strides = array<i32>} : memref<64x128xf32, #tpu.memory_space<vmem>>, vector<16xf32>,
      %mul3A_92 = arith.constant 16 : i32
      %mul3A_93 = arith.muli %scan3A_62, %mul3A_92 : i32
      %add3A_94 = arith.constant 2 : i32
      %add3A_95 = arith.addi %mul3A_93, %add3A_94 : i32
      %add3A_96 = arith.constant 0 : i32
      %add3A_97 = arith.addi %add3A_96, %add3A_95 : i32
      %broadcast_in_dim3A_98 = vector.broadcast %add3A_95 : i32 to vector<16xi32>
      %gather3A_99 = tpu.vector_load_idx %arg6[%broadcast_in_dim3A_98, %iota3A] : memref<128x16xf32, #tpu.memory_space<vmem>>[vector<16xi32>, vector<16xi32>], vector<16xf32>,
      %shift_right_arithmetic3A_100 = arith.constant 3 : i32
      %shift_right_arithmetic3A_101 = arith.shrsi %add3A_97, %shift_right_arithmetic3A_100 : i32
      %and3A_102 = arith.constant 7 : i32
      %and3A_103 = arith.andi %add3A_97, %and3A_102 : i32
      %mul3A_104 = arith.constant 16 : i32
      %mul3A_105 = arith.muli %and3A_103, %mul3A_104 : i32
      %swap3A_106 = arith.index_cast %shift_right_arithmetic3A_101 : i32 to index
      %swap3A_107 = arith.index_cast %mul3A_105 : i32 to index
      %swap3A_108 = tpu.vector_load %arg7[%swap3A_106, %swap3A_107] {strides = array<i32>} : memref<64x128xf32, #tpu.memory_space<vmem>>, vector<16xf32>,
      tpu.vector_store %arg7[%swap3A_106, %swap3A_107], %gather3A_99 {strides = array<i32>} : memref<64x128xf32, #tpu.memory_space<vmem>>, vector<16xf32>,
      %mul3A_109 = arith.constant 16 : i32
      %mul3A_110 = arith.muli %scan3A_62, %mul3A_109 : i32
      %add3A_111 = arith.constant 3 : i32
      %add3A_112 = arith.addi %mul3A_110, %add3A_111 : i32
      %add3A_113 = arith.constant 0 : i32
      %add3A_114 = arith.addi %add3A_113, %add3A_112 : i32
      %broadcast_in_dim3A_115 = vector.broadcast %add3A_112 : i32 to vector<16xi32>
      %gather3A_116 = tpu.vector_load_idx %arg6[%broadcast_in_dim3A_115, %iota3A] : memref<128x16xf32, #tpu.memory_space<vmem>>[vector<16xi32>, vector<16xi32>], vector<16xf32>,
      %shift_right_arithmetic3A_117 = arith.constant 3 : i32
      %shift_right_arithmetic3A_118 = arith.shrsi %add3A_114, %shift_right_arithmetic3A_117 : i32
      %and3A_119 = arith.constant 7 : i32
      %and3A_120 = arith.andi %add3A_114, %and3A_119 : i32
      %mul3A_121 = arith.constant 16 : i32
      %mul3A_122 = arith.muli %and3A_120, %mul3A_121 : i32
      %swap3A_123 = arith.index_cast %shift_right_arithmetic3A_118 : i32 to index
      %swap3A_124 = arith.index_cast %mul3A_122 : i32 to index
      %swap3A_125 = tpu.vector_load %arg7[%swap3A_123, %swap3A_124] {strides = array<i32>} : memref<64x128xf32, #tpu.memory_space<vmem>>, vector<16xf32>,
      tpu.vector_store %arg7[%swap3A_123, %swap3A_124], %gather3A_116 {strides = array<i32>} : memref<64x128xf32, #tpu.memory_space<vmem>>, vector<16xf32>,
      %mul3A_126 = arith.constant 16 : i32
      %mul3A_127 = arith.muli %scan3A_62, %mul3A_126 : i32
      %add3A_128 = arith.constant 4 : i32
      %add3A_129 = arith.addi %mul3A_127, %add3A_128 : i32
      %add3A_130 = arith.constant 0 : i32
      %add3A_131 = arith.addi %add3A_130, %add3A_129 : i32
      %broadcast_in_dim3A_132 = vector.broadcast %add3A_129 : i32 to vector<16xi32>
      %gather3A_133 = tpu.vector_load_idx %arg6[%broadcast_in_dim3A_132, %iota3A] : memref<128x16xf32, #tpu.memory_space<vmem>>[vector<16xi32>, vector<16xi32>], vector<16xf32>,
      %shift_right_arithmetic3A_134 = arith.constant 3 : i32
      %shift_right_arithmetic3A_135 = arith.shrsi %add3A_131, %shift_right_arithmetic3A_134 : i32
      %and3A_136 = arith.constant 7 : i32
      %and3A_137 = arith.andi %add3A_131, %and3A_136 : i32
      %mul3A_138 = arith.constant 16 : i32
      %mul3A_139 = arith.muli %and3A_137, %mul3A_138 : i32
      %swap3A_140 = arith.index_cast %shift_right_arithmetic3A_135 : i32 to index
      %swap3A_141 = arith.index_cast %mul3A_139 : i32 to index
      %swap3A_142 = tpu.vector_load %arg7[%swap3A_140, %swap3A_141] {strides = array<i32>} : memref<64x128xf32, #tpu.memory_space<vmem>>, vector<16xf32>,
      tpu.vector_store %arg7[%swap3A_140, %swap3A_141], %gather3A_133 {strides = array<i32>} : memref<64x128xf32, #tpu.memory_space<vmem>>, vector<16xf32>,
      %mul3A_143 = arith.constant 16 : i32
      %mul3A_144 = arith.muli %scan3A_62, %mul3A_143 : i32
      %add3A_145 = arith.constant 5 : i32
      %add3A_146 = arith.addi %mul3A_144, %add3A_145 : i32
      %add3A_147 = arith.constant 0 : i32
      %add3A_148 = arith.addi %add3A_147, %add3A_146 : i32
      %broadcast_in_dim3A_149 = vector.broadcast %add3A_146 : i32 to vector<16xi32>
      %gather3A_150 = tpu.vector_load_idx %arg6[%broadcast_in_dim3A_149, %iota3A] : memref<128x16xf32, #tpu.memory_space<vmem>>[vector<16xi32>, vector<16xi32>], vector<16xf32>,
      %shift_right_arithmetic3A_151 = arith.constant 3 : i32
      %shift_right_arithmetic3A_152 = arith.shrsi %add3A_148, %shift_right_arithmetic3A_151 : i32
      %and3A_153 = arith.constant 7 : i32
      %and3A_154 = arith.andi %add3A_148, %and3A_153 : i32
      %mul3A_155 = arith.constant 16 : i32
      %mul3A_156 = arith.muli %and3A_154, %mul3A_155 : i32
      %swap3A_157 = arith.index_cast %shift_right_arithmetic3A_152 : i32 to index
      %swap3A_158 = arith.index_cast %mul3A_156 : i32 to index
      %swap3A_159 = tpu.vector_load %arg7[%swap3A_157, %swap3A_158] {strides = array<i32>} : memref<64x128xf32, #tpu.memory_space<vmem>>, vector<16xf32>,
      tpu.vector_store %arg7[%swap3A_157, %swap3A_158], %gather3A_150 {strides = array<i32>} : memref<64x128xf32, #tpu.memory_space<vmem>>, vector<16xf32>,
      %mul3A_160 = arith.constant 16 : i32
      %mul3A_161 = arith.muli %scan3A_62, %mul3A_160 : i32
      %add3A_162 = arith.constant 6 : i32
      %add3A_163 = arith.addi %mul3A_161, %add3A_162 : i32
      %add3A_164 = arith.constant 0 : i32
      %add3A_165 = arith.addi %add3A_164, %add3A_163 : i32
      %broadcast_in_dim3A_166 = vector.broadcast %add3A_163 : i32 to vector<16xi32>
      %gather3A_167 = tpu.vector_load_idx %arg6[%broadcast_in_dim3A_166, %iota3A] : memref<128x16xf32, #tpu.memory_space<vmem>>[vector<16xi32>, vector<16xi32>], vector<16xf32>,
      %shift_right_arithmetic3A_168 = arith.constant 3 : i32
      %shift_right_arithmetic3A_169 = arith.shrsi %add3A_165, %shift_right_arithmetic3A_168 : i32
      %and3A_170 = arith.constant 7 : i32
      %and3A_171 = arith.andi %add3A_165, %and3A_170 : i32
      %mul3A_172 = arith.constant 16 : i32
      %mul3A_173 = arith.muli %and3A_171, %mul3A_172 : i32
      %swap3A_174 = arith.index_cast %shift_right_arithmetic3A_169 : i32 to index
      %swap3A_175 = arith.index_cast %mul3A_173 : i32 to index
      %swap3A_176 = tpu.vector_load %arg7[%swap3A_174, %swap3A_175] {strides = array<i32>} : memref<64x128xf32, #tpu.memory_space<vmem>>, vector<16xf32>,
      tpu.vector_store %arg7[%swap3A_174, %swap3A_175], %gather3A_167 {strides = array<i32>} : memref<64x128xf32, #tpu.memory_space<vmem>>, vector<16xf32>,
      %mul3A_177 = arith.constant 16 : i32
      %mul3A_178 = arith.muli %scan3A_62, %mul3A_177 : i32
      %add3A_179 = arith.constant 7 : i32
      %add3A_180 = arith.addi %mul3A_178, %add3A_179 : i32
      %add3A_181 = arith.constant 0 : i32
      %add3A_182 = arith.addi %add3A_181, %add3A_180 : i32
      %broadcast_in_dim3A_183 = vector.broadcast %add3A_180 : i32 to vector<16xi32>
      %gather3A_184 = tpu.vector_load_idx %arg6[%broadcast_in_dim3A_183, %iota3A] : memref<128x16xf32, #tpu.memory_space<vmem>>[vector<16xi32>, vector<16xi32>], vector<16xf32>,
      %shift_right_arithmetic3A_185 = arith.constant 3 : i32
      %shift_right_arithmetic3A_186 = arith.shrsi %add3A_182, %shift_right_arithmetic3A_185 : i32
      %and3A_187 = arith.constant 7 : i32
      %and3A_188 = arith.andi %add3A_182, %and3A_187 : i32
      %mul3A_189 = arith.constant 16 : i32
      %mul3A_190 = arith.muli %and3A_188, %mul3A_189 : i32
      %swap3A_191 = arith.index_cast %shift_right_arithmetic3A_186 : i32 to index
      %swap3A_192 = arith.index_cast %mul3A_190 : i32 to index
      %swap3A_193 = tpu.vector_load %arg7[%swap3A_191, %swap3A_192] {strides = array<i32>} : memref<64x128xf32, #tpu.memory_space<vmem>>, vector<16xf32>,
      tpu.vector_store %arg7[%swap3A_191, %swap3A_192], %gather3A_184 {strides = array<i32>} : memref<64x128xf32, #tpu.memory_space<vmem>>, vector<16xf32>,
      %mul3A_194 = arith.constant 16 : i32
      %mul3A_195 = arith.muli %scan3A_62, %mul3A_194 : i32
      %add3A_196 = arith.constant 8 : i32
      %add3A_197 = arith.addi %mul3A_195, %add3A_196 : i32
      %add3A_198 = arith.constant 0 : i32
      %add3A_199 = arith.addi %add3A_198, %add3A_197 : i32
      %broadcast_in_dim3A_200 = vector.broadcast %add3A_197 : i32 to vector<16xi32>
      %gather3A_201 = tpu.vector_load_idx %arg6[%broadcast_in_dim3A_200, %iota3A] : memref<128x16xf32, #tpu.memory_space<vmem>>[vector<16xi32>, vector<16xi32>], vector<16xf32>,
      %shift_right_arithmetic3A_202 = arith.constant 3 : i32
      %shift_right_arithmetic3A_203 = arith.shrsi %add3A_199, %shift_right_arithmetic3A_202 : i32
      %and3A_204 = arith.constant 7 : i32
      %and3A_205 = arith.andi %add3A_199, %and3A_204 : i32
      %mul3A_206 = arith.constant 16 : i32
      %mul3A_207 = arith.muli %and3A_205, %mul3A_206 : i32
      %swap3A_208 = arith.index_cast %shift_right_arithmetic3A_203 : i32 to index
      %swap3A_209 = arith.index_cast %mul3A_207 : i32 to index
      %swap3A_210 = tpu.vector_load %arg7[%swap3A_208, %swap3A_209] {strides = array<i32>} : memref<64x128xf32, #tpu.memory_space<vmem>>, vector<16xf32>,
      tpu.vector_store %arg7[%swap3A_208, %swap3A_209], %gather3A_201 {strides = array<i32>} : memref<64x128xf32, #tpu.memory_space<vmem>>, vector<16xf32>,
      %mul3A_211 = arith.constant 16 : i32
      %mul3A_212 = arith.muli %scan3A_62, %mul3A_211 : i32
      %add3A_213 = arith.constant 9 : i32
      %add3A_214 = arith.addi %mul3A_212, %add3A_213 : i32
      %add3A_215 = arith.constant 0 : i32
      %add3A_216 = arith.addi %add3A_215, %add3A_214 : i32
      %broadcast_in_dim3A_217 = vector.broadcast %add3A_214 : i32 to vector<16xi32>
      %gather3A_218 = tpu.vector_load_idx %arg6[%broadcast_in_dim3A_217, %iota3A] : memref<128x16xf32, #tpu.memory_space<vmem>>[vector<16xi32>, vector<16xi32>], vector<16xf32>,
      %shift_right_arithmetic3A_219 = arith.constant 3 : i32
      %shift_right_arithmetic3A_220 = arith.shrsi %add3A_216, %shift_right_arithmetic3A_219 : i32
      %and3A_221 = arith.constant 7 : i32
      %and3A_222 = arith.andi %add3A_216, %and3A_221 : i32
      %mul3A_223 = arith.constant 16 : i32
      %mul3A_224 = arith.muli %and3A_222, %mul3A_223 : i32
      %swap3A_225 = arith.index_cast %shift_right_arithmetic3A_220 : i32 to index
      %swap3A_226 = arith.index_cast %mul3A_224 : i32 to index
      %swap3A_227 = tpu.vector_load %arg7[%swap3A_225, %swap3A_226] {strides = array<i32>} : memref<64x128xf32, #tpu.memory_space<vmem>>, vector<16xf32>,
      tpu.vector_store %arg7[%swap3A_225, %swap3A_226], %gather3A_218 {strides = array<i32>} : memref<64x128xf32, #tpu.memory_space<vmem>>, vector<16xf32>,
      %mul3A_228 = arith.constant 16 : i32
      %mul3A_229 = arith.muli %scan3A_62, %mul3A_228 : i32
      %add3A_230 = arith.constant 10 : i32
      %add3A_231 = arith.addi %mul3A_229, %add3A_230 : i32
      %add3A_232 = arith.constant 0 : i32
      %add3A_233 = arith.addi %add3A_232, %add3A_231 : i32
      %broadcast_in_dim3A_234 = vector.broadcast %add3A_231 : i32 to vector<16xi32>
      %gather3A_235 = tpu.vector_load_idx %arg6[%broadcast_in_dim3A_234, %iota3A] : memref<128x16xf32, #tpu.memory_space<vmem>>[vector<16xi32>, vector<16xi32>], vector<16xf32>,
      %shift_right_arithmetic3A_236 = arith.constant 3 : i32
      %shift_right_arithmetic3A_237 = arith.shrsi %add3A_233, %shift_right_arithmetic3A_236 : i32
      %and3A_238 = arith.constant 7 : i32
      %and3A_239 = arith.andi %add3A_233, %and3A_238 : i32
      %mul3A_240 = arith.constant 16 : i32
      %mul3A_241 = arith.muli %and3A_239, %mul3A_240 : i32
      %swap3A_242 = arith.index_cast %shift_right_arithmetic3A_237 : i32 to index
      %swap3A_243 = arith.index_cast %mul3A_241 : i32 to index
      %swap3A_244 = tpu.vector_load %arg7[%swap3A_242, %swap3A_243] {strides = array<i32>} : memref<64x128xf32, #tpu.memory_space<vmem>>, vector<16xf32>,
      tpu.vector_store %arg7[%swap3A_242, %swap3A_243], %gather3A_235 {strides = array<i32>} : memref<64x128xf32, #tpu.memory_space<vmem>>, vector<16xf32>,
      %mul3A_245 = arith.constant 16 : i32
      %mul3A_246 = arith.muli %scan3A_62, %mul3A_245 : i32
      %add3A_247 = arith.constant 11 : i32
      %add3A_248 = arith.addi %mul3A_246, %add3A_247 : i32
      %add3A_249 = arith.constant 0 : i32
      %add3A_250 = arith.addi %add3A_249, %add3A_248 : i32
      %broadcast_in_dim3A_251 = vector.broadcast %add3A_248 : i32 to vector<16xi32>
      %gather3A_252 = tpu.vector_load_idx %arg6[%broadcast_in_dim3A_251, %iota3A] : memref<128x16xf32, #tpu.memory_space<vmem>>[vector<16xi32>, vector<16xi32>], vector<16xf32>,
      %shift_right_arithmetic3A_253 = arith.constant 3 : i32
      %shift_right_arithmetic3A_254 = arith.shrsi %add3A_250, %shift_right_arithmetic3A_253 : i32
      %and3A_255 = arith.constant 7 : i32
      %and3A_256 = arith.andi %add3A_250, %and3A_255 : i32
      %mul3A_257 = arith.constant 16 : i32
      %mul3A_258 = arith.muli %and3A_256, %mul3A_257 : i32
      %swap3A_259 = arith.index_cast %shift_right_arithmetic3A_254 : i32 to index
      %swap3A_260 = arith.index_cast %mul3A_258 : i32 to index
      %swap3A_261 = tpu.vector_load %arg7[%swap3A_259, %swap3A_260] {strides = array<i32>} : memref<64x128xf32, #tpu.memory_space<vmem>>, vector<16xf32>,
      tpu.vector_store %arg7[%swap3A_259, %swap3A_260], %gather3A_252 {strides = array<i32>} : memref<64x128xf32, #tpu.memory_space<vmem>>, vector<16xf32>,
      %mul3A_262 = arith.constant 16 : i32
      %mul3A_263 = arith.muli %scan3A_62, %mul3A_262 : i32
      %add3A_264 = arith.constant 12 : i32
      %add3A_265 = arith.addi %mul3A_263, %add3A_264 : i32
      %add3A_266 = arith.constant 0 : i32
      %add3A_267 = arith.addi %add3A_266, %add3A_265 : i32
      %broadcast_in_dim3A_268 = vector.broadcast %add3A_265 : i32 to vector<16xi32>
      %gather3A_269 = tpu.vector_load_idx %arg6[%broadcast_in_dim3A_268, %iota3A] : memref<128x16xf32, #tpu.memory_space<vmem>>[vector<16xi32>, vector<16xi32>], vector<16xf32>,
      %shift_right_arithmetic3A_270 = arith.constant 3 : i32
      %shift_right_arithmetic3A_271 = arith.shrsi %add3A_267, %shift_right_arithmetic3A_270 : i32
      %and3A_272 = arith.constant 7 : i32
      %and3A_273 = arith.andi %add3A_267, %and3A_272 : i32
      %mul3A_274 = arith.constant 16 : i32
      %mul3A_275 = arith.muli %and3A_273, %mul3A_274 : i32
      %swap3A_276 = arith.index_cast %shift_right_arithmetic3A_271 : i32 to index
      %swap3A_277 = arith.index_cast %mul3A_275 : i32 to index
      %swap3A_278 = tpu.vector_load %arg7[%swap3A_276, %swap3A_277] {strides = array<i32>} : memref<64x128xf32, #tpu.memory_space<vmem>>, vector<16xf32>,
      tpu.vector_store %arg7[%swap3A_276, %swap3A_277], %gather3A_269 {strides = array<i32>} : memref<64x128xf32, #tpu.memory_space<vmem>>, vector<16xf32>,
      %mul3A_279 = arith.constant 16 : i32
      %mul3A_280 = arith.muli %scan3A_62, %mul3A_279 : i32
      %add3A_281 = arith.constant 13 : i32
      %add3A_282 = arith.addi %mul3A_280, %add3A_281 : i32
      %add3A_283 = arith.constant 0 : i32
      %add3A_284 = arith.addi %add3A_283, %add3A_282 : i32
      %broadcast_in_dim3A_285 = vector.broadcast %add3A_282 : i32 to vector<16xi32>
      %gather3A_286 = tpu.vector_load_idx %arg6[%broadcast_in_dim3A_285, %iota3A] : memref<128x16xf32, #tpu.memory_space<vmem>>[vector<16xi32>, vector<16xi32>], vector<16xf32>,
      %shift_right_arithmetic3A_287 = arith.constant 3 : i32
      %shift_right_arithmetic3A_288 = arith.shrsi %add3A_284, %shift_right_arithmetic3A_287 : i32
      %and3A_289 = arith.constant 7 : i32
      %and3A_290 = arith.andi %add3A_284, %and3A_289 : i32
      %mul3A_291 = arith.constant 16 : i32
      %mul3A_292 = arith.muli %and3A_290, %mul3A_291 : i32
      %swap3A_293 = arith.index_cast %shift_right_arithmetic3A_288 : i32 to index
      %swap3A_294 = arith.index_cast %mul3A_292 : i32 to index
      %swap3A_295 = tpu.vector_load %arg7[%swap3A_293, %swap3A_294] {strides = array<i32>} : memref<64x128xf32, #tpu.memory_space<vmem>>, vector<16xf32>,
      tpu.vector_store %arg7[%swap3A_293, %swap3A_294], %gather3A_286 {strides = array<i32>} : memref<64x128xf32, #tpu.memory_space<vmem>>, vector<16xf32>,
      %mul3A_296 = arith.constant 16 : i32
      %mul3A_297 = arith.muli %scan3A_62, %mul3A_296 : i32
      %add3A_298 = arith.constant 14 : i32
      %add3A_299 = arith.addi %mul3A_297, %add3A_298 : i32
      %add3A_300 = arith.constant 0 : i32
      %add3A_301 = arith.addi %add3A_300, %add3A_299 : i32
      %broadcast_in_dim3A_302 = vector.broadcast %add3A_299 : i32 to vector<16xi32>
      %gather3A_303 = tpu.vector_load_idx %arg6[%broadcast_in_dim3A_302, %iota3A] : memref<128x16xf32, #tpu.memory_space<vmem>>[vector<16xi32>, vector<16xi32>], vector<16xf32>,
      %shift_right_arithmetic3A_304 = arith.constant 3 : i32
      %shift_right_arithmetic3A_305 = arith.shrsi %add3A_301, %shift_right_arithmetic3A_304 : i32
      %and3A_306 = arith.constant 7 : i32
      %and3A_307 = arith.andi %add3A_301, %and3A_306 : i32
      %mul3A_308 = arith.constant 16 : i32
      %mul3A_309 = arith.muli %and3A_307, %mul3A_308 : i32
      %swap3A_310 = arith.index_cast %shift_right_arithmetic3A_305 : i32 to index
      %swap3A_311 = arith.index_cast %mul3A_309 : i32 to index
      %swap3A_312 = tpu.vector_load %arg7[%swap3A_310, %swap3A_311] {strides = array<i32>} : memref<64x128xf32, #tpu.memory_space<vmem>>, vector<16xf32>,
      tpu.vector_store %arg7[%swap3A_310, %swap3A_311], %gather3A_303 {strides = array<i32>} : memref<64x128xf32, #tpu.memory_space<vmem>>, vector<16xf32>,
      %mul3A_313 = arith.constant 16 : i32
      %mul3A_314 = arith.muli %scan3A_62, %mul3A_313 : i32
      %add3A_315 = arith.constant 15 : i32
      %add3A_316 = arith.addi %mul3A_314, %add3A_315 : i32
      %add3A_317 = arith.constant 0 : i32
      %add3A_318 = arith.addi %add3A_317, %add3A_316 : i32
      %broadcast_in_dim3A_319 = vector.broadcast %add3A_316 : i32 to vector<16xi32>
      %gather3A_320 = tpu.vector_load_idx %arg6[%broadcast_in_dim3A_319, %iota3A] : memref<128x16xf32, #tpu.memory_space<vmem>>[vector<16xi32>, vector<16xi32>], vector<16xf32>,
      %shift_right_arithmetic3A_321 = arith.constant 3 : i32
      %shift_right_arithmetic3A_322 = arith.shrsi %add3A_318, %shift_right_arithmetic3A_321 : i32
      %and3A_323 = arith.constant 7 : i32
      %and3A_324 = arith.andi %add3A_318, %and3A_323 : i32
      %mul3A_325 = arith.constant 16 : i32
      %mul3A_326 = arith.muli %and3A_324, %mul3A_325 : i32
      %swap3A_327 = arith.index_cast %shift_right_arithmetic3A_322 : i32 to index
      %swap3A_328 = arith.index_cast %mul3A_326 : i32 to index
      %swap3A_329 = tpu.vector_load %arg7[%swap3A_327, %swap3A_328] {strides = array<i32>} : memref<64x128xf32, #tpu.memory_space<vmem>>, vector<16xf32>,
      tpu.vector_store %arg7[%swap3A_327, %swap3A_328], %gather3A_320 {strides = array<i32>} : memref<64x128xf32, #tpu.memory_space<vmem>>, vector<16xf32>,
    }
    %scan3A_14 = arith.constant 8 : i32
    %dma_start3A_15 = arith.constant 128 : i32
    %dma_start3A_16 = tpu.memref_slice %arg5[%dma_start3A_15] : memref<512xi32, #tpu.memory_space<vmem>> -> memref<128xi32, #tpu.memory_space<vmem>>
    %dma_start3A_17 = arith.constant 0 : i32
    %dma_start3A_18 = arith.constant 0 : i32
    %dma_start3A_19 = tpu.memref_slice %arg3[%dma_start3A_17, %dma_start3A_18] : memref<100000x16xf32, #tpu.memory_space<hbm>> -> memref<100000x16xf32, #tpu.memory_space<hbm>>
    tpu.enqueue_indirect_dma source(%dma_start3A_19 : memref<100000x16xf32, #tpu.memory_space<hbm>>) target(%arg6 : memref<128x16xf32, #tpu.memory_space<vmem>>) offsets(%dma_start3A_16 : memref<128xi32, #tpu.memory_space<vmem>>) semaphore(%arg8 : memref<!tpu.dma_semaphore, #tpu.memory_space<semaphore_mem>>)
    %dma_wait3A_20 = arith.constant 128 : i32
    %dma_wait3A_21 = tpu.memref_slice %arg5[%dma_wait3A_20] : memref<512xi32, #tpu.memory_space<vmem>> -> memref<128xi32, #tpu.memory_space<vmem>>
    %dma_wait3A_22 = arith.constant 0 : i32
    %dma_wait3A_23 = arith.constant 0 : i32
    %dma_wait3A_24 = tpu.memref_slice %arg3[%dma_wait3A_22, %dma_wait3A_23] : memref<100000x16xf32, #tpu.memory_space<hbm>> -> memref<100000x16xf32, #tpu.memory_space<hbm>>
    tpu.wait_indirect_dma semaphore(%arg8 : memref<!tpu.dma_semaphore, #tpu.memory_space<semaphore_mem>>) src(%dma_wait3A_24 : memref<100000x16xf32, #tpu.memory_space<hbm>>) dst(%arg6 : memref<128x16xf32, #tpu.memory_space<vmem>>)
    %scan3A_25 = arith.constant 0 : i32
    %scan3A_26 = arith.constant 8 : i32
    %scan3A_27 = arith.addi %scan3A_25, %scan3A_26 : i32
    %scan3A_28 = arith.constant 1 : i32
    scf.for %scan3A_62 = %scan3A_25 to %scan3A_27 step %scan3A_28  : i32 {
      %mul3A_63 = arith.constant 16 : i32
      %mul3A_64 = arith.muli %scan3A_62, %mul3A_63 : i32
      %add3A_65 = arith.constant 0 : i32
      %add3A_66 = arith.addi %mul3A_64, %add3A_65 : i32
      %add3A_67 = arith.constant 128 : i32
      %add3A_68 = arith.addi %add3A_67, %add3A_66 : i32
      %broadcast_in_dim3A = vector.broadcast %add3A_66 : i32 to vector<16xi32>
      %gather3A = tpu.vector_load_idx %arg6[%broadcast_in_dim3A, %iota3A] : memref<128x16xf32, #tpu.memory_space<vmem>>[vector<16xi32>, vector<16xi32>], vector<16xf32>,
      %shift_right_arithmetic3A = arith.constant 3 : i32
      %shift_right_arithmetic3A_69 = arith.shrsi %add3A_68, %shift_right_arithmetic3A : i32
      %and3A = arith.constant 7 : i32
      %and3A_70 = arith.andi %add3A_68, %and3A : i32
      %mul3A_71 = arith.constant 16 : i32
      %mul3A_72 = arith.muli %and3A_70, %mul3A_71 : i32
      %swap3A = arith.index_cast %shift_right_arithmetic3A_69 : i32 to index
      %swap3A_73 = arith.index_cast %mul3A_72 : i32 to index
      %swap3A_74 = tpu.vector_load %arg7[%swap3A, %swap3A_73] {strides = array<i32>} : memref<64x128xf32, #tpu.memory_space<vmem>>, vector<16xf32>,
      tpu.vector_store %arg7[%swap3A, %swap3A_73], %gather3A {strides = array<i32>} : memref<64x128xf32, #tpu.memory_space<vmem>>, vector<16xf32>,
      %mul3A_75 = arith.constant 16 : i32
      %mul3A_76 = arith.muli %scan3A_62, %mul3A_75 : i32
      %add3A_77 = arith.constant 1 : i32
      %add3A_78 = arith.addi %mul3A_76, %add3A_77 : i32
      %add3A_79 = arith.constant 128 : i32
      %add3A_80 = arith.addi %add3A_79, %add3A_78 : i32
      %broadcast_in_dim3A_81 = vector.broadcast %add3A_78 : i32 to vector<16xi32>
      %gather3A_82 = tpu.vector_load_idx %arg6[%broadcast_in_dim3A_81, %iota3A] : memref<128x16xf32, #tpu.memory_space<vmem>>[vector<16xi32>, vector<16xi32>], vector<16xf32>,
      %shift_right_arithmetic3A_83 = arith.constant 3 : i32
      %shift_right_arithmetic3A_84 = arith.shrsi %add3A_80, %shift_right_arithmetic3A_83 : i32
      %and3A_85 = arith.constant 7 : i32
      %and3A_86 = arith.andi %add3A_80, %and3A_85 : i32
      %mul3A_87 = arith.constant 16 : i32
      %mul3A_88 = arith.muli %and3A_86, %mul3A_87 : i32
      %swap3A_89 = arith.index_cast %shift_right_arithmetic3A_84 : i32 to index
      %swap3A_90 = arith.index_cast %mul3A_88 : i32 to index
      %swap3A_91 = tpu.vector_load %arg7[%swap3A_89, %swap3A_90] {strides = array<i32>} : memref<64x128xf32, #tpu.memory_space<vmem>>, vector<16xf32>,
      tpu.vector_store %arg7[%swap3A_89, %swap3A_90], %gather3A_82 {strides = array<i32>} : memref<64x128xf32, #tpu.memory_space<vmem>>, vector<16xf32>,
      %mul3A_92 = arith.constant 16 : i32
      %mul3A_93 = arith.muli %scan3A_62, %mul3A_92 : i32
      %add3A_94 = arith.constant 2 : i32
      %add3A_95 = arith.addi %mul3A_93, %add3A_94 : i32
      %add3A_96 = arith.constant 128 : i32
      %add3A_97 = arith.addi %add3A_96, %add3A_95 : i32
      %broadcast_in_dim3A_98 = vector.broadcast %add3A_95 : i32 to vector<16xi32>
      %gather3A_99 = tpu.vector_load_idx %arg6[%broadcast_in_dim3A_98, %iota3A] : memref<128x16xf32, #tpu.memory_space<vmem>>[vector<16xi32>, vector<16xi32>], vector<16xf32>,
      %shift_right_arithmetic3A_100 = arith.constant 3 : i32
      %shift_right_arithmetic3A_101 = arith.shrsi %add3A_97, %shift_right_arithmetic3A_100 : i32
      %and3A_102 = arith.constant 7 : i32
      %and3A_103 = arith.andi %add3A_97, %and3A_102 : i32
      %mul3A_104 = arith.constant 16 : i32
      %mul3A_105 = arith.muli %and3A_103, %mul3A_104 : i32
      %swap3A_106 = arith.index_cast %shift_right_arithmetic3A_101 : i32 to index
      %swap3A_107 = arith.index_cast %mul3A_105 : i32 to index
      %swap3A_108 = tpu.vector_load %arg7[%swap3A_106, %swap3A_107] {strides = array<i32>} : memref<64x128xf32, #tpu.memory_space<vmem>>, vector<16xf32>,
      tpu.vector_store %arg7[%swap3A_106, %swap3A_107], %gather3A_99 {strides = array<i32>} : memref<64x128xf32, #tpu.memory_space<vmem>>, vector<16xf32>,
      %mul3A_109 = arith.constant 16 : i32
      %mul3A_110 = arith.muli %scan3A_62, %mul3A_109 : i32
      %add3A_111 = arith.constant 3 : i32
      %add3A_112 = arith.addi %mul3A_110, %add3A_111 : i32
      %add3A_113 = arith.constant 128 : i32
      %add3A_114 = arith.addi %add3A_113, %add3A_112 : i32
      %broadcast_in_dim3A_115 = vector.broadcast %add3A_112 : i32 to vector<16xi32>
      %gather3A_116 = tpu.vector_load_idx %arg6[%broadcast_in_dim3A_115, %iota3A] : memref<128x16xf32, #tpu.memory_space<vmem>>[vector<16xi32>, vector<16xi32>], vector<16xf32>,
      %shift_right_arithmetic3A_117 = arith.constant 3 : i32
      %shift_right_arithmetic3A_118 = arith.shrsi %add3A_114, %shift_right_arithmetic3A_117 : i32
      %and3A_119 = arith.constant 7 : i32
      %and3A_120 = arith.andi %add3A_114, %and3A_119 : i32
      %mul3A_121 = arith.constant 16 : i32
      %mul3A_122 = arith.muli %and3A_120, %mul3A_121 : i32
      %swap3A_123 = arith.index_cast %shift_right_arithmetic3A_118 : i32 to index
      %swap3A_124 = arith.index_cast %mul3A_122 : i32 to index
      %swap3A_125 = tpu.vector_load %arg7[%swap3A_123, %swap3A_124] {strides = array<i32>} : memref<64x128xf32, #tpu.memory_space<vmem>>, vector<16xf32>,
      tpu.vector_store %arg7[%swap3A_123, %swap3A_124], %gather3A_116 {strides = array<i32>} : memref<64x128xf32, #tpu.memory_space<vmem>>, vector<16xf32>,
      %mul3A_126 = arith.constant 16 : i32
      %mul3A_127 = arith.muli %scan3A_62, %mul3A_126 : i32
      %add3A_128 = arith.constant 4 : i32
      %add3A_129 = arith.addi %mul3A_127, %add3A_128 : i32
      %add3A_130 = arith.constant 128 : i32
      %add3A_131 = arith.addi %add3A_130, %add3A_129 : i32
      %broadcast_in_dim3A_132 = vector.broadcast %add3A_129 : i32 to vector<16xi32>
      %gather3A_133 = tpu.vector_load_idx %arg6[%broadcast_in_dim3A_132, %iota3A] : memref<128x16xf32, #tpu.memory_space<vmem>>[vector<16xi32>, vector<16xi32>], vector<16xf32>,
      %shift_right_arithmetic3A_134 = arith.constant 3 : i32
      %shift_right_arithmetic3A_135 = arith.shrsi %add3A_131, %shift_right_arithmetic3A_134 : i32
      %and3A_136 = arith.constant 7 : i32
      %and3A_137 = arith.andi %add3A_131, %and3A_136 : i32
      %mul3A_138 = arith.constant 16 : i32
      %mul3A_139 = arith.muli %and3A_137, %mul3A_138 : i32
      %swap3A_140 = arith.index_cast %shift_right_arithmetic3A_135 : i32 to index
      %swap3A_141 = arith.index_cast %mul3A_139 : i32 to index
      %swap3A_142 = tpu.vector_load %arg7[%swap3A_140, %swap3A_141] {strides = array<i32>} : memref<64x128xf32, #tpu.memory_space<vmem>>, vector<16xf32>,
      tpu.vector_store %arg7[%swap3A_140, %swap3A_141], %gather3A_133 {strides = array<i32>} : memref<64x128xf32, #tpu.memory_space<vmem>>, vector<16xf32>,
      %mul3A_143 = arith.constant 16 : i32
      %mul3A_144 = arith.muli %scan3A_62, %mul3A_143 : i32
      %add3A_145 = arith.constant 5 : i32
      %add3A_146 = arith.addi %mul3A_144, %add3A_145 : i32
      %add3A_147 = arith.constant 128 : i32
      %add3A_148 = arith.addi %add3A_147, %add3A_146 : i32
      %broadcast_in_dim3A_149 = vector.broadcast %add3A_146 : i32 to vector<16xi32>
      %gather3A_150 = tpu.vector_load_idx %arg6[%broadcast_in_dim3A_149, %iota3A] : memref<128x16xf32, #tpu.memory_space<vmem>>[vector<16xi32>, vector<16xi32>], vector<16xf32>,
      %shift_right_arithmetic3A_151 = arith.constant 3 : i32
      %shift_right_arithmetic3A_152 = arith.shrsi %add3A_148, %shift_right_arithmetic3A_151 : i32
      %and3A_153 = arith.constant 7 : i32
      %and3A_154 = arith.andi %add3A_148, %and3A_153 : i32
      %mul3A_155 = arith.constant 16 : i32
      %mul3A_156 = arith.muli %and3A_154, %mul3A_155 : i32
      %swap3A_157 = arith.index_cast %shift_right_arithmetic3A_152 : i32 to index
      %swap3A_158 = arith.index_cast %mul3A_156 : i32 to index
      %swap3A_159 = tpu.vector_load %arg7[%swap3A_157, %swap3A_158] {strides = array<i32>} : memref<64x128xf32, #tpu.memory_space<vmem>>, vector<16xf32>,
      tpu.vector_store %arg7[%swap3A_157, %swap3A_158], %gather3A_150 {strides = array<i32>} : memref<64x128xf32, #tpu.memory_space<vmem>>, vector<16xf32>,
      %mul3A_160 = arith.constant 16 : i32
      %mul3A_161 = arith.muli %scan3A_62, %mul3A_160 : i32
      %add3A_162 = arith.constant 6 : i32
      %add3A_163 = arith.addi %mul3A_161, %add3A_162 : i32
      %add3A_164 = arith.constant 128 : i32
      %add3A_165 = arith.addi %add3A_164, %add3A_163 : i32
      %broadcast_in_dim3A_166 = vector.broadcast %add3A_163 : i32 to vector<16xi32>
      %gather3A_167 = tpu.vector_load_idx %arg6[%broadcast_in_dim3A_166, %iota3A] : memref<128x16xf32, #tpu.memory_space<vmem>>[vector<16xi32>, vector<16xi32>], vector<16xf32>,
      %shift_right_arithmetic3A_168 = arith.constant 3 : i32
      %shift_right_arithmetic3A_169 = arith.shrsi %add3A_165, %shift_right_arithmetic3A_168 : i32
      %and3A_170 = arith.constant 7 : i32
      %and3A_171 = arith.andi %add3A_165, %and3A_170 : i32
      %mul3A_172 = arith.constant 16 : i32
      %mul3A_173 = arith.muli %and3A_171, %mul3A_172 : i32
      %swap3A_174 = arith.index_cast %shift_right_arithmetic3A_169 : i32 to index
      %swap3A_175 = arith.index_cast %mul3A_173 : i32 to index
      %swap3A_176 = tpu.vector_load %arg7[%swap3A_174, %swap3A_175] {strides = array<i32>} : memref<64x128xf32, #tpu.memory_space<vmem>>, vector<16xf32>,
      tpu.vector_store %arg7[%swap3A_174, %swap3A_175], %gather3A_167 {strides = array<i32>} : memref<64x128xf32, #tpu.memory_space<vmem>>, vector<16xf32>,
      %mul3A_177 = arith.constant 16 : i32
      %mul3A_178 = arith.muli %scan3A_62, %mul3A_177 : i32
      %add3A_179 = arith.constant 7 : i32
      %add3A_180 = arith.addi %mul3A_178, %add3A_179 : i32
      %add3A_181 = arith.constant 128 : i32
      %add3A_182 = arith.addi %add3A_181, %add3A_180 : i32
      %broadcast_in_dim3A_183 = vector.broadcast %add3A_180 : i32 to vector<16xi32>
      %gather3A_184 = tpu.vector_load_idx %arg6[%broadcast_in_dim3A_183, %iota3A] : memref<128x16xf32, #tpu.memory_space<vmem>>[vector<16xi32>, vector<16xi32>], vector<16xf32>,
      %shift_right_arithmetic3A_185 = arith.constant 3 : i32
      %shift_right_arithmetic3A_186 = arith.shrsi %add3A_182, %shift_right_arithmetic3A_185 : i32
      %and3A_187 = arith.constant 7 : i32
      %and3A_188 = arith.andi %add3A_182, %and3A_187 : i32
      %mul3A_189 = arith.constant 16 : i32
      %mul3A_190 = arith.muli %and3A_188, %mul3A_189 : i32
      %swap3A_191 = arith.index_cast %shift_right_arithmetic3A_186 : i32 to index
      %swap3A_192 = arith.index_cast %mul3A_190 : i32 to index
      %swap3A_193 = tpu.vector_load %arg7[%swap3A_191, %swap3A_192] {strides = array<i32>} : memref<64x128xf32, #tpu.memory_space<vmem>>, vector<16xf32>,
      tpu.vector_store %arg7[%swap3A_191, %swap3A_192], %gather3A_184 {strides = array<i32>} : memref<64x128xf32, #tpu.memory_space<vmem>>, vector<16xf32>,
      %mul3A_194 = arith.constant 16 : i32
      %mul3A_195 = arith.muli %scan3A_62, %mul3A_194 : i32
      %add3A_196 = arith.constant 8 : i32
      %add3A_197 = arith.addi %mul3A_195, %add3A_196 : i32
      %add3A_198 = arith.constant 128 : i32
      %add3A_199 = arith.addi %add3A_198, %add3A_197 : i32
      %broadcast_in_dim3A_200 = vector.broadcast %add3A_197 : i32 to vector<16xi32>
      %gather3A_201 = tpu.vector_load_idx %arg6[%broadcast_in_dim3A_200, %iota3A] : memref<128x16xf32, #tpu.memory_space<vmem>>[vector<16xi32>, vector<16xi32>], vector<16xf32>,
      %shift_right_arithmetic3A_202 = arith.constant 3 : i32
      %shift_right_arithmetic3A_203 = arith.shrsi %add3A_199, %shift_right_arithmetic3A_202 : i32
      %and3A_204 = arith.constant 7 : i32
      %and3A_205 = arith.andi %add3A_199, %and3A_204 : i32
      %mul3A_206 = arith.constant 16 : i32
      %mul3A_207 = arith.muli %and3A_205, %mul3A_206 : i32
      %swap3A_208 = arith.index_cast %shift_right_arithmetic3A_203 : i32 to index
      %swap3A_209 = arith.index_cast %mul3A_207 : i32 to index
      %swap3A_210 = tpu.vector_load %arg7[%swap3A_208, %swap3A_209] {strides = array<i32>} : memref<64x128xf32, #tpu.memory_space<vmem>>, vector<16xf32>,
      tpu.vector_store %arg7[%swap3A_208, %swap3A_209], %gather3A_201 {strides = array<i32>} : memref<64x128xf32, #tpu.memory_space<vmem>>, vector<16xf32>,
      %mul3A_211 = arith.constant 16 : i32
      %mul3A_212 = arith.muli %scan3A_62, %mul3A_211 : i32
      %add3A_213 = arith.constant 9 : i32
      %add3A_214 = arith.addi %mul3A_212, %add3A_213 : i32
      %add3A_215 = arith.constant 128 : i32
      %add3A_216 = arith.addi %add3A_215, %add3A_214 : i32
      %broadcast_in_dim3A_217 = vector.broadcast %add3A_214 : i32 to vector<16xi32>
      %gather3A_218 = tpu.vector_load_idx %arg6[%broadcast_in_dim3A_217, %iota3A] : memref<128x16xf32, #tpu.memory_space<vmem>>[vector<16xi32>, vector<16xi32>], vector<16xf32>,
      %shift_right_arithmetic3A_219 = arith.constant 3 : i32
      %shift_right_arithmetic3A_220 = arith.shrsi %add3A_216, %shift_right_arithmetic3A_219 : i32
      %and3A_221 = arith.constant 7 : i32
      %and3A_222 = arith.andi %add3A_216, %and3A_221 : i32
      %mul3A_223 = arith.constant 16 : i32
      %mul3A_224 = arith.muli %and3A_222, %mul3A_223 : i32
      %swap3A_225 = arith.index_cast %shift_right_arithmetic3A_220 : i32 to index
      %swap3A_226 = arith.index_cast %mul3A_224 : i32 to index
      %swap3A_227 = tpu.vector_load %arg7[%swap3A_225, %swap3A_226] {strides = array<i32>} : memref<64x128xf32, #tpu.memory_space<vmem>>, vector<16xf32>,
      tpu.vector_store %arg7[%swap3A_225, %swap3A_226], %gather3A_218 {strides = array<i32>} : memref<64x128xf32, #tpu.memory_space<vmem>>, vector<16xf32>,
      %mul3A_228 = arith.constant 16 : i32
      %mul3A_229 = arith.muli %scan3A_62, %mul3A_228 : i32
      %add3A_230 = arith.constant 10 : i32
      %add3A_231 = arith.addi %mul3A_229, %add3A_230 : i32
      %add3A_232 = arith.constant 128 : i32
      %add3A_233 = arith.addi %add3A_232, %add3A_231 : i32
      %broadcast_in_dim3A_234 = vector.broadcast %add3A_231 : i32 to vector<16xi32>
      %gather3A_235 = tpu.vector_load_idx %arg6[%broadcast_in_dim3A_234, %iota3A] : memref<128x16xf32, #tpu.memory_space<vmem>>[vector<16xi32>, vector<16xi32>], vector<16xf32>,
      %shift_right_arithmetic3A_236 = arith.constant 3 : i32
      %shift_right_arithmetic3A_237 = arith.shrsi %add3A_233, %shift_right_arithmetic3A_236 : i32
      %and3A_238 = arith.constant 7 : i32
      %and3A_239 = arith.andi %add3A_233, %and3A_238 : i32
      %mul3A_240 = arith.constant 16 : i32
      %mul3A_241 = arith.muli %and3A_239, %mul3A_240 : i32
      %swap3A_242 = arith.index_cast %shift_right_arithmetic3A_237 : i32 to index
      %swap3A_243 = arith.index_cast %mul3A_241 : i32 to index
      %swap3A_244 = tpu.vector_load %arg7[%swap3A_242, %swap3A_243] {strides = array<i32>} : memref<64x128xf32, #tpu.memory_space<vmem>>, vector<16xf32>,
      tpu.vector_store %arg7[%swap3A_242, %swap3A_243], %gather3A_235 {strides = array<i32>} : memref<64x128xf32, #tpu.memory_space<vmem>>, vector<16xf32>,
      %mul3A_245 = arith.constant 16 : i32
      %mul3A_246 = arith.muli %scan3A_62, %mul3A_245 : i32
      %add3A_247 = arith.constant 11 : i32
      %add3A_248 = arith.addi %mul3A_246, %add3A_247 : i32
      %add3A_249 = arith.constant 128 : i32
      %add3A_250 = arith.addi %add3A_249, %add3A_248 : i32
      %broadcast_in_dim3A_251 = vector.broadcast %add3A_248 : i32 to vector<16xi32>
      %gather3A_252 = tpu.vector_load_idx %arg6[%broadcast_in_dim3A_251, %iota3A] : memref<128x16xf32, #tpu.memory_space<vmem>>[vector<16xi32>, vector<16xi32>], vector<16xf32>,
      %shift_right_arithmetic3A_253 = arith.constant 3 : i32
      %shift_right_arithmetic3A_254 = arith.shrsi %add3A_250, %shift_right_arithmetic3A_253 : i32
      %and3A_255 = arith.constant 7 : i32
      %and3A_256 = arith.andi %add3A_250, %and3A_255 : i32
      %mul3A_257 = arith.constant 16 : i32
      %mul3A_258 = arith.muli %and3A_256, %mul3A_257 : i32
      %swap3A_259 = arith.index_cast %shift_right_arithmetic3A_254 : i32 to index
      %swap3A_260 = arith.index_cast %mul3A_258 : i32 to index
      %swap3A_261 = tpu.vector_load %arg7[%swap3A_259, %swap3A_260] {strides = array<i32>} : memref<64x128xf32, #tpu.memory_space<vmem>>, vector<16xf32>,
      tpu.vector_store %arg7[%swap3A_259, %swap3A_260], %gather3A_252 {strides = array<i32>} : memref<64x128xf32, #tpu.memory_space<vmem>>, vector<16xf32>,
      %mul3A_262 = arith.constant 16 : i32
      %mul3A_263 = arith.muli %scan3A_62, %mul3A_262 : i32
      %add3A_264 = arith.constant 12 : i32
      %add3A_265 = arith.addi %mul3A_263, %add3A_264 : i32
      %add3A_266 = arith.constant 128 : i32
      %add3A_267 = arith.addi %add3A_266, %add3A_265 : i32
      %broadcast_in_dim3A_268 = vector.broadcast %add3A_265 : i32 to vector<16xi32>
      %gather3A_269 = tpu.vector_load_idx %arg6[%broadcast_in_dim3A_268, %iota3A] : memref<128x16xf32, #tpu.memory_space<vmem>>[vector<16xi32>, vector<16xi32>], vector<16xf32>,
      %shift_right_arithmetic3A_270 = arith.constant 3 : i32
      %shift_right_arithmetic3A_271 = arith.shrsi %add3A_267, %shift_right_arithmetic3A_270 : i32
      %and3A_272 = arith.constant 7 : i32
      %and3A_273 = arith.andi %add3A_267, %and3A_272 : i32
      %mul3A_274 = arith.constant 16 : i32
      %mul3A_275 = arith.muli %and3A_273, %mul3A_274 : i32
      %swap3A_276 = arith.index_cast %shift_right_arithmetic3A_271 : i32 to index
      %swap3A_277 = arith.index_cast %mul3A_275 : i32 to index
      %swap3A_278 = tpu.vector_load %arg7[%swap3A_276, %swap3A_277] {strides = array<i32>} : memref<64x128xf32, #tpu.memory_space<vmem>>, vector<16xf32>,
      tpu.vector_store %arg7[%swap3A_276, %swap3A_277], %gather3A_269 {strides = array<i32>} : memref<64x128xf32, #tpu.memory_space<vmem>>, vector<16xf32>,
      %mul3A_279 = arith.constant 16 : i32
      %mul3A_280 = arith.muli %scan3A_62, %mul3A_279 : i32
      %add3A_281 = arith.constant 13 : i32
      %add3A_282 = arith.addi %mul3A_280, %add3A_281 : i32
      %add3A_283 = arith.constant 128 : i32
      %add3A_284 = arith.addi %add3A_283, %add3A_282 : i32
      %broadcast_in_dim3A_285 = vector.broadcast %add3A_282 : i32 to vector<16xi32>
      %gather3A_286 = tpu.vector_load_idx %arg6[%broadcast_in_dim3A_285, %iota3A] : memref<128x16xf32, #tpu.memory_space<vmem>>[vector<16xi32>, vector<16xi32>], vector<16xf32>,
      %shift_right_arithmetic3A_287 = arith.constant 3 : i32
      %shift_right_arithmetic3A_288 = arith.shrsi %add3A_284, %shift_right_arithmetic3A_287 : i32
      %and3A_289 = arith.constant 7 : i32
      %and3A_290 = arith.andi %add3A_284, %and3A_289 : i32
      %mul3A_291 = arith.constant 16 : i32
      %mul3A_292 = arith.muli %and3A_290, %mul3A_291 : i32
      %swap3A_293 = arith.index_cast %shift_right_arithmetic3A_288 : i32 to index
      %swap3A_294 = arith.index_cast %mul3A_292 : i32 to index
      %swap3A_295 = tpu.vector_load %arg7[%swap3A_293, %swap3A_294] {strides = array<i32>} : memref<64x128xf32, #tpu.memory_space<vmem>>, vector<16xf32>,
      tpu.vector_store %arg7[%swap3A_293, %swap3A_294], %gather3A_286 {strides = array<i32>} : memref<64x128xf32, #tpu.memory_space<vmem>>, vector<16xf32>,
      %mul3A_296 = arith.constant 16 : i32
      %mul3A_297 = arith.muli %scan3A_62, %mul3A_296 : i32
      %add3A_298 = arith.constant 14 : i32
      %add3A_299 = arith.addi %mul3A_297, %add3A_298 : i32
      %add3A_300 = arith.constant 128 : i32
      %add3A_301 = arith.addi %add3A_300, %add3A_299 : i32
      %broadcast_in_dim3A_302 = vector.broadcast %add3A_299 : i32 to vector<16xi32>
      %gather3A_303 = tpu.vector_load_idx %arg6[%broadcast_in_dim3A_302, %iota3A] : memref<128x16xf32, #tpu.memory_space<vmem>>[vector<16xi32>, vector<16xi32>], vector<16xf32>,
      %shift_right_arithmetic3A_304 = arith.constant 3 : i32
      %shift_right_arithmetic3A_305 = arith.shrsi %add3A_301, %shift_right_arithmetic3A_304 : i32
      %and3A_306 = arith.constant 7 : i32
      %and3A_307 = arith.andi %add3A_301, %and3A_306 : i32
      %mul3A_308 = arith.constant 16 : i32
      %mul3A_309 = arith.muli %and3A_307, %mul3A_308 : i32
      %swap3A_310 = arith.index_cast %shift_right_arithmetic3A_305 : i32 to index
      %swap3A_311 = arith.index_cast %mul3A_309 : i32 to index
      %swap3A_312 = tpu.vector_load %arg7[%swap3A_310, %swap3A_311] {strides = array<i32>} : memref<64x128xf32, #tpu.memory_space<vmem>>, vector<16xf32>,
      tpu.vector_store %arg7[%swap3A_310, %swap3A_311], %gather3A_303 {strides = array<i32>} : memref<64x128xf32, #tpu.memory_space<vmem>>, vector<16xf32>,
      %mul3A_313 = arith.constant 16 : i32
      %mul3A_314 = arith.muli %scan3A_62, %mul3A_313 : i32
      %add3A_315 = arith.constant 15 : i32
      %add3A_316 = arith.addi %mul3A_314, %add3A_315 : i32
      %add3A_317 = arith.constant 128 : i32
      %add3A_318 = arith.addi %add3A_317, %add3A_316 : i32
      %broadcast_in_dim3A_319 = vector.broadcast %add3A_316 : i32 to vector<16xi32>
      %gather3A_320 = tpu.vector_load_idx %arg6[%broadcast_in_dim3A_319, %iota3A] : memref<128x16xf32, #tpu.memory_space<vmem>>[vector<16xi32>, vector<16xi32>], vector<16xf32>,
      %shift_right_arithmetic3A_321 = arith.constant 3 : i32
      %shift_right_arithmetic3A_322 = arith.shrsi %add3A_318, %shift_right_arithmetic3A_321 : i32
      %and3A_323 = arith.constant 7 : i32
      %and3A_324 = arith.andi %add3A_318, %and3A_323 : i32
      %mul3A_325 = arith.constant 16 : i32
      %mul3A_326 = arith.muli %and3A_324, %mul3A_325 : i32
      %swap3A_327 = arith.index_cast %shift_right_arithmetic3A_322 : i32 to index
      %swap3A_328 = arith.index_cast %mul3A_326 : i32 to index
      %swap3A_329 = tpu.vector_load %arg7[%swap3A_327, %swap3A_328] {strides = array<i32>} : memref<64x128xf32, #tpu.memory_space<vmem>>, vector<16xf32>,
      tpu.vector_store %arg7[%swap3A_327, %swap3A_328], %gather3A_320 {strides = array<i32>} : memref<64x128xf32, #tpu.memory_space<vmem>>, vector<16xf32>,
    }
    %scan3A_29 = arith.constant 8 : i32
    %dma_start3A_30 = arith.constant 256 : i32
    %dma_start3A_31 = tpu.memref_slice %arg5[%dma_start3A_30] : memref<512xi32, #tpu.memory_space<vmem>> -> memref<128xi32, #tpu.memory_space<vmem>>
    %dma_start3A_32 = arith.constant 0 : i32
    %dma_start3A_33 = arith.constant 0 : i32
    %dma_start3A_34 = tpu.memref_slice %arg3[%dma_start3A_32, %dma_start3A_33] : memref<100000x16xf32, #tpu.memory_space<hbm>> -> memref<100000x16xf32, #tpu.memory_space<hbm>>
    tpu.enqueue_indirect_dma source(%dma_start3A_34 : memref<100000x16xf32, #tpu.memory_space<hbm>>) target(%arg6 : memref<128x16xf32, #tpu.memory_space<vmem>>) offsets(%dma_start3A_31 : memref<128xi32, #tpu.memory_space<vmem>>) semaphore(%arg8 : memref<!tpu.dma_semaphore, #tpu.memory_space<semaphore_mem>>)
    %dma_wait3A_35 = arith.constant 256 : i32
    %dma_wait3A_36 = tpu.memref_slice %arg5[%dma_wait3A_35] : memref<512xi32, #tpu.memory_space<vmem>> -> memref<128xi32, #tpu.memory_space<vmem>>
    %dma_wait3A_37 = arith.constant 0 : i32
    %dma_wait3A_38 = arith.constant 0 : i32
    %dma_wait3A_39 = tpu.memref_slice %arg3[%dma_wait3A_37, %dma_wait3A_38] : memref<100000x16xf32, #tpu.memory_space<hbm>> -> memref<100000x16xf32, #tpu.memory_space<hbm>>
    tpu.wait_indirect_dma semaphore(%arg8 : memref<!tpu.dma_semaphore, #tpu.memory_space<semaphore_mem>>) src(%dma_wait3A_39 : memref<100000x16xf32, #tpu.memory_space<hbm>>) dst(%arg6 : memref<128x16xf32, #tpu.memory_space<vmem>>)
    %scan3A_40 = arith.constant 0 : i32
    %scan3A_41 = arith.constant 8 : i32
    %scan3A_42 = arith.addi %scan3A_40, %scan3A_41 : i32
    %scan3A_43 = arith.constant 1 : i32
    scf.for %scan3A_62 = %scan3A_40 to %scan3A_42 step %scan3A_43  : i32 {
      %mul3A_63 = arith.constant 16 : i32
      %mul3A_64 = arith.muli %scan3A_62, %mul3A_63 : i32
      %add3A_65 = arith.constant 0 : i32
      %add3A_66 = arith.addi %mul3A_64, %add3A_65 : i32
      %add3A_67 = arith.constant 256 : i32
      %add3A_68 = arith.addi %add3A_67, %add3A_66 : i32
      %broadcast_in_dim3A = vector.broadcast %add3A_66 : i32 to vector<16xi32>
      %gather3A = tpu.vector_load_idx %arg6[%broadcast_in_dim3A, %iota3A] : memref<128x16xf32, #tpu.memory_space<vmem>>[vector<16xi32>, vector<16xi32>], vector<16xf32>,
      %shift_right_arithmetic3A = arith.constant 3 : i32
      %shift_right_arithmetic3A_69 = arith.shrsi %add3A_68, %shift_right_arithmetic3A : i32
      %and3A = arith.constant 7 : i32
      %and3A_70 = arith.andi %add3A_68, %and3A : i32
      %mul3A_71 = arith.constant 16 : i32
      %mul3A_72 = arith.muli %and3A_70, %mul3A_71 : i32
      %swap3A = arith.index_cast %shift_right_arithmetic3A_69 : i32 to index
      %swap3A_73 = arith.index_cast %mul3A_72 : i32 to index
      %swap3A_74 = tpu.vector_load %arg7[%swap3A, %swap3A_73] {strides = array<i32>} : memref<64x128xf32, #tpu.memory_space<vmem>>, vector<16xf32>,
      tpu.vector_store %arg7[%swap3A, %swap3A_73], %gather3A {strides = array<i32>} : memref<64x128xf32, #tpu.memory_space<vmem>>, vector<16xf32>,
      %mul3A_75 = arith.constant 16 : i32
      %mul3A_76 = arith.muli %scan3A_62, %mul3A_75 : i32
      %add3A_77 = arith.constant 1 : i32
      %add3A_78 = arith.addi %mul3A_76, %add3A_77 : i32
      %add3A_79 = arith.constant 256 : i32
      %add3A_80 = arith.addi %add3A_79, %add3A_78 : i32
      %broadcast_in_dim3A_81 = vector.broadcast %add3A_78 : i32 to vector<16xi32>
      %gather3A_82 = tpu.vector_load_idx %arg6[%broadcast_in_dim3A_81, %iota3A] : memref<128x16xf32, #tpu.memory_space<vmem>>[vector<16xi32>, vector<16xi32>], vector<16xf32>,
      %shift_right_arithmetic3A_83 = arith.constant 3 : i32
      %shift_right_arithmetic3A_84 = arith.shrsi %add3A_80, %shift_right_arithmetic3A_83 : i32
      %and3A_85 = arith.constant 7 : i32
      %and3A_86 = arith.andi %add3A_80, %and3A_85 : i32
      %mul3A_87 = arith.constant 16 : i32
      %mul3A_88 = arith.muli %and3A_86, %mul3A_87 : i32
      %swap3A_89 = arith.index_cast %shift_right_arithmetic3A_84 : i32 to index
      %swap3A_90 = arith.index_cast %mul3A_88 : i32 to index
      %swap3A_91 = tpu.vector_load %arg7[%swap3A_89, %swap3A_90] {strides = array<i32>} : memref<64x128xf32, #tpu.memory_space<vmem>>, vector<16xf32>,
      tpu.vector_store %arg7[%swap3A_89, %swap3A_90], %gather3A_82 {strides = array<i32>} : memref<64x128xf32, #tpu.memory_space<vmem>>, vector<16xf32>,
      %mul3A_92 = arith.constant 16 : i32
      %mul3A_93 = arith.muli %scan3A_62, %mul3A_92 : i32
      %add3A_94 = arith.constant 2 : i32
      %add3A_95 = arith.addi %mul3A_93, %add3A_94 : i32
      %add3A_96 = arith.constant 256 : i32
      %add3A_97 = arith.addi %add3A_96, %add3A_95 : i32
      %broadcast_in_dim3A_98 = vector.broadcast %add3A_95 : i32 to vector<16xi32>
      %gather3A_99 = tpu.vector_load_idx %arg6[%broadcast_in_dim3A_98, %iota3A] : memref<128x16xf32, #tpu.memory_space<vmem>>[vector<16xi32>, vector<16xi32>], vector<16xf32>,
      %shift_right_arithmetic3A_100 = arith.constant 3 : i32
      %shift_right_arithmetic3A_101 = arith.shrsi %add3A_97, %shift_right_arithmetic3A_100 : i32
      %and3A_102 = arith.constant 7 : i32
      %and3A_103 = arith.andi %add3A_97, %and3A_102 : i32
      %mul3A_104 = arith.constant 16 : i32
      %mul3A_105 = arith.muli %and3A_103, %mul3A_104 : i32
      %swap3A_106 = arith.index_cast %shift_right_arithmetic3A_101 : i32 to index
      %swap3A_107 = arith.index_cast %mul3A_105 : i32 to index
      %swap3A_108 = tpu.vector_load %arg7[%swap3A_106, %swap3A_107] {strides = array<i32>} : memref<64x128xf32, #tpu.memory_space<vmem>>, vector<16xf32>,
      tpu.vector_store %arg7[%swap3A_106, %swap3A_107], %gather3A_99 {strides = array<i32>} : memref<64x128xf32, #tpu.memory_space<vmem>>, vector<16xf32>,
      %mul3A_109 = arith.constant 16 : i32
      %mul3A_110 = arith.muli %scan3A_62, %mul3A_109 : i32
      %add3A_111 = arith.constant 3 : i32
      %add3A_112 = arith.addi %mul3A_110, %add3A_111 : i32
      %add3A_113 = arith.constant 256 : i32
      %add3A_114 = arith.addi %add3A_113, %add3A_112 : i32
      %broadcast_in_dim3A_115 = vector.broadcast %add3A_112 : i32 to vector<16xi32>
      %gather3A_116 = tpu.vector_load_idx %arg6[%broadcast_in_dim3A_115, %iota3A] : memref<128x16xf32, #tpu.memory_space<vmem>>[vector<16xi32>, vector<16xi32>], vector<16xf32>,
      %shift_right_arithmetic3A_117 = arith.constant 3 : i32
      %shift_right_arithmetic3A_118 = arith.shrsi %add3A_114, %shift_right_arithmetic3A_117 : i32
      %and3A_119 = arith.constant 7 : i32
      %and3A_120 = arith.andi %add3A_114, %and3A_119 : i32
      %mul3A_121 = arith.constant 16 : i32
      %mul3A_122 = arith.muli %and3A_120, %mul3A_121 : i32
      %swap3A_123 = arith.index_cast %shift_right_arithmetic3A_118 : i32 to index
      %swap3A_124 = arith.index_cast %mul3A_122 : i32 to index
      %swap3A_125 = tpu.vector_load %arg7[%swap3A_123, %swap3A_124] {strides = array<i32>} : memref<64x128xf32, #tpu.memory_space<vmem>>, vector<16xf32>,
      tpu.vector_store %arg7[%swap3A_123, %swap3A_124], %gather3A_116 {strides = array<i32>} : memref<64x128xf32, #tpu.memory_space<vmem>>, vector<16xf32>,
      %mul3A_126 = arith.constant 16 : i32
      %mul3A_127 = arith.muli %scan3A_62, %mul3A_126 : i32
      %add3A_128 = arith.constant 4 : i32
      %add3A_129 = arith.addi %mul3A_127, %add3A_128 : i32
      %add3A_130 = arith.constant 256 : i32
      %add3A_131 = arith.addi %add3A_130, %add3A_129 : i32
      %broadcast_in_dim3A_132 = vector.broadcast %add3A_129 : i32 to vector<16xi32>
      %gather3A_133 = tpu.vector_load_idx %arg6[%broadcast_in_dim3A_132, %iota3A] : memref<128x16xf32, #tpu.memory_space<vmem>>[vector<16xi32>, vector<16xi32>], vector<16xf32>,
      %shift_right_arithmetic3A_134 = arith.constant 3 : i32
      %shift_right_arithmetic3A_135 = arith.shrsi %add3A_131, %shift_right_arithmetic3A_134 : i32
      %and3A_136 = arith.constant 7 : i32
      %and3A_137 = arith.andi %add3A_131, %and3A_136 : i32
      %mul3A_138 = arith.constant 16 : i32
      %mul3A_139 = arith.muli %and3A_137, %mul3A_138 : i32
      %swap3A_140 = arith.index_cast %shift_right_arithmetic3A_135 : i32 to index
      %swap3A_141 = arith.index_cast %mul3A_139 : i32 to index
      %swap3A_142 = tpu.vector_load %arg7[%swap3A_140, %swap3A_141] {strides = array<i32>} : memref<64x128xf32, #tpu.memory_space<vmem>>, vector<16xf32>,
      tpu.vector_store %arg7[%swap3A_140, %swap3A_141], %gather3A_133 {strides = array<i32>} : memref<64x128xf32, #tpu.memory_space<vmem>>, vector<16xf32>,
      %mul3A_143 = arith.constant 16 : i32
      %mul3A_144 = arith.muli %scan3A_62, %mul3A_143 : i32
      %add3A_145 = arith.constant 5 : i32
      %add3A_146 = arith.addi %mul3A_144, %add3A_145 : i32
      %add3A_147 = arith.constant 256 : i32
      %add3A_148 = arith.addi %add3A_147, %add3A_146 : i32
      %broadcast_in_dim3A_149 = vector.broadcast %add3A_146 : i32 to vector<16xi32>
      %gather3A_150 = tpu.vector_load_idx %arg6[%broadcast_in_dim3A_149, %iota3A] : memref<128x16xf32, #tpu.memory_space<vmem>>[vector<16xi32>, vector<16xi32>], vector<16xf32>,
      %shift_right_arithmetic3A_151 = arith.constant 3 : i32
      %shift_right_arithmetic3A_152 = arith.shrsi %add3A_148, %shift_right_arithmetic3A_151 : i32
      %and3A_153 = arith.constant 7 : i32
      %and3A_154 = arith.andi %add3A_148, %and3A_153 : i32
      %mul3A_155 = arith.constant 16 : i32
      %mul3A_156 = arith.muli %and3A_154, %mul3A_155 : i32
      %swap3A_157 = arith.index_cast %shift_right_arithmetic3A_152 : i32 to index
      %swap3A_158 = arith.index_cast %mul3A_156 : i32 to index
      %swap3A_159 = tpu.vector_load %arg7[%swap3A_157, %swap3A_158] {strides = array<i32>} : memref<64x128xf32, #tpu.memory_space<vmem>>, vector<16xf32>,
      tpu.vector_store %arg7[%swap3A_157, %swap3A_158], %gather3A_150 {strides = array<i32>} : memref<64x128xf32, #tpu.memory_space<vmem>>, vector<16xf32>,
      %mul3A_160 = arith.constant 16 : i32
      %mul3A_161 = arith.muli %scan3A_62, %mul3A_160 : i32
      %add3A_162 = arith.constant 6 : i32
      %add3A_163 = arith.addi %mul3A_161, %add3A_162 : i32
      %add3A_164 = arith.constant 256 : i32
      %add3A_165 = arith.addi %add3A_164, %add3A_163 : i32
      %broadcast_in_dim3A_166 = vector.broadcast %add3A_163 : i32 to vector<16xi32>
      %gather3A_167 = tpu.vector_load_idx %arg6[%broadcast_in_dim3A_166, %iota3A] : memref<128x16xf32, #tpu.memory_space<vmem>>[vector<16xi32>, vector<16xi32>], vector<16xf32>,
      %shift_right_arithmetic3A_168 = arith.constant 3 : i32
      %shift_right_arithmetic3A_169 = arith.shrsi %add3A_165, %shift_right_arithmetic3A_168 : i32
      %and3A_170 = arith.constant 7 : i32
      %and3A_171 = arith.andi %add3A_165, %and3A_170 : i32
      %mul3A_172 = arith.constant 16 : i32
      %mul3A_173 = arith.muli %and3A_171, %mul3A_172 : i32
      %swap3A_174 = arith.index_cast %shift_right_arithmetic3A_169 : i32 to index
      %swap3A_175 = arith.index_cast %mul3A_173 : i32 to index
      %swap3A_176 = tpu.vector_load %arg7[%swap3A_174, %swap3A_175] {strides = array<i32>} : memref<64x128xf32, #tpu.memory_space<vmem>>, vector<16xf32>,
      tpu.vector_store %arg7[%swap3A_174, %swap3A_175], %gather3A_167 {strides = array<i32>} : memref<64x128xf32, #tpu.memory_space<vmem>>, vector<16xf32>,
      %mul3A_177 = arith.constant 16 : i32
      %mul3A_178 = arith.muli %scan3A_62, %mul3A_177 : i32
      %add3A_179 = arith.constant 7 : i32
      %add3A_180 = arith.addi %mul3A_178, %add3A_179 : i32
      %add3A_181 = arith.constant 256 : i32
      %add3A_182 = arith.addi %add3A_181, %add3A_180 : i32
      %broadcast_in_dim3A_183 = vector.broadcast %add3A_180 : i32 to vector<16xi32>
      %gather3A_184 = tpu.vector_load_idx %arg6[%broadcast_in_dim3A_183, %iota3A] : memref<128x16xf32, #tpu.memory_space<vmem>>[vector<16xi32>, vector<16xi32>], vector<16xf32>,
      %shift_right_arithmetic3A_185 = arith.constant 3 : i32
      %shift_right_arithmetic3A_186 = arith.shrsi %add3A_182, %shift_right_arithmetic3A_185 : i32
      %and3A_187 = arith.constant 7 : i32
      %and3A_188 = arith.andi %add3A_182, %and3A_187 : i32
      %mul3A_189 = arith.constant 16 : i32
      %mul3A_190 = arith.muli %and3A_188, %mul3A_189 : i32
      %swap3A_191 = arith.index_cast %shift_right_arithmetic3A_186 : i32 to index
      %swap3A_192 = arith.index_cast %mul3A_190 : i32 to index
      %swap3A_193 = tpu.vector_load %arg7[%swap3A_191, %swap3A_192] {strides = array<i32>} : memref<64x128xf32, #tpu.memory_space<vmem>>, vector<16xf32>,
      tpu.vector_store %arg7[%swap3A_191, %swap3A_192], %gather3A_184 {strides = array<i32>} : memref<64x128xf32, #tpu.memory_space<vmem>>, vector<16xf32>,
      %mul3A_194 = arith.constant 16 : i32
      %mul3A_195 = arith.muli %scan3A_62, %mul3A_194 : i32
      %add3A_196 = arith.constant 8 : i32
      %add3A_197 = arith.addi %mul3A_195, %add3A_196 : i32
      %add3A_198 = arith.constant 256 : i32
      %add3A_199 = arith.addi %add3A_198, %add3A_197 : i32
      %broadcast_in_dim3A_200 = vector.broadcast %add3A_197 : i32 to vector<16xi32>
      %gather3A_201 = tpu.vector_load_idx %arg6[%broadcast_in_dim3A_200, %iota3A] : memref<128x16xf32, #tpu.memory_space<vmem>>[vector<16xi32>, vector<16xi32>], vector<16xf32>,
      %shift_right_arithmetic3A_202 = arith.constant 3 : i32
      %shift_right_arithmetic3A_203 = arith.shrsi %add3A_199, %shift_right_arithmetic3A_202 : i32
      %and3A_204 = arith.constant 7 : i32
      %and3A_205 = arith.andi %add3A_199, %and3A_204 : i32
      %mul3A_206 = arith.constant 16 : i32
      %mul3A_207 = arith.muli %and3A_205, %mul3A_206 : i32
      %swap3A_208 = arith.index_cast %shift_right_arithmetic3A_203 : i32 to index
      %swap3A_209 = arith.index_cast %mul3A_207 : i32 to index
      %swap3A_210 = tpu.vector_load %arg7[%swap3A_208, %swap3A_209] {strides = array<i32>} : memref<64x128xf32, #tpu.memory_space<vmem>>, vector<16xf32>,
      tpu.vector_store %arg7[%swap3A_208, %swap3A_209], %gather3A_201 {strides = array<i32>} : memref<64x128xf32, #tpu.memory_space<vmem>>, vector<16xf32>,
      %mul3A_211 = arith.constant 16 : i32
      %mul3A_212 = arith.muli %scan3A_62, %mul3A_211 : i32
      %add3A_213 = arith.constant 9 : i32
      %add3A_214 = arith.addi %mul3A_212, %add3A_213 : i32
      %add3A_215 = arith.constant 256 : i32
      %add3A_216 = arith.addi %add3A_215, %add3A_214 : i32
      %broadcast_in_dim3A_217 = vector.broadcast %add3A_214 : i32 to vector<16xi32>
      %gather3A_218 = tpu.vector_load_idx %arg6[%broadcast_in_dim3A_217, %iota3A] : memref<128x16xf32, #tpu.memory_space<vmem>>[vector<16xi32>, vector<16xi32>], vector<16xf32>,
      %shift_right_arithmetic3A_219 = arith.constant 3 : i32
      %shift_right_arithmetic3A_220 = arith.shrsi %add3A_216, %shift_right_arithmetic3A_219 : i32
      %and3A_221 = arith.constant 7 : i32
      %and3A_222 = arith.andi %add3A_216, %and3A_221 : i32
      %mul3A_223 = arith.constant 16 : i32
      %mul3A_224 = arith.muli %and3A_222, %mul3A_223 : i32
      %swap3A_225 = arith.index_cast %shift_right_arithmetic3A_220 : i32 to index
      %swap3A_226 = arith.index_cast %mul3A_224 : i32 to index
      %swap3A_227 = tpu.vector_load %arg7[%swap3A_225, %swap3A_226] {strides = array<i32>} : memref<64x128xf32, #tpu.memory_space<vmem>>, vector<16xf32>,
      tpu.vector_store %arg7[%swap3A_225, %swap3A_226], %gather3A_218 {strides = array<i32>} : memref<64x128xf32, #tpu.memory_space<vmem>>, vector<16xf32>,
      %mul3A_228 = arith.constant 16 : i32
      %mul3A_229 = arith.muli %scan3A_62, %mul3A_228 : i32
      %add3A_230 = arith.constant 10 : i32
      %add3A_231 = arith.addi %mul3A_229, %add3A_230 : i32
      %add3A_232 = arith.constant 256 : i32
      %add3A_233 = arith.addi %add3A_232, %add3A_231 : i32
      %broadcast_in_dim3A_234 = vector.broadcast %add3A_231 : i32 to vector<16xi32>
      %gather3A_235 = tpu.vector_load_idx %arg6[%broadcast_in_dim3A_234, %iota3A] : memref<128x16xf32, #tpu.memory_space<vmem>>[vector<16xi32>, vector<16xi32>], vector<16xf32>,
      %shift_right_arithmetic3A_236 = arith.constant 3 : i32
      %shift_right_arithmetic3A_237 = arith.shrsi %add3A_233, %shift_right_arithmetic3A_236 : i32
      %and3A_238 = arith.constant 7 : i32
      %and3A_239 = arith.andi %add3A_233, %and3A_238 : i32
      %mul3A_240 = arith.constant 16 : i32
      %mul3A_241 = arith.muli %and3A_239, %mul3A_240 : i32
      %swap3A_242 = arith.index_cast %shift_right_arithmetic3A_237 : i32 to index
      %swap3A_243 = arith.index_cast %mul3A_241 : i32 to index
      %swap3A_244 = tpu.vector_load %arg7[%swap3A_242, %swap3A_243] {strides = array<i32>} : memref<64x128xf32, #tpu.memory_space<vmem>>, vector<16xf32>,
      tpu.vector_store %arg7[%swap3A_242, %swap3A_243], %gather3A_235 {strides = array<i32>} : memref<64x128xf32, #tpu.memory_space<vmem>>, vector<16xf32>,
      %mul3A_245 = arith.constant 16 : i32
      %mul3A_246 = arith.muli %scan3A_62, %mul3A_245 : i32
      %add3A_247 = arith.constant 11 : i32
      %add3A_248 = arith.addi %mul3A_246, %add3A_247 : i32
      %add3A_249 = arith.constant 256 : i32
      %add3A_250 = arith.addi %add3A_249, %add3A_248 : i32
      %broadcast_in_dim3A_251 = vector.broadcast %add3A_248 : i32 to vector<16xi32>
      %gather3A_252 = tpu.vector_load_idx %arg6[%broadcast_in_dim3A_251, %iota3A] : memref<128x16xf32, #tpu.memory_space<vmem>>[vector<16xi32>, vector<16xi32>], vector<16xf32>,
      %shift_right_arithmetic3A_253 = arith.constant 3 : i32
      %shift_right_arithmetic3A_254 = arith.shrsi %add3A_250, %shift_right_arithmetic3A_253 : i32
      %and3A_255 = arith.constant 7 : i32
      %and3A_256 = arith.andi %add3A_250, %and3A_255 : i32
      %mul3A_257 = arith.constant 16 : i32
      %mul3A_258 = arith.muli %and3A_256, %mul3A_257 : i32
      %swap3A_259 = arith.index_cast %shift_right_arithmetic3A_254 : i32 to index
      %swap3A_260 = arith.index_cast %mul3A_258 : i32 to index
      %swap3A_261 = tpu.vector_load %arg7[%swap3A_259, %swap3A_260] {strides = array<i32>} : memref<64x128xf32, #tpu.memory_space<vmem>>, vector<16xf32>,
      tpu.vector_store %arg7[%swap3A_259, %swap3A_260], %gather3A_252 {strides = array<i32>} : memref<64x128xf32, #tpu.memory_space<vmem>>, vector<16xf32>,
      %mul3A_262 = arith.constant 16 : i32
      %mul3A_263 = arith.muli %scan3A_62, %mul3A_262 : i32
      %add3A_264 = arith.constant 12 : i32
      %add3A_265 = arith.addi %mul3A_263, %add3A_264 : i32
      %add3A_266 = arith.constant 256 : i32
      %add3A_267 = arith.addi %add3A_266, %add3A_265 : i32
      %broadcast_in_dim3A_268 = vector.broadcast %add3A_265 : i32 to vector<16xi32>
      %gather3A_269 = tpu.vector_load_idx %arg6[%broadcast_in_dim3A_268, %iota3A] : memref<128x16xf32, #tpu.memory_space<vmem>>[vector<16xi32>, vector<16xi32>], vector<16xf32>,
      %shift_right_arithmetic3A_270 = arith.constant 3 : i32
      %shift_right_arithmetic3A_271 = arith.shrsi %add3A_267, %shift_right_arithmetic3A_270 : i32
      %and3A_272 = arith.constant 7 : i32
      %and3A_273 = arith.andi %add3A_267, %and3A_272 : i32
      %mul3A_274 = arith.constant 16 : i32
      %mul3A_275 = arith.muli %and3A_273, %mul3A_274 : i32
      %swap3A_276 = arith.index_cast %shift_right_arithmetic3A_271 : i32 to index
      %swap3A_277 = arith.index_cast %mul3A_275 : i32 to index
      %swap3A_278 = tpu.vector_load %arg7[%swap3A_276, %swap3A_277] {strides = array<i32>} : memref<64x128xf32, #tpu.memory_space<vmem>>, vector<16xf32>,
      tpu.vector_store %arg7[%swap3A_276, %swap3A_277], %gather3A_269 {strides = array<i32>} : memref<64x128xf32, #tpu.memory_space<vmem>>, vector<16xf32>,
      %mul3A_279 = arith.constant 16 : i32
      %mul3A_280 = arith.muli %scan3A_62, %mul3A_279 : i32
      %add3A_281 = arith.constant 13 : i32
      %add3A_282 = arith.addi %mul3A_280, %add3A_281 : i32
      %add3A_283 = arith.constant 256 : i32
      %add3A_284 = arith.addi %add3A_283, %add3A_282 : i32
      %broadcast_in_dim3A_285 = vector.broadcast %add3A_282 : i32 to vector<16xi32>
      %gather3A_286 = tpu.vector_load_idx %arg6[%broadcast_in_dim3A_285, %iota3A] : memref<128x16xf32, #tpu.memory_space<vmem>>[vector<16xi32>, vector<16xi32>], vector<16xf32>,
      %shift_right_arithmetic3A_287 = arith.constant 3 : i32
      %shift_right_arithmetic3A_288 = arith.shrsi %add3A_284, %shift_right_arithmetic3A_287 : i32
      %and3A_289 = arith.constant 7 : i32
      %and3A_290 = arith.andi %add3A_284, %and3A_289 : i32
      %mul3A_291 = arith.constant 16 : i32
      %mul3A_292 = arith.muli %and3A_290, %mul3A_291 : i32
      %swap3A_293 = arith.index_cast %shift_right_arithmetic3A_288 : i32 to index
      %swap3A_294 = arith.index_cast %mul3A_292 : i32 to index
      %swap3A_295 = tpu.vector_load %arg7[%swap3A_293, %swap3A_294] {strides = array<i32>} : memref<64x128xf32, #tpu.memory_space<vmem>>, vector<16xf32>,
      tpu.vector_store %arg7[%swap3A_293, %swap3A_294], %gather3A_286 {strides = array<i32>} : memref<64x128xf32, #tpu.memory_space<vmem>>, vector<16xf32>,
      %mul3A_296 = arith.constant 16 : i32
      %mul3A_297 = arith.muli %scan3A_62, %mul3A_296 : i32
      %add3A_298 = arith.constant 14 : i32
      %add3A_299 = arith.addi %mul3A_297, %add3A_298 : i32
      %add3A_300 = arith.constant 256 : i32
      %add3A_301 = arith.addi %add3A_300, %add3A_299 : i32
      %broadcast_in_dim3A_302 = vector.broadcast %add3A_299 : i32 to vector<16xi32>
      %gather3A_303 = tpu.vector_load_idx %arg6[%broadcast_in_dim3A_302, %iota3A] : memref<128x16xf32, #tpu.memory_space<vmem>>[vector<16xi32>, vector<16xi32>], vector<16xf32>,
      %shift_right_arithmetic3A_304 = arith.constant 3 : i32
      %shift_right_arithmetic3A_305 = arith.shrsi %add3A_301, %shift_right_arithmetic3A_304 : i32
      %and3A_306 = arith.constant 7 : i32
      %and3A_307 = arith.andi %add3A_301, %and3A_306 : i32
      %mul3A_308 = arith.constant 16 : i32
      %mul3A_309 = arith.muli %and3A_307, %mul3A_308 : i32
      %swap3A_310 = arith.index_cast %shift_right_arithmetic3A_305 : i32 to index
      %swap3A_311 = arith.index_cast %mul3A_309 : i32 to index
      %swap3A_312 = tpu.vector_load %arg7[%swap3A_310, %swap3A_311] {strides = array<i32>} : memref<64x128xf32, #tpu.memory_space<vmem>>, vector<16xf32>,
      tpu.vector_store %arg7[%swap3A_310, %swap3A_311], %gather3A_303 {strides = array<i32>} : memref<64x128xf32, #tpu.memory_space<vmem>>, vector<16xf32>,
      %mul3A_313 = arith.constant 16 : i32
      %mul3A_314 = arith.muli %scan3A_62, %mul3A_313 : i32
      %add3A_315 = arith.constant 15 : i32
      %add3A_316 = arith.addi %mul3A_314, %add3A_315 : i32
      %add3A_317 = arith.constant 256 : i32
      %add3A_318 = arith.addi %add3A_317, %add3A_316 : i32
      %broadcast_in_dim3A_319 = vector.broadcast %add3A_316 : i32 to vector<16xi32>
      %gather3A_320 = tpu.vector_load_idx %arg6[%broadcast_in_dim3A_319, %iota3A] : memref<128x16xf32, #tpu.memory_space<vmem>>[vector<16xi32>, vector<16xi32>], vector<16xf32>,
      %shift_right_arithmetic3A_321 = arith.constant 3 : i32
      %shift_right_arithmetic3A_322 = arith.shrsi %add3A_318, %shift_right_arithmetic3A_321 : i32
      %and3A_323 = arith.constant 7 : i32
      %and3A_324 = arith.andi %add3A_318, %and3A_323 : i32
      %mul3A_325 = arith.constant 16 : i32
      %mul3A_326 = arith.muli %and3A_324, %mul3A_325 : i32
      %swap3A_327 = arith.index_cast %shift_right_arithmetic3A_322 : i32 to index
      %swap3A_328 = arith.index_cast %mul3A_326 : i32 to index
      %swap3A_329 = tpu.vector_load %arg7[%swap3A_327, %swap3A_328] {strides = array<i32>} : memref<64x128xf32, #tpu.memory_space<vmem>>, vector<16xf32>,
      tpu.vector_store %arg7[%swap3A_327, %swap3A_328], %gather3A_320 {strides = array<i32>} : memref<64x128xf32, #tpu.memory_space<vmem>>, vector<16xf32>,
    }
    %scan3A_44 = arith.constant 8 : i32
    %dma_start3A_45 = arith.constant 384 : i32
    %dma_start3A_46 = tpu.memref_slice %arg5[%dma_start3A_45] : memref<512xi32, #tpu.memory_space<vmem>> -> memref<128xi32, #tpu.memory_space<vmem>>
    %dma_start3A_47 = arith.constant 0 : i32
    %dma_start3A_48 = arith.constant 0 : i32
    %dma_start3A_49 = tpu.memref_slice %arg3[%dma_start3A_47, %dma_start3A_48] : memref<100000x16xf32, #tpu.memory_space<hbm>> -> memref<100000x16xf32, #tpu.memory_space<hbm>>
    tpu.enqueue_indirect_dma source(%dma_start3A_49 : memref<100000x16xf32, #tpu.memory_space<hbm>>) target(%arg6 : memref<128x16xf32, #tpu.memory_space<vmem>>) offsets(%dma_start3A_46 : memref<128xi32, #tpu.memory_space<vmem>>) semaphore(%arg8 : memref<!tpu.dma_semaphore, #tpu.memory_space<semaphore_mem>>)
    %dma_wait3A_50 = arith.constant 384 : i32
    %dma_wait3A_51 = tpu.memref_slice %arg5[%dma_wait3A_50] : memref<512xi32, #tpu.memory_space<vmem>> -> memref<128xi32, #tpu.memory_space<vmem>>
    %dma_wait3A_52 = arith.constant 0 : i32
    %dma_wait3A_53 = arith.constant 0 : i32
    %dma_wait3A_54 = tpu.memref_slice %arg3[%dma_wait3A_52, %dma_wait3A_53] : memref<100000x16xf32, #tpu.memory_space<hbm>> -> memref<100000x16xf32, #tpu.memory_space<hbm>>
    tpu.wait_indirect_dma semaphore(%arg8 : memref<!tpu.dma_semaphore, #tpu.memory_space<semaphore_mem>>) src(%dma_wait3A_54 : memref<100000x16xf32, #tpu.memory_space<hbm>>) dst(%arg6 : memref<128x16xf32, #tpu.memory_space<vmem>>)
    %scan3A_55 = arith.constant 0 : i32
    %scan3A_56 = arith.constant 8 : i32
    %scan3A_57 = arith.addi %scan3A_55, %scan3A_56 : i32
    %scan3A_58 = arith.constant 1 : i32
    scf.for %scan3A_62 = %scan3A_55 to %scan3A_57 step %scan3A_58  : i32 {
      %mul3A_63 = arith.constant 16 : i32
      %mul3A_64 = arith.muli %scan3A_62, %mul3A_63 : i32
      %add3A_65 = arith.constant 0 : i32
      %add3A_66 = arith.addi %mul3A_64, %add3A_65 : i32
      %add3A_67 = arith.constant 384 : i32
      %add3A_68 = arith.addi %add3A_67, %add3A_66 : i32
      %broadcast_in_dim3A = vector.broadcast %add3A_66 : i32 to vector<16xi32>
      %gather3A = tpu.vector_load_idx %arg6[%broadcast_in_dim3A, %iota3A] : memref<128x16xf32, #tpu.memory_space<vmem>>[vector<16xi32>, vector<16xi32>], vector<16xf32>,
      %shift_right_arithmetic3A = arith.constant 3 : i32
      %shift_right_arithmetic3A_69 = arith.shrsi %add3A_68, %shift_right_arithmetic3A : i32
      %and3A = arith.constant 7 : i32
      %and3A_70 = arith.andi %add3A_68, %and3A : i32
      %mul3A_71 = arith.constant 16 : i32
      %mul3A_72 = arith.muli %and3A_70, %mul3A_71 : i32
      %swap3A = arith.index_cast %shift_right_arithmetic3A_69 : i32 to index
      %swap3A_73 = arith.index_cast %mul3A_72 : i32 to index
      %swap3A_74 = tpu.vector_load %arg7[%swap3A, %swap3A_73] {strides = array<i32>} : memref<64x128xf32, #tpu.memory_space<vmem>>, vector<16xf32>,
      tpu.vector_store %arg7[%swap3A, %swap3A_73], %gather3A {strides = array<i32>} : memref<64x128xf32, #tpu.memory_space<vmem>>, vector<16xf32>,
      %mul3A_75 = arith.constant 16 : i32
      %mul3A_76 = arith.muli %scan3A_62, %mul3A_75 : i32
      %add3A_77 = arith.constant 1 : i32
      %add3A_78 = arith.addi %mul3A_76, %add3A_77 : i32
      %add3A_79 = arith.constant 384 : i32
      %add3A_80 = arith.addi %add3A_79, %add3A_78 : i32
      %broadcast_in_dim3A_81 = vector.broadcast %add3A_78 : i32 to vector<16xi32>
      %gather3A_82 = tpu.vector_load_idx %arg6[%broadcast_in_dim3A_81, %iota3A] : memref<128x16xf32, #tpu.memory_space<vmem>>[vector<16xi32>, vector<16xi32>], vector<16xf32>,
      %shift_right_arithmetic3A_83 = arith.constant 3 : i32
      %shift_right_arithmetic3A_84 = arith.shrsi %add3A_80, %shift_right_arithmetic3A_83 : i32
      %and3A_85 = arith.constant 7 : i32
      %and3A_86 = arith.andi %add3A_80, %and3A_85 : i32
      %mul3A_87 = arith.constant 16 : i32
      %mul3A_88 = arith.muli %and3A_86, %mul3A_87 : i32
      %swap3A_89 = arith.index_cast %shift_right_arithmetic3A_84 : i32 to index
      %swap3A_90 = arith.index_cast %mul3A_88 : i32 to index
      %swap3A_91 = tpu.vector_load %arg7[%swap3A_89, %swap3A_90] {strides = array<i32>} : memref<64x128xf32, #tpu.memory_space<vmem>>, vector<16xf32>,
      tpu.vector_store %arg7[%swap3A_89, %swap3A_90], %gather3A_82 {strides = array<i32>} : memref<64x128xf32, #tpu.memory_space<vmem>>, vector<16xf32>,
      %mul3A_92 = arith.constant 16 : i32
      %mul3A_93 = arith.muli %scan3A_62, %mul3A_92 : i32
      %add3A_94 = arith.constant 2 : i32
      %add3A_95 = arith.addi %mul3A_93, %add3A_94 : i32
      %add3A_96 = arith.constant 384 : i32
      %add3A_97 = arith.addi %add3A_96, %add3A_95 : i32
      %broadcast_in_dim3A_98 = vector.broadcast %add3A_95 : i32 to vector<16xi32>
      %gather3A_99 = tpu.vector_load_idx %arg6[%broadcast_in_dim3A_98, %iota3A] : memref<128x16xf32, #tpu.memory_space<vmem>>[vector<16xi32>, vector<16xi32>], vector<16xf32>,
      %shift_right_arithmetic3A_100 = arith.constant 3 : i32
      %shift_right_arithmetic3A_101 = arith.shrsi %add3A_97, %shift_right_arithmetic3A_100 : i32
      %and3A_102 = arith.constant 7 : i32
      %and3A_103 = arith.andi %add3A_97, %and3A_102 : i32
      %mul3A_104 = arith.constant 16 : i32
      %mul3A_105 = arith.muli %and3A_103, %mul3A_104 : i32
      %swap3A_106 = arith.index_cast %shift_right_arithmetic3A_101 : i32 to index
      %swap3A_107 = arith.index_cast %mul3A_105 : i32 to index
      %swap3A_108 = tpu.vector_load %arg7[%swap3A_106, %swap3A_107] {strides = array<i32>} : memref<64x128xf32, #tpu.memory_space<vmem>>, vector<16xf32>,
      tpu.vector_store %arg7[%swap3A_106, %swap3A_107], %gather3A_99 {strides = array<i32>} : memref<64x128xf32, #tpu.memory_space<vmem>>, vector<16xf32>,
      %mul3A_109 = arith.constant 16 : i32
      %mul3A_110 = arith.muli %scan3A_62, %mul3A_109 : i32
      %add3A_111 = arith.constant 3 : i32
      %add3A_112 = arith.addi %mul3A_110, %add3A_111 : i32
      %add3A_113 = arith.constant 384 : i32
      %add3A_114 = arith.addi %add3A_113, %add3A_112 : i32
      %broadcast_in_dim3A_115 = vector.broadcast %add3A_112 : i32 to vector<16xi32>
      %gather3A_116 = tpu.vector_load_idx %arg6[%broadcast_in_dim3A_115, %iota3A] : memref<128x16xf32, #tpu.memory_space<vmem>>[vector<16xi32>, vector<16xi32>], vector<16xf32>,
      %shift_right_arithmetic3A_117 = arith.constant 3 : i32
      %shift_right_arithmetic3A_118 = arith.shrsi %add3A_114, %shift_right_arithmetic3A_117 : i32
      %and3A_119 = arith.constant 7 : i32
      %and3A_120 = arith.andi %add3A_114, %and3A_119 : i32
      %mul3A_121 = arith.constant 16 : i32
      %mul3A_122 = arith.muli %and3A_120, %mul3A_121 : i32
      %swap3A_123 = arith.index_cast %shift_right_arithmetic3A_118 : i32 to index
      %swap3A_124 = arith.index_cast %mul3A_122 : i32 to index
      %swap3A_125 = tpu.vector_load %arg7[%swap3A_123, %swap3A_124] {strides = array<i32>} : memref<64x128xf32, #tpu.memory_space<vmem>>, vector<16xf32>,
      tpu.vector_store %arg7[%swap3A_123, %swap3A_124], %gather3A_116 {strides = array<i32>} : memref<64x128xf32, #tpu.memory_space<vmem>>, vector<16xf32>,
      %mul3A_126 = arith.constant 16 : i32
      %mul3A_127 = arith.muli %scan3A_62, %mul3A_126 : i32
      %add3A_128 = arith.constant 4 : i32
      %add3A_129 = arith.addi %mul3A_127, %add3A_128 : i32
      %add3A_130 = arith.constant 384 : i32
      %add3A_131 = arith.addi %add3A_130, %add3A_129 : i32
      %broadcast_in_dim3A_132 = vector.broadcast %add3A_129 : i32 to vector<16xi32>
      %gather3A_133 = tpu.vector_load_idx %arg6[%broadcast_in_dim3A_132, %iota3A] : memref<128x16xf32, #tpu.memory_space<vmem>>[vector<16xi32>, vector<16xi32>], vector<16xf32>,
      %shift_right_arithmetic3A_134 = arith.constant 3 : i32
      %shift_right_arithmetic3A_135 = arith.shrsi %add3A_131, %shift_right_arithmetic3A_134 : i32
      %and3A_136 = arith.constant 7 : i32
      %and3A_137 = arith.andi %add3A_131, %and3A_136 : i32
      %mul3A_138 = arith.constant 16 : i32
      %mul3A_139 = arith.muli %and3A_137, %mul3A_138 : i32
      %swap3A_140 = arith.index_cast %shift_right_arithmetic3A_135 : i32 to index
      %swap3A_141 = arith.index_cast %mul3A_139 : i32 to index
      %swap3A_142 = tpu.vector_load %arg7[%swap3A_140, %swap3A_141] {strides = array<i32>} : memref<64x128xf32, #tpu.memory_space<vmem>>, vector<16xf32>,
      tpu.vector_store %arg7[%swap3A_140, %swap3A_141], %gather3A_133 {strides = array<i32>} : memref<64x128xf32, #tpu.memory_space<vmem>>, vector<16xf32>,
      %mul3A_143 = arith.constant 16 : i32
      %mul3A_144 = arith.muli %scan3A_62, %mul3A_143 : i32
      %add3A_145 = arith.constant 5 : i32
      %add3A_146 = arith.addi %mul3A_144, %add3A_145 : i32
      %add3A_147 = arith.constant 384 : i32
      %add3A_148 = arith.addi %add3A_147, %add3A_146 : i32
      %broadcast_in_dim3A_149 = vector.broadcast %add3A_146 : i32 to vector<16xi32>
      %gather3A_150 = tpu.vector_load_idx %arg6[%broadcast_in_dim3A_149, %iota3A] : memref<128x16xf32, #tpu.memory_space<vmem>>[vector<16xi32>, vector<16xi32>], vector<16xf32>,
      %shift_right_arithmetic3A_151 = arith.constant 3 : i32
      %shift_right_arithmetic3A_152 = arith.shrsi %add3A_148, %shift_right_arithmetic3A_151 : i32
      %and3A_153 = arith.constant 7 : i32
      %and3A_154 = arith.andi %add3A_148, %and3A_153 : i32
      %mul3A_155 = arith.constant 16 : i32
      %mul3A_156 = arith.muli %and3A_154, %mul3A_155 : i32
      %swap3A_157 = arith.index_cast %shift_right_arithmetic3A_152 : i32 to index
      %swap3A_158 = arith.index_cast %mul3A_156 : i32 to index
      %swap3A_159 = tpu.vector_load %arg7[%swap3A_157, %swap3A_158] {strides = array<i32>} : memref<64x128xf32, #tpu.memory_space<vmem>>, vector<16xf32>,
      tpu.vector_store %arg7[%swap3A_157, %swap3A_158], %gather3A_150 {strides = array<i32>} : memref<64x128xf32, #tpu.memory_space<vmem>>, vector<16xf32>,
      %mul3A_160 = arith.constant 16 : i32
      %mul3A_161 = arith.muli %scan3A_62, %mul3A_160 : i32
      %add3A_162 = arith.constant 6 : i32
      %add3A_163 = arith.addi %mul3A_161, %add3A_162 : i32
      %add3A_164 = arith.constant 384 : i32
      %add3A_165 = arith.addi %add3A_164, %add3A_163 : i32
      %broadcast_in_dim3A_166 = vector.broadcast %add3A_163 : i32 to vector<16xi32>
      %gather3A_167 = tpu.vector_load_idx %arg6[%broadcast_in_dim3A_166, %iota3A] : memref<128x16xf32, #tpu.memory_space<vmem>>[vector<16xi32>, vector<16xi32>], vector<16xf32>,
      %shift_right_arithmetic3A_168 = arith.constant 3 : i32
      %shift_right_arithmetic3A_169 = arith.shrsi %add3A_165, %shift_right_arithmetic3A_168 : i32
      %and3A_170 = arith.constant 7 : i32
      %and3A_171 = arith.andi %add3A_165, %and3A_170 : i32
      %mul3A_172 = arith.constant 16 : i32
      %mul3A_173 = arith.muli %and3A_171, %mul3A_172 : i32
      %swap3A_174 = arith.index_cast %shift_right_arithmetic3A_169 : i32 to index
      %swap3A_175 = arith.index_cast %mul3A_173 : i32 to index
      %swap3A_176 = tpu.vector_load %arg7[%swap3A_174, %swap3A_175] {strides = array<i32>} : memref<64x128xf32, #tpu.memory_space<vmem>>, vector<16xf32>,
      tpu.vector_store %arg7[%swap3A_174, %swap3A_175], %gather3A_167 {strides = array<i32>} : memref<64x128xf32, #tpu.memory_space<vmem>>, vector<16xf32>,
      %mul3A_177 = arith.constant 16 : i32
      %mul3A_178 = arith.muli %scan3A_62, %mul3A_177 : i32
      %add3A_179 = arith.constant 7 : i32
      %add3A_180 = arith.addi %mul3A_178, %add3A_179 : i32
      %add3A_181 = arith.constant 384 : i32
      %add3A_182 = arith.addi %add3A_181, %add3A_180 : i32
      %broadcast_in_dim3A_183 = vector.broadcast %add3A_180 : i32 to vector<16xi32>
      %gather3A_184 = tpu.vector_load_idx %arg6[%broadcast_in_dim3A_183, %iota3A] : memref<128x16xf32, #tpu.memory_space<vmem>>[vector<16xi32>, vector<16xi32>], vector<16xf32>,
      %shift_right_arithmetic3A_185 = arith.constant 3 : i32
      %shift_right_arithmetic3A_186 = arith.shrsi %add3A_182, %shift_right_arithmetic3A_185 : i32
      %and3A_187 = arith.constant 7 : i32
      %and3A_188 = arith.andi %add3A_182, %and3A_187 : i32
      %mul3A_189 = arith.constant 16 : i32
      %mul3A_190 = arith.muli %and3A_188, %mul3A_189 : i32
      %swap3A_191 = arith.index_cast %shift_right_arithmetic3A_186 : i32 to index
      %swap3A_192 = arith.index_cast %mul3A_190 : i32 to index
      %swap3A_193 = tpu.vector_load %arg7[%swap3A_191, %swap3A_192] {strides = array<i32>} : memref<64x128xf32, #tpu.memory_space<vmem>>, vector<16xf32>,
      tpu.vector_store %arg7[%swap3A_191, %swap3A_192], %gather3A_184 {strides = array<i32>} : memref<64x128xf32, #tpu.memory_space<vmem>>, vector<16xf32>,
      %mul3A_194 = arith.constant 16 : i32
      %mul3A_195 = arith.muli %scan3A_62, %mul3A_194 : i32
      %add3A_196 = arith.constant 8 : i32
      %add3A_197 = arith.addi %mul3A_195, %add3A_196 : i32
      %add3A_198 = arith.constant 384 : i32
      %add3A_199 = arith.addi %add3A_198, %add3A_197 : i32
      %broadcast_in_dim3A_200 = vector.broadcast %add3A_197 : i32 to vector<16xi32>
      %gather3A_201 = tpu.vector_load_idx %arg6[%broadcast_in_dim3A_200, %iota3A] : memref<128x16xf32, #tpu.memory_space<vmem>>[vector<16xi32>, vector<16xi32>], vector<16xf32>,
      %shift_right_arithmetic3A_202 = arith.constant 3 : i32
      %shift_right_arithmetic3A_203 = arith.shrsi %add3A_199, %shift_right_arithmetic3A_202 : i32
      %and3A_204 = arith.constant 7 : i32
      %and3A_205 = arith.andi %add3A_199, %and3A_204 : i32
      %mul3A_206 = arith.constant 16 : i32
      %mul3A_207 = arith.muli %and3A_205, %mul3A_206 : i32
      %swap3A_208 = arith.index_cast %shift_right_arithmetic3A_203 : i32 to index
      %swap3A_209 = arith.index_cast %mul3A_207 : i32 to index
      %swap3A_210 = tpu.vector_load %arg7[%swap3A_208, %swap3A_209] {strides = array<i32>} : memref<64x128xf32, #tpu.memory_space<vmem>>, vector<16xf32>,
      tpu.vector_store %arg7[%swap3A_208, %swap3A_209], %gather3A_201 {strides = array<i32>} : memref<64x128xf32, #tpu.memory_space<vmem>>, vector<16xf32>,
      %mul3A_211 = arith.constant 16 : i32
      %mul3A_212 = arith.muli %scan3A_62, %mul3A_211 : i32
      %add3A_213 = arith.constant 9 : i32
      %add3A_214 = arith.addi %mul3A_212, %add3A_213 : i32
      %add3A_215 = arith.constant 384 : i32
      %add3A_216 = arith.addi %add3A_215, %add3A_214 : i32
      %broadcast_in_dim3A_217 = vector.broadcast %add3A_214 : i32 to vector<16xi32>
      %gather3A_218 = tpu.vector_load_idx %arg6[%broadcast_in_dim3A_217, %iota3A] : memref<128x16xf32, #tpu.memory_space<vmem>>[vector<16xi32>, vector<16xi32>], vector<16xf32>,
      %shift_right_arithmetic3A_219 = arith.constant 3 : i32
      %shift_right_arithmetic3A_220 = arith.shrsi %add3A_216, %shift_right_arithmetic3A_219 : i32
      %and3A_221 = arith.constant 7 : i32
      %and3A_222 = arith.andi %add3A_216, %and3A_221 : i32
      %mul3A_223 = arith.constant 16 : i32
      %mul3A_224 = arith.muli %and3A_222, %mul3A_223 : i32
      %swap3A_225 = arith.index_cast %shift_right_arithmetic3A_220 : i32 to index
      %swap3A_226 = arith.index_cast %mul3A_224 : i32 to index
      %swap3A_227 = tpu.vector_load %arg7[%swap3A_225, %swap3A_226] {strides = array<i32>} : memref<64x128xf32, #tpu.memory_space<vmem>>, vector<16xf32>,
      tpu.vector_store %arg7[%swap3A_225, %swap3A_226], %gather3A_218 {strides = array<i32>} : memref<64x128xf32, #tpu.memory_space<vmem>>, vector<16xf32>,
      %mul3A_228 = arith.constant 16 : i32
      %mul3A_229 = arith.muli %scan3A_62, %mul3A_228 : i32
      %add3A_230 = arith.constant 10 : i32
      %add3A_231 = arith.addi %mul3A_229, %add3A_230 : i32
      %add3A_232 = arith.constant 384 : i32
      %add3A_233 = arith.addi %add3A_232, %add3A_231 : i32
      %broadcast_in_dim3A_234 = vector.broadcast %add3A_231 : i32 to vector<16xi32>
      %gather3A_235 = tpu.vector_load_idx %arg6[%broadcast_in_dim3A_234, %iota3A] : memref<128x16xf32, #tpu.memory_space<vmem>>[vector<16xi32>, vector<16xi32>], vector<16xf32>,
      %shift_right_arithmetic3A_236 = arith.constant 3 : i32
      %shift_right_arithmetic3A_237 = arith.shrsi %add3A_233, %shift_right_arithmetic3A_236 : i32
      %and3A_238 = arith.constant 7 : i32
      %and3A_239 = arith.andi %add3A_233, %and3A_238 : i32
      %mul3A_240 = arith.constant 16 : i32
      %mul3A_241 = arith.muli %and3A_239, %mul3A_240 : i32
      %swap3A_242 = arith.index_cast %shift_right_arithmetic3A_237 : i32 to index
      %swap3A_243 = arith.index_cast %mul3A_241 : i32 to index
      %swap3A_244 = tpu.vector_load %arg7[%swap3A_242, %swap3A_243] {strides = array<i32>} : memref<64x128xf32, #tpu.memory_space<vmem>>, vector<16xf32>,
      tpu.vector_store %arg7[%swap3A_242, %swap3A_243], %gather3A_235 {strides = array<i32>} : memref<64x128xf32, #tpu.memory_space<vmem>>, vector<16xf32>,
      %mul3A_245 = arith.constant 16 : i32
      %mul3A_246 = arith.muli %scan3A_62, %mul3A_245 : i32
      %add3A_247 = arith.constant 11 : i32
      %add3A_248 = arith.addi %mul3A_246, %add3A_247 : i32
      %add3A_249 = arith.constant 384 : i32
      %add3A_250 = arith.addi %add3A_249, %add3A_248 : i32
      %broadcast_in_dim3A_251 = vector.broadcast %add3A_248 : i32 to vector<16xi32>
      %gather3A_252 = tpu.vector_load_idx %arg6[%broadcast_in_dim3A_251, %iota3A] : memref<128x16xf32, #tpu.memory_space<vmem>>[vector<16xi32>, vector<16xi32>], vector<16xf32>,
      %shift_right_arithmetic3A_253 = arith.constant 3 : i32
      %shift_right_arithmetic3A_254 = arith.shrsi %add3A_250, %shift_right_arithmetic3A_253 : i32
      %and3A_255 = arith.constant 7 : i32
      %and3A_256 = arith.andi %add3A_250, %and3A_255 : i32
      %mul3A_257 = arith.constant 16 : i32
      %mul3A_258 = arith.muli %and3A_256, %mul3A_257 : i32
      %swap3A_259 = arith.index_cast %shift_right_arithmetic3A_254 : i32 to index
      %swap3A_260 = arith.index_cast %mul3A_258 : i32 to index
      %swap3A_261 = tpu.vector_load %arg7[%swap3A_259, %swap3A_260] {strides = array<i32>} : memref<64x128xf32, #tpu.memory_space<vmem>>, vector<16xf32>,
      tpu.vector_store %arg7[%swap3A_259, %swap3A_260], %gather3A_252 {strides = array<i32>} : memref<64x128xf32, #tpu.memory_space<vmem>>, vector<16xf32>,
      %mul3A_262 = arith.constant 16 : i32
      %mul3A_263 = arith.muli %scan3A_62, %mul3A_262 : i32
      %add3A_264 = arith.constant 12 : i32
      %add3A_265 = arith.addi %mul3A_263, %add3A_264 : i32
      %add3A_266 = arith.constant 384 : i32
      %add3A_267 = arith.addi %add3A_266, %add3A_265 : i32
      %broadcast_in_dim3A_268 = vector.broadcast %add3A_265 : i32 to vector<16xi32>
      %gather3A_269 = tpu.vector_load_idx %arg6[%broadcast_in_dim3A_268, %iota3A] : memref<128x16xf32, #tpu.memory_space<vmem>>[vector<16xi32>, vector<16xi32>], vector<16xf32>,
      %shift_right_arithmetic3A_270 = arith.constant 3 : i32
      %shift_right_arithmetic3A_271 = arith.shrsi %add3A_267, %shift_right_arithmetic3A_270 : i32
      %and3A_272 = arith.constant 7 : i32
      %and3A_273 = arith.andi %add3A_267, %and3A_272 : i32
      %mul3A_274 = arith.constant 16 : i32
      %mul3A_275 = arith.muli %and3A_273, %mul3A_274 : i32
      %swap3A_276 = arith.index_cast %shift_right_arithmetic3A_271 : i32 to index
      %swap3A_277 = arith.index_cast %mul3A_275 : i32 to index
      %swap3A_278 = tpu.vector_load %arg7[%swap3A_276, %swap3A_277] {strides = array<i32>} : memref<64x128xf32, #tpu.memory_space<vmem>>, vector<16xf32>,
      tpu.vector_store %arg7[%swap3A_276, %swap3A_277], %gather3A_269 {strides = array<i32>} : memref<64x128xf32, #tpu.memory_space<vmem>>, vector<16xf32>,
      %mul3A_279 = arith.constant 16 : i32
      %mul3A_280 = arith.muli %scan3A_62, %mul3A_279 : i32
      %add3A_281 = arith.constant 13 : i32
      %add3A_282 = arith.addi %mul3A_280, %add3A_281 : i32
      %add3A_283 = arith.constant 384 : i32
      %add3A_284 = arith.addi %add3A_283, %add3A_282 : i32
      %broadcast_in_dim3A_285 = vector.broadcast %add3A_282 : i32 to vector<16xi32>
      %gather3A_286 = tpu.vector_load_idx %arg6[%broadcast_in_dim3A_285, %iota3A] : memref<128x16xf32, #tpu.memory_space<vmem>>[vector<16xi32>, vector<16xi32>], vector<16xf32>,
      %shift_right_arithmetic3A_287 = arith.constant 3 : i32
      %shift_right_arithmetic3A_288 = arith.shrsi %add3A_284, %shift_right_arithmetic3A_287 : i32
      %and3A_289 = arith.constant 7 : i32
      %and3A_290 = arith.andi %add3A_284, %and3A_289 : i32
      %mul3A_291 = arith.constant 16 : i32
      %mul3A_292 = arith.muli %and3A_290, %mul3A_291 : i32
      %swap3A_293 = arith.index_cast %shift_right_arithmetic3A_288 : i32 to index
      %swap3A_294 = arith.index_cast %mul3A_292 : i32 to index
      %swap3A_295 = tpu.vector_load %arg7[%swap3A_293, %swap3A_294] {strides = array<i32>} : memref<64x128xf32, #tpu.memory_space<vmem>>, vector<16xf32>,
      tpu.vector_store %arg7[%swap3A_293, %swap3A_294], %gather3A_286 {strides = array<i32>} : memref<64x128xf32, #tpu.memory_space<vmem>>, vector<16xf32>,
      %mul3A_296 = arith.constant 16 : i32
      %mul3A_297 = arith.muli %scan3A_62, %mul3A_296 : i32
      %add3A_298 = arith.constant 14 : i32
      %add3A_299 = arith.addi %mul3A_297, %add3A_298 : i32
      %add3A_300 = arith.constant 384 : i32
      %add3A_301 = arith.addi %add3A_300, %add3A_299 : i32
      %broadcast_in_dim3A_302 = vector.broadcast %add3A_299 : i32 to vector<16xi32>
      %gather3A_303 = tpu.vector_load_idx %arg6[%broadcast_in_dim3A_302, %iota3A] : memref<128x16xf32, #tpu.memory_space<vmem>>[vector<16xi32>, vector<16xi32>], vector<16xf32>,
      %shift_right_arithmetic3A_304 = arith.constant 3 : i32
      %shift_right_arithmetic3A_305 = arith.shrsi %add3A_301, %shift_right_arithmetic3A_304 : i32
      %and3A_306 = arith.constant 7 : i32
      %and3A_307 = arith.andi %add3A_301, %and3A_306 : i32
      %mul3A_308 = arith.constant 16 : i32
      %mul3A_309 = arith.muli %and3A_307, %mul3A_308 : i32
      %swap3A_310 = arith.index_cast %shift_right_arithmetic3A_305 : i32 to index
      %swap3A_311 = arith.index_cast %mul3A_309 : i32 to index
      %swap3A_312 = tpu.vector_load %arg7[%swap3A_310, %swap3A_311] {strides = array<i32>} : memref<64x128xf32, #tpu.memory_space<vmem>>, vector<16xf32>,
      tpu.vector_store %arg7[%swap3A_310, %swap3A_311], %gather3A_303 {strides = array<i32>} : memref<64x128xf32, #tpu.memory_space<vmem>>, vector<16xf32>,
      %mul3A_313 = arith.constant 16 : i32
      %mul3A_314 = arith.muli %scan3A_62, %mul3A_313 : i32
      %add3A_315 = arith.constant 15 : i32
      %add3A_316 = arith.addi %mul3A_314, %add3A_315 : i32
      %add3A_317 = arith.constant 384 : i32
      %add3A_318 = arith.addi %add3A_317, %add3A_316 : i32
      %broadcast_in_dim3A_319 = vector.broadcast %add3A_316 : i32 to vector<16xi32>
      %gather3A_320 = tpu.vector_load_idx %arg6[%broadcast_in_dim3A_319, %iota3A] : memref<128x16xf32, #tpu.memory_space<vmem>>[vector<16xi32>, vector<16xi32>], vector<16xf32>,
      %shift_right_arithmetic3A_321 = arith.constant 3 : i32
      %shift_right_arithmetic3A_322 = arith.shrsi %add3A_318, %shift_right_arithmetic3A_321 : i32
      %and3A_323 = arith.constant 7 : i32
      %and3A_324 = arith.andi %add3A_318, %and3A_323 : i32
      %mul3A_325 = arith.constant 16 : i32
      %mul3A_326 = arith.muli %and3A_324, %mul3A_325 : i32
      %swap3A_327 = arith.index_cast %shift_right_arithmetic3A_322 : i32 to index
      %swap3A_328 = arith.index_cast %mul3A_326 : i32 to index
      %swap3A_329 = tpu.vector_load %arg7[%swap3A_327, %swap3A_328] {strides = array<i32>} : memref<64x128xf32, #tpu.memory_space<vmem>>, vector<16xf32>,
      tpu.vector_store %arg7[%swap3A_327, %swap3A_328], %gather3A_320 {strides = array<i32>} : memref<64x128xf32, #tpu.memory_space<vmem>>, vector<16xf32>,
    }
    %scan3A_59 = arith.constant 8 : i32
    %mul3A_60 = arith.constant 64 : i32
    %mul3A_61 = arith.muli %add3A, %mul3A_60 : i32
    "tpu.region"() ({
      %run_scoped3A = tpu.sem_alloc : memref<!tpu.dma_semaphore, #tpu.memory_space<semaphore_mem>>
      %dma_start3A_62 = arith.constant 0 : i32
      %dma_start3A_63 = tpu.memref_slice %arg4[%mul3A_61, %dma_start3A_62] : memref<2048x128xf32, #tpu.memory_space<hbm>> -> memref<64x128xf32, #tpu.memory_space<hbm>>
      %dma_start3A_64 = arith.constant 0 : i32
      %dma_start3A_65 = tpu.memref_slice %arg4[%mul3A_61, %dma_start3A_64] : memref<2048x128xf32, #tpu.memory_space<hbm>> -> memref<64x128xf32, #tpu.memory_space<hbm>>
      tpu.enqueue_dma source(%arg7 : memref<64x128xf32, #tpu.memory_space<vmem>>) target(%dma_start3A_65 : memref<64x128xf32, #tpu.memory_space<hbm>>) target_semaphore(%run_scoped3A : memref<!tpu.dma_semaphore, #tpu.memory_space<semaphore_mem>>)
      %dma_wait3A_66 = arith.constant 0 : i32
      %dma_wait3A_67 = tpu.memref_slice %arg4[%mul3A_61, %dma_wait3A_66] : memref<2048x128xf32, #tpu.memory_space<hbm>> -> memref<64x128xf32, #tpu.memory_space<hbm>>
      %dma_wait3A_68 = arith.constant 0 : i32
      %dma_wait3A_69 = tpu.memref_slice %arg4[%mul3A_61, %dma_wait3A_68] : memref<2048x128xf32, #tpu.memory_space<hbm>> -> memref<64x128xf32, #tpu.memory_space<hbm>>
      tpu.wait_dma2 semaphore(%run_scoped3A : memref<!tpu.dma_semaphore, #tpu.memory_space<semaphore_mem>>) src(%arg7 : memref<64x128xf32, #tpu.memory_space<vmem>>) dst(%dma_wait3A_69 : memref<64x128xf32, #tpu.memory_space<hbm>>)
      tpu.yield
    }) : () -> ()
    return
  }
}

#map = affine_map<(d0, d1) -> (0)>
#map1 = affine_map<(d0, d1) -> (0, 0)>
module attributes {stable_mosaic.version = 14 : i64} {
  func.func @gather_p(%arg0: i32, %arg1: i32, %arg2: memref<16384xi32, #tpu.memory_space<hbm>>, %arg3: memref<16384xf32, #tpu.memory_space<hbm>>, %arg4: memref<16xf32, #tpu.memory_space<hbm>>, %arg5: memref<782x128xf32, #tpu.memory_space<hbm>>, %arg6: memref<100000x16xf32, #tpu.memory_space<hbm>>, %arg7: memref<2048x128xf32, #tpu.memory_space<hbm>>, %arg8: memref<2048x128xf32, #tpu.memory_space<hbm>>, %arg9: memref<512xi32, #tpu.memory_space<vmem>>, %arg10: memref<512xi32, #tpu.memory_space<vmem>>, %arg11: memref<512xf32, #tpu.memory_space<vmem>>, %arg12: memref<16xf32, #tpu.memory_space<vmem>>, %arg13: memref<128x16xf32, #tpu.memory_space<vmem>>, %arg14: memref<128x128xf32, #tpu.memory_space<vmem>>, %arg15: memref<64x128xf32, #tpu.memory_space<vmem>>, %arg16: memref<64x128xf32, #tpu.memory_space<vmem>>, %arg17: memref<!tpu.dma_semaphore, #tpu.memory_space<semaphore_mem>>) attributes {dimension_semantics = [#tpu.dimension_semantics<core_parallel>, #tpu.dimension_semantics<subcore_parallel>], iteration_bounds = array<i64: 2, 16>, scalar_prefetch = 0 : i64, scratch_operands = 9 : i64, tpu.core_type = #tpu.core_type<sc_vector_subcore>, window_params = [{transform_indices = #map}, {transform_indices = #map}, {transform_indices = #map}, {transform_indices = #map1}, {transform_indices = #map1}, {transform_indices = #map1}, {transform_indices = #map1}]} {
    %mul3A = arith.constant 2 : i32
    %mul3A_0 = arith.muli %arg1, %mul3A : i32
    %add3A = arith.addi %mul3A_0, %arg0 : i32
    %mul3A_1 = arith.constant 512 : i32
    %mul3A_2 = arith.muli %add3A, %mul3A_1 : i32
    "tpu.region"() ({
      %run_scoped3A = tpu.sem_alloc : memref<!tpu.dma_semaphore, #tpu.memory_space<semaphore_mem>>
      %dma_start3A_325 = tpu.memref_slice %arg2[%mul3A_2] : memref<16384xi32, #tpu.memory_space<hbm>> -> memref<512xi32, #tpu.memory_space<hbm>>
      %dma_start3A_326 = tpu.memref_slice %arg2[%mul3A_2] : memref<16384xi32, #tpu.memory_space<hbm>> -> memref<512xi32, #tpu.memory_space<hbm>>
      tpu.enqueue_dma source(%dma_start3A_326 : memref<512xi32, #tpu.memory_space<hbm>>) target(%arg9 : memref<512xi32, #tpu.memory_space<vmem>>) target_semaphore(%run_scoped3A : memref<!tpu.dma_semaphore, #tpu.memory_space<semaphore_mem>>)
      %dma_wait3A_327 = tpu.memref_slice %arg2[%mul3A_2] : memref<16384xi32, #tpu.memory_space<hbm>> -> memref<512xi32, #tpu.memory_space<hbm>>
      %dma_wait3A_328 = tpu.memref_slice %arg2[%mul3A_2] : memref<16384xi32, #tpu.memory_space<hbm>> -> memref<512xi32, #tpu.memory_space<hbm>>
      tpu.wait_dma2 semaphore(%run_scoped3A : memref<!tpu.dma_semaphore, #tpu.memory_space<semaphore_mem>>) src(%dma_wait3A_328 : memref<512xi32, #tpu.memory_space<hbm>>) dst(%arg9 : memref<512xi32, #tpu.memory_space<vmem>>)
      tpu.yield
    }) : () -> ()
    "tpu.region"() ({
      %run_scoped3A = tpu.sem_alloc : memref<!tpu.dma_semaphore, #tpu.memory_space<semaphore_mem>>
      %dma_start3A_325 = tpu.memref_slice %arg3[%mul3A_2] : memref<16384xf32, #tpu.memory_space<hbm>> -> memref<512xf32, #tpu.memory_space<hbm>>
      %dma_start3A_326 = tpu.memref_slice %arg3[%mul3A_2] : memref<16384xf32, #tpu.memory_space<hbm>> -> memref<512xf32, #tpu.memory_space<hbm>>
      tpu.enqueue_dma source(%dma_start3A_326 : memref<512xf32, #tpu.memory_space<hbm>>) target(%arg11 : memref<512xf32, #tpu.memory_space<vmem>>) target_semaphore(%run_scoped3A : memref<!tpu.dma_semaphore, #tpu.memory_space<semaphore_mem>>)
      %dma_wait3A_327 = tpu.memref_slice %arg3[%mul3A_2] : memref<16384xf32, #tpu.memory_space<hbm>> -> memref<512xf32, #tpu.memory_space<hbm>>
      %dma_wait3A_328 = tpu.memref_slice %arg3[%mul3A_2] : memref<16384xf32, #tpu.memory_space<hbm>> -> memref<512xf32, #tpu.memory_space<hbm>>
      tpu.wait_dma2 semaphore(%run_scoped3A : memref<!tpu.dma_semaphore, #tpu.memory_space<semaphore_mem>>) src(%dma_wait3A_328 : memref<512xf32, #tpu.memory_space<hbm>>) dst(%arg11 : memref<512xf32, #tpu.memory_space<vmem>>)
      tpu.yield
    }) : () -> ()
    "tpu.region"() ({
      %run_scoped3A = tpu.sem_alloc : memref<!tpu.dma_semaphore, #tpu.memory_space<semaphore_mem>>
      tpu.enqueue_dma source(%arg4 : memref<16xf32, #tpu.memory_space<hbm>>) target(%arg12 : memref<16xf32, #tpu.memory_space<vmem>>) target_semaphore(%run_scoped3A : memref<!tpu.dma_semaphore, #tpu.memory_space<semaphore_mem>>)
      tpu.wait_dma2 semaphore(%run_scoped3A : memref<!tpu.dma_semaphore, #tpu.memory_space<semaphore_mem>>) src(%arg4 : memref<16xf32, #tpu.memory_space<hbm>>) dst(%arg12 : memref<16xf32, #tpu.memory_space<vmem>>)
      tpu.yield
    }) : () -> ()
    %get3A = arith.constant 0 : index
    %get3A_3 = tpu.vector_load %arg9[%get3A] {strides = array<i32>} : memref<512xi32, #tpu.memory_space<vmem>>, vector<16xi32>,
    %shift_right_arithmetic3A = arith.constant 7 : i32
    %shift_right_arithmetic3A_4 = vector.broadcast %shift_right_arithmetic3A : i32 to vector<16xi32>
    %shift_right_arithmetic3A_5 = arith.shrsi %get3A_3, %shift_right_arithmetic3A_4 : vector<16xi32>
    %swap3A = arith.constant 0 : index
    %swap3A_6 = tpu.vector_load %arg10[%swap3A] {strides = array<i32>} : memref<512xi32, #tpu.memory_space<vmem>>, vector<16xi32>,
    tpu.vector_store %arg10[%swap3A], %shift_right_arithmetic3A_5 {strides = array<i32>} : memref<512xi32, #tpu.memory_space<vmem>>, vector<16xi32>,
    %get3A_7 = arith.constant 16 : index
    %get3A_8 = tpu.vector_load %arg9[%get3A_7] {strides = array<i32>} : memref<512xi32, #tpu.memory_space<vmem>>, vector<16xi32>,
    %shift_right_arithmetic3A_9 = arith.constant 7 : i32
    %shift_right_arithmetic3A_10 = vector.broadcast %shift_right_arithmetic3A_9 : i32 to vector<16xi32>
    %shift_right_arithmetic3A_11 = arith.shrsi %get3A_8, %shift_right_arithmetic3A_10 : vector<16xi32>
    %swap3A_12 = arith.constant 16 : index
    %swap3A_13 = tpu.vector_load %arg10[%swap3A_12] {strides = array<i32>} : memref<512xi32, #tpu.memory_space<vmem>>, vector<16xi32>,
    tpu.vector_store %arg10[%swap3A_12], %shift_right_arithmetic3A_11 {strides = array<i32>} : memref<512xi32, #tpu.memory_space<vmem>>, vector<16xi32>,
    %get3A_14 = arith.constant 32 : index
    %get3A_15 = tpu.vector_load %arg9[%get3A_14] {strides = array<i32>} : memref<512xi32, #tpu.memory_space<vmem>>, vector<16xi32>,
    %shift_right_arithmetic3A_16 = arith.constant 7 : i32
    %shift_right_arithmetic3A_17 = vector.broadcast %shift_right_arithmetic3A_16 : i32 to vector<16xi32>
    %shift_right_arithmetic3A_18 = arith.shrsi %get3A_15, %shift_right_arithmetic3A_17 : vector<16xi32>
    %swap3A_19 = arith.constant 32 : index
    %swap3A_20 = tpu.vector_load %arg10[%swap3A_19] {strides = array<i32>} : memref<512xi32, #tpu.memory_space<vmem>>, vector<16xi32>,
    tpu.vector_store %arg10[%swap3A_19], %shift_right_arithmetic3A_18 {strides = array<i32>} : memref<512xi32, #tpu.memory_space<vmem>>, vector<16xi32>,
    %get3A_21 = arith.constant 48 : index
    %get3A_22 = tpu.vector_load %arg9[%get3A_21] {strides = array<i32>} : memref<512xi32, #tpu.memory_space<vmem>>, vector<16xi32>,
    %shift_right_arithmetic3A_23 = arith.constant 7 : i32
    %shift_right_arithmetic3A_24 = vector.broadcast %shift_right_arithmetic3A_23 : i32 to vector<16xi32>
    %shift_right_arithmetic3A_25 = arith.shrsi %get3A_22, %shift_right_arithmetic3A_24 : vector<16xi32>
    %swap3A_26 = arith.constant 48 : index
    %swap3A_27 = tpu.vector_load %arg10[%swap3A_26] {strides = array<i32>} : memref<512xi32, #tpu.memory_space<vmem>>, vector<16xi32>,
    tpu.vector_store %arg10[%swap3A_26], %shift_right_arithmetic3A_25 {strides = array<i32>} : memref<512xi32, #tpu.memory_space<vmem>>, vector<16xi32>,
    %get3A_28 = arith.constant 64 : index
    %get3A_29 = tpu.vector_load %arg9[%get3A_28] {strides = array<i32>} : memref<512xi32, #tpu.memory_space<vmem>>, vector<16xi32>,
    %shift_right_arithmetic3A_30 = arith.constant 7 : i32
    %shift_right_arithmetic3A_31 = vector.broadcast %shift_right_arithmetic3A_30 : i32 to vector<16xi32>
    %shift_right_arithmetic3A_32 = arith.shrsi %get3A_29, %shift_right_arithmetic3A_31 : vector<16xi32>
    %swap3A_33 = arith.constant 64 : index
    %swap3A_34 = tpu.vector_load %arg10[%swap3A_33] {strides = array<i32>} : memref<512xi32, #tpu.memory_space<vmem>>, vector<16xi32>,
    tpu.vector_store %arg10[%swap3A_33], %shift_right_arithmetic3A_32 {strides = array<i32>} : memref<512xi32, #tpu.memory_space<vmem>>, vector<16xi32>,
    %get3A_35 = arith.constant 80 : index
    %get3A_36 = tpu.vector_load %arg9[%get3A_35] {strides = array<i32>} : memref<512xi32, #tpu.memory_space<vmem>>, vector<16xi32>,
    %shift_right_arithmetic3A_37 = arith.constant 7 : i32
    %shift_right_arithmetic3A_38 = vector.broadcast %shift_right_arithmetic3A_37 : i32 to vector<16xi32>
    %shift_right_arithmetic3A_39 = arith.shrsi %get3A_36, %shift_right_arithmetic3A_38 : vector<16xi32>
    %swap3A_40 = arith.constant 80 : index
    %swap3A_41 = tpu.vector_load %arg10[%swap3A_40] {strides = array<i32>} : memref<512xi32, #tpu.memory_space<vmem>>, vector<16xi32>,
    tpu.vector_store %arg10[%swap3A_40], %shift_right_arithmetic3A_39 {strides = array<i32>} : memref<512xi32, #tpu.memory_space<vmem>>, vector<16xi32>,
    %get3A_42 = arith.constant 96 : index
    %get3A_43 = tpu.vector_load %arg9[%get3A_42] {strides = array<i32>} : memref<512xi32, #tpu.memory_space<vmem>>, vector<16xi32>,
    %shift_right_arithmetic3A_44 = arith.constant 7 : i32
    %shift_right_arithmetic3A_45 = vector.broadcast %shift_right_arithmetic3A_44 : i32 to vector<16xi32>
    %shift_right_arithmetic3A_46 = arith.shrsi %get3A_43, %shift_right_arithmetic3A_45 : vector<16xi32>
    %swap3A_47 = arith.constant 96 : index
    %swap3A_48 = tpu.vector_load %arg10[%swap3A_47] {strides = array<i32>} : memref<512xi32, #tpu.memory_space<vmem>>, vector<16xi32>,
    tpu.vector_store %arg10[%swap3A_47], %shift_right_arithmetic3A_46 {strides = array<i32>} : memref<512xi32, #tpu.memory_space<vmem>>, vector<16xi32>,
    %get3A_49 = arith.constant 112 : index
    %get3A_50 = tpu.vector_load %arg9[%get3A_49] {strides = array<i32>} : memref<512xi32, #tpu.memory_space<vmem>>, vector<16xi32>,
    %shift_right_arithmetic3A_51 = arith.constant 7 : i32
    %shift_right_arithmetic3A_52 = vector.broadcast %shift_right_arithmetic3A_51 : i32 to vector<16xi32>
    %shift_right_arithmetic3A_53 = arith.shrsi %get3A_50, %shift_right_arithmetic3A_52 : vector<16xi32>
    %swap3A_54 = arith.constant 112 : index
    %swap3A_55 = tpu.vector_load %arg10[%swap3A_54] {strides = array<i32>} : memref<512xi32, #tpu.memory_space<vmem>>, vector<16xi32>,
    tpu.vector_store %arg10[%swap3A_54], %shift_right_arithmetic3A_53 {strides = array<i32>} : memref<512xi32, #tpu.memory_space<vmem>>, vector<16xi32>,
    %get3A_56 = arith.constant 128 : index
    %get3A_57 = tpu.vector_load %arg9[%get3A_56] {strides = array<i32>} : memref<512xi32, #tpu.memory_space<vmem>>, vector<16xi32>,
    %shift_right_arithmetic3A_58 = arith.constant 7 : i32
    %shift_right_arithmetic3A_59 = vector.broadcast %shift_right_arithmetic3A_58 : i32 to vector<16xi32>
    %shift_right_arithmetic3A_60 = arith.shrsi %get3A_57, %shift_right_arithmetic3A_59 : vector<16xi32>
    %swap3A_61 = arith.constant 128 : index
    %swap3A_62 = tpu.vector_load %arg10[%swap3A_61] {strides = array<i32>} : memref<512xi32, #tpu.memory_space<vmem>>, vector<16xi32>,
    tpu.vector_store %arg10[%swap3A_61], %shift_right_arithmetic3A_60 {strides = array<i32>} : memref<512xi32, #tpu.memory_space<vmem>>, vector<16xi32>,
    %get3A_63 = arith.constant 144 : index
    %get3A_64 = tpu.vector_load %arg9[%get3A_63] {strides = array<i32>} : memref<512xi32, #tpu.memory_space<vmem>>, vector<16xi32>,
    %shift_right_arithmetic3A_65 = arith.constant 7 : i32
    %shift_right_arithmetic3A_66 = vector.broadcast %shift_right_arithmetic3A_65 : i32 to vector<16xi32>
    %shift_right_arithmetic3A_67 = arith.shrsi %get3A_64, %shift_right_arithmetic3A_66 : vector<16xi32>
    %swap3A_68 = arith.constant 144 : index
    %swap3A_69 = tpu.vector_load %arg10[%swap3A_68] {strides = array<i32>} : memref<512xi32, #tpu.memory_space<vmem>>, vector<16xi32>,
    tpu.vector_store %arg10[%swap3A_68], %shift_right_arithmetic3A_67 {strides = array<i32>} : memref<512xi32, #tpu.memory_space<vmem>>, vector<16xi32>,
    %get3A_70 = arith.constant 160 : index
    %get3A_71 = tpu.vector_load %arg9[%get3A_70] {strides = array<i32>} : memref<512xi32, #tpu.memory_space<vmem>>, vector<16xi32>,
    %shift_right_arithmetic3A_72 = arith.constant 7 : i32
    %shift_right_arithmetic3A_73 = vector.broadcast %shift_right_arithmetic3A_72 : i32 to vector<16xi32>
    %shift_right_arithmetic3A_74 = arith.shrsi %get3A_71, %shift_right_arithmetic3A_73 : vector<16xi32>
    %swap3A_75 = arith.constant 160 : index
    %swap3A_76 = tpu.vector_load %arg10[%swap3A_75] {strides = array<i32>} : memref<512xi32, #tpu.memory_space<vmem>>, vector<16xi32>,
    tpu.vector_store %arg10[%swap3A_75], %shift_right_arithmetic3A_74 {strides = array<i32>} : memref<512xi32, #tpu.memory_space<vmem>>, vector<16xi32>,
    %get3A_77 = arith.constant 176 : index
    %get3A_78 = tpu.vector_load %arg9[%get3A_77] {strides = array<i32>} : memref<512xi32, #tpu.memory_space<vmem>>, vector<16xi32>,
    %shift_right_arithmetic3A_79 = arith.constant 7 : i32
    %shift_right_arithmetic3A_80 = vector.broadcast %shift_right_arithmetic3A_79 : i32 to vector<16xi32>
    %shift_right_arithmetic3A_81 = arith.shrsi %get3A_78, %shift_right_arithmetic3A_80 : vector<16xi32>
    %swap3A_82 = arith.constant 176 : index
    %swap3A_83 = tpu.vector_load %arg10[%swap3A_82] {strides = array<i32>} : memref<512xi32, #tpu.memory_space<vmem>>, vector<16xi32>,
    tpu.vector_store %arg10[%swap3A_82], %shift_right_arithmetic3A_81 {strides = array<i32>} : memref<512xi32, #tpu.memory_space<vmem>>, vector<16xi32>,
    %get3A_84 = arith.constant 192 : index
    %get3A_85 = tpu.vector_load %arg9[%get3A_84] {strides = array<i32>} : memref<512xi32, #tpu.memory_space<vmem>>, vector<16xi32>,
    %shift_right_arithmetic3A_86 = arith.constant 7 : i32
    %shift_right_arithmetic3A_87 = vector.broadcast %shift_right_arithmetic3A_86 : i32 to vector<16xi32>
    %shift_right_arithmetic3A_88 = arith.shrsi %get3A_85, %shift_right_arithmetic3A_87 : vector<16xi32>
    %swap3A_89 = arith.constant 192 : index
    %swap3A_90 = tpu.vector_load %arg10[%swap3A_89] {strides = array<i32>} : memref<512xi32, #tpu.memory_space<vmem>>, vector<16xi32>,
    tpu.vector_store %arg10[%swap3A_89], %shift_right_arithmetic3A_88 {strides = array<i32>} : memref<512xi32, #tpu.memory_space<vmem>>, vector<16xi32>,
    %get3A_91 = arith.constant 208 : index
    %get3A_92 = tpu.vector_load %arg9[%get3A_91] {strides = array<i32>} : memref<512xi32, #tpu.memory_space<vmem>>, vector<16xi32>,
    %shift_right_arithmetic3A_93 = arith.constant 7 : i32
    %shift_right_arithmetic3A_94 = vector.broadcast %shift_right_arithmetic3A_93 : i32 to vector<16xi32>
    %shift_right_arithmetic3A_95 = arith.shrsi %get3A_92, %shift_right_arithmetic3A_94 : vector<16xi32>
    %swap3A_96 = arith.constant 208 : index
    %swap3A_97 = tpu.vector_load %arg10[%swap3A_96] {strides = array<i32>} : memref<512xi32, #tpu.memory_space<vmem>>, vector<16xi32>,
    tpu.vector_store %arg10[%swap3A_96], %shift_right_arithmetic3A_95 {strides = array<i32>} : memref<512xi32, #tpu.memory_space<vmem>>, vector<16xi32>,
    %get3A_98 = arith.constant 224 : index
    %get3A_99 = tpu.vector_load %arg9[%get3A_98] {strides = array<i32>} : memref<512xi32, #tpu.memory_space<vmem>>, vector<16xi32>,
    %shift_right_arithmetic3A_100 = arith.constant 7 : i32
    %shift_right_arithmetic3A_101 = vector.broadcast %shift_right_arithmetic3A_100 : i32 to vector<16xi32>
    %shift_right_arithmetic3A_102 = arith.shrsi %get3A_99, %shift_right_arithmetic3A_101 : vector<16xi32>
    %swap3A_103 = arith.constant 224 : index
    %swap3A_104 = tpu.vector_load %arg10[%swap3A_103] {strides = array<i32>} : memref<512xi32, #tpu.memory_space<vmem>>, vector<16xi32>,
    tpu.vector_store %arg10[%swap3A_103], %shift_right_arithmetic3A_102 {strides = array<i32>} : memref<512xi32, #tpu.memory_space<vmem>>, vector<16xi32>,
    %get3A_105 = arith.constant 240 : index
    %get3A_106 = tpu.vector_load %arg9[%get3A_105] {strides = array<i32>} : memref<512xi32, #tpu.memory_space<vmem>>, vector<16xi32>,
    %shift_right_arithmetic3A_107 = arith.constant 7 : i32
    %shift_right_arithmetic3A_108 = vector.broadcast %shift_right_arithmetic3A_107 : i32 to vector<16xi32>
    %shift_right_arithmetic3A_109 = arith.shrsi %get3A_106, %shift_right_arithmetic3A_108 : vector<16xi32>
    %swap3A_110 = arith.constant 240 : index
    %swap3A_111 = tpu.vector_load %arg10[%swap3A_110] {strides = array<i32>} : memref<512xi32, #tpu.memory_space<vmem>>, vector<16xi32>,
    tpu.vector_store %arg10[%swap3A_110], %shift_right_arithmetic3A_109 {strides = array<i32>} : memref<512xi32, #tpu.memory_space<vmem>>, vector<16xi32>,
    %get3A_112 = arith.constant 256 : index
    %get3A_113 = tpu.vector_load %arg9[%get3A_112] {strides = array<i32>} : memref<512xi32, #tpu.memory_space<vmem>>, vector<16xi32>,
    %shift_right_arithmetic3A_114 = arith.constant 7 : i32
    %shift_right_arithmetic3A_115 = vector.broadcast %shift_right_arithmetic3A_114 : i32 to vector<16xi32>
    %shift_right_arithmetic3A_116 = arith.shrsi %get3A_113, %shift_right_arithmetic3A_115 : vector<16xi32>
    %swap3A_117 = arith.constant 256 : index
    %swap3A_118 = tpu.vector_load %arg10[%swap3A_117] {strides = array<i32>} : memref<512xi32, #tpu.memory_space<vmem>>, vector<16xi32>,
    tpu.vector_store %arg10[%swap3A_117], %shift_right_arithmetic3A_116 {strides = array<i32>} : memref<512xi32, #tpu.memory_space<vmem>>, vector<16xi32>,
    %get3A_119 = arith.constant 272 : index
    %get3A_120 = tpu.vector_load %arg9[%get3A_119] {strides = array<i32>} : memref<512xi32, #tpu.memory_space<vmem>>, vector<16xi32>,
    %shift_right_arithmetic3A_121 = arith.constant 7 : i32
    %shift_right_arithmetic3A_122 = vector.broadcast %shift_right_arithmetic3A_121 : i32 to vector<16xi32>
    %shift_right_arithmetic3A_123 = arith.shrsi %get3A_120, %shift_right_arithmetic3A_122 : vector<16xi32>
    %swap3A_124 = arith.constant 272 : index
    %swap3A_125 = tpu.vector_load %arg10[%swap3A_124] {strides = array<i32>} : memref<512xi32, #tpu.memory_space<vmem>>, vector<16xi32>,
    tpu.vector_store %arg10[%swap3A_124], %shift_right_arithmetic3A_123 {strides = array<i32>} : memref<512xi32, #tpu.memory_space<vmem>>, vector<16xi32>,
    %get3A_126 = arith.constant 288 : index
    %get3A_127 = tpu.vector_load %arg9[%get3A_126] {strides = array<i32>} : memref<512xi32, #tpu.memory_space<vmem>>, vector<16xi32>,
    %shift_right_arithmetic3A_128 = arith.constant 7 : i32
    %shift_right_arithmetic3A_129 = vector.broadcast %shift_right_arithmetic3A_128 : i32 to vector<16xi32>
    %shift_right_arithmetic3A_130 = arith.shrsi %get3A_127, %shift_right_arithmetic3A_129 : vector<16xi32>
    %swap3A_131 = arith.constant 288 : index
    %swap3A_132 = tpu.vector_load %arg10[%swap3A_131] {strides = array<i32>} : memref<512xi32, #tpu.memory_space<vmem>>, vector<16xi32>,
    tpu.vector_store %arg10[%swap3A_131], %shift_right_arithmetic3A_130 {strides = array<i32>} : memref<512xi32, #tpu.memory_space<vmem>>, vector<16xi32>,
    %get3A_133 = arith.constant 304 : index
    %get3A_134 = tpu.vector_load %arg9[%get3A_133] {strides = array<i32>} : memref<512xi32, #tpu.memory_space<vmem>>, vector<16xi32>,
    %shift_right_arithmetic3A_135 = arith.constant 7 : i32
    %shift_right_arithmetic3A_136 = vector.broadcast %shift_right_arithmetic3A_135 : i32 to vector<16xi32>
    %shift_right_arithmetic3A_137 = arith.shrsi %get3A_134, %shift_right_arithmetic3A_136 : vector<16xi32>
    %swap3A_138 = arith.constant 304 : index
    %swap3A_139 = tpu.vector_load %arg10[%swap3A_138] {strides = array<i32>} : memref<512xi32, #tpu.memory_space<vmem>>, vector<16xi32>,
    tpu.vector_store %arg10[%swap3A_138], %shift_right_arithmetic3A_137 {strides = array<i32>} : memref<512xi32, #tpu.memory_space<vmem>>, vector<16xi32>,
    %get3A_140 = arith.constant 320 : index
    %get3A_141 = tpu.vector_load %arg9[%get3A_140] {strides = array<i32>} : memref<512xi32, #tpu.memory_space<vmem>>, vector<16xi32>,
    %shift_right_arithmetic3A_142 = arith.constant 7 : i32
    %shift_right_arithmetic3A_143 = vector.broadcast %shift_right_arithmetic3A_142 : i32 to vector<16xi32>
    %shift_right_arithmetic3A_144 = arith.shrsi %get3A_141, %shift_right_arithmetic3A_143 : vector<16xi32>
    %swap3A_145 = arith.constant 320 : index
    %swap3A_146 = tpu.vector_load %arg10[%swap3A_145] {strides = array<i32>} : memref<512xi32, #tpu.memory_space<vmem>>, vector<16xi32>,
    tpu.vector_store %arg10[%swap3A_145], %shift_right_arithmetic3A_144 {strides = array<i32>} : memref<512xi32, #tpu.memory_space<vmem>>, vector<16xi32>,
    %get3A_147 = arith.constant 336 : index
    %get3A_148 = tpu.vector_load %arg9[%get3A_147] {strides = array<i32>} : memref<512xi32, #tpu.memory_space<vmem>>, vector<16xi32>,
    %shift_right_arithmetic3A_149 = arith.constant 7 : i32
    %shift_right_arithmetic3A_150 = vector.broadcast %shift_right_arithmetic3A_149 : i32 to vector<16xi32>
    %shift_right_arithmetic3A_151 = arith.shrsi %get3A_148, %shift_right_arithmetic3A_150 : vector<16xi32>
    %swap3A_152 = arith.constant 336 : index
    %swap3A_153 = tpu.vector_load %arg10[%swap3A_152] {strides = array<i32>} : memref<512xi32, #tpu.memory_space<vmem>>, vector<16xi32>,
    tpu.vector_store %arg10[%swap3A_152], %shift_right_arithmetic3A_151 {strides = array<i32>} : memref<512xi32, #tpu.memory_space<vmem>>, vector<16xi32>,
    %get3A_154 = arith.constant 352 : index
    %get3A_155 = tpu.vector_load %arg9[%get3A_154] {strides = array<i32>} : memref<512xi32, #tpu.memory_space<vmem>>, vector<16xi32>,
    %shift_right_arithmetic3A_156 = arith.constant 7 : i32
    %shift_right_arithmetic3A_157 = vector.broadcast %shift_right_arithmetic3A_156 : i32 to vector<16xi32>
    %shift_right_arithmetic3A_158 = arith.shrsi %get3A_155, %shift_right_arithmetic3A_157 : vector<16xi32>
    %swap3A_159 = arith.constant 352 : index
    %swap3A_160 = tpu.vector_load %arg10[%swap3A_159] {strides = array<i32>} : memref<512xi32, #tpu.memory_space<vmem>>, vector<16xi32>,
    tpu.vector_store %arg10[%swap3A_159], %shift_right_arithmetic3A_158 {strides = array<i32>} : memref<512xi32, #tpu.memory_space<vmem>>, vector<16xi32>,
    %get3A_161 = arith.constant 368 : index
    %get3A_162 = tpu.vector_load %arg9[%get3A_161] {strides = array<i32>} : memref<512xi32, #tpu.memory_space<vmem>>, vector<16xi32>,
    %shift_right_arithmetic3A_163 = arith.constant 7 : i32
    %shift_right_arithmetic3A_164 = vector.broadcast %shift_right_arithmetic3A_163 : i32 to vector<16xi32>
    %shift_right_arithmetic3A_165 = arith.shrsi %get3A_162, %shift_right_arithmetic3A_164 : vector<16xi32>
    %swap3A_166 = arith.constant 368 : index
    %swap3A_167 = tpu.vector_load %arg10[%swap3A_166] {strides = array<i32>} : memref<512xi32, #tpu.memory_space<vmem>>, vector<16xi32>,
    tpu.vector_store %arg10[%swap3A_166], %shift_right_arithmetic3A_165 {strides = array<i32>} : memref<512xi32, #tpu.memory_space<vmem>>, vector<16xi32>,
    %get3A_168 = arith.constant 384 : index
    %get3A_169 = tpu.vector_load %arg9[%get3A_168] {strides = array<i32>} : memref<512xi32, #tpu.memory_space<vmem>>, vector<16xi32>,
    %shift_right_arithmetic3A_170 = arith.constant 7 : i32
    %shift_right_arithmetic3A_171 = vector.broadcast %shift_right_arithmetic3A_170 : i32 to vector<16xi32>
    %shift_right_arithmetic3A_172 = arith.shrsi %get3A_169, %shift_right_arithmetic3A_171 : vector<16xi32>
    %swap3A_173 = arith.constant 384 : index
    %swap3A_174 = tpu.vector_load %arg10[%swap3A_173] {strides = array<i32>} : memref<512xi32, #tpu.memory_space<vmem>>, vector<16xi32>,
    tpu.vector_store %arg10[%swap3A_173], %shift_right_arithmetic3A_172 {strides = array<i32>} : memref<512xi32, #tpu.memory_space<vmem>>, vector<16xi32>,
    %get3A_175 = arith.constant 400 : index
    %get3A_176 = tpu.vector_load %arg9[%get3A_175] {strides = array<i32>} : memref<512xi32, #tpu.memory_space<vmem>>, vector<16xi32>,
    %shift_right_arithmetic3A_177 = arith.constant 7 : i32
    %shift_right_arithmetic3A_178 = vector.broadcast %shift_right_arithmetic3A_177 : i32 to vector<16xi32>
    %shift_right_arithmetic3A_179 = arith.shrsi %get3A_176, %shift_right_arithmetic3A_178 : vector<16xi32>
    %swap3A_180 = arith.constant 400 : index
    %swap3A_181 = tpu.vector_load %arg10[%swap3A_180] {strides = array<i32>} : memref<512xi32, #tpu.memory_space<vmem>>, vector<16xi32>,
    tpu.vector_store %arg10[%swap3A_180], %shift_right_arithmetic3A_179 {strides = array<i32>} : memref<512xi32, #tpu.memory_space<vmem>>, vector<16xi32>,
    %get3A_182 = arith.constant 416 : index
    %get3A_183 = tpu.vector_load %arg9[%get3A_182] {strides = array<i32>} : memref<512xi32, #tpu.memory_space<vmem>>, vector<16xi32>,
    %shift_right_arithmetic3A_184 = arith.constant 7 : i32
    %shift_right_arithmetic3A_185 = vector.broadcast %shift_right_arithmetic3A_184 : i32 to vector<16xi32>
    %shift_right_arithmetic3A_186 = arith.shrsi %get3A_183, %shift_right_arithmetic3A_185 : vector<16xi32>
    %swap3A_187 = arith.constant 416 : index
    %swap3A_188 = tpu.vector_load %arg10[%swap3A_187] {strides = array<i32>} : memref<512xi32, #tpu.memory_space<vmem>>, vector<16xi32>,
    tpu.vector_store %arg10[%swap3A_187], %shift_right_arithmetic3A_186 {strides = array<i32>} : memref<512xi32, #tpu.memory_space<vmem>>, vector<16xi32>,
    %get3A_189 = arith.constant 432 : index
    %get3A_190 = tpu.vector_load %arg9[%get3A_189] {strides = array<i32>} : memref<512xi32, #tpu.memory_space<vmem>>, vector<16xi32>,
    %shift_right_arithmetic3A_191 = arith.constant 7 : i32
    %shift_right_arithmetic3A_192 = vector.broadcast %shift_right_arithmetic3A_191 : i32 to vector<16xi32>
    %shift_right_arithmetic3A_193 = arith.shrsi %get3A_190, %shift_right_arithmetic3A_192 : vector<16xi32>
    %swap3A_194 = arith.constant 432 : index
    %swap3A_195 = tpu.vector_load %arg10[%swap3A_194] {strides = array<i32>} : memref<512xi32, #tpu.memory_space<vmem>>, vector<16xi32>,
    tpu.vector_store %arg10[%swap3A_194], %shift_right_arithmetic3A_193 {strides = array<i32>} : memref<512xi32, #tpu.memory_space<vmem>>, vector<16xi32>,
    %get3A_196 = arith.constant 448 : index
    %get3A_197 = tpu.vector_load %arg9[%get3A_196] {strides = array<i32>} : memref<512xi32, #tpu.memory_space<vmem>>, vector<16xi32>,
    %shift_right_arithmetic3A_198 = arith.constant 7 : i32
    %shift_right_arithmetic3A_199 = vector.broadcast %shift_right_arithmetic3A_198 : i32 to vector<16xi32>
    %shift_right_arithmetic3A_200 = arith.shrsi %get3A_197, %shift_right_arithmetic3A_199 : vector<16xi32>
    %swap3A_201 = arith.constant 448 : index
    %swap3A_202 = tpu.vector_load %arg10[%swap3A_201] {strides = array<i32>} : memref<512xi32, #tpu.memory_space<vmem>>, vector<16xi32>,
    tpu.vector_store %arg10[%swap3A_201], %shift_right_arithmetic3A_200 {strides = array<i32>} : memref<512xi32, #tpu.memory_space<vmem>>, vector<16xi32>,
    %get3A_203 = arith.constant 464 : index
    %get3A_204 = tpu.vector_load %arg9[%get3A_203] {strides = array<i32>} : memref<512xi32, #tpu.memory_space<vmem>>, vector<16xi32>,
    %shift_right_arithmetic3A_205 = arith.constant 7 : i32
    %shift_right_arithmetic3A_206 = vector.broadcast %shift_right_arithmetic3A_205 : i32 to vector<16xi32>
    %shift_right_arithmetic3A_207 = arith.shrsi %get3A_204, %shift_right_arithmetic3A_206 : vector<16xi32>
    %swap3A_208 = arith.constant 464 : index
    %swap3A_209 = tpu.vector_load %arg10[%swap3A_208] {strides = array<i32>} : memref<512xi32, #tpu.memory_space<vmem>>, vector<16xi32>,
    tpu.vector_store %arg10[%swap3A_208], %shift_right_arithmetic3A_207 {strides = array<i32>} : memref<512xi32, #tpu.memory_space<vmem>>, vector<16xi32>,
    %get3A_210 = arith.constant 480 : index
    %get3A_211 = tpu.vector_load %arg9[%get3A_210] {strides = array<i32>} : memref<512xi32, #tpu.memory_space<vmem>>, vector<16xi32>,
    %shift_right_arithmetic3A_212 = arith.constant 7 : i32
    %shift_right_arithmetic3A_213 = vector.broadcast %shift_right_arithmetic3A_212 : i32 to vector<16xi32>
    %shift_right_arithmetic3A_214 = arith.shrsi %get3A_211, %shift_right_arithmetic3A_213 : vector<16xi32>
    %swap3A_215 = arith.constant 480 : index
    %swap3A_216 = tpu.vector_load %arg10[%swap3A_215] {strides = array<i32>} : memref<512xi32, #tpu.memory_space<vmem>>, vector<16xi32>,
    tpu.vector_store %arg10[%swap3A_215], %shift_right_arithmetic3A_214 {strides = array<i32>} : memref<512xi32, #tpu.memory_space<vmem>>, vector<16xi32>,
    %get3A_217 = arith.constant 496 : index
    %get3A_218 = tpu.vector_load %arg9[%get3A_217] {strides = array<i32>} : memref<512xi32, #tpu.memory_space<vmem>>, vector<16xi32>,
    %shift_right_arithmetic3A_219 = arith.constant 7 : i32
    %shift_right_arithmetic3A_220 = vector.broadcast %shift_right_arithmetic3A_219 : i32 to vector<16xi32>
    %shift_right_arithmetic3A_221 = arith.shrsi %get3A_218, %shift_right_arithmetic3A_220 : vector<16xi32>
    %swap3A_222 = arith.constant 496 : index
    %swap3A_223 = tpu.vector_load %arg10[%swap3A_222] {strides = array<i32>} : memref<512xi32, #tpu.memory_space<vmem>>, vector<16xi32>,
    tpu.vector_store %arg10[%swap3A_222], %shift_right_arithmetic3A_221 {strides = array<i32>} : memref<512xi32, #tpu.memory_space<vmem>>, vector<16xi32>,
    %get3A_224 = arith.constant 0 : index
    %get3A_225 = tpu.vector_load %arg12[%get3A_224] {strides = array<i32>} : memref<16xf32, #tpu.memory_space<vmem>>, vector<16xf32>,
    %iota3A = tpu.iota {dimensions = array<i32: 0>} : vector<16xi32>
    %dma_start3A = arith.constant 0 : i32
    %dma_start3A_226 = tpu.memref_slice %arg9[%dma_start3A] : memref<512xi32, #tpu.memory_space<vmem>> -> memref<128xi32, #tpu.memory_space<vmem>>
    %dma_start3A_227 = arith.constant 0 : i32
    %dma_start3A_228 = arith.constant 0 : i32
    %dma_start3A_229 = tpu.memref_slice %arg6[%dma_start3A_227, %dma_start3A_228] : memref<100000x16xf32, #tpu.memory_space<hbm>> -> memref<100000x16xf32, #tpu.memory_space<hbm>>
    tpu.enqueue_indirect_dma source(%dma_start3A_229 : memref<100000x16xf32, #tpu.memory_space<hbm>>) target(%arg13 : memref<128x16xf32, #tpu.memory_space<vmem>>) offsets(%dma_start3A_226 : memref<128xi32, #tpu.memory_space<vmem>>) semaphore(%arg17 : memref<!tpu.dma_semaphore, #tpu.memory_space<semaphore_mem>>)
    %dma_start3A_230 = arith.constant 0 : i32
    %dma_start3A_231 = tpu.memref_slice %arg10[%dma_start3A_230] : memref<512xi32, #tpu.memory_space<vmem>> -> memref<128xi32, #tpu.memory_space<vmem>>
    %dma_start3A_232 = arith.constant 0 : i32
    %dma_start3A_233 = arith.constant 0 : i32
    %dma_start3A_234 = tpu.memref_slice %arg5[%dma_start3A_232, %dma_start3A_233] : memref<782x128xf32, #tpu.memory_space<hbm>> -> memref<782x128xf32, #tpu.memory_space<hbm>>
    tpu.enqueue_indirect_dma source(%dma_start3A_234 : memref<782x128xf32, #tpu.memory_space<hbm>>) target(%arg14 : memref<128x128xf32, #tpu.memory_space<vmem>>) offsets(%dma_start3A_231 : memref<128xi32, #tpu.memory_space<vmem>>) semaphore(%arg17 : memref<!tpu.dma_semaphore, #tpu.memory_space<semaphore_mem>>)
    %dma_wait3A = arith.constant 0 : i32
    %dma_wait3A_235 = tpu.memref_slice %arg9[%dma_wait3A] : memref<512xi32, #tpu.memory_space<vmem>> -> memref<128xi32, #tpu.memory_space<vmem>>
    %dma_wait3A_236 = arith.constant 0 : i32
    %dma_wait3A_237 = arith.constant 0 : i32
    %dma_wait3A_238 = tpu.memref_slice %arg6[%dma_wait3A_236, %dma_wait3A_237] : memref<100000x16xf32, #tpu.memory_space<hbm>> -> memref<100000x16xf32, #tpu.memory_space<hbm>>
    tpu.wait_indirect_dma semaphore(%arg17 : memref<!tpu.dma_semaphore, #tpu.memory_space<semaphore_mem>>) src(%dma_wait3A_238 : memref<100000x16xf32, #tpu.memory_space<hbm>>) dst(%arg13 : memref<128x16xf32, #tpu.memory_space<vmem>>)
    %dma_wait3A_239 = arith.constant 0 : i32
    %dma_wait3A_240 = tpu.memref_slice %arg10[%dma_wait3A_239] : memref<512xi32, #tpu.memory_space<vmem>> -> memref<128xi32, #tpu.memory_space<vmem>>
    %dma_wait3A_241 = arith.constant 0 : i32
    %dma_wait3A_242 = arith.constant 0 : i32
    %dma_wait3A_243 = tpu.memref_slice %arg5[%dma_wait3A_241, %dma_wait3A_242] : memref<782x128xf32, #tpu.memory_space<hbm>> -> memref<782x128xf32, #tpu.memory_space<hbm>>
    tpu.wait_indirect_dma semaphore(%arg17 : memref<!tpu.dma_semaphore, #tpu.memory_space<semaphore_mem>>) src(%dma_wait3A_243 : memref<782x128xf32, #tpu.memory_space<hbm>>) dst(%arg14 : memref<128x128xf32, #tpu.memory_space<vmem>>)
    %scan3A = arith.constant 0 : i32
    %scan3A_244 = arith.constant 8 : i32
    %scan3A_245 = arith.addi %scan3A, %scan3A_244 : i32
    %scan3A_246 = arith.constant 1 : i32
    scf.for %scan3A_325 = %scan3A to %scan3A_245 step %scan3A_246  : i32 {
      %mul3A_326 = arith.constant 16 : i32
      %mul3A_327 = arith.muli %scan3A_325, %mul3A_326 : i32
      %add3A_328 = arith.constant 0 : i32
      %add3A_329 = arith.addi %mul3A_327, %add3A_328 : i32
      %add3A_330 = arith.constant 0 : i32
      %add3A_331 = arith.addi %add3A_330, %add3A_329 : i32
      %broadcast_in_dim3A = vector.broadcast %add3A_331 : i32 to vector<16xi32>
      %broadcast_in_dim3A_332 = vector.broadcast %add3A_329 : i32 to vector<16xi32>
      %gather3A = tpu.vector_load_idx %arg9[%broadcast_in_dim3A] : memref<512xi32, #tpu.memory_space<vmem>>[vector<16xi32>], vector<16xi32>,
      %gather3A_333 = tpu.vector_load_idx %arg11[%broadcast_in_dim3A] : memref<512xf32, #tpu.memory_space<vmem>>[vector<16xi32>], vector<16xf32>,
      %gather3A_334 = tpu.vector_load_idx %arg13[%broadcast_in_dim3A_332, %iota3A] : memref<128x16xf32, #tpu.memory_space<vmem>>[vector<16xi32>, vector<16xi32>], vector<16xf32>,
      %and3A = arith.constant 127 : i32
      %and3A_335 = vector.broadcast %and3A : i32 to vector<16xi32>
      %and3A_336 = arith.andi %gather3A, %and3A_335 : vector<16xi32>
      %gather3A_337 = tpu.vector_load_idx %arg14[%broadcast_in_dim3A_332, %and3A_336] : memref<128x128xf32, #tpu.memory_space<vmem>>[vector<16xi32>, vector<16xi32>], vector<16xf32>,
      %shift_right_arithmetic3A_338 = arith.constant 3 : i32
      %shift_right_arithmetic3A_339 = arith.shrsi %add3A_331, %shift_right_arithmetic3A_338 : i32
      %and3A_340 = arith.constant 7 : i32
      %and3A_341 = arith.andi %add3A_331, %and3A_340 : i32
      %mul3A_342 = arith.constant 16 : i32
      %mul3A_343 = arith.muli %and3A_341, %mul3A_342 : i32
      %mul3A_344 = arith.mulf %gather3A_333, %get3A_225 : vector<16xf32>
      %add3A_345 = arith.addf %mul3A_344, %gather3A_334 : vector<16xf32>
      %swap3A_346 = arith.index_cast %shift_right_arithmetic3A_339 : i32 to index
      %swap3A_347 = arith.index_cast %mul3A_343 : i32 to index
      %swap3A_348 = tpu.vector_load %arg15[%swap3A_346, %swap3A_347] {strides = array<i32>} : memref<64x128xf32, #tpu.memory_space<vmem>>, vector<16xf32>,
      tpu.vector_store %arg15[%swap3A_346, %swap3A_347], %add3A_345 {strides = array<i32>} : memref<64x128xf32, #tpu.memory_space<vmem>>, vector<16xf32>,
      %mul3A_349 = arith.mulf %gather3A_337, %gather3A_333 : vector<16xf32>
      %swap3A_350 = arith.index_cast %shift_right_arithmetic3A_339 : i32 to index
      %swap3A_351 = arith.index_cast %mul3A_343 : i32 to index
      %swap3A_352 = tpu.vector_load %arg16[%swap3A_350, %swap3A_351] {strides = array<i32>} : memref<64x128xf32, #tpu.memory_space<vmem>>, vector<16xf32>,
      tpu.vector_store %arg16[%swap3A_350, %swap3A_351], %mul3A_349 {strides = array<i32>} : memref<64x128xf32, #tpu.memory_space<vmem>>, vector<16xf32>,
      %mul3A_353 = arith.constant 16 : i32
      %mul3A_354 = arith.muli %scan3A_325, %mul3A_353 : i32
      %add3A_355 = arith.constant 1 : i32
      %add3A_356 = arith.addi %mul3A_354, %add3A_355 : i32
      %add3A_357 = arith.constant 0 : i32
      %add3A_358 = arith.addi %add3A_357, %add3A_356 : i32
      %broadcast_in_dim3A_359 = vector.broadcast %add3A_358 : i32 to vector<16xi32>
      %broadcast_in_dim3A_360 = vector.broadcast %add3A_356 : i32 to vector<16xi32>
      %gather3A_361 = tpu.vector_load_idx %arg9[%broadcast_in_dim3A_359] : memref<512xi32, #tpu.memory_space<vmem>>[vector<16xi32>], vector<16xi32>,
      %gather3A_362 = tpu.vector_load_idx %arg11[%broadcast_in_dim3A_359] : memref<512xf32, #tpu.memory_space<vmem>>[vector<16xi32>], vector<16xf32>,
      %gather3A_363 = tpu.vector_load_idx %arg13[%broadcast_in_dim3A_360, %iota3A] : memref<128x16xf32, #tpu.memory_space<vmem>>[vector<16xi32>, vector<16xi32>], vector<16xf32>,
      %and3A_364 = arith.constant 127 : i32
      %and3A_365 = vector.broadcast %and3A_364 : i32 to vector<16xi32>
      %and3A_366 = arith.andi %gather3A_361, %and3A_365 : vector<16xi32>
      %gather3A_367 = tpu.vector_load_idx %arg14[%broadcast_in_dim3A_360, %and3A_366] : memref<128x128xf32, #tpu.memory_space<vmem>>[vector<16xi32>, vector<16xi32>], vector<16xf32>,
      %shift_right_arithmetic3A_368 = arith.constant 3 : i32
      %shift_right_arithmetic3A_369 = arith.shrsi %add3A_358, %shift_right_arithmetic3A_368 : i32
      %and3A_370 = arith.constant 7 : i32
      %and3A_371 = arith.andi %add3A_358, %and3A_370 : i32
      %mul3A_372 = arith.constant 16 : i32
      %mul3A_373 = arith.muli %and3A_371, %mul3A_372 : i32
      %mul3A_374 = arith.mulf %gather3A_362, %get3A_225 : vector<16xf32>
      %add3A_375 = arith.addf %mul3A_374, %gather3A_363 : vector<16xf32>
      %swap3A_376 = arith.index_cast %shift_right_arithmetic3A_369 : i32 to index
      %swap3A_377 = arith.index_cast %mul3A_373 : i32 to index
      %swap3A_378 = tpu.vector_load %arg15[%swap3A_376, %swap3A_377] {strides = array<i32>} : memref<64x128xf32, #tpu.memory_space<vmem>>, vector<16xf32>,
      tpu.vector_store %arg15[%swap3A_376, %swap3A_377], %add3A_375 {strides = array<i32>} : memref<64x128xf32, #tpu.memory_space<vmem>>, vector<16xf32>,
      %mul3A_379 = arith.mulf %gather3A_367, %gather3A_362 : vector<16xf32>
      %swap3A_380 = arith.index_cast %shift_right_arithmetic3A_369 : i32 to index
      %swap3A_381 = arith.index_cast %mul3A_373 : i32 to index
      %swap3A_382 = tpu.vector_load %arg16[%swap3A_380, %swap3A_381] {strides = array<i32>} : memref<64x128xf32, #tpu.memory_space<vmem>>, vector<16xf32>,
      tpu.vector_store %arg16[%swap3A_380, %swap3A_381], %mul3A_379 {strides = array<i32>} : memref<64x128xf32, #tpu.memory_space<vmem>>, vector<16xf32>,
      %mul3A_383 = arith.constant 16 : i32
      %mul3A_384 = arith.muli %scan3A_325, %mul3A_383 : i32
      %add3A_385 = arith.constant 2 : i32
      %add3A_386 = arith.addi %mul3A_384, %add3A_385 : i32
      %add3A_387 = arith.constant 0 : i32
      %add3A_388 = arith.addi %add3A_387, %add3A_386 : i32
      %broadcast_in_dim3A_389 = vector.broadcast %add3A_388 : i32 to vector<16xi32>
      %broadcast_in_dim3A_390 = vector.broadcast %add3A_386 : i32 to vector<16xi32>
      %gather3A_391 = tpu.vector_load_idx %arg9[%broadcast_in_dim3A_389] : memref<512xi32, #tpu.memory_space<vmem>>[vector<16xi32>], vector<16xi32>,
      %gather3A_392 = tpu.vector_load_idx %arg11[%broadcast_in_dim3A_389] : memref<512xf32, #tpu.memory_space<vmem>>[vector<16xi32>], vector<16xf32>,
      %gather3A_393 = tpu.vector_load_idx %arg13[%broadcast_in_dim3A_390, %iota3A] : memref<128x16xf32, #tpu.memory_space<vmem>>[vector<16xi32>, vector<16xi32>], vector<16xf32>,
      %and3A_394 = arith.constant 127 : i32
      %and3A_395 = vector.broadcast %and3A_394 : i32 to vector<16xi32>
      %and3A_396 = arith.andi %gather3A_391, %and3A_395 : vector<16xi32>
      %gather3A_397 = tpu.vector_load_idx %arg14[%broadcast_in_dim3A_390, %and3A_396] : memref<128x128xf32, #tpu.memory_space<vmem>>[vector<16xi32>, vector<16xi32>], vector<16xf32>,
      %shift_right_arithmetic3A_398 = arith.constant 3 : i32
      %shift_right_arithmetic3A_399 = arith.shrsi %add3A_388, %shift_right_arithmetic3A_398 : i32
      %and3A_400 = arith.constant 7 : i32
      %and3A_401 = arith.andi %add3A_388, %and3A_400 : i32
      %mul3A_402 = arith.constant 16 : i32
      %mul3A_403 = arith.muli %and3A_401, %mul3A_402 : i32
      %mul3A_404 = arith.mulf %gather3A_392, %get3A_225 : vector<16xf32>
      %add3A_405 = arith.addf %mul3A_404, %gather3A_393 : vector<16xf32>
      %swap3A_406 = arith.index_cast %shift_right_arithmetic3A_399 : i32 to index
      %swap3A_407 = arith.index_cast %mul3A_403 : i32 to index
      %swap3A_408 = tpu.vector_load %arg15[%swap3A_406, %swap3A_407] {strides = array<i32>} : memref<64x128xf32, #tpu.memory_space<vmem>>, vector<16xf32>,
      tpu.vector_store %arg15[%swap3A_406, %swap3A_407], %add3A_405 {strides = array<i32>} : memref<64x128xf32, #tpu.memory_space<vmem>>, vector<16xf32>,
      %mul3A_409 = arith.mulf %gather3A_397, %gather3A_392 : vector<16xf32>
      %swap3A_410 = arith.index_cast %shift_right_arithmetic3A_399 : i32 to index
      %swap3A_411 = arith.index_cast %mul3A_403 : i32 to index
      %swap3A_412 = tpu.vector_load %arg16[%swap3A_410, %swap3A_411] {strides = array<i32>} : memref<64x128xf32, #tpu.memory_space<vmem>>, vector<16xf32>,
      tpu.vector_store %arg16[%swap3A_410, %swap3A_411], %mul3A_409 {strides = array<i32>} : memref<64x128xf32, #tpu.memory_space<vmem>>, vector<16xf32>,
      %mul3A_413 = arith.constant 16 : i32
      %mul3A_414 = arith.muli %scan3A_325, %mul3A_413 : i32
      %add3A_415 = arith.constant 3 : i32
      %add3A_416 = arith.addi %mul3A_414, %add3A_415 : i32
      %add3A_417 = arith.constant 0 : i32
      %add3A_418 = arith.addi %add3A_417, %add3A_416 : i32
      %broadcast_in_dim3A_419 = vector.broadcast %add3A_418 : i32 to vector<16xi32>
      %broadcast_in_dim3A_420 = vector.broadcast %add3A_416 : i32 to vector<16xi32>
      %gather3A_421 = tpu.vector_load_idx %arg9[%broadcast_in_dim3A_419] : memref<512xi32, #tpu.memory_space<vmem>>[vector<16xi32>], vector<16xi32>,
      %gather3A_422 = tpu.vector_load_idx %arg11[%broadcast_in_dim3A_419] : memref<512xf32, #tpu.memory_space<vmem>>[vector<16xi32>], vector<16xf32>,
      %gather3A_423 = tpu.vector_load_idx %arg13[%broadcast_in_dim3A_420, %iota3A] : memref<128x16xf32, #tpu.memory_space<vmem>>[vector<16xi32>, vector<16xi32>], vector<16xf32>,
      %and3A_424 = arith.constant 127 : i32
      %and3A_425 = vector.broadcast %and3A_424 : i32 to vector<16xi32>
      %and3A_426 = arith.andi %gather3A_421, %and3A_425 : vector<16xi32>
      %gather3A_427 = tpu.vector_load_idx %arg14[%broadcast_in_dim3A_420, %and3A_426] : memref<128x128xf32, #tpu.memory_space<vmem>>[vector<16xi32>, vector<16xi32>], vector<16xf32>,
      %shift_right_arithmetic3A_428 = arith.constant 3 : i32
      %shift_right_arithmetic3A_429 = arith.shrsi %add3A_418, %shift_right_arithmetic3A_428 : i32
      %and3A_430 = arith.constant 7 : i32
      %and3A_431 = arith.andi %add3A_418, %and3A_430 : i32
      %mul3A_432 = arith.constant 16 : i32
      %mul3A_433 = arith.muli %and3A_431, %mul3A_432 : i32
      %mul3A_434 = arith.mulf %gather3A_422, %get3A_225 : vector<16xf32>
      %add3A_435 = arith.addf %mul3A_434, %gather3A_423 : vector<16xf32>
      %swap3A_436 = arith.index_cast %shift_right_arithmetic3A_429 : i32 to index
      %swap3A_437 = arith.index_cast %mul3A_433 : i32 to index
      %swap3A_438 = tpu.vector_load %arg15[%swap3A_436, %swap3A_437] {strides = array<i32>} : memref<64x128xf32, #tpu.memory_space<vmem>>, vector<16xf32>,
      tpu.vector_store %arg15[%swap3A_436, %swap3A_437], %add3A_435 {strides = array<i32>} : memref<64x128xf32, #tpu.memory_space<vmem>>, vector<16xf32>,
      %mul3A_439 = arith.mulf %gather3A_427, %gather3A_422 : vector<16xf32>
      %swap3A_440 = arith.index_cast %shift_right_arithmetic3A_429 : i32 to index
      %swap3A_441 = arith.index_cast %mul3A_433 : i32 to index
      %swap3A_442 = tpu.vector_load %arg16[%swap3A_440, %swap3A_441] {strides = array<i32>} : memref<64x128xf32, #tpu.memory_space<vmem>>, vector<16xf32>,
      tpu.vector_store %arg16[%swap3A_440, %swap3A_441], %mul3A_439 {strides = array<i32>} : memref<64x128xf32, #tpu.memory_space<vmem>>, vector<16xf32>,
      %mul3A_443 = arith.constant 16 : i32
      %mul3A_444 = arith.muli %scan3A_325, %mul3A_443 : i32
      %add3A_445 = arith.constant 4 : i32
      %add3A_446 = arith.addi %mul3A_444, %add3A_445 : i32
      %add3A_447 = arith.constant 0 : i32
      %add3A_448 = arith.addi %add3A_447, %add3A_446 : i32
      %broadcast_in_dim3A_449 = vector.broadcast %add3A_448 : i32 to vector<16xi32>
      %broadcast_in_dim3A_450 = vector.broadcast %add3A_446 : i32 to vector<16xi32>
      %gather3A_451 = tpu.vector_load_idx %arg9[%broadcast_in_dim3A_449] : memref<512xi32, #tpu.memory_space<vmem>>[vector<16xi32>], vector<16xi32>,
      %gather3A_452 = tpu.vector_load_idx %arg11[%broadcast_in_dim3A_449] : memref<512xf32, #tpu.memory_space<vmem>>[vector<16xi32>], vector<16xf32>,
      %gather3A_453 = tpu.vector_load_idx %arg13[%broadcast_in_dim3A_450, %iota3A] : memref<128x16xf32, #tpu.memory_space<vmem>>[vector<16xi32>, vector<16xi32>], vector<16xf32>,
      %and3A_454 = arith.constant 127 : i32
      %and3A_455 = vector.broadcast %and3A_454 : i32 to vector<16xi32>
      %and3A_456 = arith.andi %gather3A_451, %and3A_455 : vector<16xi32>
      %gather3A_457 = tpu.vector_load_idx %arg14[%broadcast_in_dim3A_450, %and3A_456] : memref<128x128xf32, #tpu.memory_space<vmem>>[vector<16xi32>, vector<16xi32>], vector<16xf32>,
      %shift_right_arithmetic3A_458 = arith.constant 3 : i32
      %shift_right_arithmetic3A_459 = arith.shrsi %add3A_448, %shift_right_arithmetic3A_458 : i32
      %and3A_460 = arith.constant 7 : i32
      %and3A_461 = arith.andi %add3A_448, %and3A_460 : i32
      %mul3A_462 = arith.constant 16 : i32
      %mul3A_463 = arith.muli %and3A_461, %mul3A_462 : i32
      %mul3A_464 = arith.mulf %gather3A_452, %get3A_225 : vector<16xf32>
      %add3A_465 = arith.addf %mul3A_464, %gather3A_453 : vector<16xf32>
      %swap3A_466 = arith.index_cast %shift_right_arithmetic3A_459 : i32 to index
      %swap3A_467 = arith.index_cast %mul3A_463 : i32 to index
      %swap3A_468 = tpu.vector_load %arg15[%swap3A_466, %swap3A_467] {strides = array<i32>} : memref<64x128xf32, #tpu.memory_space<vmem>>, vector<16xf32>,
      tpu.vector_store %arg15[%swap3A_466, %swap3A_467], %add3A_465 {strides = array<i32>} : memref<64x128xf32, #tpu.memory_space<vmem>>, vector<16xf32>,
      %mul3A_469 = arith.mulf %gather3A_457, %gather3A_452 : vector<16xf32>
      %swap3A_470 = arith.index_cast %shift_right_arithmetic3A_459 : i32 to index
      %swap3A_471 = arith.index_cast %mul3A_463 : i32 to index
      %swap3A_472 = tpu.vector_load %arg16[%swap3A_470, %swap3A_471] {strides = array<i32>} : memref<64x128xf32, #tpu.memory_space<vmem>>, vector<16xf32>,
      tpu.vector_store %arg16[%swap3A_470, %swap3A_471], %mul3A_469 {strides = array<i32>} : memref<64x128xf32, #tpu.memory_space<vmem>>, vector<16xf32>,
      %mul3A_473 = arith.constant 16 : i32
      %mul3A_474 = arith.muli %scan3A_325, %mul3A_473 : i32
      %add3A_475 = arith.constant 5 : i32
      %add3A_476 = arith.addi %mul3A_474, %add3A_475 : i32
      %add3A_477 = arith.constant 0 : i32
      %add3A_478 = arith.addi %add3A_477, %add3A_476 : i32
      %broadcast_in_dim3A_479 = vector.broadcast %add3A_478 : i32 to vector<16xi32>
      %broadcast_in_dim3A_480 = vector.broadcast %add3A_476 : i32 to vector<16xi32>
      %gather3A_481 = tpu.vector_load_idx %arg9[%broadcast_in_dim3A_479] : memref<512xi32, #tpu.memory_space<vmem>>[vector<16xi32>], vector<16xi32>,
      %gather3A_482 = tpu.vector_load_idx %arg11[%broadcast_in_dim3A_479] : memref<512xf32, #tpu.memory_space<vmem>>[vector<16xi32>], vector<16xf32>,
      %gather3A_483 = tpu.vector_load_idx %arg13[%broadcast_in_dim3A_480, %iota3A] : memref<128x16xf32, #tpu.memory_space<vmem>>[vector<16xi32>, vector<16xi32>], vector<16xf32>,
      %and3A_484 = arith.constant 127 : i32
      %and3A_485 = vector.broadcast %and3A_484 : i32 to vector<16xi32>
      %and3A_486 = arith.andi %gather3A_481, %and3A_485 : vector<16xi32>
      %gather3A_487 = tpu.vector_load_idx %arg14[%broadcast_in_dim3A_480, %and3A_486] : memref<128x128xf32, #tpu.memory_space<vmem>>[vector<16xi32>, vector<16xi32>], vector<16xf32>,
      %shift_right_arithmetic3A_488 = arith.constant 3 : i32
      %shift_right_arithmetic3A_489 = arith.shrsi %add3A_478, %shift_right_arithmetic3A_488 : i32
      %and3A_490 = arith.constant 7 : i32
      %and3A_491 = arith.andi %add3A_478, %and3A_490 : i32
      %mul3A_492 = arith.constant 16 : i32
      %mul3A_493 = arith.muli %and3A_491, %mul3A_492 : i32
      %mul3A_494 = arith.mulf %gather3A_482, %get3A_225 : vector<16xf32>
      %add3A_495 = arith.addf %mul3A_494, %gather3A_483 : vector<16xf32>
      %swap3A_496 = arith.index_cast %shift_right_arithmetic3A_489 : i32 to index
      %swap3A_497 = arith.index_cast %mul3A_493 : i32 to index
      %swap3A_498 = tpu.vector_load %arg15[%swap3A_496, %swap3A_497] {strides = array<i32>} : memref<64x128xf32, #tpu.memory_space<vmem>>, vector<16xf32>,
      tpu.vector_store %arg15[%swap3A_496, %swap3A_497], %add3A_495 {strides = array<i32>} : memref<64x128xf32, #tpu.memory_space<vmem>>, vector<16xf32>,
      %mul3A_499 = arith.mulf %gather3A_487, %gather3A_482 : vector<16xf32>
      %swap3A_500 = arith.index_cast %shift_right_arithmetic3A_489 : i32 to index
      %swap3A_501 = arith.index_cast %mul3A_493 : i32 to index
      %swap3A_502 = tpu.vector_load %arg16[%swap3A_500, %swap3A_501] {strides = array<i32>} : memref<64x128xf32, #tpu.memory_space<vmem>>, vector<16xf32>,
      tpu.vector_store %arg16[%swap3A_500, %swap3A_501], %mul3A_499 {strides = array<i32>} : memref<64x128xf32, #tpu.memory_space<vmem>>, vector<16xf32>,
      %mul3A_503 = arith.constant 16 : i32
      %mul3A_504 = arith.muli %scan3A_325, %mul3A_503 : i32
      %add3A_505 = arith.constant 6 : i32
      %add3A_506 = arith.addi %mul3A_504, %add3A_505 : i32
      %add3A_507 = arith.constant 0 : i32
      %add3A_508 = arith.addi %add3A_507, %add3A_506 : i32
      %broadcast_in_dim3A_509 = vector.broadcast %add3A_508 : i32 to vector<16xi32>
      %broadcast_in_dim3A_510 = vector.broadcast %add3A_506 : i32 to vector<16xi32>
      %gather3A_511 = tpu.vector_load_idx %arg9[%broadcast_in_dim3A_509] : memref<512xi32, #tpu.memory_space<vmem>>[vector<16xi32>], vector<16xi32>,
      %gather3A_512 = tpu.vector_load_idx %arg11[%broadcast_in_dim3A_509] : memref<512xf32, #tpu.memory_space<vmem>>[vector<16xi32>], vector<16xf32>,
      %gather3A_513 = tpu.vector_load_idx %arg13[%broadcast_in_dim3A_510, %iota3A] : memref<128x16xf32, #tpu.memory_space<vmem>>[vector<16xi32>, vector<16xi32>], vector<16xf32>,
      %and3A_514 = arith.constant 127 : i32
      %and3A_515 = vector.broadcast %and3A_514 : i32 to vector<16xi32>
      %and3A_516 = arith.andi %gather3A_511, %and3A_515 : vector<16xi32>
      %gather3A_517 = tpu.vector_load_idx %arg14[%broadcast_in_dim3A_510, %and3A_516] : memref<128x128xf32, #tpu.memory_space<vmem>>[vector<16xi32>, vector<16xi32>], vector<16xf32>,
      %shift_right_arithmetic3A_518 = arith.constant 3 : i32
      %shift_right_arithmetic3A_519 = arith.shrsi %add3A_508, %shift_right_arithmetic3A_518 : i32
      %and3A_520 = arith.constant 7 : i32
      %and3A_521 = arith.andi %add3A_508, %and3A_520 : i32
      %mul3A_522 = arith.constant 16 : i32
      %mul3A_523 = arith.muli %and3A_521, %mul3A_522 : i32
      %mul3A_524 = arith.mulf %gather3A_512, %get3A_225 : vector<16xf32>
      %add3A_525 = arith.addf %mul3A_524, %gather3A_513 : vector<16xf32>
      %swap3A_526 = arith.index_cast %shift_right_arithmetic3A_519 : i32 to index
      %swap3A_527 = arith.index_cast %mul3A_523 : i32 to index
      %swap3A_528 = tpu.vector_load %arg15[%swap3A_526, %swap3A_527] {strides = array<i32>} : memref<64x128xf32, #tpu.memory_space<vmem>>, vector<16xf32>,
      tpu.vector_store %arg15[%swap3A_526, %swap3A_527], %add3A_525 {strides = array<i32>} : memref<64x128xf32, #tpu.memory_space<vmem>>, vector<16xf32>,
      %mul3A_529 = arith.mulf %gather3A_517, %gather3A_512 : vector<16xf32>
      %swap3A_530 = arith.index_cast %shift_right_arithmetic3A_519 : i32 to index
      %swap3A_531 = arith.index_cast %mul3A_523 : i32 to index
      %swap3A_532 = tpu.vector_load %arg16[%swap3A_530, %swap3A_531] {strides = array<i32>} : memref<64x128xf32, #tpu.memory_space<vmem>>, vector<16xf32>,
      tpu.vector_store %arg16[%swap3A_530, %swap3A_531], %mul3A_529 {strides = array<i32>} : memref<64x128xf32, #tpu.memory_space<vmem>>, vector<16xf32>,
      %mul3A_533 = arith.constant 16 : i32
      %mul3A_534 = arith.muli %scan3A_325, %mul3A_533 : i32
      %add3A_535 = arith.constant 7 : i32
      %add3A_536 = arith.addi %mul3A_534, %add3A_535 : i32
      %add3A_537 = arith.constant 0 : i32
      %add3A_538 = arith.addi %add3A_537, %add3A_536 : i32
      %broadcast_in_dim3A_539 = vector.broadcast %add3A_538 : i32 to vector<16xi32>
      %broadcast_in_dim3A_540 = vector.broadcast %add3A_536 : i32 to vector<16xi32>
      %gather3A_541 = tpu.vector_load_idx %arg9[%broadcast_in_dim3A_539] : memref<512xi32, #tpu.memory_space<vmem>>[vector<16xi32>], vector<16xi32>,
      %gather3A_542 = tpu.vector_load_idx %arg11[%broadcast_in_dim3A_539] : memref<512xf32, #tpu.memory_space<vmem>>[vector<16xi32>], vector<16xf32>,
      %gather3A_543 = tpu.vector_load_idx %arg13[%broadcast_in_dim3A_540, %iota3A] : memref<128x16xf32, #tpu.memory_space<vmem>>[vector<16xi32>, vector<16xi32>], vector<16xf32>,
      %and3A_544 = arith.constant 127 : i32
      %and3A_545 = vector.broadcast %and3A_544 : i32 to vector<16xi32>
      %and3A_546 = arith.andi %gather3A_541, %and3A_545 : vector<16xi32>
      %gather3A_547 = tpu.vector_load_idx %arg14[%broadcast_in_dim3A_540, %and3A_546] : memref<128x128xf32, #tpu.memory_space<vmem>>[vector<16xi32>, vector<16xi32>], vector<16xf32>,
      %shift_right_arithmetic3A_548 = arith.constant 3 : i32
      %shift_right_arithmetic3A_549 = arith.shrsi %add3A_538, %shift_right_arithmetic3A_548 : i32
      %and3A_550 = arith.constant 7 : i32
      %and3A_551 = arith.andi %add3A_538, %and3A_550 : i32
      %mul3A_552 = arith.constant 16 : i32
      %mul3A_553 = arith.muli %and3A_551, %mul3A_552 : i32
      %mul3A_554 = arith.mulf %gather3A_542, %get3A_225 : vector<16xf32>
      %add3A_555 = arith.addf %mul3A_554, %gather3A_543 : vector<16xf32>
      %swap3A_556 = arith.index_cast %shift_right_arithmetic3A_549 : i32 to index
      %swap3A_557 = arith.index_cast %mul3A_553 : i32 to index
      %swap3A_558 = tpu.vector_load %arg15[%swap3A_556, %swap3A_557] {strides = array<i32>} : memref<64x128xf32, #tpu.memory_space<vmem>>, vector<16xf32>,
      tpu.vector_store %arg15[%swap3A_556, %swap3A_557], %add3A_555 {strides = array<i32>} : memref<64x128xf32, #tpu.memory_space<vmem>>, vector<16xf32>,
      %mul3A_559 = arith.mulf %gather3A_547, %gather3A_542 : vector<16xf32>
      %swap3A_560 = arith.index_cast %shift_right_arithmetic3A_549 : i32 to index
      %swap3A_561 = arith.index_cast %mul3A_553 : i32 to index
      %swap3A_562 = tpu.vector_load %arg16[%swap3A_560, %swap3A_561] {strides = array<i32>} : memref<64x128xf32, #tpu.memory_space<vmem>>, vector<16xf32>,
      tpu.vector_store %arg16[%swap3A_560, %swap3A_561], %mul3A_559 {strides = array<i32>} : memref<64x128xf32, #tpu.memory_space<vmem>>, vector<16xf32>,
      %mul3A_563 = arith.constant 16 : i32
      %mul3A_564 = arith.muli %scan3A_325, %mul3A_563 : i32
      %add3A_565 = arith.constant 8 : i32
      %add3A_566 = arith.addi %mul3A_564, %add3A_565 : i32
      %add3A_567 = arith.constant 0 : i32
      %add3A_568 = arith.addi %add3A_567, %add3A_566 : i32
      %broadcast_in_dim3A_569 = vector.broadcast %add3A_568 : i32 to vector<16xi32>
      %broadcast_in_dim3A_570 = vector.broadcast %add3A_566 : i32 to vector<16xi32>
      %gather3A_571 = tpu.vector_load_idx %arg9[%broadcast_in_dim3A_569] : memref<512xi32, #tpu.memory_space<vmem>>[vector<16xi32>], vector<16xi32>,
      %gather3A_572 = tpu.vector_load_idx %arg11[%broadcast_in_dim3A_569] : memref<512xf32, #tpu.memory_space<vmem>>[vector<16xi32>], vector<16xf32>,
      %gather3A_573 = tpu.vector_load_idx %arg13[%broadcast_in_dim3A_570, %iota3A] : memref<128x16xf32, #tpu.memory_space<vmem>>[vector<16xi32>, vector<16xi32>], vector<16xf32>,
      %and3A_574 = arith.constant 127 : i32
      %and3A_575 = vector.broadcast %and3A_574 : i32 to vector<16xi32>
      %and3A_576 = arith.andi %gather3A_571, %and3A_575 : vector<16xi32>
      %gather3A_577 = tpu.vector_load_idx %arg14[%broadcast_in_dim3A_570, %and3A_576] : memref<128x128xf32, #tpu.memory_space<vmem>>[vector<16xi32>, vector<16xi32>], vector<16xf32>,
      %shift_right_arithmetic3A_578 = arith.constant 3 : i32
      %shift_right_arithmetic3A_579 = arith.shrsi %add3A_568, %shift_right_arithmetic3A_578 : i32
      %and3A_580 = arith.constant 7 : i32
      %and3A_581 = arith.andi %add3A_568, %and3A_580 : i32
      %mul3A_582 = arith.constant 16 : i32
      %mul3A_583 = arith.muli %and3A_581, %mul3A_582 : i32
      %mul3A_584 = arith.mulf %gather3A_572, %get3A_225 : vector<16xf32>
      %add3A_585 = arith.addf %mul3A_584, %gather3A_573 : vector<16xf32>
      %swap3A_586 = arith.index_cast %shift_right_arithmetic3A_579 : i32 to index
      %swap3A_587 = arith.index_cast %mul3A_583 : i32 to index
      %swap3A_588 = tpu.vector_load %arg15[%swap3A_586, %swap3A_587] {strides = array<i32>} : memref<64x128xf32, #tpu.memory_space<vmem>>, vector<16xf32>,
      tpu.vector_store %arg15[%swap3A_586, %swap3A_587], %add3A_585 {strides = array<i32>} : memref<64x128xf32, #tpu.memory_space<vmem>>, vector<16xf32>,
      %mul3A_589 = arith.mulf %gather3A_577, %gather3A_572 : vector<16xf32>
      %swap3A_590 = arith.index_cast %shift_right_arithmetic3A_579 : i32 to index
      %swap3A_591 = arith.index_cast %mul3A_583 : i32 to index
      %swap3A_592 = tpu.vector_load %arg16[%swap3A_590, %swap3A_591] {strides = array<i32>} : memref<64x128xf32, #tpu.memory_space<vmem>>, vector<16xf32>,
      tpu.vector_store %arg16[%swap3A_590, %swap3A_591], %mul3A_589 {strides = array<i32>} : memref<64x128xf32, #tpu.memory_space<vmem>>, vector<16xf32>,
      %mul3A_593 = arith.constant 16 : i32
      %mul3A_594 = arith.muli %scan3A_325, %mul3A_593 : i32
      %add3A_595 = arith.constant 9 : i32
      %add3A_596 = arith.addi %mul3A_594, %add3A_595 : i32
      %add3A_597 = arith.constant 0 : i32
      %add3A_598 = arith.addi %add3A_597, %add3A_596 : i32
      %broadcast_in_dim3A_599 = vector.broadcast %add3A_598 : i32 to vector<16xi32>
      %broadcast_in_dim3A_600 = vector.broadcast %add3A_596 : i32 to vector<16xi32>
      %gather3A_601 = tpu.vector_load_idx %arg9[%broadcast_in_dim3A_599] : memref<512xi32, #tpu.memory_space<vmem>>[vector<16xi32>], vector<16xi32>,
      %gather3A_602 = tpu.vector_load_idx %arg11[%broadcast_in_dim3A_599] : memref<512xf32, #tpu.memory_space<vmem>>[vector<16xi32>], vector<16xf32>,
      %gather3A_603 = tpu.vector_load_idx %arg13[%broadcast_in_dim3A_600, %iota3A] : memref<128x16xf32, #tpu.memory_space<vmem>>[vector<16xi32>, vector<16xi32>], vector<16xf32>,
      %and3A_604 = arith.constant 127 : i32
      %and3A_605 = vector.broadcast %and3A_604 : i32 to vector<16xi32>
      %and3A_606 = arith.andi %gather3A_601, %and3A_605 : vector<16xi32>
      %gather3A_607 = tpu.vector_load_idx %arg14[%broadcast_in_dim3A_600, %and3A_606] : memref<128x128xf32, #tpu.memory_space<vmem>>[vector<16xi32>, vector<16xi32>], vector<16xf32>,
      %shift_right_arithmetic3A_608 = arith.constant 3 : i32
      %shift_right_arithmetic3A_609 = arith.shrsi %add3A_598, %shift_right_arithmetic3A_608 : i32
      %and3A_610 = arith.constant 7 : i32
      %and3A_611 = arith.andi %add3A_598, %and3A_610 : i32
      %mul3A_612 = arith.constant 16 : i32
      %mul3A_613 = arith.muli %and3A_611, %mul3A_612 : i32
      %mul3A_614 = arith.mulf %gather3A_602, %get3A_225 : vector<16xf32>
      %add3A_615 = arith.addf %mul3A_614, %gather3A_603 : vector<16xf32>
      %swap3A_616 = arith.index_cast %shift_right_arithmetic3A_609 : i32 to index
      %swap3A_617 = arith.index_cast %mul3A_613 : i32 to index
      %swap3A_618 = tpu.vector_load %arg15[%swap3A_616, %swap3A_617] {strides = array<i32>} : memref<64x128xf32, #tpu.memory_space<vmem>>, vector<16xf32>,
      tpu.vector_store %arg15[%swap3A_616, %swap3A_617], %add3A_615 {strides = array<i32>} : memref<64x128xf32, #tpu.memory_space<vmem>>, vector<16xf32>,
      %mul3A_619 = arith.mulf %gather3A_607, %gather3A_602 : vector<16xf32>
      %swap3A_620 = arith.index_cast %shift_right_arithmetic3A_609 : i32 to index
      %swap3A_621 = arith.index_cast %mul3A_613 : i32 to index
      %swap3A_622 = tpu.vector_load %arg16[%swap3A_620, %swap3A_621] {strides = array<i32>} : memref<64x128xf32, #tpu.memory_space<vmem>>, vector<16xf32>,
      tpu.vector_store %arg16[%swap3A_620, %swap3A_621], %mul3A_619 {strides = array<i32>} : memref<64x128xf32, #tpu.memory_space<vmem>>, vector<16xf32>,
      %mul3A_623 = arith.constant 16 : i32
      %mul3A_624 = arith.muli %scan3A_325, %mul3A_623 : i32
      %add3A_625 = arith.constant 10 : i32
      %add3A_626 = arith.addi %mul3A_624, %add3A_625 : i32
      %add3A_627 = arith.constant 0 : i32
      %add3A_628 = arith.addi %add3A_627, %add3A_626 : i32
      %broadcast_in_dim3A_629 = vector.broadcast %add3A_628 : i32 to vector<16xi32>
      %broadcast_in_dim3A_630 = vector.broadcast %add3A_626 : i32 to vector<16xi32>
      %gather3A_631 = tpu.vector_load_idx %arg9[%broadcast_in_dim3A_629] : memref<512xi32, #tpu.memory_space<vmem>>[vector<16xi32>], vector<16xi32>,
      %gather3A_632 = tpu.vector_load_idx %arg11[%broadcast_in_dim3A_629] : memref<512xf32, #tpu.memory_space<vmem>>[vector<16xi32>], vector<16xf32>,
      %gather3A_633 = tpu.vector_load_idx %arg13[%broadcast_in_dim3A_630, %iota3A] : memref<128x16xf32, #tpu.memory_space<vmem>>[vector<16xi32>, vector<16xi32>], vector<16xf32>,
      %and3A_634 = arith.constant 127 : i32
      %and3A_635 = vector.broadcast %and3A_634 : i32 to vector<16xi32>
      %and3A_636 = arith.andi %gather3A_631, %and3A_635 : vector<16xi32>
      %gather3A_637 = tpu.vector_load_idx %arg14[%broadcast_in_dim3A_630, %and3A_636] : memref<128x128xf32, #tpu.memory_space<vmem>>[vector<16xi32>, vector<16xi32>], vector<16xf32>,
      %shift_right_arithmetic3A_638 = arith.constant 3 : i32
      %shift_right_arithmetic3A_639 = arith.shrsi %add3A_628, %shift_right_arithmetic3A_638 : i32
      %and3A_640 = arith.constant 7 : i32
      %and3A_641 = arith.andi %add3A_628, %and3A_640 : i32
      %mul3A_642 = arith.constant 16 : i32
      %mul3A_643 = arith.muli %and3A_641, %mul3A_642 : i32
      %mul3A_644 = arith.mulf %gather3A_632, %get3A_225 : vector<16xf32>
      %add3A_645 = arith.addf %mul3A_644, %gather3A_633 : vector<16xf32>
      %swap3A_646 = arith.index_cast %shift_right_arithmetic3A_639 : i32 to index
      %swap3A_647 = arith.index_cast %mul3A_643 : i32 to index
      %swap3A_648 = tpu.vector_load %arg15[%swap3A_646, %swap3A_647] {strides = array<i32>} : memref<64x128xf32, #tpu.memory_space<vmem>>, vector<16xf32>,
      tpu.vector_store %arg15[%swap3A_646, %swap3A_647], %add3A_645 {strides = array<i32>} : memref<64x128xf32, #tpu.memory_space<vmem>>, vector<16xf32>,
      %mul3A_649 = arith.mulf %gather3A_637, %gather3A_632 : vector<16xf32>
      %swap3A_650 = arith.index_cast %shift_right_arithmetic3A_639 : i32 to index
      %swap3A_651 = arith.index_cast %mul3A_643 : i32 to index
      %swap3A_652 = tpu.vector_load %arg16[%swap3A_650, %swap3A_651] {strides = array<i32>} : memref<64x128xf32, #tpu.memory_space<vmem>>, vector<16xf32>,
      tpu.vector_store %arg16[%swap3A_650, %swap3A_651], %mul3A_649 {strides = array<i32>} : memref<64x128xf32, #tpu.memory_space<vmem>>, vector<16xf32>,
      %mul3A_653 = arith.constant 16 : i32
      %mul3A_654 = arith.muli %scan3A_325, %mul3A_653 : i32
      %add3A_655 = arith.constant 11 : i32
      %add3A_656 = arith.addi %mul3A_654, %add3A_655 : i32
      %add3A_657 = arith.constant 0 : i32
      %add3A_658 = arith.addi %add3A_657, %add3A_656 : i32
      %broadcast_in_dim3A_659 = vector.broadcast %add3A_658 : i32 to vector<16xi32>
      %broadcast_in_dim3A_660 = vector.broadcast %add3A_656 : i32 to vector<16xi32>
      %gather3A_661 = tpu.vector_load_idx %arg9[%broadcast_in_dim3A_659] : memref<512xi32, #tpu.memory_space<vmem>>[vector<16xi32>], vector<16xi32>,
      %gather3A_662 = tpu.vector_load_idx %arg11[%broadcast_in_dim3A_659] : memref<512xf32, #tpu.memory_space<vmem>>[vector<16xi32>], vector<16xf32>,
      %gather3A_663 = tpu.vector_load_idx %arg13[%broadcast_in_dim3A_660, %iota3A] : memref<128x16xf32, #tpu.memory_space<vmem>>[vector<16xi32>, vector<16xi32>], vector<16xf32>,
      %and3A_664 = arith.constant 127 : i32
      %and3A_665 = vector.broadcast %and3A_664 : i32 to vector<16xi32>
      %and3A_666 = arith.andi %gather3A_661, %and3A_665 : vector<16xi32>
      %gather3A_667 = tpu.vector_load_idx %arg14[%broadcast_in_dim3A_660, %and3A_666] : memref<128x128xf32, #tpu.memory_space<vmem>>[vector<16xi32>, vector<16xi32>], vector<16xf32>,
      %shift_right_arithmetic3A_668 = arith.constant 3 : i32
      %shift_right_arithmetic3A_669 = arith.shrsi %add3A_658, %shift_right_arithmetic3A_668 : i32
      %and3A_670 = arith.constant 7 : i32
      %and3A_671 = arith.andi %add3A_658, %and3A_670 : i32
      %mul3A_672 = arith.constant 16 : i32
      %mul3A_673 = arith.muli %and3A_671, %mul3A_672 : i32
      %mul3A_674 = arith.mulf %gather3A_662, %get3A_225 : vector<16xf32>
      %add3A_675 = arith.addf %mul3A_674, %gather3A_663 : vector<16xf32>
      %swap3A_676 = arith.index_cast %shift_right_arithmetic3A_669 : i32 to index
      %swap3A_677 = arith.index_cast %mul3A_673 : i32 to index
      %swap3A_678 = tpu.vector_load %arg15[%swap3A_676, %swap3A_677] {strides = array<i32>} : memref<64x128xf32, #tpu.memory_space<vmem>>, vector<16xf32>,
      tpu.vector_store %arg15[%swap3A_676, %swap3A_677], %add3A_675 {strides = array<i32>} : memref<64x128xf32, #tpu.memory_space<vmem>>, vector<16xf32>,
      %mul3A_679 = arith.mulf %gather3A_667, %gather3A_662 : vector<16xf32>
      %swap3A_680 = arith.index_cast %shift_right_arithmetic3A_669 : i32 to index
      %swap3A_681 = arith.index_cast %mul3A_673 : i32 to index
      %swap3A_682 = tpu.vector_load %arg16[%swap3A_680, %swap3A_681] {strides = array<i32>} : memref<64x128xf32, #tpu.memory_space<vmem>>, vector<16xf32>,
      tpu.vector_store %arg16[%swap3A_680, %swap3A_681], %mul3A_679 {strides = array<i32>} : memref<64x128xf32, #tpu.memory_space<vmem>>, vector<16xf32>,
      %mul3A_683 = arith.constant 16 : i32
      %mul3A_684 = arith.muli %scan3A_325, %mul3A_683 : i32
      %add3A_685 = arith.constant 12 : i32
      %add3A_686 = arith.addi %mul3A_684, %add3A_685 : i32
      %add3A_687 = arith.constant 0 : i32
      %add3A_688 = arith.addi %add3A_687, %add3A_686 : i32
      %broadcast_in_dim3A_689 = vector.broadcast %add3A_688 : i32 to vector<16xi32>
      %broadcast_in_dim3A_690 = vector.broadcast %add3A_686 : i32 to vector<16xi32>
      %gather3A_691 = tpu.vector_load_idx %arg9[%broadcast_in_dim3A_689] : memref<512xi32, #tpu.memory_space<vmem>>[vector<16xi32>], vector<16xi32>,
      %gather3A_692 = tpu.vector_load_idx %arg11[%broadcast_in_dim3A_689] : memref<512xf32, #tpu.memory_space<vmem>>[vector<16xi32>], vector<16xf32>,
      %gather3A_693 = tpu.vector_load_idx %arg13[%broadcast_in_dim3A_690, %iota3A] : memref<128x16xf32, #tpu.memory_space<vmem>>[vector<16xi32>, vector<16xi32>], vector<16xf32>,
      %and3A_694 = arith.constant 127 : i32
      %and3A_695 = vector.broadcast %and3A_694 : i32 to vector<16xi32>
      %and3A_696 = arith.andi %gather3A_691, %and3A_695 : vector<16xi32>
      %gather3A_697 = tpu.vector_load_idx %arg14[%broadcast_in_dim3A_690, %and3A_696] : memref<128x128xf32, #tpu.memory_space<vmem>>[vector<16xi32>, vector<16xi32>], vector<16xf32>,
      %shift_right_arithmetic3A_698 = arith.constant 3 : i32
      %shift_right_arithmetic3A_699 = arith.shrsi %add3A_688, %shift_right_arithmetic3A_698 : i32
      %and3A_700 = arith.constant 7 : i32
      %and3A_701 = arith.andi %add3A_688, %and3A_700 : i32
      %mul3A_702 = arith.constant 16 : i32
      %mul3A_703 = arith.muli %and3A_701, %mul3A_702 : i32
      %mul3A_704 = arith.mulf %gather3A_692, %get3A_225 : vector<16xf32>
      %add3A_705 = arith.addf %mul3A_704, %gather3A_693 : vector<16xf32>
      %swap3A_706 = arith.index_cast %shift_right_arithmetic3A_699 : i32 to index
      %swap3A_707 = arith.index_cast %mul3A_703 : i32 to index
      %swap3A_708 = tpu.vector_load %arg15[%swap3A_706, %swap3A_707] {strides = array<i32>} : memref<64x128xf32, #tpu.memory_space<vmem>>, vector<16xf32>,
      tpu.vector_store %arg15[%swap3A_706, %swap3A_707], %add3A_705 {strides = array<i32>} : memref<64x128xf32, #tpu.memory_space<vmem>>, vector<16xf32>,
      %mul3A_709 = arith.mulf %gather3A_697, %gather3A_692 : vector<16xf32>
      %swap3A_710 = arith.index_cast %shift_right_arithmetic3A_699 : i32 to index
      %swap3A_711 = arith.index_cast %mul3A_703 : i32 to index
      %swap3A_712 = tpu.vector_load %arg16[%swap3A_710, %swap3A_711] {strides = array<i32>} : memref<64x128xf32, #tpu.memory_space<vmem>>, vector<16xf32>,
      tpu.vector_store %arg16[%swap3A_710, %swap3A_711], %mul3A_709 {strides = array<i32>} : memref<64x128xf32, #tpu.memory_space<vmem>>, vector<16xf32>,
      %mul3A_713 = arith.constant 16 : i32
      %mul3A_714 = arith.muli %scan3A_325, %mul3A_713 : i32
      %add3A_715 = arith.constant 13 : i32
      %add3A_716 = arith.addi %mul3A_714, %add3A_715 : i32
      %add3A_717 = arith.constant 0 : i32
      %add3A_718 = arith.addi %add3A_717, %add3A_716 : i32
      %broadcast_in_dim3A_719 = vector.broadcast %add3A_718 : i32 to vector<16xi32>
      %broadcast_in_dim3A_720 = vector.broadcast %add3A_716 : i32 to vector<16xi32>
      %gather3A_721 = tpu.vector_load_idx %arg9[%broadcast_in_dim3A_719] : memref<512xi32, #tpu.memory_space<vmem>>[vector<16xi32>], vector<16xi32>,
      %gather3A_722 = tpu.vector_load_idx %arg11[%broadcast_in_dim3A_719] : memref<512xf32, #tpu.memory_space<vmem>>[vector<16xi32>], vector<16xf32>,
      %gather3A_723 = tpu.vector_load_idx %arg13[%broadcast_in_dim3A_720, %iota3A] : memref<128x16xf32, #tpu.memory_space<vmem>>[vector<16xi32>, vector<16xi32>], vector<16xf32>,
      %and3A_724 = arith.constant 127 : i32
      %and3A_725 = vector.broadcast %and3A_724 : i32 to vector<16xi32>
      %and3A_726 = arith.andi %gather3A_721, %and3A_725 : vector<16xi32>
      %gather3A_727 = tpu.vector_load_idx %arg14[%broadcast_in_dim3A_720, %and3A_726] : memref<128x128xf32, #tpu.memory_space<vmem>>[vector<16xi32>, vector<16xi32>], vector<16xf32>,
      %shift_right_arithmetic3A_728 = arith.constant 3 : i32
      %shift_right_arithmetic3A_729 = arith.shrsi %add3A_718, %shift_right_arithmetic3A_728 : i32
      %and3A_730 = arith.constant 7 : i32
      %and3A_731 = arith.andi %add3A_718, %and3A_730 : i32
      %mul3A_732 = arith.constant 16 : i32
      %mul3A_733 = arith.muli %and3A_731, %mul3A_732 : i32
      %mul3A_734 = arith.mulf %gather3A_722, %get3A_225 : vector<16xf32>
      %add3A_735 = arith.addf %mul3A_734, %gather3A_723 : vector<16xf32>
      %swap3A_736 = arith.index_cast %shift_right_arithmetic3A_729 : i32 to index
      %swap3A_737 = arith.index_cast %mul3A_733 : i32 to index
      %swap3A_738 = tpu.vector_load %arg15[%swap3A_736, %swap3A_737] {strides = array<i32>} : memref<64x128xf32, #tpu.memory_space<vmem>>, vector<16xf32>,
      tpu.vector_store %arg15[%swap3A_736, %swap3A_737], %add3A_735 {strides = array<i32>} : memref<64x128xf32, #tpu.memory_space<vmem>>, vector<16xf32>,
      %mul3A_739 = arith.mulf %gather3A_727, %gather3A_722 : vector<16xf32>
      %swap3A_740 = arith.index_cast %shift_right_arithmetic3A_729 : i32 to index
      %swap3A_741 = arith.index_cast %mul3A_733 : i32 to index
      %swap3A_742 = tpu.vector_load %arg16[%swap3A_740, %swap3A_741] {strides = array<i32>} : memref<64x128xf32, #tpu.memory_space<vmem>>, vector<16xf32>,
      tpu.vector_store %arg16[%swap3A_740, %swap3A_741], %mul3A_739 {strides = array<i32>} : memref<64x128xf32, #tpu.memory_space<vmem>>, vector<16xf32>,
      %mul3A_743 = arith.constant 16 : i32
      %mul3A_744 = arith.muli %scan3A_325, %mul3A_743 : i32
      %add3A_745 = arith.constant 14 : i32
      %add3A_746 = arith.addi %mul3A_744, %add3A_745 : i32
      %add3A_747 = arith.constant 0 : i32
      %add3A_748 = arith.addi %add3A_747, %add3A_746 : i32
      %broadcast_in_dim3A_749 = vector.broadcast %add3A_748 : i32 to vector<16xi32>
      %broadcast_in_dim3A_750 = vector.broadcast %add3A_746 : i32 to vector<16xi32>
      %gather3A_751 = tpu.vector_load_idx %arg9[%broadcast_in_dim3A_749] : memref<512xi32, #tpu.memory_space<vmem>>[vector<16xi32>], vector<16xi32>,
      %gather3A_752 = tpu.vector_load_idx %arg11[%broadcast_in_dim3A_749] : memref<512xf32, #tpu.memory_space<vmem>>[vector<16xi32>], vector<16xf32>,
      %gather3A_753 = tpu.vector_load_idx %arg13[%broadcast_in_dim3A_750, %iota3A] : memref<128x16xf32, #tpu.memory_space<vmem>>[vector<16xi32>, vector<16xi32>], vector<16xf32>,
      %and3A_754 = arith.constant 127 : i32
      %and3A_755 = vector.broadcast %and3A_754 : i32 to vector<16xi32>
      %and3A_756 = arith.andi %gather3A_751, %and3A_755 : vector<16xi32>
      %gather3A_757 = tpu.vector_load_idx %arg14[%broadcast_in_dim3A_750, %and3A_756] : memref<128x128xf32, #tpu.memory_space<vmem>>[vector<16xi32>, vector<16xi32>], vector<16xf32>,
      %shift_right_arithmetic3A_758 = arith.constant 3 : i32
      %shift_right_arithmetic3A_759 = arith.shrsi %add3A_748, %shift_right_arithmetic3A_758 : i32
      %and3A_760 = arith.constant 7 : i32
      %and3A_761 = arith.andi %add3A_748, %and3A_760 : i32
      %mul3A_762 = arith.constant 16 : i32
      %mul3A_763 = arith.muli %and3A_761, %mul3A_762 : i32
      %mul3A_764 = arith.mulf %gather3A_752, %get3A_225 : vector<16xf32>
      %add3A_765 = arith.addf %mul3A_764, %gather3A_753 : vector<16xf32>
      %swap3A_766 = arith.index_cast %shift_right_arithmetic3A_759 : i32 to index
      %swap3A_767 = arith.index_cast %mul3A_763 : i32 to index
      %swap3A_768 = tpu.vector_load %arg15[%swap3A_766, %swap3A_767] {strides = array<i32>} : memref<64x128xf32, #tpu.memory_space<vmem>>, vector<16xf32>,
      tpu.vector_store %arg15[%swap3A_766, %swap3A_767], %add3A_765 {strides = array<i32>} : memref<64x128xf32, #tpu.memory_space<vmem>>, vector<16xf32>,
      %mul3A_769 = arith.mulf %gather3A_757, %gather3A_752 : vector<16xf32>
      %swap3A_770 = arith.index_cast %shift_right_arithmetic3A_759 : i32 to index
      %swap3A_771 = arith.index_cast %mul3A_763 : i32 to index
      %swap3A_772 = tpu.vector_load %arg16[%swap3A_770, %swap3A_771] {strides = array<i32>} : memref<64x128xf32, #tpu.memory_space<vmem>>, vector<16xf32>,
      tpu.vector_store %arg16[%swap3A_770, %swap3A_771], %mul3A_769 {strides = array<i32>} : memref<64x128xf32, #tpu.memory_space<vmem>>, vector<16xf32>,
      %mul3A_773 = arith.constant 16 : i32
      %mul3A_774 = arith.muli %scan3A_325, %mul3A_773 : i32
      %add3A_775 = arith.constant 15 : i32
      %add3A_776 = arith.addi %mul3A_774, %add3A_775 : i32
      %add3A_777 = arith.constant 0 : i32
      %add3A_778 = arith.addi %add3A_777, %add3A_776 : i32
      %broadcast_in_dim3A_779 = vector.broadcast %add3A_778 : i32 to vector<16xi32>
      %broadcast_in_dim3A_780 = vector.broadcast %add3A_776 : i32 to vector<16xi32>
      %gather3A_781 = tpu.vector_load_idx %arg9[%broadcast_in_dim3A_779] : memref<512xi32, #tpu.memory_space<vmem>>[vector<16xi32>], vector<16xi32>,
      %gather3A_782 = tpu.vector_load_idx %arg11[%broadcast_in_dim3A_779] : memref<512xf32, #tpu.memory_space<vmem>>[vector<16xi32>], vector<16xf32>,
      %gather3A_783 = tpu.vector_load_idx %arg13[%broadcast_in_dim3A_780, %iota3A] : memref<128x16xf32, #tpu.memory_space<vmem>>[vector<16xi32>, vector<16xi32>], vector<16xf32>,
      %and3A_784 = arith.constant 127 : i32
      %and3A_785 = vector.broadcast %and3A_784 : i32 to vector<16xi32>
      %and3A_786 = arith.andi %gather3A_781, %and3A_785 : vector<16xi32>
      %gather3A_787 = tpu.vector_load_idx %arg14[%broadcast_in_dim3A_780, %and3A_786] : memref<128x128xf32, #tpu.memory_space<vmem>>[vector<16xi32>, vector<16xi32>], vector<16xf32>,
      %shift_right_arithmetic3A_788 = arith.constant 3 : i32
      %shift_right_arithmetic3A_789 = arith.shrsi %add3A_778, %shift_right_arithmetic3A_788 : i32
      %and3A_790 = arith.constant 7 : i32
      %and3A_791 = arith.andi %add3A_778, %and3A_790 : i32
      %mul3A_792 = arith.constant 16 : i32
      %mul3A_793 = arith.muli %and3A_791, %mul3A_792 : i32
      %mul3A_794 = arith.mulf %gather3A_782, %get3A_225 : vector<16xf32>
      %add3A_795 = arith.addf %mul3A_794, %gather3A_783 : vector<16xf32>
      %swap3A_796 = arith.index_cast %shift_right_arithmetic3A_789 : i32 to index
      %swap3A_797 = arith.index_cast %mul3A_793 : i32 to index
      %swap3A_798 = tpu.vector_load %arg15[%swap3A_796, %swap3A_797] {strides = array<i32>} : memref<64x128xf32, #tpu.memory_space<vmem>>, vector<16xf32>,
      tpu.vector_store %arg15[%swap3A_796, %swap3A_797], %add3A_795 {strides = array<i32>} : memref<64x128xf32, #tpu.memory_space<vmem>>, vector<16xf32>,
      %mul3A_799 = arith.mulf %gather3A_787, %gather3A_782 : vector<16xf32>
      %swap3A_800 = arith.index_cast %shift_right_arithmetic3A_789 : i32 to index
      %swap3A_801 = arith.index_cast %mul3A_793 : i32 to index
      %swap3A_802 = tpu.vector_load %arg16[%swap3A_800, %swap3A_801] {strides = array<i32>} : memref<64x128xf32, #tpu.memory_space<vmem>>, vector<16xf32>,
      tpu.vector_store %arg16[%swap3A_800, %swap3A_801], %mul3A_799 {strides = array<i32>} : memref<64x128xf32, #tpu.memory_space<vmem>>, vector<16xf32>,
    }
    %scan3A_247 = arith.constant 8 : i32
    %dma_start3A_248 = arith.constant 128 : i32
    %dma_start3A_249 = tpu.memref_slice %arg9[%dma_start3A_248] : memref<512xi32, #tpu.memory_space<vmem>> -> memref<128xi32, #tpu.memory_space<vmem>>
    %dma_start3A_250 = arith.constant 0 : i32
    %dma_start3A_251 = arith.constant 0 : i32
    %dma_start3A_252 = tpu.memref_slice %arg6[%dma_start3A_250, %dma_start3A_251] : memref<100000x16xf32, #tpu.memory_space<hbm>> -> memref<100000x16xf32, #tpu.memory_space<hbm>>
    tpu.enqueue_indirect_dma source(%dma_start3A_252 : memref<100000x16xf32, #tpu.memory_space<hbm>>) target(%arg13 : memref<128x16xf32, #tpu.memory_space<vmem>>) offsets(%dma_start3A_249 : memref<128xi32, #tpu.memory_space<vmem>>) semaphore(%arg17 : memref<!tpu.dma_semaphore, #tpu.memory_space<semaphore_mem>>)
    %dma_start3A_253 = arith.constant 128 : i32
    %dma_start3A_254 = tpu.memref_slice %arg10[%dma_start3A_253] : memref<512xi32, #tpu.memory_space<vmem>> -> memref<128xi32, #tpu.memory_space<vmem>>
    %dma_start3A_255 = arith.constant 0 : i32
    %dma_start3A_256 = arith.constant 0 : i32
    %dma_start3A_257 = tpu.memref_slice %arg5[%dma_start3A_255, %dma_start3A_256] : memref<782x128xf32, #tpu.memory_space<hbm>> -> memref<782x128xf32, #tpu.memory_space<hbm>>
    tpu.enqueue_indirect_dma source(%dma_start3A_257 : memref<782x128xf32, #tpu.memory_space<hbm>>) target(%arg14 : memref<128x128xf32, #tpu.memory_space<vmem>>) offsets(%dma_start3A_254 : memref<128xi32, #tpu.memory_space<vmem>>) semaphore(%arg17 : memref<!tpu.dma_semaphore, #tpu.memory_space<semaphore_mem>>)
    %dma_wait3A_258 = arith.constant 128 : i32
    %dma_wait3A_259 = tpu.memref_slice %arg9[%dma_wait3A_258] : memref<512xi32, #tpu.memory_space<vmem>> -> memref<128xi32, #tpu.memory_space<vmem>>
    %dma_wait3A_260 = arith.constant 0 : i32
    %dma_wait3A_261 = arith.constant 0 : i32
    %dma_wait3A_262 = tpu.memref_slice %arg6[%dma_wait3A_260, %dma_wait3A_261] : memref<100000x16xf32, #tpu.memory_space<hbm>> -> memref<100000x16xf32, #tpu.memory_space<hbm>>
    tpu.wait_indirect_dma semaphore(%arg17 : memref<!tpu.dma_semaphore, #tpu.memory_space<semaphore_mem>>) src(%dma_wait3A_262 : memref<100000x16xf32, #tpu.memory_space<hbm>>) dst(%arg13 : memref<128x16xf32, #tpu.memory_space<vmem>>)
    %dma_wait3A_263 = arith.constant 128 : i32
    %dma_wait3A_264 = tpu.memref_slice %arg10[%dma_wait3A_263] : memref<512xi32, #tpu.memory_space<vmem>> -> memref<128xi32, #tpu.memory_space<vmem>>
    %dma_wait3A_265 = arith.constant 0 : i32
    %dma_wait3A_266 = arith.constant 0 : i32
    %dma_wait3A_267 = tpu.memref_slice %arg5[%dma_wait3A_265, %dma_wait3A_266] : memref<782x128xf32, #tpu.memory_space<hbm>> -> memref<782x128xf32, #tpu.memory_space<hbm>>
    tpu.wait_indirect_dma semaphore(%arg17 : memref<!tpu.dma_semaphore, #tpu.memory_space<semaphore_mem>>) src(%dma_wait3A_267 : memref<782x128xf32, #tpu.memory_space<hbm>>) dst(%arg14 : memref<128x128xf32, #tpu.memory_space<vmem>>)
    %scan3A_268 = arith.constant 0 : i32
    %scan3A_269 = arith.constant 8 : i32
    %scan3A_270 = arith.addi %scan3A_268, %scan3A_269 : i32
    %scan3A_271 = arith.constant 1 : i32
    scf.for %scan3A_325 = %scan3A_268 to %scan3A_270 step %scan3A_271  : i32 {
      %mul3A_326 = arith.constant 16 : i32
      %mul3A_327 = arith.muli %scan3A_325, %mul3A_326 : i32
      %add3A_328 = arith.constant 0 : i32
      %add3A_329 = arith.addi %mul3A_327, %add3A_328 : i32
      %add3A_330 = arith.constant 128 : i32
      %add3A_331 = arith.addi %add3A_330, %add3A_329 : i32
      %broadcast_in_dim3A = vector.broadcast %add3A_331 : i32 to vector<16xi32>
      %broadcast_in_dim3A_332 = vector.broadcast %add3A_329 : i32 to vector<16xi32>
      %gather3A = tpu.vector_load_idx %arg9[%broadcast_in_dim3A] : memref<512xi32, #tpu.memory_space<vmem>>[vector<16xi32>], vector<16xi32>,
      %gather3A_333 = tpu.vector_load_idx %arg11[%broadcast_in_dim3A] : memref<512xf32, #tpu.memory_space<vmem>>[vector<16xi32>], vector<16xf32>,
      %gather3A_334 = tpu.vector_load_idx %arg13[%broadcast_in_dim3A_332, %iota3A] : memref<128x16xf32, #tpu.memory_space<vmem>>[vector<16xi32>, vector<16xi32>], vector<16xf32>,
      %and3A = arith.constant 127 : i32
      %and3A_335 = vector.broadcast %and3A : i32 to vector<16xi32>
      %and3A_336 = arith.andi %gather3A, %and3A_335 : vector<16xi32>
      %gather3A_337 = tpu.vector_load_idx %arg14[%broadcast_in_dim3A_332, %and3A_336] : memref<128x128xf32, #tpu.memory_space<vmem>>[vector<16xi32>, vector<16xi32>], vector<16xf32>,
      %shift_right_arithmetic3A_338 = arith.constant 3 : i32
      %shift_right_arithmetic3A_339 = arith.shrsi %add3A_331, %shift_right_arithmetic3A_338 : i32
      %and3A_340 = arith.constant 7 : i32
      %and3A_341 = arith.andi %add3A_331, %and3A_340 : i32
      %mul3A_342 = arith.constant 16 : i32
      %mul3A_343 = arith.muli %and3A_341, %mul3A_342 : i32
      %mul3A_344 = arith.mulf %gather3A_333, %get3A_225 : vector<16xf32>
      %add3A_345 = arith.addf %mul3A_344, %gather3A_334 : vector<16xf32>
      %swap3A_346 = arith.index_cast %shift_right_arithmetic3A_339 : i32 to index
      %swap3A_347 = arith.index_cast %mul3A_343 : i32 to index
      %swap3A_348 = tpu.vector_load %arg15[%swap3A_346, %swap3A_347] {strides = array<i32>} : memref<64x128xf32, #tpu.memory_space<vmem>>, vector<16xf32>,
      tpu.vector_store %arg15[%swap3A_346, %swap3A_347], %add3A_345 {strides = array<i32>} : memref<64x128xf32, #tpu.memory_space<vmem>>, vector<16xf32>,
      %mul3A_349 = arith.mulf %gather3A_337, %gather3A_333 : vector<16xf32>
      %swap3A_350 = arith.index_cast %shift_right_arithmetic3A_339 : i32 to index
      %swap3A_351 = arith.index_cast %mul3A_343 : i32 to index
      %swap3A_352 = tpu.vector_load %arg16[%swap3A_350, %swap3A_351] {strides = array<i32>} : memref<64x128xf32, #tpu.memory_space<vmem>>, vector<16xf32>,
      tpu.vector_store %arg16[%swap3A_350, %swap3A_351], %mul3A_349 {strides = array<i32>} : memref<64x128xf32, #tpu.memory_space<vmem>>, vector<16xf32>,
      %mul3A_353 = arith.constant 16 : i32
      %mul3A_354 = arith.muli %scan3A_325, %mul3A_353 : i32
      %add3A_355 = arith.constant 1 : i32
      %add3A_356 = arith.addi %mul3A_354, %add3A_355 : i32
      %add3A_357 = arith.constant 128 : i32
      %add3A_358 = arith.addi %add3A_357, %add3A_356 : i32
      %broadcast_in_dim3A_359 = vector.broadcast %add3A_358 : i32 to vector<16xi32>
      %broadcast_in_dim3A_360 = vector.broadcast %add3A_356 : i32 to vector<16xi32>
      %gather3A_361 = tpu.vector_load_idx %arg9[%broadcast_in_dim3A_359] : memref<512xi32, #tpu.memory_space<vmem>>[vector<16xi32>], vector<16xi32>,
      %gather3A_362 = tpu.vector_load_idx %arg11[%broadcast_in_dim3A_359] : memref<512xf32, #tpu.memory_space<vmem>>[vector<16xi32>], vector<16xf32>,
      %gather3A_363 = tpu.vector_load_idx %arg13[%broadcast_in_dim3A_360, %iota3A] : memref<128x16xf32, #tpu.memory_space<vmem>>[vector<16xi32>, vector<16xi32>], vector<16xf32>,
      %and3A_364 = arith.constant 127 : i32
      %and3A_365 = vector.broadcast %and3A_364 : i32 to vector<16xi32>
      %and3A_366 = arith.andi %gather3A_361, %and3A_365 : vector<16xi32>
      %gather3A_367 = tpu.vector_load_idx %arg14[%broadcast_in_dim3A_360, %and3A_366] : memref<128x128xf32, #tpu.memory_space<vmem>>[vector<16xi32>, vector<16xi32>], vector<16xf32>,
      %shift_right_arithmetic3A_368 = arith.constant 3 : i32
      %shift_right_arithmetic3A_369 = arith.shrsi %add3A_358, %shift_right_arithmetic3A_368 : i32
      %and3A_370 = arith.constant 7 : i32
      %and3A_371 = arith.andi %add3A_358, %and3A_370 : i32
      %mul3A_372 = arith.constant 16 : i32
      %mul3A_373 = arith.muli %and3A_371, %mul3A_372 : i32
      %mul3A_374 = arith.mulf %gather3A_362, %get3A_225 : vector<16xf32>
      %add3A_375 = arith.addf %mul3A_374, %gather3A_363 : vector<16xf32>
      %swap3A_376 = arith.index_cast %shift_right_arithmetic3A_369 : i32 to index
      %swap3A_377 = arith.index_cast %mul3A_373 : i32 to index
      %swap3A_378 = tpu.vector_load %arg15[%swap3A_376, %swap3A_377] {strides = array<i32>} : memref<64x128xf32, #tpu.memory_space<vmem>>, vector<16xf32>,
      tpu.vector_store %arg15[%swap3A_376, %swap3A_377], %add3A_375 {strides = array<i32>} : memref<64x128xf32, #tpu.memory_space<vmem>>, vector<16xf32>,
      %mul3A_379 = arith.mulf %gather3A_367, %gather3A_362 : vector<16xf32>
      %swap3A_380 = arith.index_cast %shift_right_arithmetic3A_369 : i32 to index
      %swap3A_381 = arith.index_cast %mul3A_373 : i32 to index
      %swap3A_382 = tpu.vector_load %arg16[%swap3A_380, %swap3A_381] {strides = array<i32>} : memref<64x128xf32, #tpu.memory_space<vmem>>, vector<16xf32>,
      tpu.vector_store %arg16[%swap3A_380, %swap3A_381], %mul3A_379 {strides = array<i32>} : memref<64x128xf32, #tpu.memory_space<vmem>>, vector<16xf32>,
      %mul3A_383 = arith.constant 16 : i32
      %mul3A_384 = arith.muli %scan3A_325, %mul3A_383 : i32
      %add3A_385 = arith.constant 2 : i32
      %add3A_386 = arith.addi %mul3A_384, %add3A_385 : i32
      %add3A_387 = arith.constant 128 : i32
      %add3A_388 = arith.addi %add3A_387, %add3A_386 : i32
      %broadcast_in_dim3A_389 = vector.broadcast %add3A_388 : i32 to vector<16xi32>
      %broadcast_in_dim3A_390 = vector.broadcast %add3A_386 : i32 to vector<16xi32>
      %gather3A_391 = tpu.vector_load_idx %arg9[%broadcast_in_dim3A_389] : memref<512xi32, #tpu.memory_space<vmem>>[vector<16xi32>], vector<16xi32>,
      %gather3A_392 = tpu.vector_load_idx %arg11[%broadcast_in_dim3A_389] : memref<512xf32, #tpu.memory_space<vmem>>[vector<16xi32>], vector<16xf32>,
      %gather3A_393 = tpu.vector_load_idx %arg13[%broadcast_in_dim3A_390, %iota3A] : memref<128x16xf32, #tpu.memory_space<vmem>>[vector<16xi32>, vector<16xi32>], vector<16xf32>,
      %and3A_394 = arith.constant 127 : i32
      %and3A_395 = vector.broadcast %and3A_394 : i32 to vector<16xi32>
      %and3A_396 = arith.andi %gather3A_391, %and3A_395 : vector<16xi32>
      %gather3A_397 = tpu.vector_load_idx %arg14[%broadcast_in_dim3A_390, %and3A_396] : memref<128x128xf32, #tpu.memory_space<vmem>>[vector<16xi32>, vector<16xi32>], vector<16xf32>,
      %shift_right_arithmetic3A_398 = arith.constant 3 : i32
      %shift_right_arithmetic3A_399 = arith.shrsi %add3A_388, %shift_right_arithmetic3A_398 : i32
      %and3A_400 = arith.constant 7 : i32
      %and3A_401 = arith.andi %add3A_388, %and3A_400 : i32
      %mul3A_402 = arith.constant 16 : i32
      %mul3A_403 = arith.muli %and3A_401, %mul3A_402 : i32
      %mul3A_404 = arith.mulf %gather3A_392, %get3A_225 : vector<16xf32>
      %add3A_405 = arith.addf %mul3A_404, %gather3A_393 : vector<16xf32>
      %swap3A_406 = arith.index_cast %shift_right_arithmetic3A_399 : i32 to index
      %swap3A_407 = arith.index_cast %mul3A_403 : i32 to index
      %swap3A_408 = tpu.vector_load %arg15[%swap3A_406, %swap3A_407] {strides = array<i32>} : memref<64x128xf32, #tpu.memory_space<vmem>>, vector<16xf32>,
      tpu.vector_store %arg15[%swap3A_406, %swap3A_407], %add3A_405 {strides = array<i32>} : memref<64x128xf32, #tpu.memory_space<vmem>>, vector<16xf32>,
      %mul3A_409 = arith.mulf %gather3A_397, %gather3A_392 : vector<16xf32>
      %swap3A_410 = arith.index_cast %shift_right_arithmetic3A_399 : i32 to index
      %swap3A_411 = arith.index_cast %mul3A_403 : i32 to index
      %swap3A_412 = tpu.vector_load %arg16[%swap3A_410, %swap3A_411] {strides = array<i32>} : memref<64x128xf32, #tpu.memory_space<vmem>>, vector<16xf32>,
      tpu.vector_store %arg16[%swap3A_410, %swap3A_411], %mul3A_409 {strides = array<i32>} : memref<64x128xf32, #tpu.memory_space<vmem>>, vector<16xf32>,
      %mul3A_413 = arith.constant 16 : i32
      %mul3A_414 = arith.muli %scan3A_325, %mul3A_413 : i32
      %add3A_415 = arith.constant 3 : i32
      %add3A_416 = arith.addi %mul3A_414, %add3A_415 : i32
      %add3A_417 = arith.constant 128 : i32
      %add3A_418 = arith.addi %add3A_417, %add3A_416 : i32
      %broadcast_in_dim3A_419 = vector.broadcast %add3A_418 : i32 to vector<16xi32>
      %broadcast_in_dim3A_420 = vector.broadcast %add3A_416 : i32 to vector<16xi32>
      %gather3A_421 = tpu.vector_load_idx %arg9[%broadcast_in_dim3A_419] : memref<512xi32, #tpu.memory_space<vmem>>[vector<16xi32>], vector<16xi32>,
      %gather3A_422 = tpu.vector_load_idx %arg11[%broadcast_in_dim3A_419] : memref<512xf32, #tpu.memory_space<vmem>>[vector<16xi32>], vector<16xf32>,
      %gather3A_423 = tpu.vector_load_idx %arg13[%broadcast_in_dim3A_420, %iota3A] : memref<128x16xf32, #tpu.memory_space<vmem>>[vector<16xi32>, vector<16xi32>], vector<16xf32>,
      %and3A_424 = arith.constant 127 : i32
      %and3A_425 = vector.broadcast %and3A_424 : i32 to vector<16xi32>
      %and3A_426 = arith.andi %gather3A_421, %and3A_425 : vector<16xi32>
      %gather3A_427 = tpu.vector_load_idx %arg14[%broadcast_in_dim3A_420, %and3A_426] : memref<128x128xf32, #tpu.memory_space<vmem>>[vector<16xi32>, vector<16xi32>], vector<16xf32>,
      %shift_right_arithmetic3A_428 = arith.constant 3 : i32
      %shift_right_arithmetic3A_429 = arith.shrsi %add3A_418, %shift_right_arithmetic3A_428 : i32
      %and3A_430 = arith.constant 7 : i32
      %and3A_431 = arith.andi %add3A_418, %and3A_430 : i32
      %mul3A_432 = arith.constant 16 : i32
      %mul3A_433 = arith.muli %and3A_431, %mul3A_432 : i32
      %mul3A_434 = arith.mulf %gather3A_422, %get3A_225 : vector<16xf32>
      %add3A_435 = arith.addf %mul3A_434, %gather3A_423 : vector<16xf32>
      %swap3A_436 = arith.index_cast %shift_right_arithmetic3A_429 : i32 to index
      %swap3A_437 = arith.index_cast %mul3A_433 : i32 to index
      %swap3A_438 = tpu.vector_load %arg15[%swap3A_436, %swap3A_437] {strides = array<i32>} : memref<64x128xf32, #tpu.memory_space<vmem>>, vector<16xf32>,
      tpu.vector_store %arg15[%swap3A_436, %swap3A_437], %add3A_435 {strides = array<i32>} : memref<64x128xf32, #tpu.memory_space<vmem>>, vector<16xf32>,
      %mul3A_439 = arith.mulf %gather3A_427, %gather3A_422 : vector<16xf32>
      %swap3A_440 = arith.index_cast %shift_right_arithmetic3A_429 : i32 to index
      %swap3A_441 = arith.index_cast %mul3A_433 : i32 to index
      %swap3A_442 = tpu.vector_load %arg16[%swap3A_440, %swap3A_441] {strides = array<i32>} : memref<64x128xf32, #tpu.memory_space<vmem>>, vector<16xf32>,
      tpu.vector_store %arg16[%swap3A_440, %swap3A_441], %mul3A_439 {strides = array<i32>} : memref<64x128xf32, #tpu.memory_space<vmem>>, vector<16xf32>,
      %mul3A_443 = arith.constant 16 : i32
      %mul3A_444 = arith.muli %scan3A_325, %mul3A_443 : i32
      %add3A_445 = arith.constant 4 : i32
      %add3A_446 = arith.addi %mul3A_444, %add3A_445 : i32
      %add3A_447 = arith.constant 128 : i32
      %add3A_448 = arith.addi %add3A_447, %add3A_446 : i32
      %broadcast_in_dim3A_449 = vector.broadcast %add3A_448 : i32 to vector<16xi32>
      %broadcast_in_dim3A_450 = vector.broadcast %add3A_446 : i32 to vector<16xi32>
      %gather3A_451 = tpu.vector_load_idx %arg9[%broadcast_in_dim3A_449] : memref<512xi32, #tpu.memory_space<vmem>>[vector<16xi32>], vector<16xi32>,
      %gather3A_452 = tpu.vector_load_idx %arg11[%broadcast_in_dim3A_449] : memref<512xf32, #tpu.memory_space<vmem>>[vector<16xi32>], vector<16xf32>,
      %gather3A_453 = tpu.vector_load_idx %arg13[%broadcast_in_dim3A_450, %iota3A] : memref<128x16xf32, #tpu.memory_space<vmem>>[vector<16xi32>, vector<16xi32>], vector<16xf32>,
      %and3A_454 = arith.constant 127 : i32
      %and3A_455 = vector.broadcast %and3A_454 : i32 to vector<16xi32>
      %and3A_456 = arith.andi %gather3A_451, %and3A_455 : vector<16xi32>
      %gather3A_457 = tpu.vector_load_idx %arg14[%broadcast_in_dim3A_450, %and3A_456] : memref<128x128xf32, #tpu.memory_space<vmem>>[vector<16xi32>, vector<16xi32>], vector<16xf32>,
      %shift_right_arithmetic3A_458 = arith.constant 3 : i32
      %shift_right_arithmetic3A_459 = arith.shrsi %add3A_448, %shift_right_arithmetic3A_458 : i32
      %and3A_460 = arith.constant 7 : i32
      %and3A_461 = arith.andi %add3A_448, %and3A_460 : i32
      %mul3A_462 = arith.constant 16 : i32
      %mul3A_463 = arith.muli %and3A_461, %mul3A_462 : i32
      %mul3A_464 = arith.mulf %gather3A_452, %get3A_225 : vector<16xf32>
      %add3A_465 = arith.addf %mul3A_464, %gather3A_453 : vector<16xf32>
      %swap3A_466 = arith.index_cast %shift_right_arithmetic3A_459 : i32 to index
      %swap3A_467 = arith.index_cast %mul3A_463 : i32 to index
      %swap3A_468 = tpu.vector_load %arg15[%swap3A_466, %swap3A_467] {strides = array<i32>} : memref<64x128xf32, #tpu.memory_space<vmem>>, vector<16xf32>,
      tpu.vector_store %arg15[%swap3A_466, %swap3A_467], %add3A_465 {strides = array<i32>} : memref<64x128xf32, #tpu.memory_space<vmem>>, vector<16xf32>,
      %mul3A_469 = arith.mulf %gather3A_457, %gather3A_452 : vector<16xf32>
      %swap3A_470 = arith.index_cast %shift_right_arithmetic3A_459 : i32 to index
      %swap3A_471 = arith.index_cast %mul3A_463 : i32 to index
      %swap3A_472 = tpu.vector_load %arg16[%swap3A_470, %swap3A_471] {strides = array<i32>} : memref<64x128xf32, #tpu.memory_space<vmem>>, vector<16xf32>,
      tpu.vector_store %arg16[%swap3A_470, %swap3A_471], %mul3A_469 {strides = array<i32>} : memref<64x128xf32, #tpu.memory_space<vmem>>, vector<16xf32>,
      %mul3A_473 = arith.constant 16 : i32
      %mul3A_474 = arith.muli %scan3A_325, %mul3A_473 : i32
      %add3A_475 = arith.constant 5 : i32
      %add3A_476 = arith.addi %mul3A_474, %add3A_475 : i32
      %add3A_477 = arith.constant 128 : i32
      %add3A_478 = arith.addi %add3A_477, %add3A_476 : i32
      %broadcast_in_dim3A_479 = vector.broadcast %add3A_478 : i32 to vector<16xi32>
      %broadcast_in_dim3A_480 = vector.broadcast %add3A_476 : i32 to vector<16xi32>
      %gather3A_481 = tpu.vector_load_idx %arg9[%broadcast_in_dim3A_479] : memref<512xi32, #tpu.memory_space<vmem>>[vector<16xi32>], vector<16xi32>,
      %gather3A_482 = tpu.vector_load_idx %arg11[%broadcast_in_dim3A_479] : memref<512xf32, #tpu.memory_space<vmem>>[vector<16xi32>], vector<16xf32>,
      %gather3A_483 = tpu.vector_load_idx %arg13[%broadcast_in_dim3A_480, %iota3A] : memref<128x16xf32, #tpu.memory_space<vmem>>[vector<16xi32>, vector<16xi32>], vector<16xf32>,
      %and3A_484 = arith.constant 127 : i32
      %and3A_485 = vector.broadcast %and3A_484 : i32 to vector<16xi32>
      %and3A_486 = arith.andi %gather3A_481, %and3A_485 : vector<16xi32>
      %gather3A_487 = tpu.vector_load_idx %arg14[%broadcast_in_dim3A_480, %and3A_486] : memref<128x128xf32, #tpu.memory_space<vmem>>[vector<16xi32>, vector<16xi32>], vector<16xf32>,
      %shift_right_arithmetic3A_488 = arith.constant 3 : i32
      %shift_right_arithmetic3A_489 = arith.shrsi %add3A_478, %shift_right_arithmetic3A_488 : i32
      %and3A_490 = arith.constant 7 : i32
      %and3A_491 = arith.andi %add3A_478, %and3A_490 : i32
      %mul3A_492 = arith.constant 16 : i32
      %mul3A_493 = arith.muli %and3A_491, %mul3A_492 : i32
      %mul3A_494 = arith.mulf %gather3A_482, %get3A_225 : vector<16xf32>
      %add3A_495 = arith.addf %mul3A_494, %gather3A_483 : vector<16xf32>
      %swap3A_496 = arith.index_cast %shift_right_arithmetic3A_489 : i32 to index
      %swap3A_497 = arith.index_cast %mul3A_493 : i32 to index
      %swap3A_498 = tpu.vector_load %arg15[%swap3A_496, %swap3A_497] {strides = array<i32>} : memref<64x128xf32, #tpu.memory_space<vmem>>, vector<16xf32>,
      tpu.vector_store %arg15[%swap3A_496, %swap3A_497], %add3A_495 {strides = array<i32>} : memref<64x128xf32, #tpu.memory_space<vmem>>, vector<16xf32>,
      %mul3A_499 = arith.mulf %gather3A_487, %gather3A_482 : vector<16xf32>
      %swap3A_500 = arith.index_cast %shift_right_arithmetic3A_489 : i32 to index
      %swap3A_501 = arith.index_cast %mul3A_493 : i32 to index
      %swap3A_502 = tpu.vector_load %arg16[%swap3A_500, %swap3A_501] {strides = array<i32>} : memref<64x128xf32, #tpu.memory_space<vmem>>, vector<16xf32>,
      tpu.vector_store %arg16[%swap3A_500, %swap3A_501], %mul3A_499 {strides = array<i32>} : memref<64x128xf32, #tpu.memory_space<vmem>>, vector<16xf32>,
      %mul3A_503 = arith.constant 16 : i32
      %mul3A_504 = arith.muli %scan3A_325, %mul3A_503 : i32
      %add3A_505 = arith.constant 6 : i32
      %add3A_506 = arith.addi %mul3A_504, %add3A_505 : i32
      %add3A_507 = arith.constant 128 : i32
      %add3A_508 = arith.addi %add3A_507, %add3A_506 : i32
      %broadcast_in_dim3A_509 = vector.broadcast %add3A_508 : i32 to vector<16xi32>
      %broadcast_in_dim3A_510 = vector.broadcast %add3A_506 : i32 to vector<16xi32>
      %gather3A_511 = tpu.vector_load_idx %arg9[%broadcast_in_dim3A_509] : memref<512xi32, #tpu.memory_space<vmem>>[vector<16xi32>], vector<16xi32>,
      %gather3A_512 = tpu.vector_load_idx %arg11[%broadcast_in_dim3A_509] : memref<512xf32, #tpu.memory_space<vmem>>[vector<16xi32>], vector<16xf32>,
      %gather3A_513 = tpu.vector_load_idx %arg13[%broadcast_in_dim3A_510, %iota3A] : memref<128x16xf32, #tpu.memory_space<vmem>>[vector<16xi32>, vector<16xi32>], vector<16xf32>,
      %and3A_514 = arith.constant 127 : i32
      %and3A_515 = vector.broadcast %and3A_514 : i32 to vector<16xi32>
      %and3A_516 = arith.andi %gather3A_511, %and3A_515 : vector<16xi32>
      %gather3A_517 = tpu.vector_load_idx %arg14[%broadcast_in_dim3A_510, %and3A_516] : memref<128x128xf32, #tpu.memory_space<vmem>>[vector<16xi32>, vector<16xi32>], vector<16xf32>,
      %shift_right_arithmetic3A_518 = arith.constant 3 : i32
      %shift_right_arithmetic3A_519 = arith.shrsi %add3A_508, %shift_right_arithmetic3A_518 : i32
      %and3A_520 = arith.constant 7 : i32
      %and3A_521 = arith.andi %add3A_508, %and3A_520 : i32
      %mul3A_522 = arith.constant 16 : i32
      %mul3A_523 = arith.muli %and3A_521, %mul3A_522 : i32
      %mul3A_524 = arith.mulf %gather3A_512, %get3A_225 : vector<16xf32>
      %add3A_525 = arith.addf %mul3A_524, %gather3A_513 : vector<16xf32>
      %swap3A_526 = arith.index_cast %shift_right_arithmetic3A_519 : i32 to index
      %swap3A_527 = arith.index_cast %mul3A_523 : i32 to index
      %swap3A_528 = tpu.vector_load %arg15[%swap3A_526, %swap3A_527] {strides = array<i32>} : memref<64x128xf32, #tpu.memory_space<vmem>>, vector<16xf32>,
      tpu.vector_store %arg15[%swap3A_526, %swap3A_527], %add3A_525 {strides = array<i32>} : memref<64x128xf32, #tpu.memory_space<vmem>>, vector<16xf32>,
      %mul3A_529 = arith.mulf %gather3A_517, %gather3A_512 : vector<16xf32>
      %swap3A_530 = arith.index_cast %shift_right_arithmetic3A_519 : i32 to index
      %swap3A_531 = arith.index_cast %mul3A_523 : i32 to index
      %swap3A_532 = tpu.vector_load %arg16[%swap3A_530, %swap3A_531] {strides = array<i32>} : memref<64x128xf32, #tpu.memory_space<vmem>>, vector<16xf32>,
      tpu.vector_store %arg16[%swap3A_530, %swap3A_531], %mul3A_529 {strides = array<i32>} : memref<64x128xf32, #tpu.memory_space<vmem>>, vector<16xf32>,
      %mul3A_533 = arith.constant 16 : i32
      %mul3A_534 = arith.muli %scan3A_325, %mul3A_533 : i32
      %add3A_535 = arith.constant 7 : i32
      %add3A_536 = arith.addi %mul3A_534, %add3A_535 : i32
      %add3A_537 = arith.constant 128 : i32
      %add3A_538 = arith.addi %add3A_537, %add3A_536 : i32
      %broadcast_in_dim3A_539 = vector.broadcast %add3A_538 : i32 to vector<16xi32>
      %broadcast_in_dim3A_540 = vector.broadcast %add3A_536 : i32 to vector<16xi32>
      %gather3A_541 = tpu.vector_load_idx %arg9[%broadcast_in_dim3A_539] : memref<512xi32, #tpu.memory_space<vmem>>[vector<16xi32>], vector<16xi32>,
      %gather3A_542 = tpu.vector_load_idx %arg11[%broadcast_in_dim3A_539] : memref<512xf32, #tpu.memory_space<vmem>>[vector<16xi32>], vector<16xf32>,
      %gather3A_543 = tpu.vector_load_idx %arg13[%broadcast_in_dim3A_540, %iota3A] : memref<128x16xf32, #tpu.memory_space<vmem>>[vector<16xi32>, vector<16xi32>], vector<16xf32>,
      %and3A_544 = arith.constant 127 : i32
      %and3A_545 = vector.broadcast %and3A_544 : i32 to vector<16xi32>
      %and3A_546 = arith.andi %gather3A_541, %and3A_545 : vector<16xi32>
      %gather3A_547 = tpu.vector_load_idx %arg14[%broadcast_in_dim3A_540, %and3A_546] : memref<128x128xf32, #tpu.memory_space<vmem>>[vector<16xi32>, vector<16xi32>], vector<16xf32>,
      %shift_right_arithmetic3A_548 = arith.constant 3 : i32
      %shift_right_arithmetic3A_549 = arith.shrsi %add3A_538, %shift_right_arithmetic3A_548 : i32
      %and3A_550 = arith.constant 7 : i32
      %and3A_551 = arith.andi %add3A_538, %and3A_550 : i32
      %mul3A_552 = arith.constant 16 : i32
      %mul3A_553 = arith.muli %and3A_551, %mul3A_552 : i32
      %mul3A_554 = arith.mulf %gather3A_542, %get3A_225 : vector<16xf32>
      %add3A_555 = arith.addf %mul3A_554, %gather3A_543 : vector<16xf32>
      %swap3A_556 = arith.index_cast %shift_right_arithmetic3A_549 : i32 to index
      %swap3A_557 = arith.index_cast %mul3A_553 : i32 to index
      %swap3A_558 = tpu.vector_load %arg15[%swap3A_556, %swap3A_557] {strides = array<i32>} : memref<64x128xf32, #tpu.memory_space<vmem>>, vector<16xf32>,
      tpu.vector_store %arg15[%swap3A_556, %swap3A_557], %add3A_555 {strides = array<i32>} : memref<64x128xf32, #tpu.memory_space<vmem>>, vector<16xf32>,
      %mul3A_559 = arith.mulf %gather3A_547, %gather3A_542 : vector<16xf32>
      %swap3A_560 = arith.index_cast %shift_right_arithmetic3A_549 : i32 to index
      %swap3A_561 = arith.index_cast %mul3A_553 : i32 to index
      %swap3A_562 = tpu.vector_load %arg16[%swap3A_560, %swap3A_561] {strides = array<i32>} : memref<64x128xf32, #tpu.memory_space<vmem>>, vector<16xf32>,
      tpu.vector_store %arg16[%swap3A_560, %swap3A_561], %mul3A_559 {strides = array<i32>} : memref<64x128xf32, #tpu.memory_space<vmem>>, vector<16xf32>,
      %mul3A_563 = arith.constant 16 : i32
      %mul3A_564 = arith.muli %scan3A_325, %mul3A_563 : i32
      %add3A_565 = arith.constant 8 : i32
      %add3A_566 = arith.addi %mul3A_564, %add3A_565 : i32
      %add3A_567 = arith.constant 128 : i32
      %add3A_568 = arith.addi %add3A_567, %add3A_566 : i32
      %broadcast_in_dim3A_569 = vector.broadcast %add3A_568 : i32 to vector<16xi32>
      %broadcast_in_dim3A_570 = vector.broadcast %add3A_566 : i32 to vector<16xi32>
      %gather3A_571 = tpu.vector_load_idx %arg9[%broadcast_in_dim3A_569] : memref<512xi32, #tpu.memory_space<vmem>>[vector<16xi32>], vector<16xi32>,
      %gather3A_572 = tpu.vector_load_idx %arg11[%broadcast_in_dim3A_569] : memref<512xf32, #tpu.memory_space<vmem>>[vector<16xi32>], vector<16xf32>,
      %gather3A_573 = tpu.vector_load_idx %arg13[%broadcast_in_dim3A_570, %iota3A] : memref<128x16xf32, #tpu.memory_space<vmem>>[vector<16xi32>, vector<16xi32>], vector<16xf32>,
      %and3A_574 = arith.constant 127 : i32
      %and3A_575 = vector.broadcast %and3A_574 : i32 to vector<16xi32>
      %and3A_576 = arith.andi %gather3A_571, %and3A_575 : vector<16xi32>
      %gather3A_577 = tpu.vector_load_idx %arg14[%broadcast_in_dim3A_570, %and3A_576] : memref<128x128xf32, #tpu.memory_space<vmem>>[vector<16xi32>, vector<16xi32>], vector<16xf32>,
      %shift_right_arithmetic3A_578 = arith.constant 3 : i32
      %shift_right_arithmetic3A_579 = arith.shrsi %add3A_568, %shift_right_arithmetic3A_578 : i32
      %and3A_580 = arith.constant 7 : i32
      %and3A_581 = arith.andi %add3A_568, %and3A_580 : i32
      %mul3A_582 = arith.constant 16 : i32
      %mul3A_583 = arith.muli %and3A_581, %mul3A_582 : i32
      %mul3A_584 = arith.mulf %gather3A_572, %get3A_225 : vector<16xf32>
      %add3A_585 = arith.addf %mul3A_584, %gather3A_573 : vector<16xf32>
      %swap3A_586 = arith.index_cast %shift_right_arithmetic3A_579 : i32 to index
      %swap3A_587 = arith.index_cast %mul3A_583 : i32 to index
      %swap3A_588 = tpu.vector_load %arg15[%swap3A_586, %swap3A_587] {strides = array<i32>} : memref<64x128xf32, #tpu.memory_space<vmem>>, vector<16xf32>,
      tpu.vector_store %arg15[%swap3A_586, %swap3A_587], %add3A_585 {strides = array<i32>} : memref<64x128xf32, #tpu.memory_space<vmem>>, vector<16xf32>,
      %mul3A_589 = arith.mulf %gather3A_577, %gather3A_572 : vector<16xf32>
      %swap3A_590 = arith.index_cast %shift_right_arithmetic3A_579 : i32 to index
      %swap3A_591 = arith.index_cast %mul3A_583 : i32 to index
      %swap3A_592 = tpu.vector_load %arg16[%swap3A_590, %swap3A_591] {strides = array<i32>} : memref<64x128xf32, #tpu.memory_space<vmem>>, vector<16xf32>,
      tpu.vector_store %arg16[%swap3A_590, %swap3A_591], %mul3A_589 {strides = array<i32>} : memref<64x128xf32, #tpu.memory_space<vmem>>, vector<16xf32>,
      %mul3A_593 = arith.constant 16 : i32
      %mul3A_594 = arith.muli %scan3A_325, %mul3A_593 : i32
      %add3A_595 = arith.constant 9 : i32
      %add3A_596 = arith.addi %mul3A_594, %add3A_595 : i32
      %add3A_597 = arith.constant 128 : i32
      %add3A_598 = arith.addi %add3A_597, %add3A_596 : i32
      %broadcast_in_dim3A_599 = vector.broadcast %add3A_598 : i32 to vector<16xi32>
      %broadcast_in_dim3A_600 = vector.broadcast %add3A_596 : i32 to vector<16xi32>
      %gather3A_601 = tpu.vector_load_idx %arg9[%broadcast_in_dim3A_599] : memref<512xi32, #tpu.memory_space<vmem>>[vector<16xi32>], vector<16xi32>,
      %gather3A_602 = tpu.vector_load_idx %arg11[%broadcast_in_dim3A_599] : memref<512xf32, #tpu.memory_space<vmem>>[vector<16xi32>], vector<16xf32>,
      %gather3A_603 = tpu.vector_load_idx %arg13[%broadcast_in_dim3A_600, %iota3A] : memref<128x16xf32, #tpu.memory_space<vmem>>[vector<16xi32>, vector<16xi32>], vector<16xf32>,
      %and3A_604 = arith.constant 127 : i32
      %and3A_605 = vector.broadcast %and3A_604 : i32 to vector<16xi32>
      %and3A_606 = arith.andi %gather3A_601, %and3A_605 : vector<16xi32>
      %gather3A_607 = tpu.vector_load_idx %arg14[%broadcast_in_dim3A_600, %and3A_606] : memref<128x128xf32, #tpu.memory_space<vmem>>[vector<16xi32>, vector<16xi32>], vector<16xf32>,
      %shift_right_arithmetic3A_608 = arith.constant 3 : i32
      %shift_right_arithmetic3A_609 = arith.shrsi %add3A_598, %shift_right_arithmetic3A_608 : i32
      %and3A_610 = arith.constant 7 : i32
      %and3A_611 = arith.andi %add3A_598, %and3A_610 : i32
      %mul3A_612 = arith.constant 16 : i32
      %mul3A_613 = arith.muli %and3A_611, %mul3A_612 : i32
      %mul3A_614 = arith.mulf %gather3A_602, %get3A_225 : vector<16xf32>
      %add3A_615 = arith.addf %mul3A_614, %gather3A_603 : vector<16xf32>
      %swap3A_616 = arith.index_cast %shift_right_arithmetic3A_609 : i32 to index
      %swap3A_617 = arith.index_cast %mul3A_613 : i32 to index
      %swap3A_618 = tpu.vector_load %arg15[%swap3A_616, %swap3A_617] {strides = array<i32>} : memref<64x128xf32, #tpu.memory_space<vmem>>, vector<16xf32>,
      tpu.vector_store %arg15[%swap3A_616, %swap3A_617], %add3A_615 {strides = array<i32>} : memref<64x128xf32, #tpu.memory_space<vmem>>, vector<16xf32>,
      %mul3A_619 = arith.mulf %gather3A_607, %gather3A_602 : vector<16xf32>
      %swap3A_620 = arith.index_cast %shift_right_arithmetic3A_609 : i32 to index
      %swap3A_621 = arith.index_cast %mul3A_613 : i32 to index
      %swap3A_622 = tpu.vector_load %arg16[%swap3A_620, %swap3A_621] {strides = array<i32>} : memref<64x128xf32, #tpu.memory_space<vmem>>, vector<16xf32>,
      tpu.vector_store %arg16[%swap3A_620, %swap3A_621], %mul3A_619 {strides = array<i32>} : memref<64x128xf32, #tpu.memory_space<vmem>>, vector<16xf32>,
      %mul3A_623 = arith.constant 16 : i32
      %mul3A_624 = arith.muli %scan3A_325, %mul3A_623 : i32
      %add3A_625 = arith.constant 10 : i32
      %add3A_626 = arith.addi %mul3A_624, %add3A_625 : i32
      %add3A_627 = arith.constant 128 : i32
      %add3A_628 = arith.addi %add3A_627, %add3A_626 : i32
      %broadcast_in_dim3A_629 = vector.broadcast %add3A_628 : i32 to vector<16xi32>
      %broadcast_in_dim3A_630 = vector.broadcast %add3A_626 : i32 to vector<16xi32>
      %gather3A_631 = tpu.vector_load_idx %arg9[%broadcast_in_dim3A_629] : memref<512xi32, #tpu.memory_space<vmem>>[vector<16xi32>], vector<16xi32>,
      %gather3A_632 = tpu.vector_load_idx %arg11[%broadcast_in_dim3A_629] : memref<512xf32, #tpu.memory_space<vmem>>[vector<16xi32>], vector<16xf32>,
      %gather3A_633 = tpu.vector_load_idx %arg13[%broadcast_in_dim3A_630, %iota3A] : memref<128x16xf32, #tpu.memory_space<vmem>>[vector<16xi32>, vector<16xi32>], vector<16xf32>,
      %and3A_634 = arith.constant 127 : i32
      %and3A_635 = vector.broadcast %and3A_634 : i32 to vector<16xi32>
      %and3A_636 = arith.andi %gather3A_631, %and3A_635 : vector<16xi32>
      %gather3A_637 = tpu.vector_load_idx %arg14[%broadcast_in_dim3A_630, %and3A_636] : memref<128x128xf32, #tpu.memory_space<vmem>>[vector<16xi32>, vector<16xi32>], vector<16xf32>,
      %shift_right_arithmetic3A_638 = arith.constant 3 : i32
      %shift_right_arithmetic3A_639 = arith.shrsi %add3A_628, %shift_right_arithmetic3A_638 : i32
      %and3A_640 = arith.constant 7 : i32
      %and3A_641 = arith.andi %add3A_628, %and3A_640 : i32
      %mul3A_642 = arith.constant 16 : i32
      %mul3A_643 = arith.muli %and3A_641, %mul3A_642 : i32
      %mul3A_644 = arith.mulf %gather3A_632, %get3A_225 : vector<16xf32>
      %add3A_645 = arith.addf %mul3A_644, %gather3A_633 : vector<16xf32>
      %swap3A_646 = arith.index_cast %shift_right_arithmetic3A_639 : i32 to index
      %swap3A_647 = arith.index_cast %mul3A_643 : i32 to index
      %swap3A_648 = tpu.vector_load %arg15[%swap3A_646, %swap3A_647] {strides = array<i32>} : memref<64x128xf32, #tpu.memory_space<vmem>>, vector<16xf32>,
      tpu.vector_store %arg15[%swap3A_646, %swap3A_647], %add3A_645 {strides = array<i32>} : memref<64x128xf32, #tpu.memory_space<vmem>>, vector<16xf32>,
      %mul3A_649 = arith.mulf %gather3A_637, %gather3A_632 : vector<16xf32>
      %swap3A_650 = arith.index_cast %shift_right_arithmetic3A_639 : i32 to index
      %swap3A_651 = arith.index_cast %mul3A_643 : i32 to index
      %swap3A_652 = tpu.vector_load %arg16[%swap3A_650, %swap3A_651] {strides = array<i32>} : memref<64x128xf32, #tpu.memory_space<vmem>>, vector<16xf32>,
      tpu.vector_store %arg16[%swap3A_650, %swap3A_651], %mul3A_649 {strides = array<i32>} : memref<64x128xf32, #tpu.memory_space<vmem>>, vector<16xf32>,
      %mul3A_653 = arith.constant 16 : i32
      %mul3A_654 = arith.muli %scan3A_325, %mul3A_653 : i32
      %add3A_655 = arith.constant 11 : i32
      %add3A_656 = arith.addi %mul3A_654, %add3A_655 : i32
      %add3A_657 = arith.constant 128 : i32
      %add3A_658 = arith.addi %add3A_657, %add3A_656 : i32
      %broadcast_in_dim3A_659 = vector.broadcast %add3A_658 : i32 to vector<16xi32>
      %broadcast_in_dim3A_660 = vector.broadcast %add3A_656 : i32 to vector<16xi32>
      %gather3A_661 = tpu.vector_load_idx %arg9[%broadcast_in_dim3A_659] : memref<512xi32, #tpu.memory_space<vmem>>[vector<16xi32>], vector<16xi32>,
      %gather3A_662 = tpu.vector_load_idx %arg11[%broadcast_in_dim3A_659] : memref<512xf32, #tpu.memory_space<vmem>>[vector<16xi32>], vector<16xf32>,
      %gather3A_663 = tpu.vector_load_idx %arg13[%broadcast_in_dim3A_660, %iota3A] : memref<128x16xf32, #tpu.memory_space<vmem>>[vector<16xi32>, vector<16xi32>], vector<16xf32>,
      %and3A_664 = arith.constant 127 : i32
      %and3A_665 = vector.broadcast %and3A_664 : i32 to vector<16xi32>
      %and3A_666 = arith.andi %gather3A_661, %and3A_665 : vector<16xi32>
      %gather3A_667 = tpu.vector_load_idx %arg14[%broadcast_in_dim3A_660, %and3A_666] : memref<128x128xf32, #tpu.memory_space<vmem>>[vector<16xi32>, vector<16xi32>], vector<16xf32>,
      %shift_right_arithmetic3A_668 = arith.constant 3 : i32
      %shift_right_arithmetic3A_669 = arith.shrsi %add3A_658, %shift_right_arithmetic3A_668 : i32
      %and3A_670 = arith.constant 7 : i32
      %and3A_671 = arith.andi %add3A_658, %and3A_670 : i32
      %mul3A_672 = arith.constant 16 : i32
      %mul3A_673 = arith.muli %and3A_671, %mul3A_672 : i32
      %mul3A_674 = arith.mulf %gather3A_662, %get3A_225 : vector<16xf32>
      %add3A_675 = arith.addf %mul3A_674, %gather3A_663 : vector<16xf32>
      %swap3A_676 = arith.index_cast %shift_right_arithmetic3A_669 : i32 to index
      %swap3A_677 = arith.index_cast %mul3A_673 : i32 to index
      %swap3A_678 = tpu.vector_load %arg15[%swap3A_676, %swap3A_677] {strides = array<i32>} : memref<64x128xf32, #tpu.memory_space<vmem>>, vector<16xf32>,
      tpu.vector_store %arg15[%swap3A_676, %swap3A_677], %add3A_675 {strides = array<i32>} : memref<64x128xf32, #tpu.memory_space<vmem>>, vector<16xf32>,
      %mul3A_679 = arith.mulf %gather3A_667, %gather3A_662 : vector<16xf32>
      %swap3A_680 = arith.index_cast %shift_right_arithmetic3A_669 : i32 to index
      %swap3A_681 = arith.index_cast %mul3A_673 : i32 to index
      %swap3A_682 = tpu.vector_load %arg16[%swap3A_680, %swap3A_681] {strides = array<i32>} : memref<64x128xf32, #tpu.memory_space<vmem>>, vector<16xf32>,
      tpu.vector_store %arg16[%swap3A_680, %swap3A_681], %mul3A_679 {strides = array<i32>} : memref<64x128xf32, #tpu.memory_space<vmem>>, vector<16xf32>,
      %mul3A_683 = arith.constant 16 : i32
      %mul3A_684 = arith.muli %scan3A_325, %mul3A_683 : i32
      %add3A_685 = arith.constant 12 : i32
      %add3A_686 = arith.addi %mul3A_684, %add3A_685 : i32
      %add3A_687 = arith.constant 128 : i32
      %add3A_688 = arith.addi %add3A_687, %add3A_686 : i32
      %broadcast_in_dim3A_689 = vector.broadcast %add3A_688 : i32 to vector<16xi32>
      %broadcast_in_dim3A_690 = vector.broadcast %add3A_686 : i32 to vector<16xi32>
      %gather3A_691 = tpu.vector_load_idx %arg9[%broadcast_in_dim3A_689] : memref<512xi32, #tpu.memory_space<vmem>>[vector<16xi32>], vector<16xi32>,
      %gather3A_692 = tpu.vector_load_idx %arg11[%broadcast_in_dim3A_689] : memref<512xf32, #tpu.memory_space<vmem>>[vector<16xi32>], vector<16xf32>,
      %gather3A_693 = tpu.vector_load_idx %arg13[%broadcast_in_dim3A_690, %iota3A] : memref<128x16xf32, #tpu.memory_space<vmem>>[vector<16xi32>, vector<16xi32>], vector<16xf32>,
      %and3A_694 = arith.constant 127 : i32
      %and3A_695 = vector.broadcast %and3A_694 : i32 to vector<16xi32>
      %and3A_696 = arith.andi %gather3A_691, %and3A_695 : vector<16xi32>
      %gather3A_697 = tpu.vector_load_idx %arg14[%broadcast_in_dim3A_690, %and3A_696] : memref<128x128xf32, #tpu.memory_space<vmem>>[vector<16xi32>, vector<16xi32>], vector<16xf32>,
      %shift_right_arithmetic3A_698 = arith.constant 3 : i32
      %shift_right_arithmetic3A_699 = arith.shrsi %add3A_688, %shift_right_arithmetic3A_698 : i32
      %and3A_700 = arith.constant 7 : i32
      %and3A_701 = arith.andi %add3A_688, %and3A_700 : i32
      %mul3A_702 = arith.constant 16 : i32
      %mul3A_703 = arith.muli %and3A_701, %mul3A_702 : i32
      %mul3A_704 = arith.mulf %gather3A_692, %get3A_225 : vector<16xf32>
      %add3A_705 = arith.addf %mul3A_704, %gather3A_693 : vector<16xf32>
      %swap3A_706 = arith.index_cast %shift_right_arithmetic3A_699 : i32 to index
      %swap3A_707 = arith.index_cast %mul3A_703 : i32 to index
      %swap3A_708 = tpu.vector_load %arg15[%swap3A_706, %swap3A_707] {strides = array<i32>} : memref<64x128xf32, #tpu.memory_space<vmem>>, vector<16xf32>,
      tpu.vector_store %arg15[%swap3A_706, %swap3A_707], %add3A_705 {strides = array<i32>} : memref<64x128xf32, #tpu.memory_space<vmem>>, vector<16xf32>,
      %mul3A_709 = arith.mulf %gather3A_697, %gather3A_692 : vector<16xf32>
      %swap3A_710 = arith.index_cast %shift_right_arithmetic3A_699 : i32 to index
      %swap3A_711 = arith.index_cast %mul3A_703 : i32 to index
      %swap3A_712 = tpu.vector_load %arg16[%swap3A_710, %swap3A_711] {strides = array<i32>} : memref<64x128xf32, #tpu.memory_space<vmem>>, vector<16xf32>,
      tpu.vector_store %arg16[%swap3A_710, %swap3A_711], %mul3A_709 {strides = array<i32>} : memref<64x128xf32, #tpu.memory_space<vmem>>, vector<16xf32>,
      %mul3A_713 = arith.constant 16 : i32
      %mul3A_714 = arith.muli %scan3A_325, %mul3A_713 : i32
      %add3A_715 = arith.constant 13 : i32
      %add3A_716 = arith.addi %mul3A_714, %add3A_715 : i32
      %add3A_717 = arith.constant 128 : i32
      %add3A_718 = arith.addi %add3A_717, %add3A_716 : i32
      %broadcast_in_dim3A_719 = vector.broadcast %add3A_718 : i32 to vector<16xi32>
      %broadcast_in_dim3A_720 = vector.broadcast %add3A_716 : i32 to vector<16xi32>
      %gather3A_721 = tpu.vector_load_idx %arg9[%broadcast_in_dim3A_719] : memref<512xi32, #tpu.memory_space<vmem>>[vector<16xi32>], vector<16xi32>,
      %gather3A_722 = tpu.vector_load_idx %arg11[%broadcast_in_dim3A_719] : memref<512xf32, #tpu.memory_space<vmem>>[vector<16xi32>], vector<16xf32>,
      %gather3A_723 = tpu.vector_load_idx %arg13[%broadcast_in_dim3A_720, %iota3A] : memref<128x16xf32, #tpu.memory_space<vmem>>[vector<16xi32>, vector<16xi32>], vector<16xf32>,
      %and3A_724 = arith.constant 127 : i32
      %and3A_725 = vector.broadcast %and3A_724 : i32 to vector<16xi32>
      %and3A_726 = arith.andi %gather3A_721, %and3A_725 : vector<16xi32>
      %gather3A_727 = tpu.vector_load_idx %arg14[%broadcast_in_dim3A_720, %and3A_726] : memref<128x128xf32, #tpu.memory_space<vmem>>[vector<16xi32>, vector<16xi32>], vector<16xf32>,
      %shift_right_arithmetic3A_728 = arith.constant 3 : i32
      %shift_right_arithmetic3A_729 = arith.shrsi %add3A_718, %shift_right_arithmetic3A_728 : i32
      %and3A_730 = arith.constant 7 : i32
      %and3A_731 = arith.andi %add3A_718, %and3A_730 : i32
      %mul3A_732 = arith.constant 16 : i32
      %mul3A_733 = arith.muli %and3A_731, %mul3A_732 : i32
      %mul3A_734 = arith.mulf %gather3A_722, %get3A_225 : vector<16xf32>
      %add3A_735 = arith.addf %mul3A_734, %gather3A_723 : vector<16xf32>
      %swap3A_736 = arith.index_cast %shift_right_arithmetic3A_729 : i32 to index
      %swap3A_737 = arith.index_cast %mul3A_733 : i32 to index
      %swap3A_738 = tpu.vector_load %arg15[%swap3A_736, %swap3A_737] {strides = array<i32>} : memref<64x128xf32, #tpu.memory_space<vmem>>, vector<16xf32>,
      tpu.vector_store %arg15[%swap3A_736, %swap3A_737], %add3A_735 {strides = array<i32>} : memref<64x128xf32, #tpu.memory_space<vmem>>, vector<16xf32>,
      %mul3A_739 = arith.mulf %gather3A_727, %gather3A_722 : vector<16xf32>
      %swap3A_740 = arith.index_cast %shift_right_arithmetic3A_729 : i32 to index
      %swap3A_741 = arith.index_cast %mul3A_733 : i32 to index
      %swap3A_742 = tpu.vector_load %arg16[%swap3A_740, %swap3A_741] {strides = array<i32>} : memref<64x128xf32, #tpu.memory_space<vmem>>, vector<16xf32>,
      tpu.vector_store %arg16[%swap3A_740, %swap3A_741], %mul3A_739 {strides = array<i32>} : memref<64x128xf32, #tpu.memory_space<vmem>>, vector<16xf32>,
      %mul3A_743 = arith.constant 16 : i32
      %mul3A_744 = arith.muli %scan3A_325, %mul3A_743 : i32
      %add3A_745 = arith.constant 14 : i32
      %add3A_746 = arith.addi %mul3A_744, %add3A_745 : i32
      %add3A_747 = arith.constant 128 : i32
      %add3A_748 = arith.addi %add3A_747, %add3A_746 : i32
      %broadcast_in_dim3A_749 = vector.broadcast %add3A_748 : i32 to vector<16xi32>
      %broadcast_in_dim3A_750 = vector.broadcast %add3A_746 : i32 to vector<16xi32>
      %gather3A_751 = tpu.vector_load_idx %arg9[%broadcast_in_dim3A_749] : memref<512xi32, #tpu.memory_space<vmem>>[vector<16xi32>], vector<16xi32>,
      %gather3A_752 = tpu.vector_load_idx %arg11[%broadcast_in_dim3A_749] : memref<512xf32, #tpu.memory_space<vmem>>[vector<16xi32>], vector<16xf32>,
      %gather3A_753 = tpu.vector_load_idx %arg13[%broadcast_in_dim3A_750, %iota3A] : memref<128x16xf32, #tpu.memory_space<vmem>>[vector<16xi32>, vector<16xi32>], vector<16xf32>,
      %and3A_754 = arith.constant 127 : i32
      %and3A_755 = vector.broadcast %and3A_754 : i32 to vector<16xi32>
      %and3A_756 = arith.andi %gather3A_751, %and3A_755 : vector<16xi32>
      %gather3A_757 = tpu.vector_load_idx %arg14[%broadcast_in_dim3A_750, %and3A_756] : memref<128x128xf32, #tpu.memory_space<vmem>>[vector<16xi32>, vector<16xi32>], vector<16xf32>,
      %shift_right_arithmetic3A_758 = arith.constant 3 : i32
      %shift_right_arithmetic3A_759 = arith.shrsi %add3A_748, %shift_right_arithmetic3A_758 : i32
      %and3A_760 = arith.constant 7 : i32
      %and3A_761 = arith.andi %add3A_748, %and3A_760 : i32
      %mul3A_762 = arith.constant 16 : i32
      %mul3A_763 = arith.muli %and3A_761, %mul3A_762 : i32
      %mul3A_764 = arith.mulf %gather3A_752, %get3A_225 : vector<16xf32>
      %add3A_765 = arith.addf %mul3A_764, %gather3A_753 : vector<16xf32>
      %swap3A_766 = arith.index_cast %shift_right_arithmetic3A_759 : i32 to index
      %swap3A_767 = arith.index_cast %mul3A_763 : i32 to index
      %swap3A_768 = tpu.vector_load %arg15[%swap3A_766, %swap3A_767] {strides = array<i32>} : memref<64x128xf32, #tpu.memory_space<vmem>>, vector<16xf32>,
      tpu.vector_store %arg15[%swap3A_766, %swap3A_767], %add3A_765 {strides = array<i32>} : memref<64x128xf32, #tpu.memory_space<vmem>>, vector<16xf32>,
      %mul3A_769 = arith.mulf %gather3A_757, %gather3A_752 : vector<16xf32>
      %swap3A_770 = arith.index_cast %shift_right_arithmetic3A_759 : i32 to index
      %swap3A_771 = arith.index_cast %mul3A_763 : i32 to index
      %swap3A_772 = tpu.vector_load %arg16[%swap3A_770, %swap3A_771] {strides = array<i32>} : memref<64x128xf32, #tpu.memory_space<vmem>>, vector<16xf32>,
      tpu.vector_store %arg16[%swap3A_770, %swap3A_771], %mul3A_769 {strides = array<i32>} : memref<64x128xf32, #tpu.memory_space<vmem>>, vector<16xf32>,
      %mul3A_773 = arith.constant 16 : i32
      %mul3A_774 = arith.muli %scan3A_325, %mul3A_773 : i32
      %add3A_775 = arith.constant 15 : i32
      %add3A_776 = arith.addi %mul3A_774, %add3A_775 : i32
      %add3A_777 = arith.constant 128 : i32
      %add3A_778 = arith.addi %add3A_777, %add3A_776 : i32
      %broadcast_in_dim3A_779 = vector.broadcast %add3A_778 : i32 to vector<16xi32>
      %broadcast_in_dim3A_780 = vector.broadcast %add3A_776 : i32 to vector<16xi32>
      %gather3A_781 = tpu.vector_load_idx %arg9[%broadcast_in_dim3A_779] : memref<512xi32, #tpu.memory_space<vmem>>[vector<16xi32>], vector<16xi32>,
      %gather3A_782 = tpu.vector_load_idx %arg11[%broadcast_in_dim3A_779] : memref<512xf32, #tpu.memory_space<vmem>>[vector<16xi32>], vector<16xf32>,
      %gather3A_783 = tpu.vector_load_idx %arg13[%broadcast_in_dim3A_780, %iota3A] : memref<128x16xf32, #tpu.memory_space<vmem>>[vector<16xi32>, vector<16xi32>], vector<16xf32>,
      %and3A_784 = arith.constant 127 : i32
      %and3A_785 = vector.broadcast %and3A_784 : i32 to vector<16xi32>
      %and3A_786 = arith.andi %gather3A_781, %and3A_785 : vector<16xi32>
      %gather3A_787 = tpu.vector_load_idx %arg14[%broadcast_in_dim3A_780, %and3A_786] : memref<128x128xf32, #tpu.memory_space<vmem>>[vector<16xi32>, vector<16xi32>], vector<16xf32>,
      %shift_right_arithmetic3A_788 = arith.constant 3 : i32
      %shift_right_arithmetic3A_789 = arith.shrsi %add3A_778, %shift_right_arithmetic3A_788 : i32
      %and3A_790 = arith.constant 7 : i32
      %and3A_791 = arith.andi %add3A_778, %and3A_790 : i32
      %mul3A_792 = arith.constant 16 : i32
      %mul3A_793 = arith.muli %and3A_791, %mul3A_792 : i32
      %mul3A_794 = arith.mulf %gather3A_782, %get3A_225 : vector<16xf32>
      %add3A_795 = arith.addf %mul3A_794, %gather3A_783 : vector<16xf32>
      %swap3A_796 = arith.index_cast %shift_right_arithmetic3A_789 : i32 to index
      %swap3A_797 = arith.index_cast %mul3A_793 : i32 to index
      %swap3A_798 = tpu.vector_load %arg15[%swap3A_796, %swap3A_797] {strides = array<i32>} : memref<64x128xf32, #tpu.memory_space<vmem>>, vector<16xf32>,
      tpu.vector_store %arg15[%swap3A_796, %swap3A_797], %add3A_795 {strides = array<i32>} : memref<64x128xf32, #tpu.memory_space<vmem>>, vector<16xf32>,
      %mul3A_799 = arith.mulf %gather3A_787, %gather3A_782 : vector<16xf32>
      %swap3A_800 = arith.index_cast %shift_right_arithmetic3A_789 : i32 to index
      %swap3A_801 = arith.index_cast %mul3A_793 : i32 to index
      %swap3A_802 = tpu.vector_load %arg16[%swap3A_800, %swap3A_801] {strides = array<i32>} : memref<64x128xf32, #tpu.memory_space<vmem>>, vector<16xf32>,
      tpu.vector_store %arg16[%swap3A_800, %swap3A_801], %mul3A_799 {strides = array<i32>} : memref<64x128xf32, #tpu.memory_space<vmem>>, vector<16xf32>,
    }
    %scan3A_272 = arith.constant 8 : i32
    %dma_start3A_273 = arith.constant 256 : i32
    %dma_start3A_274 = tpu.memref_slice %arg9[%dma_start3A_273] : memref<512xi32, #tpu.memory_space<vmem>> -> memref<128xi32, #tpu.memory_space<vmem>>
    %dma_start3A_275 = arith.constant 0 : i32
    %dma_start3A_276 = arith.constant 0 : i32
    %dma_start3A_277 = tpu.memref_slice %arg6[%dma_start3A_275, %dma_start3A_276] : memref<100000x16xf32, #tpu.memory_space<hbm>> -> memref<100000x16xf32, #tpu.memory_space<hbm>>
    tpu.enqueue_indirect_dma source(%dma_start3A_277 : memref<100000x16xf32, #tpu.memory_space<hbm>>) target(%arg13 : memref<128x16xf32, #tpu.memory_space<vmem>>) offsets(%dma_start3A_274 : memref<128xi32, #tpu.memory_space<vmem>>) semaphore(%arg17 : memref<!tpu.dma_semaphore, #tpu.memory_space<semaphore_mem>>)
    %dma_start3A_278 = arith.constant 256 : i32
    %dma_start3A_279 = tpu.memref_slice %arg10[%dma_start3A_278] : memref<512xi32, #tpu.memory_space<vmem>> -> memref<128xi32, #tpu.memory_space<vmem>>
    %dma_start3A_280 = arith.constant 0 : i32
    %dma_start3A_281 = arith.constant 0 : i32
    %dma_start3A_282 = tpu.memref_slice %arg5[%dma_start3A_280, %dma_start3A_281] : memref<782x128xf32, #tpu.memory_space<hbm>> -> memref<782x128xf32, #tpu.memory_space<hbm>>
    tpu.enqueue_indirect_dma source(%dma_start3A_282 : memref<782x128xf32, #tpu.memory_space<hbm>>) target(%arg14 : memref<128x128xf32, #tpu.memory_space<vmem>>) offsets(%dma_start3A_279 : memref<128xi32, #tpu.memory_space<vmem>>) semaphore(%arg17 : memref<!tpu.dma_semaphore, #tpu.memory_space<semaphore_mem>>)
    %dma_wait3A_283 = arith.constant 256 : i32
    %dma_wait3A_284 = tpu.memref_slice %arg9[%dma_wait3A_283] : memref<512xi32, #tpu.memory_space<vmem>> -> memref<128xi32, #tpu.memory_space<vmem>>
    %dma_wait3A_285 = arith.constant 0 : i32
    %dma_wait3A_286 = arith.constant 0 : i32
    %dma_wait3A_287 = tpu.memref_slice %arg6[%dma_wait3A_285, %dma_wait3A_286] : memref<100000x16xf32, #tpu.memory_space<hbm>> -> memref<100000x16xf32, #tpu.memory_space<hbm>>
    tpu.wait_indirect_dma semaphore(%arg17 : memref<!tpu.dma_semaphore, #tpu.memory_space<semaphore_mem>>) src(%dma_wait3A_287 : memref<100000x16xf32, #tpu.memory_space<hbm>>) dst(%arg13 : memref<128x16xf32, #tpu.memory_space<vmem>>)
    %dma_wait3A_288 = arith.constant 256 : i32
    %dma_wait3A_289 = tpu.memref_slice %arg10[%dma_wait3A_288] : memref<512xi32, #tpu.memory_space<vmem>> -> memref<128xi32, #tpu.memory_space<vmem>>
    %dma_wait3A_290 = arith.constant 0 : i32
    %dma_wait3A_291 = arith.constant 0 : i32
    %dma_wait3A_292 = tpu.memref_slice %arg5[%dma_wait3A_290, %dma_wait3A_291] : memref<782x128xf32, #tpu.memory_space<hbm>> -> memref<782x128xf32, #tpu.memory_space<hbm>>
    tpu.wait_indirect_dma semaphore(%arg17 : memref<!tpu.dma_semaphore, #tpu.memory_space<semaphore_mem>>) src(%dma_wait3A_292 : memref<782x128xf32, #tpu.memory_space<hbm>>) dst(%arg14 : memref<128x128xf32, #tpu.memory_space<vmem>>)
    %scan3A_293 = arith.constant 0 : i32
    %scan3A_294 = arith.constant 8 : i32
    %scan3A_295 = arith.addi %scan3A_293, %scan3A_294 : i32
    %scan3A_296 = arith.constant 1 : i32
    scf.for %scan3A_325 = %scan3A_293 to %scan3A_295 step %scan3A_296  : i32 {
      %mul3A_326 = arith.constant 16 : i32
      %mul3A_327 = arith.muli %scan3A_325, %mul3A_326 : i32
      %add3A_328 = arith.constant 0 : i32
      %add3A_329 = arith.addi %mul3A_327, %add3A_328 : i32
      %add3A_330 = arith.constant 256 : i32
      %add3A_331 = arith.addi %add3A_330, %add3A_329 : i32
      %broadcast_in_dim3A = vector.broadcast %add3A_331 : i32 to vector<16xi32>
      %broadcast_in_dim3A_332 = vector.broadcast %add3A_329 : i32 to vector<16xi32>
      %gather3A = tpu.vector_load_idx %arg9[%broadcast_in_dim3A] : memref<512xi32, #tpu.memory_space<vmem>>[vector<16xi32>], vector<16xi32>,
      %gather3A_333 = tpu.vector_load_idx %arg11[%broadcast_in_dim3A] : memref<512xf32, #tpu.memory_space<vmem>>[vector<16xi32>], vector<16xf32>,
      %gather3A_334 = tpu.vector_load_idx %arg13[%broadcast_in_dim3A_332, %iota3A] : memref<128x16xf32, #tpu.memory_space<vmem>>[vector<16xi32>, vector<16xi32>], vector<16xf32>,
      %and3A = arith.constant 127 : i32
      %and3A_335 = vector.broadcast %and3A : i32 to vector<16xi32>
      %and3A_336 = arith.andi %gather3A, %and3A_335 : vector<16xi32>
      %gather3A_337 = tpu.vector_load_idx %arg14[%broadcast_in_dim3A_332, %and3A_336] : memref<128x128xf32, #tpu.memory_space<vmem>>[vector<16xi32>, vector<16xi32>], vector<16xf32>,
      %shift_right_arithmetic3A_338 = arith.constant 3 : i32
      %shift_right_arithmetic3A_339 = arith.shrsi %add3A_331, %shift_right_arithmetic3A_338 : i32
      %and3A_340 = arith.constant 7 : i32
      %and3A_341 = arith.andi %add3A_331, %and3A_340 : i32
      %mul3A_342 = arith.constant 16 : i32
      %mul3A_343 = arith.muli %and3A_341, %mul3A_342 : i32
      %mul3A_344 = arith.mulf %gather3A_333, %get3A_225 : vector<16xf32>
      %add3A_345 = arith.addf %mul3A_344, %gather3A_334 : vector<16xf32>
      %swap3A_346 = arith.index_cast %shift_right_arithmetic3A_339 : i32 to index
      %swap3A_347 = arith.index_cast %mul3A_343 : i32 to index
      %swap3A_348 = tpu.vector_load %arg15[%swap3A_346, %swap3A_347] {strides = array<i32>} : memref<64x128xf32, #tpu.memory_space<vmem>>, vector<16xf32>,
      tpu.vector_store %arg15[%swap3A_346, %swap3A_347], %add3A_345 {strides = array<i32>} : memref<64x128xf32, #tpu.memory_space<vmem>>, vector<16xf32>,
      %mul3A_349 = arith.mulf %gather3A_337, %gather3A_333 : vector<16xf32>
      %swap3A_350 = arith.index_cast %shift_right_arithmetic3A_339 : i32 to index
      %swap3A_351 = arith.index_cast %mul3A_343 : i32 to index
      %swap3A_352 = tpu.vector_load %arg16[%swap3A_350, %swap3A_351] {strides = array<i32>} : memref<64x128xf32, #tpu.memory_space<vmem>>, vector<16xf32>,
      tpu.vector_store %arg16[%swap3A_350, %swap3A_351], %mul3A_349 {strides = array<i32>} : memref<64x128xf32, #tpu.memory_space<vmem>>, vector<16xf32>,
      %mul3A_353 = arith.constant 16 : i32
      %mul3A_354 = arith.muli %scan3A_325, %mul3A_353 : i32
      %add3A_355 = arith.constant 1 : i32
      %add3A_356 = arith.addi %mul3A_354, %add3A_355 : i32
      %add3A_357 = arith.constant 256 : i32
      %add3A_358 = arith.addi %add3A_357, %add3A_356 : i32
      %broadcast_in_dim3A_359 = vector.broadcast %add3A_358 : i32 to vector<16xi32>
      %broadcast_in_dim3A_360 = vector.broadcast %add3A_356 : i32 to vector<16xi32>
      %gather3A_361 = tpu.vector_load_idx %arg9[%broadcast_in_dim3A_359] : memref<512xi32, #tpu.memory_space<vmem>>[vector<16xi32>], vector<16xi32>,
      %gather3A_362 = tpu.vector_load_idx %arg11[%broadcast_in_dim3A_359] : memref<512xf32, #tpu.memory_space<vmem>>[vector<16xi32>], vector<16xf32>,
      %gather3A_363 = tpu.vector_load_idx %arg13[%broadcast_in_dim3A_360, %iota3A] : memref<128x16xf32, #tpu.memory_space<vmem>>[vector<16xi32>, vector<16xi32>], vector<16xf32>,
      %and3A_364 = arith.constant 127 : i32
      %and3A_365 = vector.broadcast %and3A_364 : i32 to vector<16xi32>
      %and3A_366 = arith.andi %gather3A_361, %and3A_365 : vector<16xi32>
      %gather3A_367 = tpu.vector_load_idx %arg14[%broadcast_in_dim3A_360, %and3A_366] : memref<128x128xf32, #tpu.memory_space<vmem>>[vector<16xi32>, vector<16xi32>], vector<16xf32>,
      %shift_right_arithmetic3A_368 = arith.constant 3 : i32
      %shift_right_arithmetic3A_369 = arith.shrsi %add3A_358, %shift_right_arithmetic3A_368 : i32
      %and3A_370 = arith.constant 7 : i32
      %and3A_371 = arith.andi %add3A_358, %and3A_370 : i32
      %mul3A_372 = arith.constant 16 : i32
      %mul3A_373 = arith.muli %and3A_371, %mul3A_372 : i32
      %mul3A_374 = arith.mulf %gather3A_362, %get3A_225 : vector<16xf32>
      %add3A_375 = arith.addf %mul3A_374, %gather3A_363 : vector<16xf32>
      %swap3A_376 = arith.index_cast %shift_right_arithmetic3A_369 : i32 to index
      %swap3A_377 = arith.index_cast %mul3A_373 : i32 to index
      %swap3A_378 = tpu.vector_load %arg15[%swap3A_376, %swap3A_377] {strides = array<i32>} : memref<64x128xf32, #tpu.memory_space<vmem>>, vector<16xf32>,
      tpu.vector_store %arg15[%swap3A_376, %swap3A_377], %add3A_375 {strides = array<i32>} : memref<64x128xf32, #tpu.memory_space<vmem>>, vector<16xf32>,
      %mul3A_379 = arith.mulf %gather3A_367, %gather3A_362 : vector<16xf32>
      %swap3A_380 = arith.index_cast %shift_right_arithmetic3A_369 : i32 to index
      %swap3A_381 = arith.index_cast %mul3A_373 : i32 to index
      %swap3A_382 = tpu.vector_load %arg16[%swap3A_380, %swap3A_381] {strides = array<i32>} : memref<64x128xf32, #tpu.memory_space<vmem>>, vector<16xf32>,
      tpu.vector_store %arg16[%swap3A_380, %swap3A_381], %mul3A_379 {strides = array<i32>} : memref<64x128xf32, #tpu.memory_space<vmem>>, vector<16xf32>,
      %mul3A_383 = arith.constant 16 : i32
      %mul3A_384 = arith.muli %scan3A_325, %mul3A_383 : i32
      %add3A_385 = arith.constant 2 : i32
      %add3A_386 = arith.addi %mul3A_384, %add3A_385 : i32
      %add3A_387 = arith.constant 256 : i32
      %add3A_388 = arith.addi %add3A_387, %add3A_386 : i32
      %broadcast_in_dim3A_389 = vector.broadcast %add3A_388 : i32 to vector<16xi32>
      %broadcast_in_dim3A_390 = vector.broadcast %add3A_386 : i32 to vector<16xi32>
      %gather3A_391 = tpu.vector_load_idx %arg9[%broadcast_in_dim3A_389] : memref<512xi32, #tpu.memory_space<vmem>>[vector<16xi32>], vector<16xi32>,
      %gather3A_392 = tpu.vector_load_idx %arg11[%broadcast_in_dim3A_389] : memref<512xf32, #tpu.memory_space<vmem>>[vector<16xi32>], vector<16xf32>,
      %gather3A_393 = tpu.vector_load_idx %arg13[%broadcast_in_dim3A_390, %iota3A] : memref<128x16xf32, #tpu.memory_space<vmem>>[vector<16xi32>, vector<16xi32>], vector<16xf32>,
      %and3A_394 = arith.constant 127 : i32
      %and3A_395 = vector.broadcast %and3A_394 : i32 to vector<16xi32>
      %and3A_396 = arith.andi %gather3A_391, %and3A_395 : vector<16xi32>
      %gather3A_397 = tpu.vector_load_idx %arg14[%broadcast_in_dim3A_390, %and3A_396] : memref<128x128xf32, #tpu.memory_space<vmem>>[vector<16xi32>, vector<16xi32>], vector<16xf32>,
      %shift_right_arithmetic3A_398 = arith.constant 3 : i32
      %shift_right_arithmetic3A_399 = arith.shrsi %add3A_388, %shift_right_arithmetic3A_398 : i32
      %and3A_400 = arith.constant 7 : i32
      %and3A_401 = arith.andi %add3A_388, %and3A_400 : i32
      %mul3A_402 = arith.constant 16 : i32
      %mul3A_403 = arith.muli %and3A_401, %mul3A_402 : i32
      %mul3A_404 = arith.mulf %gather3A_392, %get3A_225 : vector<16xf32>
      %add3A_405 = arith.addf %mul3A_404, %gather3A_393 : vector<16xf32>
      %swap3A_406 = arith.index_cast %shift_right_arithmetic3A_399 : i32 to index
      %swap3A_407 = arith.index_cast %mul3A_403 : i32 to index
      %swap3A_408 = tpu.vector_load %arg15[%swap3A_406, %swap3A_407] {strides = array<i32>} : memref<64x128xf32, #tpu.memory_space<vmem>>, vector<16xf32>,
      tpu.vector_store %arg15[%swap3A_406, %swap3A_407], %add3A_405 {strides = array<i32>} : memref<64x128xf32, #tpu.memory_space<vmem>>, vector<16xf32>,
      %mul3A_409 = arith.mulf %gather3A_397, %gather3A_392 : vector<16xf32>
      %swap3A_410 = arith.index_cast %shift_right_arithmetic3A_399 : i32 to index
      %swap3A_411 = arith.index_cast %mul3A_403 : i32 to index
      %swap3A_412 = tpu.vector_load %arg16[%swap3A_410, %swap3A_411] {strides = array<i32>} : memref<64x128xf32, #tpu.memory_space<vmem>>, vector<16xf32>,
      tpu.vector_store %arg16[%swap3A_410, %swap3A_411], %mul3A_409 {strides = array<i32>} : memref<64x128xf32, #tpu.memory_space<vmem>>, vector<16xf32>,
      %mul3A_413 = arith.constant 16 : i32
      %mul3A_414 = arith.muli %scan3A_325, %mul3A_413 : i32
      %add3A_415 = arith.constant 3 : i32
      %add3A_416 = arith.addi %mul3A_414, %add3A_415 : i32
      %add3A_417 = arith.constant 256 : i32
      %add3A_418 = arith.addi %add3A_417, %add3A_416 : i32
      %broadcast_in_dim3A_419 = vector.broadcast %add3A_418 : i32 to vector<16xi32>
      %broadcast_in_dim3A_420 = vector.broadcast %add3A_416 : i32 to vector<16xi32>
      %gather3A_421 = tpu.vector_load_idx %arg9[%broadcast_in_dim3A_419] : memref<512xi32, #tpu.memory_space<vmem>>[vector<16xi32>], vector<16xi32>,
      %gather3A_422 = tpu.vector_load_idx %arg11[%broadcast_in_dim3A_419] : memref<512xf32, #tpu.memory_space<vmem>>[vector<16xi32>], vector<16xf32>,
      %gather3A_423 = tpu.vector_load_idx %arg13[%broadcast_in_dim3A_420, %iota3A] : memref<128x16xf32, #tpu.memory_space<vmem>>[vector<16xi32>, vector<16xi32>], vector<16xf32>,
      %and3A_424 = arith.constant 127 : i32
      %and3A_425 = vector.broadcast %and3A_424 : i32 to vector<16xi32>
      %and3A_426 = arith.andi %gather3A_421, %and3A_425 : vector<16xi32>
      %gather3A_427 = tpu.vector_load_idx %arg14[%broadcast_in_dim3A_420, %and3A_426] : memref<128x128xf32, #tpu.memory_space<vmem>>[vector<16xi32>, vector<16xi32>], vector<16xf32>,
      %shift_right_arithmetic3A_428 = arith.constant 3 : i32
      %shift_right_arithmetic3A_429 = arith.shrsi %add3A_418, %shift_right_arithmetic3A_428 : i32
      %and3A_430 = arith.constant 7 : i32
      %and3A_431 = arith.andi %add3A_418, %and3A_430 : i32
      %mul3A_432 = arith.constant 16 : i32
      %mul3A_433 = arith.muli %and3A_431, %mul3A_432 : i32
      %mul3A_434 = arith.mulf %gather3A_422, %get3A_225 : vector<16xf32>
      %add3A_435 = arith.addf %mul3A_434, %gather3A_423 : vector<16xf32>
      %swap3A_436 = arith.index_cast %shift_right_arithmetic3A_429 : i32 to index
      %swap3A_437 = arith.index_cast %mul3A_433 : i32 to index
      %swap3A_438 = tpu.vector_load %arg15[%swap3A_436, %swap3A_437] {strides = array<i32>} : memref<64x128xf32, #tpu.memory_space<vmem>>, vector<16xf32>,
      tpu.vector_store %arg15[%swap3A_436, %swap3A_437], %add3A_435 {strides = array<i32>} : memref<64x128xf32, #tpu.memory_space<vmem>>, vector<16xf32>,
      %mul3A_439 = arith.mulf %gather3A_427, %gather3A_422 : vector<16xf32>
      %swap3A_440 = arith.index_cast %shift_right_arithmetic3A_429 : i32 to index
      %swap3A_441 = arith.index_cast %mul3A_433 : i32 to index
      %swap3A_442 = tpu.vector_load %arg16[%swap3A_440, %swap3A_441] {strides = array<i32>} : memref<64x128xf32, #tpu.memory_space<vmem>>, vector<16xf32>,
      tpu.vector_store %arg16[%swap3A_440, %swap3A_441], %mul3A_439 {strides = array<i32>} : memref<64x128xf32, #tpu.memory_space<vmem>>, vector<16xf32>,
      %mul3A_443 = arith.constant 16 : i32
      %mul3A_444 = arith.muli %scan3A_325, %mul3A_443 : i32
      %add3A_445 = arith.constant 4 : i32
      %add3A_446 = arith.addi %mul3A_444, %add3A_445 : i32
      %add3A_447 = arith.constant 256 : i32
      %add3A_448 = arith.addi %add3A_447, %add3A_446 : i32
      %broadcast_in_dim3A_449 = vector.broadcast %add3A_448 : i32 to vector<16xi32>
      %broadcast_in_dim3A_450 = vector.broadcast %add3A_446 : i32 to vector<16xi32>
      %gather3A_451 = tpu.vector_load_idx %arg9[%broadcast_in_dim3A_449] : memref<512xi32, #tpu.memory_space<vmem>>[vector<16xi32>], vector<16xi32>,
      %gather3A_452 = tpu.vector_load_idx %arg11[%broadcast_in_dim3A_449] : memref<512xf32, #tpu.memory_space<vmem>>[vector<16xi32>], vector<16xf32>,
      %gather3A_453 = tpu.vector_load_idx %arg13[%broadcast_in_dim3A_450, %iota3A] : memref<128x16xf32, #tpu.memory_space<vmem>>[vector<16xi32>, vector<16xi32>], vector<16xf32>,
      %and3A_454 = arith.constant 127 : i32
      %and3A_455 = vector.broadcast %and3A_454 : i32 to vector<16xi32>
      %and3A_456 = arith.andi %gather3A_451, %and3A_455 : vector<16xi32>
      %gather3A_457 = tpu.vector_load_idx %arg14[%broadcast_in_dim3A_450, %and3A_456] : memref<128x128xf32, #tpu.memory_space<vmem>>[vector<16xi32>, vector<16xi32>], vector<16xf32>,
      %shift_right_arithmetic3A_458 = arith.constant 3 : i32
      %shift_right_arithmetic3A_459 = arith.shrsi %add3A_448, %shift_right_arithmetic3A_458 : i32
      %and3A_460 = arith.constant 7 : i32
      %and3A_461 = arith.andi %add3A_448, %and3A_460 : i32
      %mul3A_462 = arith.constant 16 : i32
      %mul3A_463 = arith.muli %and3A_461, %mul3A_462 : i32
      %mul3A_464 = arith.mulf %gather3A_452, %get3A_225 : vector<16xf32>
      %add3A_465 = arith.addf %mul3A_464, %gather3A_453 : vector<16xf32>
      %swap3A_466 = arith.index_cast %shift_right_arithmetic3A_459 : i32 to index
      %swap3A_467 = arith.index_cast %mul3A_463 : i32 to index
      %swap3A_468 = tpu.vector_load %arg15[%swap3A_466, %swap3A_467] {strides = array<i32>} : memref<64x128xf32, #tpu.memory_space<vmem>>, vector<16xf32>,
      tpu.vector_store %arg15[%swap3A_466, %swap3A_467], %add3A_465 {strides = array<i32>} : memref<64x128xf32, #tpu.memory_space<vmem>>, vector<16xf32>,
      %mul3A_469 = arith.mulf %gather3A_457, %gather3A_452 : vector<16xf32>
      %swap3A_470 = arith.index_cast %shift_right_arithmetic3A_459 : i32 to index
      %swap3A_471 = arith.index_cast %mul3A_463 : i32 to index
      %swap3A_472 = tpu.vector_load %arg16[%swap3A_470, %swap3A_471] {strides = array<i32>} : memref<64x128xf32, #tpu.memory_space<vmem>>, vector<16xf32>,
      tpu.vector_store %arg16[%swap3A_470, %swap3A_471], %mul3A_469 {strides = array<i32>} : memref<64x128xf32, #tpu.memory_space<vmem>>, vector<16xf32>,
      %mul3A_473 = arith.constant 16 : i32
      %mul3A_474 = arith.muli %scan3A_325, %mul3A_473 : i32
      %add3A_475 = arith.constant 5 : i32
      %add3A_476 = arith.addi %mul3A_474, %add3A_475 : i32
      %add3A_477 = arith.constant 256 : i32
      %add3A_478 = arith.addi %add3A_477, %add3A_476 : i32
      %broadcast_in_dim3A_479 = vector.broadcast %add3A_478 : i32 to vector<16xi32>
      %broadcast_in_dim3A_480 = vector.broadcast %add3A_476 : i32 to vector<16xi32>
      %gather3A_481 = tpu.vector_load_idx %arg9[%broadcast_in_dim3A_479] : memref<512xi32, #tpu.memory_space<vmem>>[vector<16xi32>], vector<16xi32>,
      %gather3A_482 = tpu.vector_load_idx %arg11[%broadcast_in_dim3A_479] : memref<512xf32, #tpu.memory_space<vmem>>[vector<16xi32>], vector<16xf32>,
      %gather3A_483 = tpu.vector_load_idx %arg13[%broadcast_in_dim3A_480, %iota3A] : memref<128x16xf32, #tpu.memory_space<vmem>>[vector<16xi32>, vector<16xi32>], vector<16xf32>,
      %and3A_484 = arith.constant 127 : i32
      %and3A_485 = vector.broadcast %and3A_484 : i32 to vector<16xi32>
      %and3A_486 = arith.andi %gather3A_481, %and3A_485 : vector<16xi32>
      %gather3A_487 = tpu.vector_load_idx %arg14[%broadcast_in_dim3A_480, %and3A_486] : memref<128x128xf32, #tpu.memory_space<vmem>>[vector<16xi32>, vector<16xi32>], vector<16xf32>,
      %shift_right_arithmetic3A_488 = arith.constant 3 : i32
      %shift_right_arithmetic3A_489 = arith.shrsi %add3A_478, %shift_right_arithmetic3A_488 : i32
      %and3A_490 = arith.constant 7 : i32
      %and3A_491 = arith.andi %add3A_478, %and3A_490 : i32
      %mul3A_492 = arith.constant 16 : i32
      %mul3A_493 = arith.muli %and3A_491, %mul3A_492 : i32
      %mul3A_494 = arith.mulf %gather3A_482, %get3A_225 : vector<16xf32>
      %add3A_495 = arith.addf %mul3A_494, %gather3A_483 : vector<16xf32>
      %swap3A_496 = arith.index_cast %shift_right_arithmetic3A_489 : i32 to index
      %swap3A_497 = arith.index_cast %mul3A_493 : i32 to index
      %swap3A_498 = tpu.vector_load %arg15[%swap3A_496, %swap3A_497] {strides = array<i32>} : memref<64x128xf32, #tpu.memory_space<vmem>>, vector<16xf32>,
      tpu.vector_store %arg15[%swap3A_496, %swap3A_497], %add3A_495 {strides = array<i32>} : memref<64x128xf32, #tpu.memory_space<vmem>>, vector<16xf32>,
      %mul3A_499 = arith.mulf %gather3A_487, %gather3A_482 : vector<16xf32>
      %swap3A_500 = arith.index_cast %shift_right_arithmetic3A_489 : i32 to index
      %swap3A_501 = arith.index_cast %mul3A_493 : i32 to index
      %swap3A_502 = tpu.vector_load %arg16[%swap3A_500, %swap3A_501] {strides = array<i32>} : memref<64x128xf32, #tpu.memory_space<vmem>>, vector<16xf32>,
      tpu.vector_store %arg16[%swap3A_500, %swap3A_501], %mul3A_499 {strides = array<i32>} : memref<64x128xf32, #tpu.memory_space<vmem>>, vector<16xf32>,
      %mul3A_503 = arith.constant 16 : i32
      %mul3A_504 = arith.muli %scan3A_325, %mul3A_503 : i32
      %add3A_505 = arith.constant 6 : i32
      %add3A_506 = arith.addi %mul3A_504, %add3A_505 : i32
      %add3A_507 = arith.constant 256 : i32
      %add3A_508 = arith.addi %add3A_507, %add3A_506 : i32
      %broadcast_in_dim3A_509 = vector.broadcast %add3A_508 : i32 to vector<16xi32>
      %broadcast_in_dim3A_510 = vector.broadcast %add3A_506 : i32 to vector<16xi32>
      %gather3A_511 = tpu.vector_load_idx %arg9[%broadcast_in_dim3A_509] : memref<512xi32, #tpu.memory_space<vmem>>[vector<16xi32>], vector<16xi32>,
      %gather3A_512 = tpu.vector_load_idx %arg11[%broadcast_in_dim3A_509] : memref<512xf32, #tpu.memory_space<vmem>>[vector<16xi32>], vector<16xf32>,
      %gather3A_513 = tpu.vector_load_idx %arg13[%broadcast_in_dim3A_510, %iota3A] : memref<128x16xf32, #tpu.memory_space<vmem>>[vector<16xi32>, vector<16xi32>], vector<16xf32>,
      %and3A_514 = arith.constant 127 : i32
      %and3A_515 = vector.broadcast %and3A_514 : i32 to vector<16xi32>
      %and3A_516 = arith.andi %gather3A_511, %and3A_515 : vector<16xi32>
      %gather3A_517 = tpu.vector_load_idx %arg14[%broadcast_in_dim3A_510, %and3A_516] : memref<128x128xf32, #tpu.memory_space<vmem>>[vector<16xi32>, vector<16xi32>], vector<16xf32>,
      %shift_right_arithmetic3A_518 = arith.constant 3 : i32
      %shift_right_arithmetic3A_519 = arith.shrsi %add3A_508, %shift_right_arithmetic3A_518 : i32
      %and3A_520 = arith.constant 7 : i32
      %and3A_521 = arith.andi %add3A_508, %and3A_520 : i32
      %mul3A_522 = arith.constant 16 : i32
      %mul3A_523 = arith.muli %and3A_521, %mul3A_522 : i32
      %mul3A_524 = arith.mulf %gather3A_512, %get3A_225 : vector<16xf32>
      %add3A_525 = arith.addf %mul3A_524, %gather3A_513 : vector<16xf32>
      %swap3A_526 = arith.index_cast %shift_right_arithmetic3A_519 : i32 to index
      %swap3A_527 = arith.index_cast %mul3A_523 : i32 to index
      %swap3A_528 = tpu.vector_load %arg15[%swap3A_526, %swap3A_527] {strides = array<i32>} : memref<64x128xf32, #tpu.memory_space<vmem>>, vector<16xf32>,
      tpu.vector_store %arg15[%swap3A_526, %swap3A_527], %add3A_525 {strides = array<i32>} : memref<64x128xf32, #tpu.memory_space<vmem>>, vector<16xf32>,
      %mul3A_529 = arith.mulf %gather3A_517, %gather3A_512 : vector<16xf32>
      %swap3A_530 = arith.index_cast %shift_right_arithmetic3A_519 : i32 to index
      %swap3A_531 = arith.index_cast %mul3A_523 : i32 to index
      %swap3A_532 = tpu.vector_load %arg16[%swap3A_530, %swap3A_531] {strides = array<i32>} : memref<64x128xf32, #tpu.memory_space<vmem>>, vector<16xf32>,
      tpu.vector_store %arg16[%swap3A_530, %swap3A_531], %mul3A_529 {strides = array<i32>} : memref<64x128xf32, #tpu.memory_space<vmem>>, vector<16xf32>,
      %mul3A_533 = arith.constant 16 : i32
      %mul3A_534 = arith.muli %scan3A_325, %mul3A_533 : i32
      %add3A_535 = arith.constant 7 : i32
      %add3A_536 = arith.addi %mul3A_534, %add3A_535 : i32
      %add3A_537 = arith.constant 256 : i32
      %add3A_538 = arith.addi %add3A_537, %add3A_536 : i32
      %broadcast_in_dim3A_539 = vector.broadcast %add3A_538 : i32 to vector<16xi32>
      %broadcast_in_dim3A_540 = vector.broadcast %add3A_536 : i32 to vector<16xi32>
      %gather3A_541 = tpu.vector_load_idx %arg9[%broadcast_in_dim3A_539] : memref<512xi32, #tpu.memory_space<vmem>>[vector<16xi32>], vector<16xi32>,
      %gather3A_542 = tpu.vector_load_idx %arg11[%broadcast_in_dim3A_539] : memref<512xf32, #tpu.memory_space<vmem>>[vector<16xi32>], vector<16xf32>,
      %gather3A_543 = tpu.vector_load_idx %arg13[%broadcast_in_dim3A_540, %iota3A] : memref<128x16xf32, #tpu.memory_space<vmem>>[vector<16xi32>, vector<16xi32>], vector<16xf32>,
      %and3A_544 = arith.constant 127 : i32
      %and3A_545 = vector.broadcast %and3A_544 : i32 to vector<16xi32>
      %and3A_546 = arith.andi %gather3A_541, %and3A_545 : vector<16xi32>
      %gather3A_547 = tpu.vector_load_idx %arg14[%broadcast_in_dim3A_540, %and3A_546] : memref<128x128xf32, #tpu.memory_space<vmem>>[vector<16xi32>, vector<16xi32>], vector<16xf32>,
      %shift_right_arithmetic3A_548 = arith.constant 3 : i32
      %shift_right_arithmetic3A_549 = arith.shrsi %add3A_538, %shift_right_arithmetic3A_548 : i32
      %and3A_550 = arith.constant 7 : i32
      %and3A_551 = arith.andi %add3A_538, %and3A_550 : i32
      %mul3A_552 = arith.constant 16 : i32
      %mul3A_553 = arith.muli %and3A_551, %mul3A_552 : i32
      %mul3A_554 = arith.mulf %gather3A_542, %get3A_225 : vector<16xf32>
      %add3A_555 = arith.addf %mul3A_554, %gather3A_543 : vector<16xf32>
      %swap3A_556 = arith.index_cast %shift_right_arithmetic3A_549 : i32 to index
      %swap3A_557 = arith.index_cast %mul3A_553 : i32 to index
      %swap3A_558 = tpu.vector_load %arg15[%swap3A_556, %swap3A_557] {strides = array<i32>} : memref<64x128xf32, #tpu.memory_space<vmem>>, vector<16xf32>,
      tpu.vector_store %arg15[%swap3A_556, %swap3A_557], %add3A_555 {strides = array<i32>} : memref<64x128xf32, #tpu.memory_space<vmem>>, vector<16xf32>,
      %mul3A_559 = arith.mulf %gather3A_547, %gather3A_542 : vector<16xf32>
      %swap3A_560 = arith.index_cast %shift_right_arithmetic3A_549 : i32 to index
      %swap3A_561 = arith.index_cast %mul3A_553 : i32 to index
      %swap3A_562 = tpu.vector_load %arg16[%swap3A_560, %swap3A_561] {strides = array<i32>} : memref<64x128xf32, #tpu.memory_space<vmem>>, vector<16xf32>,
      tpu.vector_store %arg16[%swap3A_560, %swap3A_561], %mul3A_559 {strides = array<i32>} : memref<64x128xf32, #tpu.memory_space<vmem>>, vector<16xf32>,
      %mul3A_563 = arith.constant 16 : i32
      %mul3A_564 = arith.muli %scan3A_325, %mul3A_563 : i32
      %add3A_565 = arith.constant 8 : i32
      %add3A_566 = arith.addi %mul3A_564, %add3A_565 : i32
      %add3A_567 = arith.constant 256 : i32
      %add3A_568 = arith.addi %add3A_567, %add3A_566 : i32
      %broadcast_in_dim3A_569 = vector.broadcast %add3A_568 : i32 to vector<16xi32>
      %broadcast_in_dim3A_570 = vector.broadcast %add3A_566 : i32 to vector<16xi32>
      %gather3A_571 = tpu.vector_load_idx %arg9[%broadcast_in_dim3A_569] : memref<512xi32, #tpu.memory_space<vmem>>[vector<16xi32>], vector<16xi32>,
      %gather3A_572 = tpu.vector_load_idx %arg11[%broadcast_in_dim3A_569] : memref<512xf32, #tpu.memory_space<vmem>>[vector<16xi32>], vector<16xf32>,
      %gather3A_573 = tpu.vector_load_idx %arg13[%broadcast_in_dim3A_570, %iota3A] : memref<128x16xf32, #tpu.memory_space<vmem>>[vector<16xi32>, vector<16xi32>], vector<16xf32>,
      %and3A_574 = arith.constant 127 : i32
      %and3A_575 = vector.broadcast %and3A_574 : i32 to vector<16xi32>
      %and3A_576 = arith.andi %gather3A_571, %and3A_575 : vector<16xi32>
      %gather3A_577 = tpu.vector_load_idx %arg14[%broadcast_in_dim3A_570, %and3A_576] : memref<128x128xf32, #tpu.memory_space<vmem>>[vector<16xi32>, vector<16xi32>], vector<16xf32>,
      %shift_right_arithmetic3A_578 = arith.constant 3 : i32
      %shift_right_arithmetic3A_579 = arith.shrsi %add3A_568, %shift_right_arithmetic3A_578 : i32
      %and3A_580 = arith.constant 7 : i32
      %and3A_581 = arith.andi %add3A_568, %and3A_580 : i32
      %mul3A_582 = arith.constant 16 : i32
      %mul3A_583 = arith.muli %and3A_581, %mul3A_582 : i32
      %mul3A_584 = arith.mulf %gather3A_572, %get3A_225 : vector<16xf32>
      %add3A_585 = arith.addf %mul3A_584, %gather3A_573 : vector<16xf32>
      %swap3A_586 = arith.index_cast %shift_right_arithmetic3A_579 : i32 to index
      %swap3A_587 = arith.index_cast %mul3A_583 : i32 to index
      %swap3A_588 = tpu.vector_load %arg15[%swap3A_586, %swap3A_587] {strides = array<i32>} : memref<64x128xf32, #tpu.memory_space<vmem>>, vector<16xf32>,
      tpu.vector_store %arg15[%swap3A_586, %swap3A_587], %add3A_585 {strides = array<i32>} : memref<64x128xf32, #tpu.memory_space<vmem>>, vector<16xf32>,
      %mul3A_589 = arith.mulf %gather3A_577, %gather3A_572 : vector<16xf32>
      %swap3A_590 = arith.index_cast %shift_right_arithmetic3A_579 : i32 to index
      %swap3A_591 = arith.index_cast %mul3A_583 : i32 to index
      %swap3A_592 = tpu.vector_load %arg16[%swap3A_590, %swap3A_591] {strides = array<i32>} : memref<64x128xf32, #tpu.memory_space<vmem>>, vector<16xf32>,
      tpu.vector_store %arg16[%swap3A_590, %swap3A_591], %mul3A_589 {strides = array<i32>} : memref<64x128xf32, #tpu.memory_space<vmem>>, vector<16xf32>,
      %mul3A_593 = arith.constant 16 : i32
      %mul3A_594 = arith.muli %scan3A_325, %mul3A_593 : i32
      %add3A_595 = arith.constant 9 : i32
      %add3A_596 = arith.addi %mul3A_594, %add3A_595 : i32
      %add3A_597 = arith.constant 256 : i32
      %add3A_598 = arith.addi %add3A_597, %add3A_596 : i32
      %broadcast_in_dim3A_599 = vector.broadcast %add3A_598 : i32 to vector<16xi32>
      %broadcast_in_dim3A_600 = vector.broadcast %add3A_596 : i32 to vector<16xi32>
      %gather3A_601 = tpu.vector_load_idx %arg9[%broadcast_in_dim3A_599] : memref<512xi32, #tpu.memory_space<vmem>>[vector<16xi32>], vector<16xi32>,
      %gather3A_602 = tpu.vector_load_idx %arg11[%broadcast_in_dim3A_599] : memref<512xf32, #tpu.memory_space<vmem>>[vector<16xi32>], vector<16xf32>,
      %gather3A_603 = tpu.vector_load_idx %arg13[%broadcast_in_dim3A_600, %iota3A] : memref<128x16xf32, #tpu.memory_space<vmem>>[vector<16xi32>, vector<16xi32>], vector<16xf32>,
      %and3A_604 = arith.constant 127 : i32
      %and3A_605 = vector.broadcast %and3A_604 : i32 to vector<16xi32>
      %and3A_606 = arith.andi %gather3A_601, %and3A_605 : vector<16xi32>
      %gather3A_607 = tpu.vector_load_idx %arg14[%broadcast_in_dim3A_600, %and3A_606] : memref<128x128xf32, #tpu.memory_space<vmem>>[vector<16xi32>, vector<16xi32>], vector<16xf32>,
      %shift_right_arithmetic3A_608 = arith.constant 3 : i32
      %shift_right_arithmetic3A_609 = arith.shrsi %add3A_598, %shift_right_arithmetic3A_608 : i32
      %and3A_610 = arith.constant 7 : i32
      %and3A_611 = arith.andi %add3A_598, %and3A_610 : i32
      %mul3A_612 = arith.constant 16 : i32
      %mul3A_613 = arith.muli %and3A_611, %mul3A_612 : i32
      %mul3A_614 = arith.mulf %gather3A_602, %get3A_225 : vector<16xf32>
      %add3A_615 = arith.addf %mul3A_614, %gather3A_603 : vector<16xf32>
      %swap3A_616 = arith.index_cast %shift_right_arithmetic3A_609 : i32 to index
      %swap3A_617 = arith.index_cast %mul3A_613 : i32 to index
      %swap3A_618 = tpu.vector_load %arg15[%swap3A_616, %swap3A_617] {strides = array<i32>} : memref<64x128xf32, #tpu.memory_space<vmem>>, vector<16xf32>,
      tpu.vector_store %arg15[%swap3A_616, %swap3A_617], %add3A_615 {strides = array<i32>} : memref<64x128xf32, #tpu.memory_space<vmem>>, vector<16xf32>,
      %mul3A_619 = arith.mulf %gather3A_607, %gather3A_602 : vector<16xf32>
      %swap3A_620 = arith.index_cast %shift_right_arithmetic3A_609 : i32 to index
      %swap3A_621 = arith.index_cast %mul3A_613 : i32 to index
      %swap3A_622 = tpu.vector_load %arg16[%swap3A_620, %swap3A_621] {strides = array<i32>} : memref<64x128xf32, #tpu.memory_space<vmem>>, vector<16xf32>,
      tpu.vector_store %arg16[%swap3A_620, %swap3A_621], %mul3A_619 {strides = array<i32>} : memref<64x128xf32, #tpu.memory_space<vmem>>, vector<16xf32>,
      %mul3A_623 = arith.constant 16 : i32
      %mul3A_624 = arith.muli %scan3A_325, %mul3A_623 : i32
      %add3A_625 = arith.constant 10 : i32
      %add3A_626 = arith.addi %mul3A_624, %add3A_625 : i32
      %add3A_627 = arith.constant 256 : i32
      %add3A_628 = arith.addi %add3A_627, %add3A_626 : i32
      %broadcast_in_dim3A_629 = vector.broadcast %add3A_628 : i32 to vector<16xi32>
      %broadcast_in_dim3A_630 = vector.broadcast %add3A_626 : i32 to vector<16xi32>
      %gather3A_631 = tpu.vector_load_idx %arg9[%broadcast_in_dim3A_629] : memref<512xi32, #tpu.memory_space<vmem>>[vector<16xi32>], vector<16xi32>,
      %gather3A_632 = tpu.vector_load_idx %arg11[%broadcast_in_dim3A_629] : memref<512xf32, #tpu.memory_space<vmem>>[vector<16xi32>], vector<16xf32>,
      %gather3A_633 = tpu.vector_load_idx %arg13[%broadcast_in_dim3A_630, %iota3A] : memref<128x16xf32, #tpu.memory_space<vmem>>[vector<16xi32>, vector<16xi32>], vector<16xf32>,
      %and3A_634 = arith.constant 127 : i32
      %and3A_635 = vector.broadcast %and3A_634 : i32 to vector<16xi32>
      %and3A_636 = arith.andi %gather3A_631, %and3A_635 : vector<16xi32>
      %gather3A_637 = tpu.vector_load_idx %arg14[%broadcast_in_dim3A_630, %and3A_636] : memref<128x128xf32, #tpu.memory_space<vmem>>[vector<16xi32>, vector<16xi32>], vector<16xf32>,
      %shift_right_arithmetic3A_638 = arith.constant 3 : i32
      %shift_right_arithmetic3A_639 = arith.shrsi %add3A_628, %shift_right_arithmetic3A_638 : i32
      %and3A_640 = arith.constant 7 : i32
      %and3A_641 = arith.andi %add3A_628, %and3A_640 : i32
      %mul3A_642 = arith.constant 16 : i32
      %mul3A_643 = arith.muli %and3A_641, %mul3A_642 : i32
      %mul3A_644 = arith.mulf %gather3A_632, %get3A_225 : vector<16xf32>
      %add3A_645 = arith.addf %mul3A_644, %gather3A_633 : vector<16xf32>
      %swap3A_646 = arith.index_cast %shift_right_arithmetic3A_639 : i32 to index
      %swap3A_647 = arith.index_cast %mul3A_643 : i32 to index
      %swap3A_648 = tpu.vector_load %arg15[%swap3A_646, %swap3A_647] {strides = array<i32>} : memref<64x128xf32, #tpu.memory_space<vmem>>, vector<16xf32>,
      tpu.vector_store %arg15[%swap3A_646, %swap3A_647], %add3A_645 {strides = array<i32>} : memref<64x128xf32, #tpu.memory_space<vmem>>, vector<16xf32>,
      %mul3A_649 = arith.mulf %gather3A_637, %gather3A_632 : vector<16xf32>
      %swap3A_650 = arith.index_cast %shift_right_arithmetic3A_639 : i32 to index
      %swap3A_651 = arith.index_cast %mul3A_643 : i32 to index
      %swap3A_652 = tpu.vector_load %arg16[%swap3A_650, %swap3A_651] {strides = array<i32>} : memref<64x128xf32, #tpu.memory_space<vmem>>, vector<16xf32>,
      tpu.vector_store %arg16[%swap3A_650, %swap3A_651], %mul3A_649 {strides = array<i32>} : memref<64x128xf32, #tpu.memory_space<vmem>>, vector<16xf32>,
      %mul3A_653 = arith.constant 16 : i32
      %mul3A_654 = arith.muli %scan3A_325, %mul3A_653 : i32
      %add3A_655 = arith.constant 11 : i32
      %add3A_656 = arith.addi %mul3A_654, %add3A_655 : i32
      %add3A_657 = arith.constant 256 : i32
      %add3A_658 = arith.addi %add3A_657, %add3A_656 : i32
      %broadcast_in_dim3A_659 = vector.broadcast %add3A_658 : i32 to vector<16xi32>
      %broadcast_in_dim3A_660 = vector.broadcast %add3A_656 : i32 to vector<16xi32>
      %gather3A_661 = tpu.vector_load_idx %arg9[%broadcast_in_dim3A_659] : memref<512xi32, #tpu.memory_space<vmem>>[vector<16xi32>], vector<16xi32>,
      %gather3A_662 = tpu.vector_load_idx %arg11[%broadcast_in_dim3A_659] : memref<512xf32, #tpu.memory_space<vmem>>[vector<16xi32>], vector<16xf32>,
      %gather3A_663 = tpu.vector_load_idx %arg13[%broadcast_in_dim3A_660, %iota3A] : memref<128x16xf32, #tpu.memory_space<vmem>>[vector<16xi32>, vector<16xi32>], vector<16xf32>,
      %and3A_664 = arith.constant 127 : i32
      %and3A_665 = vector.broadcast %and3A_664 : i32 to vector<16xi32>
      %and3A_666 = arith.andi %gather3A_661, %and3A_665 : vector<16xi32>
      %gather3A_667 = tpu.vector_load_idx %arg14[%broadcast_in_dim3A_660, %and3A_666] : memref<128x128xf32, #tpu.memory_space<vmem>>[vector<16xi32>, vector<16xi32>], vector<16xf32>,
      %shift_right_arithmetic3A_668 = arith.constant 3 : i32
      %shift_right_arithmetic3A_669 = arith.shrsi %add3A_658, %shift_right_arithmetic3A_668 : i32
      %and3A_670 = arith.constant 7 : i32
      %and3A_671 = arith.andi %add3A_658, %and3A_670 : i32
      %mul3A_672 = arith.constant 16 : i32
      %mul3A_673 = arith.muli %and3A_671, %mul3A_672 : i32
      %mul3A_674 = arith.mulf %gather3A_662, %get3A_225 : vector<16xf32>
      %add3A_675 = arith.addf %mul3A_674, %gather3A_663 : vector<16xf32>
      %swap3A_676 = arith.index_cast %shift_right_arithmetic3A_669 : i32 to index
      %swap3A_677 = arith.index_cast %mul3A_673 : i32 to index
      %swap3A_678 = tpu.vector_load %arg15[%swap3A_676, %swap3A_677] {strides = array<i32>} : memref<64x128xf32, #tpu.memory_space<vmem>>, vector<16xf32>,
      tpu.vector_store %arg15[%swap3A_676, %swap3A_677], %add3A_675 {strides = array<i32>} : memref<64x128xf32, #tpu.memory_space<vmem>>, vector<16xf32>,
      %mul3A_679 = arith.mulf %gather3A_667, %gather3A_662 : vector<16xf32>
      %swap3A_680 = arith.index_cast %shift_right_arithmetic3A_669 : i32 to index
      %swap3A_681 = arith.index_cast %mul3A_673 : i32 to index
      %swap3A_682 = tpu.vector_load %arg16[%swap3A_680, %swap3A_681] {strides = array<i32>} : memref<64x128xf32, #tpu.memory_space<vmem>>, vector<16xf32>,
      tpu.vector_store %arg16[%swap3A_680, %swap3A_681], %mul3A_679 {strides = array<i32>} : memref<64x128xf32, #tpu.memory_space<vmem>>, vector<16xf32>,
      %mul3A_683 = arith.constant 16 : i32
      %mul3A_684 = arith.muli %scan3A_325, %mul3A_683 : i32
      %add3A_685 = arith.constant 12 : i32
      %add3A_686 = arith.addi %mul3A_684, %add3A_685 : i32
      %add3A_687 = arith.constant 256 : i32
      %add3A_688 = arith.addi %add3A_687, %add3A_686 : i32
      %broadcast_in_dim3A_689 = vector.broadcast %add3A_688 : i32 to vector<16xi32>
      %broadcast_in_dim3A_690 = vector.broadcast %add3A_686 : i32 to vector<16xi32>
      %gather3A_691 = tpu.vector_load_idx %arg9[%broadcast_in_dim3A_689] : memref<512xi32, #tpu.memory_space<vmem>>[vector<16xi32>], vector<16xi32>,
      %gather3A_692 = tpu.vector_load_idx %arg11[%broadcast_in_dim3A_689] : memref<512xf32, #tpu.memory_space<vmem>>[vector<16xi32>], vector<16xf32>,
      %gather3A_693 = tpu.vector_load_idx %arg13[%broadcast_in_dim3A_690, %iota3A] : memref<128x16xf32, #tpu.memory_space<vmem>>[vector<16xi32>, vector<16xi32>], vector<16xf32>,
      %and3A_694 = arith.constant 127 : i32
      %and3A_695 = vector.broadcast %and3A_694 : i32 to vector<16xi32>
      %and3A_696 = arith.andi %gather3A_691, %and3A_695 : vector<16xi32>
      %gather3A_697 = tpu.vector_load_idx %arg14[%broadcast_in_dim3A_690, %and3A_696] : memref<128x128xf32, #tpu.memory_space<vmem>>[vector<16xi32>, vector<16xi32>], vector<16xf32>,
      %shift_right_arithmetic3A_698 = arith.constant 3 : i32
      %shift_right_arithmetic3A_699 = arith.shrsi %add3A_688, %shift_right_arithmetic3A_698 : i32
      %and3A_700 = arith.constant 7 : i32
      %and3A_701 = arith.andi %add3A_688, %and3A_700 : i32
      %mul3A_702 = arith.constant 16 : i32
      %mul3A_703 = arith.muli %and3A_701, %mul3A_702 : i32
      %mul3A_704 = arith.mulf %gather3A_692, %get3A_225 : vector<16xf32>
      %add3A_705 = arith.addf %mul3A_704, %gather3A_693 : vector<16xf32>
      %swap3A_706 = arith.index_cast %shift_right_arithmetic3A_699 : i32 to index
      %swap3A_707 = arith.index_cast %mul3A_703 : i32 to index
      %swap3A_708 = tpu.vector_load %arg15[%swap3A_706, %swap3A_707] {strides = array<i32>} : memref<64x128xf32, #tpu.memory_space<vmem>>, vector<16xf32>,
      tpu.vector_store %arg15[%swap3A_706, %swap3A_707], %add3A_705 {strides = array<i32>} : memref<64x128xf32, #tpu.memory_space<vmem>>, vector<16xf32>,
      %mul3A_709 = arith.mulf %gather3A_697, %gather3A_692 : vector<16xf32>
      %swap3A_710 = arith.index_cast %shift_right_arithmetic3A_699 : i32 to index
      %swap3A_711 = arith.index_cast %mul3A_703 : i32 to index
      %swap3A_712 = tpu.vector_load %arg16[%swap3A_710, %swap3A_711] {strides = array<i32>} : memref<64x128xf32, #tpu.memory_space<vmem>>, vector<16xf32>,
      tpu.vector_store %arg16[%swap3A_710, %swap3A_711], %mul3A_709 {strides = array<i32>} : memref<64x128xf32, #tpu.memory_space<vmem>>, vector<16xf32>,
      %mul3A_713 = arith.constant 16 : i32
      %mul3A_714 = arith.muli %scan3A_325, %mul3A_713 : i32
      %add3A_715 = arith.constant 13 : i32
      %add3A_716 = arith.addi %mul3A_714, %add3A_715 : i32
      %add3A_717 = arith.constant 256 : i32
      %add3A_718 = arith.addi %add3A_717, %add3A_716 : i32
      %broadcast_in_dim3A_719 = vector.broadcast %add3A_718 : i32 to vector<16xi32>
      %broadcast_in_dim3A_720 = vector.broadcast %add3A_716 : i32 to vector<16xi32>
      %gather3A_721 = tpu.vector_load_idx %arg9[%broadcast_in_dim3A_719] : memref<512xi32, #tpu.memory_space<vmem>>[vector<16xi32>], vector<16xi32>,
      %gather3A_722 = tpu.vector_load_idx %arg11[%broadcast_in_dim3A_719] : memref<512xf32, #tpu.memory_space<vmem>>[vector<16xi32>], vector<16xf32>,
      %gather3A_723 = tpu.vector_load_idx %arg13[%broadcast_in_dim3A_720, %iota3A] : memref<128x16xf32, #tpu.memory_space<vmem>>[vector<16xi32>, vector<16xi32>], vector<16xf32>,
      %and3A_724 = arith.constant 127 : i32
      %and3A_725 = vector.broadcast %and3A_724 : i32 to vector<16xi32>
      %and3A_726 = arith.andi %gather3A_721, %and3A_725 : vector<16xi32>
      %gather3A_727 = tpu.vector_load_idx %arg14[%broadcast_in_dim3A_720, %and3A_726] : memref<128x128xf32, #tpu.memory_space<vmem>>[vector<16xi32>, vector<16xi32>], vector<16xf32>,
      %shift_right_arithmetic3A_728 = arith.constant 3 : i32
      %shift_right_arithmetic3A_729 = arith.shrsi %add3A_718, %shift_right_arithmetic3A_728 : i32
      %and3A_730 = arith.constant 7 : i32
      %and3A_731 = arith.andi %add3A_718, %and3A_730 : i32
      %mul3A_732 = arith.constant 16 : i32
      %mul3A_733 = arith.muli %and3A_731, %mul3A_732 : i32
      %mul3A_734 = arith.mulf %gather3A_722, %get3A_225 : vector<16xf32>
      %add3A_735 = arith.addf %mul3A_734, %gather3A_723 : vector<16xf32>
      %swap3A_736 = arith.index_cast %shift_right_arithmetic3A_729 : i32 to index
      %swap3A_737 = arith.index_cast %mul3A_733 : i32 to index
      %swap3A_738 = tpu.vector_load %arg15[%swap3A_736, %swap3A_737] {strides = array<i32>} : memref<64x128xf32, #tpu.memory_space<vmem>>, vector<16xf32>,
      tpu.vector_store %arg15[%swap3A_736, %swap3A_737], %add3A_735 {strides = array<i32>} : memref<64x128xf32, #tpu.memory_space<vmem>>, vector<16xf32>,
      %mul3A_739 = arith.mulf %gather3A_727, %gather3A_722 : vector<16xf32>
      %swap3A_740 = arith.index_cast %shift_right_arithmetic3A_729 : i32 to index
      %swap3A_741 = arith.index_cast %mul3A_733 : i32 to index
      %swap3A_742 = tpu.vector_load %arg16[%swap3A_740, %swap3A_741] {strides = array<i32>} : memref<64x128xf32, #tpu.memory_space<vmem>>, vector<16xf32>,
      tpu.vector_store %arg16[%swap3A_740, %swap3A_741], %mul3A_739 {strides = array<i32>} : memref<64x128xf32, #tpu.memory_space<vmem>>, vector<16xf32>,
      %mul3A_743 = arith.constant 16 : i32
      %mul3A_744 = arith.muli %scan3A_325, %mul3A_743 : i32
      %add3A_745 = arith.constant 14 : i32
      %add3A_746 = arith.addi %mul3A_744, %add3A_745 : i32
      %add3A_747 = arith.constant 256 : i32
      %add3A_748 = arith.addi %add3A_747, %add3A_746 : i32
      %broadcast_in_dim3A_749 = vector.broadcast %add3A_748 : i32 to vector<16xi32>
      %broadcast_in_dim3A_750 = vector.broadcast %add3A_746 : i32 to vector<16xi32>
      %gather3A_751 = tpu.vector_load_idx %arg9[%broadcast_in_dim3A_749] : memref<512xi32, #tpu.memory_space<vmem>>[vector<16xi32>], vector<16xi32>,
      %gather3A_752 = tpu.vector_load_idx %arg11[%broadcast_in_dim3A_749] : memref<512xf32, #tpu.memory_space<vmem>>[vector<16xi32>], vector<16xf32>,
      %gather3A_753 = tpu.vector_load_idx %arg13[%broadcast_in_dim3A_750, %iota3A] : memref<128x16xf32, #tpu.memory_space<vmem>>[vector<16xi32>, vector<16xi32>], vector<16xf32>,
      %and3A_754 = arith.constant 127 : i32
      %and3A_755 = vector.broadcast %and3A_754 : i32 to vector<16xi32>
      %and3A_756 = arith.andi %gather3A_751, %and3A_755 : vector<16xi32>
      %gather3A_757 = tpu.vector_load_idx %arg14[%broadcast_in_dim3A_750, %and3A_756] : memref<128x128xf32, #tpu.memory_space<vmem>>[vector<16xi32>, vector<16xi32>], vector<16xf32>,
      %shift_right_arithmetic3A_758 = arith.constant 3 : i32
      %shift_right_arithmetic3A_759 = arith.shrsi %add3A_748, %shift_right_arithmetic3A_758 : i32
      %and3A_760 = arith.constant 7 : i32
      %and3A_761 = arith.andi %add3A_748, %and3A_760 : i32
      %mul3A_762 = arith.constant 16 : i32
      %mul3A_763 = arith.muli %and3A_761, %mul3A_762 : i32
      %mul3A_764 = arith.mulf %gather3A_752, %get3A_225 : vector<16xf32>
      %add3A_765 = arith.addf %mul3A_764, %gather3A_753 : vector<16xf32>
      %swap3A_766 = arith.index_cast %shift_right_arithmetic3A_759 : i32 to index
      %swap3A_767 = arith.index_cast %mul3A_763 : i32 to index
      %swap3A_768 = tpu.vector_load %arg15[%swap3A_766, %swap3A_767] {strides = array<i32>} : memref<64x128xf32, #tpu.memory_space<vmem>>, vector<16xf32>,
      tpu.vector_store %arg15[%swap3A_766, %swap3A_767], %add3A_765 {strides = array<i32>} : memref<64x128xf32, #tpu.memory_space<vmem>>, vector<16xf32>,
      %mul3A_769 = arith.mulf %gather3A_757, %gather3A_752 : vector<16xf32>
      %swap3A_770 = arith.index_cast %shift_right_arithmetic3A_759 : i32 to index
      %swap3A_771 = arith.index_cast %mul3A_763 : i32 to index
      %swap3A_772 = tpu.vector_load %arg16[%swap3A_770, %swap3A_771] {strides = array<i32>} : memref<64x128xf32, #tpu.memory_space<vmem>>, vector<16xf32>,
      tpu.vector_store %arg16[%swap3A_770, %swap3A_771], %mul3A_769 {strides = array<i32>} : memref<64x128xf32, #tpu.memory_space<vmem>>, vector<16xf32>,
      %mul3A_773 = arith.constant 16 : i32
      %mul3A_774 = arith.muli %scan3A_325, %mul3A_773 : i32
      %add3A_775 = arith.constant 15 : i32
      %add3A_776 = arith.addi %mul3A_774, %add3A_775 : i32
      %add3A_777 = arith.constant 256 : i32
      %add3A_778 = arith.addi %add3A_777, %add3A_776 : i32
      %broadcast_in_dim3A_779 = vector.broadcast %add3A_778 : i32 to vector<16xi32>
      %broadcast_in_dim3A_780 = vector.broadcast %add3A_776 : i32 to vector<16xi32>
      %gather3A_781 = tpu.vector_load_idx %arg9[%broadcast_in_dim3A_779] : memref<512xi32, #tpu.memory_space<vmem>>[vector<16xi32>], vector<16xi32>,
      %gather3A_782 = tpu.vector_load_idx %arg11[%broadcast_in_dim3A_779] : memref<512xf32, #tpu.memory_space<vmem>>[vector<16xi32>], vector<16xf32>,
      %gather3A_783 = tpu.vector_load_idx %arg13[%broadcast_in_dim3A_780, %iota3A] : memref<128x16xf32, #tpu.memory_space<vmem>>[vector<16xi32>, vector<16xi32>], vector<16xf32>,
      %and3A_784 = arith.constant 127 : i32
      %and3A_785 = vector.broadcast %and3A_784 : i32 to vector<16xi32>
      %and3A_786 = arith.andi %gather3A_781, %and3A_785 : vector<16xi32>
      %gather3A_787 = tpu.vector_load_idx %arg14[%broadcast_in_dim3A_780, %and3A_786] : memref<128x128xf32, #tpu.memory_space<vmem>>[vector<16xi32>, vector<16xi32>], vector<16xf32>,
      %shift_right_arithmetic3A_788 = arith.constant 3 : i32
      %shift_right_arithmetic3A_789 = arith.shrsi %add3A_778, %shift_right_arithmetic3A_788 : i32
      %and3A_790 = arith.constant 7 : i32
      %and3A_791 = arith.andi %add3A_778, %and3A_790 : i32
      %mul3A_792 = arith.constant 16 : i32
      %mul3A_793 = arith.muli %and3A_791, %mul3A_792 : i32
      %mul3A_794 = arith.mulf %gather3A_782, %get3A_225 : vector<16xf32>
      %add3A_795 = arith.addf %mul3A_794, %gather3A_783 : vector<16xf32>
      %swap3A_796 = arith.index_cast %shift_right_arithmetic3A_789 : i32 to index
      %swap3A_797 = arith.index_cast %mul3A_793 : i32 to index
      %swap3A_798 = tpu.vector_load %arg15[%swap3A_796, %swap3A_797] {strides = array<i32>} : memref<64x128xf32, #tpu.memory_space<vmem>>, vector<16xf32>,
      tpu.vector_store %arg15[%swap3A_796, %swap3A_797], %add3A_795 {strides = array<i32>} : memref<64x128xf32, #tpu.memory_space<vmem>>, vector<16xf32>,
      %mul3A_799 = arith.mulf %gather3A_787, %gather3A_782 : vector<16xf32>
      %swap3A_800 = arith.index_cast %shift_right_arithmetic3A_789 : i32 to index
      %swap3A_801 = arith.index_cast %mul3A_793 : i32 to index
      %swap3A_802 = tpu.vector_load %arg16[%swap3A_800, %swap3A_801] {strides = array<i32>} : memref<64x128xf32, #tpu.memory_space<vmem>>, vector<16xf32>,
      tpu.vector_store %arg16[%swap3A_800, %swap3A_801], %mul3A_799 {strides = array<i32>} : memref<64x128xf32, #tpu.memory_space<vmem>>, vector<16xf32>,
    }
    %scan3A_297 = arith.constant 8 : i32
    %dma_start3A_298 = arith.constant 384 : i32
    %dma_start3A_299 = tpu.memref_slice %arg9[%dma_start3A_298] : memref<512xi32, #tpu.memory_space<vmem>> -> memref<128xi32, #tpu.memory_space<vmem>>
    %dma_start3A_300 = arith.constant 0 : i32
    %dma_start3A_301 = arith.constant 0 : i32
    %dma_start3A_302 = tpu.memref_slice %arg6[%dma_start3A_300, %dma_start3A_301] : memref<100000x16xf32, #tpu.memory_space<hbm>> -> memref<100000x16xf32, #tpu.memory_space<hbm>>
    tpu.enqueue_indirect_dma source(%dma_start3A_302 : memref<100000x16xf32, #tpu.memory_space<hbm>>) target(%arg13 : memref<128x16xf32, #tpu.memory_space<vmem>>) offsets(%dma_start3A_299 : memref<128xi32, #tpu.memory_space<vmem>>) semaphore(%arg17 : memref<!tpu.dma_semaphore, #tpu.memory_space<semaphore_mem>>)
    %dma_start3A_303 = arith.constant 384 : i32
    %dma_start3A_304 = tpu.memref_slice %arg10[%dma_start3A_303] : memref<512xi32, #tpu.memory_space<vmem>> -> memref<128xi32, #tpu.memory_space<vmem>>
    %dma_start3A_305 = arith.constant 0 : i32
    %dma_start3A_306 = arith.constant 0 : i32
    %dma_start3A_307 = tpu.memref_slice %arg5[%dma_start3A_305, %dma_start3A_306] : memref<782x128xf32, #tpu.memory_space<hbm>> -> memref<782x128xf32, #tpu.memory_space<hbm>>
    tpu.enqueue_indirect_dma source(%dma_start3A_307 : memref<782x128xf32, #tpu.memory_space<hbm>>) target(%arg14 : memref<128x128xf32, #tpu.memory_space<vmem>>) offsets(%dma_start3A_304 : memref<128xi32, #tpu.memory_space<vmem>>) semaphore(%arg17 : memref<!tpu.dma_semaphore, #tpu.memory_space<semaphore_mem>>)
    %dma_wait3A_308 = arith.constant 384 : i32
    %dma_wait3A_309 = tpu.memref_slice %arg9[%dma_wait3A_308] : memref<512xi32, #tpu.memory_space<vmem>> -> memref<128xi32, #tpu.memory_space<vmem>>
    %dma_wait3A_310 = arith.constant 0 : i32
    %dma_wait3A_311 = arith.constant 0 : i32
    %dma_wait3A_312 = tpu.memref_slice %arg6[%dma_wait3A_310, %dma_wait3A_311] : memref<100000x16xf32, #tpu.memory_space<hbm>> -> memref<100000x16xf32, #tpu.memory_space<hbm>>
    tpu.wait_indirect_dma semaphore(%arg17 : memref<!tpu.dma_semaphore, #tpu.memory_space<semaphore_mem>>) src(%dma_wait3A_312 : memref<100000x16xf32, #tpu.memory_space<hbm>>) dst(%arg13 : memref<128x16xf32, #tpu.memory_space<vmem>>)
    %dma_wait3A_313 = arith.constant 384 : i32
    %dma_wait3A_314 = tpu.memref_slice %arg10[%dma_wait3A_313] : memref<512xi32, #tpu.memory_space<vmem>> -> memref<128xi32, #tpu.memory_space<vmem>>
    %dma_wait3A_315 = arith.constant 0 : i32
    %dma_wait3A_316 = arith.constant 0 : i32
    %dma_wait3A_317 = tpu.memref_slice %arg5[%dma_wait3A_315, %dma_wait3A_316] : memref<782x128xf32, #tpu.memory_space<hbm>> -> memref<782x128xf32, #tpu.memory_space<hbm>>
    tpu.wait_indirect_dma semaphore(%arg17 : memref<!tpu.dma_semaphore, #tpu.memory_space<semaphore_mem>>) src(%dma_wait3A_317 : memref<782x128xf32, #tpu.memory_space<hbm>>) dst(%arg14 : memref<128x128xf32, #tpu.memory_space<vmem>>)
    %scan3A_318 = arith.constant 0 : i32
    %scan3A_319 = arith.constant 8 : i32
    %scan3A_320 = arith.addi %scan3A_318, %scan3A_319 : i32
    %scan3A_321 = arith.constant 1 : i32
    scf.for %scan3A_325 = %scan3A_318 to %scan3A_320 step %scan3A_321  : i32 {
      %mul3A_326 = arith.constant 16 : i32
      %mul3A_327 = arith.muli %scan3A_325, %mul3A_326 : i32
      %add3A_328 = arith.constant 0 : i32
      %add3A_329 = arith.addi %mul3A_327, %add3A_328 : i32
      %add3A_330 = arith.constant 384 : i32
      %add3A_331 = arith.addi %add3A_330, %add3A_329 : i32
      %broadcast_in_dim3A = vector.broadcast %add3A_331 : i32 to vector<16xi32>
      %broadcast_in_dim3A_332 = vector.broadcast %add3A_329 : i32 to vector<16xi32>
      %gather3A = tpu.vector_load_idx %arg9[%broadcast_in_dim3A] : memref<512xi32, #tpu.memory_space<vmem>>[vector<16xi32>], vector<16xi32>,
      %gather3A_333 = tpu.vector_load_idx %arg11[%broadcast_in_dim3A] : memref<512xf32, #tpu.memory_space<vmem>>[vector<16xi32>], vector<16xf32>,
      %gather3A_334 = tpu.vector_load_idx %arg13[%broadcast_in_dim3A_332, %iota3A] : memref<128x16xf32, #tpu.memory_space<vmem>>[vector<16xi32>, vector<16xi32>], vector<16xf32>,
      %and3A = arith.constant 127 : i32
      %and3A_335 = vector.broadcast %and3A : i32 to vector<16xi32>
      %and3A_336 = arith.andi %gather3A, %and3A_335 : vector<16xi32>
      %gather3A_337 = tpu.vector_load_idx %arg14[%broadcast_in_dim3A_332, %and3A_336] : memref<128x128xf32, #tpu.memory_space<vmem>>[vector<16xi32>, vector<16xi32>], vector<16xf32>,
      %shift_right_arithmetic3A_338 = arith.constant 3 : i32
      %shift_right_arithmetic3A_339 = arith.shrsi %add3A_331, %shift_right_arithmetic3A_338 : i32
      %and3A_340 = arith.constant 7 : i32
      %and3A_341 = arith.andi %add3A_331, %and3A_340 : i32
      %mul3A_342 = arith.constant 16 : i32
      %mul3A_343 = arith.muli %and3A_341, %mul3A_342 : i32
      %mul3A_344 = arith.mulf %gather3A_333, %get3A_225 : vector<16xf32>
      %add3A_345 = arith.addf %mul3A_344, %gather3A_334 : vector<16xf32>
      %swap3A_346 = arith.index_cast %shift_right_arithmetic3A_339 : i32 to index
      %swap3A_347 = arith.index_cast %mul3A_343 : i32 to index
      %swap3A_348 = tpu.vector_load %arg15[%swap3A_346, %swap3A_347] {strides = array<i32>} : memref<64x128xf32, #tpu.memory_space<vmem>>, vector<16xf32>,
      tpu.vector_store %arg15[%swap3A_346, %swap3A_347], %add3A_345 {strides = array<i32>} : memref<64x128xf32, #tpu.memory_space<vmem>>, vector<16xf32>,
      %mul3A_349 = arith.mulf %gather3A_337, %gather3A_333 : vector<16xf32>
      %swap3A_350 = arith.index_cast %shift_right_arithmetic3A_339 : i32 to index
      %swap3A_351 = arith.index_cast %mul3A_343 : i32 to index
      %swap3A_352 = tpu.vector_load %arg16[%swap3A_350, %swap3A_351] {strides = array<i32>} : memref<64x128xf32, #tpu.memory_space<vmem>>, vector<16xf32>,
      tpu.vector_store %arg16[%swap3A_350, %swap3A_351], %mul3A_349 {strides = array<i32>} : memref<64x128xf32, #tpu.memory_space<vmem>>, vector<16xf32>,
      %mul3A_353 = arith.constant 16 : i32
      %mul3A_354 = arith.muli %scan3A_325, %mul3A_353 : i32
      %add3A_355 = arith.constant 1 : i32
      %add3A_356 = arith.addi %mul3A_354, %add3A_355 : i32
      %add3A_357 = arith.constant 384 : i32
      %add3A_358 = arith.addi %add3A_357, %add3A_356 : i32
      %broadcast_in_dim3A_359 = vector.broadcast %add3A_358 : i32 to vector<16xi32>
      %broadcast_in_dim3A_360 = vector.broadcast %add3A_356 : i32 to vector<16xi32>
      %gather3A_361 = tpu.vector_load_idx %arg9[%broadcast_in_dim3A_359] : memref<512xi32, #tpu.memory_space<vmem>>[vector<16xi32>], vector<16xi32>,
      %gather3A_362 = tpu.vector_load_idx %arg11[%broadcast_in_dim3A_359] : memref<512xf32, #tpu.memory_space<vmem>>[vector<16xi32>], vector<16xf32>,
      %gather3A_363 = tpu.vector_load_idx %arg13[%broadcast_in_dim3A_360, %iota3A] : memref<128x16xf32, #tpu.memory_space<vmem>>[vector<16xi32>, vector<16xi32>], vector<16xf32>,
      %and3A_364 = arith.constant 127 : i32
      %and3A_365 = vector.broadcast %and3A_364 : i32 to vector<16xi32>
      %and3A_366 = arith.andi %gather3A_361, %and3A_365 : vector<16xi32>
      %gather3A_367 = tpu.vector_load_idx %arg14[%broadcast_in_dim3A_360, %and3A_366] : memref<128x128xf32, #tpu.memory_space<vmem>>[vector<16xi32>, vector<16xi32>], vector<16xf32>,
      %shift_right_arithmetic3A_368 = arith.constant 3 : i32
      %shift_right_arithmetic3A_369 = arith.shrsi %add3A_358, %shift_right_arithmetic3A_368 : i32
      %and3A_370 = arith.constant 7 : i32
      %and3A_371 = arith.andi %add3A_358, %and3A_370 : i32
      %mul3A_372 = arith.constant 16 : i32
      %mul3A_373 = arith.muli %and3A_371, %mul3A_372 : i32
      %mul3A_374 = arith.mulf %gather3A_362, %get3A_225 : vector<16xf32>
      %add3A_375 = arith.addf %mul3A_374, %gather3A_363 : vector<16xf32>
      %swap3A_376 = arith.index_cast %shift_right_arithmetic3A_369 : i32 to index
      %swap3A_377 = arith.index_cast %mul3A_373 : i32 to index
      %swap3A_378 = tpu.vector_load %arg15[%swap3A_376, %swap3A_377] {strides = array<i32>} : memref<64x128xf32, #tpu.memory_space<vmem>>, vector<16xf32>,
      tpu.vector_store %arg15[%swap3A_376, %swap3A_377], %add3A_375 {strides = array<i32>} : memref<64x128xf32, #tpu.memory_space<vmem>>, vector<16xf32>,
      %mul3A_379 = arith.mulf %gather3A_367, %gather3A_362 : vector<16xf32>
      %swap3A_380 = arith.index_cast %shift_right_arithmetic3A_369 : i32 to index
      %swap3A_381 = arith.index_cast %mul3A_373 : i32 to index
      %swap3A_382 = tpu.vector_load %arg16[%swap3A_380, %swap3A_381] {strides = array<i32>} : memref<64x128xf32, #tpu.memory_space<vmem>>, vector<16xf32>,
      tpu.vector_store %arg16[%swap3A_380, %swap3A_381], %mul3A_379 {strides = array<i32>} : memref<64x128xf32, #tpu.memory_space<vmem>>, vector<16xf32>,
      %mul3A_383 = arith.constant 16 : i32
      %mul3A_384 = arith.muli %scan3A_325, %mul3A_383 : i32
      %add3A_385 = arith.constant 2 : i32
      %add3A_386 = arith.addi %mul3A_384, %add3A_385 : i32
      %add3A_387 = arith.constant 384 : i32
      %add3A_388 = arith.addi %add3A_387, %add3A_386 : i32
      %broadcast_in_dim3A_389 = vector.broadcast %add3A_388 : i32 to vector<16xi32>
      %broadcast_in_dim3A_390 = vector.broadcast %add3A_386 : i32 to vector<16xi32>
      %gather3A_391 = tpu.vector_load_idx %arg9[%broadcast_in_dim3A_389] : memref<512xi32, #tpu.memory_space<vmem>>[vector<16xi32>], vector<16xi32>,
      %gather3A_392 = tpu.vector_load_idx %arg11[%broadcast_in_dim3A_389] : memref<512xf32, #tpu.memory_space<vmem>>[vector<16xi32>], vector<16xf32>,
      %gather3A_393 = tpu.vector_load_idx %arg13[%broadcast_in_dim3A_390, %iota3A] : memref<128x16xf32, #tpu.memory_space<vmem>>[vector<16xi32>, vector<16xi32>], vector<16xf32>,
      %and3A_394 = arith.constant 127 : i32
      %and3A_395 = vector.broadcast %and3A_394 : i32 to vector<16xi32>
      %and3A_396 = arith.andi %gather3A_391, %and3A_395 : vector<16xi32>
      %gather3A_397 = tpu.vector_load_idx %arg14[%broadcast_in_dim3A_390, %and3A_396] : memref<128x128xf32, #tpu.memory_space<vmem>>[vector<16xi32>, vector<16xi32>], vector<16xf32>,
      %shift_right_arithmetic3A_398 = arith.constant 3 : i32
      %shift_right_arithmetic3A_399 = arith.shrsi %add3A_388, %shift_right_arithmetic3A_398 : i32
      %and3A_400 = arith.constant 7 : i32
      %and3A_401 = arith.andi %add3A_388, %and3A_400 : i32
      %mul3A_402 = arith.constant 16 : i32
      %mul3A_403 = arith.muli %and3A_401, %mul3A_402 : i32
      %mul3A_404 = arith.mulf %gather3A_392, %get3A_225 : vector<16xf32>
      %add3A_405 = arith.addf %mul3A_404, %gather3A_393 : vector<16xf32>
      %swap3A_406 = arith.index_cast %shift_right_arithmetic3A_399 : i32 to index
      %swap3A_407 = arith.index_cast %mul3A_403 : i32 to index
      %swap3A_408 = tpu.vector_load %arg15[%swap3A_406, %swap3A_407] {strides = array<i32>} : memref<64x128xf32, #tpu.memory_space<vmem>>, vector<16xf32>,
      tpu.vector_store %arg15[%swap3A_406, %swap3A_407], %add3A_405 {strides = array<i32>} : memref<64x128xf32, #tpu.memory_space<vmem>>, vector<16xf32>,
      %mul3A_409 = arith.mulf %gather3A_397, %gather3A_392 : vector<16xf32>
      %swap3A_410 = arith.index_cast %shift_right_arithmetic3A_399 : i32 to index
      %swap3A_411 = arith.index_cast %mul3A_403 : i32 to index
      %swap3A_412 = tpu.vector_load %arg16[%swap3A_410, %swap3A_411] {strides = array<i32>} : memref<64x128xf32, #tpu.memory_space<vmem>>, vector<16xf32>,
      tpu.vector_store %arg16[%swap3A_410, %swap3A_411], %mul3A_409 {strides = array<i32>} : memref<64x128xf32, #tpu.memory_space<vmem>>, vector<16xf32>,
      %mul3A_413 = arith.constant 16 : i32
      %mul3A_414 = arith.muli %scan3A_325, %mul3A_413 : i32
      %add3A_415 = arith.constant 3 : i32
      %add3A_416 = arith.addi %mul3A_414, %add3A_415 : i32
      %add3A_417 = arith.constant 384 : i32
      %add3A_418 = arith.addi %add3A_417, %add3A_416 : i32
      %broadcast_in_dim3A_419 = vector.broadcast %add3A_418 : i32 to vector<16xi32>
      %broadcast_in_dim3A_420 = vector.broadcast %add3A_416 : i32 to vector<16xi32>
      %gather3A_421 = tpu.vector_load_idx %arg9[%broadcast_in_dim3A_419] : memref<512xi32, #tpu.memory_space<vmem>>[vector<16xi32>], vector<16xi32>,
      %gather3A_422 = tpu.vector_load_idx %arg11[%broadcast_in_dim3A_419] : memref<512xf32, #tpu.memory_space<vmem>>[vector<16xi32>], vector<16xf32>,
      %gather3A_423 = tpu.vector_load_idx %arg13[%broadcast_in_dim3A_420, %iota3A] : memref<128x16xf32, #tpu.memory_space<vmem>>[vector<16xi32>, vector<16xi32>], vector<16xf32>,
      %and3A_424 = arith.constant 127 : i32
      %and3A_425 = vector.broadcast %and3A_424 : i32 to vector<16xi32>
      %and3A_426 = arith.andi %gather3A_421, %and3A_425 : vector<16xi32>
      %gather3A_427 = tpu.vector_load_idx %arg14[%broadcast_in_dim3A_420, %and3A_426] : memref<128x128xf32, #tpu.memory_space<vmem>>[vector<16xi32>, vector<16xi32>], vector<16xf32>,
      %shift_right_arithmetic3A_428 = arith.constant 3 : i32
      %shift_right_arithmetic3A_429 = arith.shrsi %add3A_418, %shift_right_arithmetic3A_428 : i32
      %and3A_430 = arith.constant 7 : i32
      %and3A_431 = arith.andi %add3A_418, %and3A_430 : i32
      %mul3A_432 = arith.constant 16 : i32
      %mul3A_433 = arith.muli %and3A_431, %mul3A_432 : i32
      %mul3A_434 = arith.mulf %gather3A_422, %get3A_225 : vector<16xf32>
      %add3A_435 = arith.addf %mul3A_434, %gather3A_423 : vector<16xf32>
      %swap3A_436 = arith.index_cast %shift_right_arithmetic3A_429 : i32 to index
      %swap3A_437 = arith.index_cast %mul3A_433 : i32 to index
      %swap3A_438 = tpu.vector_load %arg15[%swap3A_436, %swap3A_437] {strides = array<i32>} : memref<64x128xf32, #tpu.memory_space<vmem>>, vector<16xf32>,
      tpu.vector_store %arg15[%swap3A_436, %swap3A_437], %add3A_435 {strides = array<i32>} : memref<64x128xf32, #tpu.memory_space<vmem>>, vector<16xf32>,
      %mul3A_439 = arith.mulf %gather3A_427, %gather3A_422 : vector<16xf32>
      %swap3A_440 = arith.index_cast %shift_right_arithmetic3A_429 : i32 to index
      %swap3A_441 = arith.index_cast %mul3A_433 : i32 to index
      %swap3A_442 = tpu.vector_load %arg16[%swap3A_440, %swap3A_441] {strides = array<i32>} : memref<64x128xf32, #tpu.memory_space<vmem>>, vector<16xf32>,
      tpu.vector_store %arg16[%swap3A_440, %swap3A_441], %mul3A_439 {strides = array<i32>} : memref<64x128xf32, #tpu.memory_space<vmem>>, vector<16xf32>,
      %mul3A_443 = arith.constant 16 : i32
      %mul3A_444 = arith.muli %scan3A_325, %mul3A_443 : i32
      %add3A_445 = arith.constant 4 : i32
      %add3A_446 = arith.addi %mul3A_444, %add3A_445 : i32
      %add3A_447 = arith.constant 384 : i32
      %add3A_448 = arith.addi %add3A_447, %add3A_446 : i32
      %broadcast_in_dim3A_449 = vector.broadcast %add3A_448 : i32 to vector<16xi32>
      %broadcast_in_dim3A_450 = vector.broadcast %add3A_446 : i32 to vector<16xi32>
      %gather3A_451 = tpu.vector_load_idx %arg9[%broadcast_in_dim3A_449] : memref<512xi32, #tpu.memory_space<vmem>>[vector<16xi32>], vector<16xi32>,
      %gather3A_452 = tpu.vector_load_idx %arg11[%broadcast_in_dim3A_449] : memref<512xf32, #tpu.memory_space<vmem>>[vector<16xi32>], vector<16xf32>,
      %gather3A_453 = tpu.vector_load_idx %arg13[%broadcast_in_dim3A_450, %iota3A] : memref<128x16xf32, #tpu.memory_space<vmem>>[vector<16xi32>, vector<16xi32>], vector<16xf32>,
      %and3A_454 = arith.constant 127 : i32
      %and3A_455 = vector.broadcast %and3A_454 : i32 to vector<16xi32>
      %and3A_456 = arith.andi %gather3A_451, %and3A_455 : vector<16xi32>
      %gather3A_457 = tpu.vector_load_idx %arg14[%broadcast_in_dim3A_450, %and3A_456] : memref<128x128xf32, #tpu.memory_space<vmem>>[vector<16xi32>, vector<16xi32>], vector<16xf32>,
      %shift_right_arithmetic3A_458 = arith.constant 3 : i32
      %shift_right_arithmetic3A_459 = arith.shrsi %add3A_448, %shift_right_arithmetic3A_458 : i32
      %and3A_460 = arith.constant 7 : i32
      %and3A_461 = arith.andi %add3A_448, %and3A_460 : i32
      %mul3A_462 = arith.constant 16 : i32
      %mul3A_463 = arith.muli %and3A_461, %mul3A_462 : i32
      %mul3A_464 = arith.mulf %gather3A_452, %get3A_225 : vector<16xf32>
      %add3A_465 = arith.addf %mul3A_464, %gather3A_453 : vector<16xf32>
      %swap3A_466 = arith.index_cast %shift_right_arithmetic3A_459 : i32 to index
      %swap3A_467 = arith.index_cast %mul3A_463 : i32 to index
      %swap3A_468 = tpu.vector_load %arg15[%swap3A_466, %swap3A_467] {strides = array<i32>} : memref<64x128xf32, #tpu.memory_space<vmem>>, vector<16xf32>,
      tpu.vector_store %arg15[%swap3A_466, %swap3A_467], %add3A_465 {strides = array<i32>} : memref<64x128xf32, #tpu.memory_space<vmem>>, vector<16xf32>,
      %mul3A_469 = arith.mulf %gather3A_457, %gather3A_452 : vector<16xf32>
      %swap3A_470 = arith.index_cast %shift_right_arithmetic3A_459 : i32 to index
      %swap3A_471 = arith.index_cast %mul3A_463 : i32 to index
      %swap3A_472 = tpu.vector_load %arg16[%swap3A_470, %swap3A_471] {strides = array<i32>} : memref<64x128xf32, #tpu.memory_space<vmem>>, vector<16xf32>,
      tpu.vector_store %arg16[%swap3A_470, %swap3A_471], %mul3A_469 {strides = array<i32>} : memref<64x128xf32, #tpu.memory_space<vmem>>, vector<16xf32>,
      %mul3A_473 = arith.constant 16 : i32
      %mul3A_474 = arith.muli %scan3A_325, %mul3A_473 : i32
      %add3A_475 = arith.constant 5 : i32
      %add3A_476 = arith.addi %mul3A_474, %add3A_475 : i32
      %add3A_477 = arith.constant 384 : i32
      %add3A_478 = arith.addi %add3A_477, %add3A_476 : i32
      %broadcast_in_dim3A_479 = vector.broadcast %add3A_478 : i32 to vector<16xi32>
      %broadcast_in_dim3A_480 = vector.broadcast %add3A_476 : i32 to vector<16xi32>
      %gather3A_481 = tpu.vector_load_idx %arg9[%broadcast_in_dim3A_479] : memref<512xi32, #tpu.memory_space<vmem>>[vector<16xi32>], vector<16xi32>,
      %gather3A_482 = tpu.vector_load_idx %arg11[%broadcast_in_dim3A_479] : memref<512xf32, #tpu.memory_space<vmem>>[vector<16xi32>], vector<16xf32>,
      %gather3A_483 = tpu.vector_load_idx %arg13[%broadcast_in_dim3A_480, %iota3A] : memref<128x16xf32, #tpu.memory_space<vmem>>[vector<16xi32>, vector<16xi32>], vector<16xf32>,
      %and3A_484 = arith.constant 127 : i32
      %and3A_485 = vector.broadcast %and3A_484 : i32 to vector<16xi32>
      %and3A_486 = arith.andi %gather3A_481, %and3A_485 : vector<16xi32>
      %gather3A_487 = tpu.vector_load_idx %arg14[%broadcast_in_dim3A_480, %and3A_486] : memref<128x128xf32, #tpu.memory_space<vmem>>[vector<16xi32>, vector<16xi32>], vector<16xf32>,
      %shift_right_arithmetic3A_488 = arith.constant 3 : i32
      %shift_right_arithmetic3A_489 = arith.shrsi %add3A_478, %shift_right_arithmetic3A_488 : i32
      %and3A_490 = arith.constant 7 : i32
      %and3A_491 = arith.andi %add3A_478, %and3A_490 : i32
      %mul3A_492 = arith.constant 16 : i32
      %mul3A_493 = arith.muli %and3A_491, %mul3A_492 : i32
      %mul3A_494 = arith.mulf %gather3A_482, %get3A_225 : vector<16xf32>
      %add3A_495 = arith.addf %mul3A_494, %gather3A_483 : vector<16xf32>
      %swap3A_496 = arith.index_cast %shift_right_arithmetic3A_489 : i32 to index
      %swap3A_497 = arith.index_cast %mul3A_493 : i32 to index
      %swap3A_498 = tpu.vector_load %arg15[%swap3A_496, %swap3A_497] {strides = array<i32>} : memref<64x128xf32, #tpu.memory_space<vmem>>, vector<16xf32>,
      tpu.vector_store %arg15[%swap3A_496, %swap3A_497], %add3A_495 {strides = array<i32>} : memref<64x128xf32, #tpu.memory_space<vmem>>, vector<16xf32>,
      %mul3A_499 = arith.mulf %gather3A_487, %gather3A_482 : vector<16xf32>
      %swap3A_500 = arith.index_cast %shift_right_arithmetic3A_489 : i32 to index
      %swap3A_501 = arith.index_cast %mul3A_493 : i32 to index
      %swap3A_502 = tpu.vector_load %arg16[%swap3A_500, %swap3A_501] {strides = array<i32>} : memref<64x128xf32, #tpu.memory_space<vmem>>, vector<16xf32>,
      tpu.vector_store %arg16[%swap3A_500, %swap3A_501], %mul3A_499 {strides = array<i32>} : memref<64x128xf32, #tpu.memory_space<vmem>>, vector<16xf32>,
      %mul3A_503 = arith.constant 16 : i32
      %mul3A_504 = arith.muli %scan3A_325, %mul3A_503 : i32
      %add3A_505 = arith.constant 6 : i32
      %add3A_506 = arith.addi %mul3A_504, %add3A_505 : i32
      %add3A_507 = arith.constant 384 : i32
      %add3A_508 = arith.addi %add3A_507, %add3A_506 : i32
      %broadcast_in_dim3A_509 = vector.broadcast %add3A_508 : i32 to vector<16xi32>
      %broadcast_in_dim3A_510 = vector.broadcast %add3A_506 : i32 to vector<16xi32>
      %gather3A_511 = tpu.vector_load_idx %arg9[%broadcast_in_dim3A_509] : memref<512xi32, #tpu.memory_space<vmem>>[vector<16xi32>], vector<16xi32>,
      %gather3A_512 = tpu.vector_load_idx %arg11[%broadcast_in_dim3A_509] : memref<512xf32, #tpu.memory_space<vmem>>[vector<16xi32>], vector<16xf32>,
      %gather3A_513 = tpu.vector_load_idx %arg13[%broadcast_in_dim3A_510, %iota3A] : memref<128x16xf32, #tpu.memory_space<vmem>>[vector<16xi32>, vector<16xi32>], vector<16xf32>,
      %and3A_514 = arith.constant 127 : i32
      %and3A_515 = vector.broadcast %and3A_514 : i32 to vector<16xi32>
      %and3A_516 = arith.andi %gather3A_511, %and3A_515 : vector<16xi32>
      %gather3A_517 = tpu.vector_load_idx %arg14[%broadcast_in_dim3A_510, %and3A_516] : memref<128x128xf32, #tpu.memory_space<vmem>>[vector<16xi32>, vector<16xi32>], vector<16xf32>,
      %shift_right_arithmetic3A_518 = arith.constant 3 : i32
      %shift_right_arithmetic3A_519 = arith.shrsi %add3A_508, %shift_right_arithmetic3A_518 : i32
      %and3A_520 = arith.constant 7 : i32
      %and3A_521 = arith.andi %add3A_508, %and3A_520 : i32
      %mul3A_522 = arith.constant 16 : i32
      %mul3A_523 = arith.muli %and3A_521, %mul3A_522 : i32
      %mul3A_524 = arith.mulf %gather3A_512, %get3A_225 : vector<16xf32>
      %add3A_525 = arith.addf %mul3A_524, %gather3A_513 : vector<16xf32>
      %swap3A_526 = arith.index_cast %shift_right_arithmetic3A_519 : i32 to index
      %swap3A_527 = arith.index_cast %mul3A_523 : i32 to index
      %swap3A_528 = tpu.vector_load %arg15[%swap3A_526, %swap3A_527] {strides = array<i32>} : memref<64x128xf32, #tpu.memory_space<vmem>>, vector<16xf32>,
      tpu.vector_store %arg15[%swap3A_526, %swap3A_527], %add3A_525 {strides = array<i32>} : memref<64x128xf32, #tpu.memory_space<vmem>>, vector<16xf32>,
      %mul3A_529 = arith.mulf %gather3A_517, %gather3A_512 : vector<16xf32>
      %swap3A_530 = arith.index_cast %shift_right_arithmetic3A_519 : i32 to index
      %swap3A_531 = arith.index_cast %mul3A_523 : i32 to index
      %swap3A_532 = tpu.vector_load %arg16[%swap3A_530, %swap3A_531] {strides = array<i32>} : memref<64x128xf32, #tpu.memory_space<vmem>>, vector<16xf32>,
      tpu.vector_store %arg16[%swap3A_530, %swap3A_531], %mul3A_529 {strides = array<i32>} : memref<64x128xf32, #tpu.memory_space<vmem>>, vector<16xf32>,
      %mul3A_533 = arith.constant 16 : i32
      %mul3A_534 = arith.muli %scan3A_325, %mul3A_533 : i32
      %add3A_535 = arith.constant 7 : i32
      %add3A_536 = arith.addi %mul3A_534, %add3A_535 : i32
      %add3A_537 = arith.constant 384 : i32
      %add3A_538 = arith.addi %add3A_537, %add3A_536 : i32
      %broadcast_in_dim3A_539 = vector.broadcast %add3A_538 : i32 to vector<16xi32>
      %broadcast_in_dim3A_540 = vector.broadcast %add3A_536 : i32 to vector<16xi32>
      %gather3A_541 = tpu.vector_load_idx %arg9[%broadcast_in_dim3A_539] : memref<512xi32, #tpu.memory_space<vmem>>[vector<16xi32>], vector<16xi32>,
      %gather3A_542 = tpu.vector_load_idx %arg11[%broadcast_in_dim3A_539] : memref<512xf32, #tpu.memory_space<vmem>>[vector<16xi32>], vector<16xf32>,
      %gather3A_543 = tpu.vector_load_idx %arg13[%broadcast_in_dim3A_540, %iota3A] : memref<128x16xf32, #tpu.memory_space<vmem>>[vector<16xi32>, vector<16xi32>], vector<16xf32>,
      %and3A_544 = arith.constant 127 : i32
      %and3A_545 = vector.broadcast %and3A_544 : i32 to vector<16xi32>
      %and3A_546 = arith.andi %gather3A_541, %and3A_545 : vector<16xi32>
      %gather3A_547 = tpu.vector_load_idx %arg14[%broadcast_in_dim3A_540, %and3A_546] : memref<128x128xf32, #tpu.memory_space<vmem>>[vector<16xi32>, vector<16xi32>], vector<16xf32>,
      %shift_right_arithmetic3A_548 = arith.constant 3 : i32
      %shift_right_arithmetic3A_549 = arith.shrsi %add3A_538, %shift_right_arithmetic3A_548 : i32
      %and3A_550 = arith.constant 7 : i32
      %and3A_551 = arith.andi %add3A_538, %and3A_550 : i32
      %mul3A_552 = arith.constant 16 : i32
      %mul3A_553 = arith.muli %and3A_551, %mul3A_552 : i32
      %mul3A_554 = arith.mulf %gather3A_542, %get3A_225 : vector<16xf32>
      %add3A_555 = arith.addf %mul3A_554, %gather3A_543 : vector<16xf32>
      %swap3A_556 = arith.index_cast %shift_right_arithmetic3A_549 : i32 to index
      %swap3A_557 = arith.index_cast %mul3A_553 : i32 to index
      %swap3A_558 = tpu.vector_load %arg15[%swap3A_556, %swap3A_557] {strides = array<i32>} : memref<64x128xf32, #tpu.memory_space<vmem>>, vector<16xf32>,
      tpu.vector_store %arg15[%swap3A_556, %swap3A_557], %add3A_555 {strides = array<i32>} : memref<64x128xf32, #tpu.memory_space<vmem>>, vector<16xf32>,
      %mul3A_559 = arith.mulf %gather3A_547, %gather3A_542 : vector<16xf32>
      %swap3A_560 = arith.index_cast %shift_right_arithmetic3A_549 : i32 to index
      %swap3A_561 = arith.index_cast %mul3A_553 : i32 to index
      %swap3A_562 = tpu.vector_load %arg16[%swap3A_560, %swap3A_561] {strides = array<i32>} : memref<64x128xf32, #tpu.memory_space<vmem>>, vector<16xf32>,
      tpu.vector_store %arg16[%swap3A_560, %swap3A_561], %mul3A_559 {strides = array<i32>} : memref<64x128xf32, #tpu.memory_space<vmem>>, vector<16xf32>,
      %mul3A_563 = arith.constant 16 : i32
      %mul3A_564 = arith.muli %scan3A_325, %mul3A_563 : i32
      %add3A_565 = arith.constant 8 : i32
      %add3A_566 = arith.addi %mul3A_564, %add3A_565 : i32
      %add3A_567 = arith.constant 384 : i32
      %add3A_568 = arith.addi %add3A_567, %add3A_566 : i32
      %broadcast_in_dim3A_569 = vector.broadcast %add3A_568 : i32 to vector<16xi32>
      %broadcast_in_dim3A_570 = vector.broadcast %add3A_566 : i32 to vector<16xi32>
      %gather3A_571 = tpu.vector_load_idx %arg9[%broadcast_in_dim3A_569] : memref<512xi32, #tpu.memory_space<vmem>>[vector<16xi32>], vector<16xi32>,
      %gather3A_572 = tpu.vector_load_idx %arg11[%broadcast_in_dim3A_569] : memref<512xf32, #tpu.memory_space<vmem>>[vector<16xi32>], vector<16xf32>,
      %gather3A_573 = tpu.vector_load_idx %arg13[%broadcast_in_dim3A_570, %iota3A] : memref<128x16xf32, #tpu.memory_space<vmem>>[vector<16xi32>, vector<16xi32>], vector<16xf32>,
      %and3A_574 = arith.constant 127 : i32
      %and3A_575 = vector.broadcast %and3A_574 : i32 to vector<16xi32>
      %and3A_576 = arith.andi %gather3A_571, %and3A_575 : vector<16xi32>
      %gather3A_577 = tpu.vector_load_idx %arg14[%broadcast_in_dim3A_570, %and3A_576] : memref<128x128xf32, #tpu.memory_space<vmem>>[vector<16xi32>, vector<16xi32>], vector<16xf32>,
      %shift_right_arithmetic3A_578 = arith.constant 3 : i32
      %shift_right_arithmetic3A_579 = arith.shrsi %add3A_568, %shift_right_arithmetic3A_578 : i32
      %and3A_580 = arith.constant 7 : i32
      %and3A_581 = arith.andi %add3A_568, %and3A_580 : i32
      %mul3A_582 = arith.constant 16 : i32
      %mul3A_583 = arith.muli %and3A_581, %mul3A_582 : i32
      %mul3A_584 = arith.mulf %gather3A_572, %get3A_225 : vector<16xf32>
      %add3A_585 = arith.addf %mul3A_584, %gather3A_573 : vector<16xf32>
      %swap3A_586 = arith.index_cast %shift_right_arithmetic3A_579 : i32 to index
      %swap3A_587 = arith.index_cast %mul3A_583 : i32 to index
      %swap3A_588 = tpu.vector_load %arg15[%swap3A_586, %swap3A_587] {strides = array<i32>} : memref<64x128xf32, #tpu.memory_space<vmem>>, vector<16xf32>,
      tpu.vector_store %arg15[%swap3A_586, %swap3A_587], %add3A_585 {strides = array<i32>} : memref<64x128xf32, #tpu.memory_space<vmem>>, vector<16xf32>,
      %mul3A_589 = arith.mulf %gather3A_577, %gather3A_572 : vector<16xf32>
      %swap3A_590 = arith.index_cast %shift_right_arithmetic3A_579 : i32 to index
      %swap3A_591 = arith.index_cast %mul3A_583 : i32 to index
      %swap3A_592 = tpu.vector_load %arg16[%swap3A_590, %swap3A_591] {strides = array<i32>} : memref<64x128xf32, #tpu.memory_space<vmem>>, vector<16xf32>,
      tpu.vector_store %arg16[%swap3A_590, %swap3A_591], %mul3A_589 {strides = array<i32>} : memref<64x128xf32, #tpu.memory_space<vmem>>, vector<16xf32>,
      %mul3A_593 = arith.constant 16 : i32
      %mul3A_594 = arith.muli %scan3A_325, %mul3A_593 : i32
      %add3A_595 = arith.constant 9 : i32
      %add3A_596 = arith.addi %mul3A_594, %add3A_595 : i32
      %add3A_597 = arith.constant 384 : i32
      %add3A_598 = arith.addi %add3A_597, %add3A_596 : i32
      %broadcast_in_dim3A_599 = vector.broadcast %add3A_598 : i32 to vector<16xi32>
      %broadcast_in_dim3A_600 = vector.broadcast %add3A_596 : i32 to vector<16xi32>
      %gather3A_601 = tpu.vector_load_idx %arg9[%broadcast_in_dim3A_599] : memref<512xi32, #tpu.memory_space<vmem>>[vector<16xi32>], vector<16xi32>,
      %gather3A_602 = tpu.vector_load_idx %arg11[%broadcast_in_dim3A_599] : memref<512xf32, #tpu.memory_space<vmem>>[vector<16xi32>], vector<16xf32>,
      %gather3A_603 = tpu.vector_load_idx %arg13[%broadcast_in_dim3A_600, %iota3A] : memref<128x16xf32, #tpu.memory_space<vmem>>[vector<16xi32>, vector<16xi32>], vector<16xf32>,
      %and3A_604 = arith.constant 127 : i32
      %and3A_605 = vector.broadcast %and3A_604 : i32 to vector<16xi32>
      %and3A_606 = arith.andi %gather3A_601, %and3A_605 : vector<16xi32>
      %gather3A_607 = tpu.vector_load_idx %arg14[%broadcast_in_dim3A_600, %and3A_606] : memref<128x128xf32, #tpu.memory_space<vmem>>[vector<16xi32>, vector<16xi32>], vector<16xf32>,
      %shift_right_arithmetic3A_608 = arith.constant 3 : i32
      %shift_right_arithmetic3A_609 = arith.shrsi %add3A_598, %shift_right_arithmetic3A_608 : i32
      %and3A_610 = arith.constant 7 : i32
      %and3A_611 = arith.andi %add3A_598, %and3A_610 : i32
      %mul3A_612 = arith.constant 16 : i32
      %mul3A_613 = arith.muli %and3A_611, %mul3A_612 : i32
      %mul3A_614 = arith.mulf %gather3A_602, %get3A_225 : vector<16xf32>
      %add3A_615 = arith.addf %mul3A_614, %gather3A_603 : vector<16xf32>
      %swap3A_616 = arith.index_cast %shift_right_arithmetic3A_609 : i32 to index
      %swap3A_617 = arith.index_cast %mul3A_613 : i32 to index
      %swap3A_618 = tpu.vector_load %arg15[%swap3A_616, %swap3A_617] {strides = array<i32>} : memref<64x128xf32, #tpu.memory_space<vmem>>, vector<16xf32>,
      tpu.vector_store %arg15[%swap3A_616, %swap3A_617], %add3A_615 {strides = array<i32>} : memref<64x128xf32, #tpu.memory_space<vmem>>, vector<16xf32>,
      %mul3A_619 = arith.mulf %gather3A_607, %gather3A_602 : vector<16xf32>
      %swap3A_620 = arith.index_cast %shift_right_arithmetic3A_609 : i32 to index
      %swap3A_621 = arith.index_cast %mul3A_613 : i32 to index
      %swap3A_622 = tpu.vector_load %arg16[%swap3A_620, %swap3A_621] {strides = array<i32>} : memref<64x128xf32, #tpu.memory_space<vmem>>, vector<16xf32>,
      tpu.vector_store %arg16[%swap3A_620, %swap3A_621], %mul3A_619 {strides = array<i32>} : memref<64x128xf32, #tpu.memory_space<vmem>>, vector<16xf32>,
      %mul3A_623 = arith.constant 16 : i32
      %mul3A_624 = arith.muli %scan3A_325, %mul3A_623 : i32
      %add3A_625 = arith.constant 10 : i32
      %add3A_626 = arith.addi %mul3A_624, %add3A_625 : i32
      %add3A_627 = arith.constant 384 : i32
      %add3A_628 = arith.addi %add3A_627, %add3A_626 : i32
      %broadcast_in_dim3A_629 = vector.broadcast %add3A_628 : i32 to vector<16xi32>
      %broadcast_in_dim3A_630 = vector.broadcast %add3A_626 : i32 to vector<16xi32>
      %gather3A_631 = tpu.vector_load_idx %arg9[%broadcast_in_dim3A_629] : memref<512xi32, #tpu.memory_space<vmem>>[vector<16xi32>], vector<16xi32>,
      %gather3A_632 = tpu.vector_load_idx %arg11[%broadcast_in_dim3A_629] : memref<512xf32, #tpu.memory_space<vmem>>[vector<16xi32>], vector<16xf32>,
      %gather3A_633 = tpu.vector_load_idx %arg13[%broadcast_in_dim3A_630, %iota3A] : memref<128x16xf32, #tpu.memory_space<vmem>>[vector<16xi32>, vector<16xi32>], vector<16xf32>,
      %and3A_634 = arith.constant 127 : i32
      %and3A_635 = vector.broadcast %and3A_634 : i32 to vector<16xi32>
      %and3A_636 = arith.andi %gather3A_631, %and3A_635 : vector<16xi32>
      %gather3A_637 = tpu.vector_load_idx %arg14[%broadcast_in_dim3A_630, %and3A_636] : memref<128x128xf32, #tpu.memory_space<vmem>>[vector<16xi32>, vector<16xi32>], vector<16xf32>,
      %shift_right_arithmetic3A_638 = arith.constant 3 : i32
      %shift_right_arithmetic3A_639 = arith.shrsi %add3A_628, %shift_right_arithmetic3A_638 : i32
      %and3A_640 = arith.constant 7 : i32
      %and3A_641 = arith.andi %add3A_628, %and3A_640 : i32
      %mul3A_642 = arith.constant 16 : i32
      %mul3A_643 = arith.muli %and3A_641, %mul3A_642 : i32
      %mul3A_644 = arith.mulf %gather3A_632, %get3A_225 : vector<16xf32>
      %add3A_645 = arith.addf %mul3A_644, %gather3A_633 : vector<16xf32>
      %swap3A_646 = arith.index_cast %shift_right_arithmetic3A_639 : i32 to index
      %swap3A_647 = arith.index_cast %mul3A_643 : i32 to index
      %swap3A_648 = tpu.vector_load %arg15[%swap3A_646, %swap3A_647] {strides = array<i32>} : memref<64x128xf32, #tpu.memory_space<vmem>>, vector<16xf32>,
      tpu.vector_store %arg15[%swap3A_646, %swap3A_647], %add3A_645 {strides = array<i32>} : memref<64x128xf32, #tpu.memory_space<vmem>>, vector<16xf32>,
      %mul3A_649 = arith.mulf %gather3A_637, %gather3A_632 : vector<16xf32>
      %swap3A_650 = arith.index_cast %shift_right_arithmetic3A_639 : i32 to index
      %swap3A_651 = arith.index_cast %mul3A_643 : i32 to index
      %swap3A_652 = tpu.vector_load %arg16[%swap3A_650, %swap3A_651] {strides = array<i32>} : memref<64x128xf32, #tpu.memory_space<vmem>>, vector<16xf32>,
      tpu.vector_store %arg16[%swap3A_650, %swap3A_651], %mul3A_649 {strides = array<i32>} : memref<64x128xf32, #tpu.memory_space<vmem>>, vector<16xf32>,
      %mul3A_653 = arith.constant 16 : i32
      %mul3A_654 = arith.muli %scan3A_325, %mul3A_653 : i32
      %add3A_655 = arith.constant 11 : i32
      %add3A_656 = arith.addi %mul3A_654, %add3A_655 : i32
      %add3A_657 = arith.constant 384 : i32
      %add3A_658 = arith.addi %add3A_657, %add3A_656 : i32
      %broadcast_in_dim3A_659 = vector.broadcast %add3A_658 : i32 to vector<16xi32>
      %broadcast_in_dim3A_660 = vector.broadcast %add3A_656 : i32 to vector<16xi32>
      %gather3A_661 = tpu.vector_load_idx %arg9[%broadcast_in_dim3A_659] : memref<512xi32, #tpu.memory_space<vmem>>[vector<16xi32>], vector<16xi32>,
      %gather3A_662 = tpu.vector_load_idx %arg11[%broadcast_in_dim3A_659] : memref<512xf32, #tpu.memory_space<vmem>>[vector<16xi32>], vector<16xf32>,
      %gather3A_663 = tpu.vector_load_idx %arg13[%broadcast_in_dim3A_660, %iota3A] : memref<128x16xf32, #tpu.memory_space<vmem>>[vector<16xi32>, vector<16xi32>], vector<16xf32>,
      %and3A_664 = arith.constant 127 : i32
      %and3A_665 = vector.broadcast %and3A_664 : i32 to vector<16xi32>
      %and3A_666 = arith.andi %gather3A_661, %and3A_665 : vector<16xi32>
      %gather3A_667 = tpu.vector_load_idx %arg14[%broadcast_in_dim3A_660, %and3A_666] : memref<128x128xf32, #tpu.memory_space<vmem>>[vector<16xi32>, vector<16xi32>], vector<16xf32>,
      %shift_right_arithmetic3A_668 = arith.constant 3 : i32
      %shift_right_arithmetic3A_669 = arith.shrsi %add3A_658, %shift_right_arithmetic3A_668 : i32
      %and3A_670 = arith.constant 7 : i32
      %and3A_671 = arith.andi %add3A_658, %and3A_670 : i32
      %mul3A_672 = arith.constant 16 : i32
      %mul3A_673 = arith.muli %and3A_671, %mul3A_672 : i32
      %mul3A_674 = arith.mulf %gather3A_662, %get3A_225 : vector<16xf32>
      %add3A_675 = arith.addf %mul3A_674, %gather3A_663 : vector<16xf32>
      %swap3A_676 = arith.index_cast %shift_right_arithmetic3A_669 : i32 to index
      %swap3A_677 = arith.index_cast %mul3A_673 : i32 to index
      %swap3A_678 = tpu.vector_load %arg15[%swap3A_676, %swap3A_677] {strides = array<i32>} : memref<64x128xf32, #tpu.memory_space<vmem>>, vector<16xf32>,
      tpu.vector_store %arg15[%swap3A_676, %swap3A_677], %add3A_675 {strides = array<i32>} : memref<64x128xf32, #tpu.memory_space<vmem>>, vector<16xf32>,
      %mul3A_679 = arith.mulf %gather3A_667, %gather3A_662 : vector<16xf32>
      %swap3A_680 = arith.index_cast %shift_right_arithmetic3A_669 : i32 to index
      %swap3A_681 = arith.index_cast %mul3A_673 : i32 to index
      %swap3A_682 = tpu.vector_load %arg16[%swap3A_680, %swap3A_681] {strides = array<i32>} : memref<64x128xf32, #tpu.memory_space<vmem>>, vector<16xf32>,
      tpu.vector_store %arg16[%swap3A_680, %swap3A_681], %mul3A_679 {strides = array<i32>} : memref<64x128xf32, #tpu.memory_space<vmem>>, vector<16xf32>,
      %mul3A_683 = arith.constant 16 : i32
      %mul3A_684 = arith.muli %scan3A_325, %mul3A_683 : i32
      %add3A_685 = arith.constant 12 : i32
      %add3A_686 = arith.addi %mul3A_684, %add3A_685 : i32
      %add3A_687 = arith.constant 384 : i32
      %add3A_688 = arith.addi %add3A_687, %add3A_686 : i32
      %broadcast_in_dim3A_689 = vector.broadcast %add3A_688 : i32 to vector<16xi32>
      %broadcast_in_dim3A_690 = vector.broadcast %add3A_686 : i32 to vector<16xi32>
      %gather3A_691 = tpu.vector_load_idx %arg9[%broadcast_in_dim3A_689] : memref<512xi32, #tpu.memory_space<vmem>>[vector<16xi32>], vector<16xi32>,
      %gather3A_692 = tpu.vector_load_idx %arg11[%broadcast_in_dim3A_689] : memref<512xf32, #tpu.memory_space<vmem>>[vector<16xi32>], vector<16xf32>,
      %gather3A_693 = tpu.vector_load_idx %arg13[%broadcast_in_dim3A_690, %iota3A] : memref<128x16xf32, #tpu.memory_space<vmem>>[vector<16xi32>, vector<16xi32>], vector<16xf32>,
      %and3A_694 = arith.constant 127 : i32
      %and3A_695 = vector.broadcast %and3A_694 : i32 to vector<16xi32>
      %and3A_696 = arith.andi %gather3A_691, %and3A_695 : vector<16xi32>
      %gather3A_697 = tpu.vector_load_idx %arg14[%broadcast_in_dim3A_690, %and3A_696] : memref<128x128xf32, #tpu.memory_space<vmem>>[vector<16xi32>, vector<16xi32>], vector<16xf32>,
      %shift_right_arithmetic3A_698 = arith.constant 3 : i32
      %shift_right_arithmetic3A_699 = arith.shrsi %add3A_688, %shift_right_arithmetic3A_698 : i32
      %and3A_700 = arith.constant 7 : i32
      %and3A_701 = arith.andi %add3A_688, %and3A_700 : i32
      %mul3A_702 = arith.constant 16 : i32
      %mul3A_703 = arith.muli %and3A_701, %mul3A_702 : i32
      %mul3A_704 = arith.mulf %gather3A_692, %get3A_225 : vector<16xf32>
      %add3A_705 = arith.addf %mul3A_704, %gather3A_693 : vector<16xf32>
      %swap3A_706 = arith.index_cast %shift_right_arithmetic3A_699 : i32 to index
      %swap3A_707 = arith.index_cast %mul3A_703 : i32 to index
      %swap3A_708 = tpu.vector_load %arg15[%swap3A_706, %swap3A_707] {strides = array<i32>} : memref<64x128xf32, #tpu.memory_space<vmem>>, vector<16xf32>,
      tpu.vector_store %arg15[%swap3A_706, %swap3A_707], %add3A_705 {strides = array<i32>} : memref<64x128xf32, #tpu.memory_space<vmem>>, vector<16xf32>,
      %mul3A_709 = arith.mulf %gather3A_697, %gather3A_692 : vector<16xf32>
      %swap3A_710 = arith.index_cast %shift_right_arithmetic3A_699 : i32 to index
      %swap3A_711 = arith.index_cast %mul3A_703 : i32 to index
      %swap3A_712 = tpu.vector_load %arg16[%swap3A_710, %swap3A_711] {strides = array<i32>} : memref<64x128xf32, #tpu.memory_space<vmem>>, vector<16xf32>,
      tpu.vector_store %arg16[%swap3A_710, %swap3A_711], %mul3A_709 {strides = array<i32>} : memref<64x128xf32, #tpu.memory_space<vmem>>, vector<16xf32>,
      %mul3A_713 = arith.constant 16 : i32
      %mul3A_714 = arith.muli %scan3A_325, %mul3A_713 : i32
      %add3A_715 = arith.constant 13 : i32
      %add3A_716 = arith.addi %mul3A_714, %add3A_715 : i32
      %add3A_717 = arith.constant 384 : i32
      %add3A_718 = arith.addi %add3A_717, %add3A_716 : i32
      %broadcast_in_dim3A_719 = vector.broadcast %add3A_718 : i32 to vector<16xi32>
      %broadcast_in_dim3A_720 = vector.broadcast %add3A_716 : i32 to vector<16xi32>
      %gather3A_721 = tpu.vector_load_idx %arg9[%broadcast_in_dim3A_719] : memref<512xi32, #tpu.memory_space<vmem>>[vector<16xi32>], vector<16xi32>,
      %gather3A_722 = tpu.vector_load_idx %arg11[%broadcast_in_dim3A_719] : memref<512xf32, #tpu.memory_space<vmem>>[vector<16xi32>], vector<16xf32>,
      %gather3A_723 = tpu.vector_load_idx %arg13[%broadcast_in_dim3A_720, %iota3A] : memref<128x16xf32, #tpu.memory_space<vmem>>[vector<16xi32>, vector<16xi32>], vector<16xf32>,
      %and3A_724 = arith.constant 127 : i32
      %and3A_725 = vector.broadcast %and3A_724 : i32 to vector<16xi32>
      %and3A_726 = arith.andi %gather3A_721, %and3A_725 : vector<16xi32>
      %gather3A_727 = tpu.vector_load_idx %arg14[%broadcast_in_dim3A_720, %and3A_726] : memref<128x128xf32, #tpu.memory_space<vmem>>[vector<16xi32>, vector<16xi32>], vector<16xf32>,
      %shift_right_arithmetic3A_728 = arith.constant 3 : i32
      %shift_right_arithmetic3A_729 = arith.shrsi %add3A_718, %shift_right_arithmetic3A_728 : i32
      %and3A_730 = arith.constant 7 : i32
      %and3A_731 = arith.andi %add3A_718, %and3A_730 : i32
      %mul3A_732 = arith.constant 16 : i32
      %mul3A_733 = arith.muli %and3A_731, %mul3A_732 : i32
      %mul3A_734 = arith.mulf %gather3A_722, %get3A_225 : vector<16xf32>
      %add3A_735 = arith.addf %mul3A_734, %gather3A_723 : vector<16xf32>
      %swap3A_736 = arith.index_cast %shift_right_arithmetic3A_729 : i32 to index
      %swap3A_737 = arith.index_cast %mul3A_733 : i32 to index
      %swap3A_738 = tpu.vector_load %arg15[%swap3A_736, %swap3A_737] {strides = array<i32>} : memref<64x128xf32, #tpu.memory_space<vmem>>, vector<16xf32>,
      tpu.vector_store %arg15[%swap3A_736, %swap3A_737], %add3A_735 {strides = array<i32>} : memref<64x128xf32, #tpu.memory_space<vmem>>, vector<16xf32>,
      %mul3A_739 = arith.mulf %gather3A_727, %gather3A_722 : vector<16xf32>
      %swap3A_740 = arith.index_cast %shift_right_arithmetic3A_729 : i32 to index
      %swap3A_741 = arith.index_cast %mul3A_733 : i32 to index
      %swap3A_742 = tpu.vector_load %arg16[%swap3A_740, %swap3A_741] {strides = array<i32>} : memref<64x128xf32, #tpu.memory_space<vmem>>, vector<16xf32>,
      tpu.vector_store %arg16[%swap3A_740, %swap3A_741], %mul3A_739 {strides = array<i32>} : memref<64x128xf32, #tpu.memory_space<vmem>>, vector<16xf32>,
      %mul3A_743 = arith.constant 16 : i32
      %mul3A_744 = arith.muli %scan3A_325, %mul3A_743 : i32
      %add3A_745 = arith.constant 14 : i32
      %add3A_746 = arith.addi %mul3A_744, %add3A_745 : i32
      %add3A_747 = arith.constant 384 : i32
      %add3A_748 = arith.addi %add3A_747, %add3A_746 : i32
      %broadcast_in_dim3A_749 = vector.broadcast %add3A_748 : i32 to vector<16xi32>
      %broadcast_in_dim3A_750 = vector.broadcast %add3A_746 : i32 to vector<16xi32>
      %gather3A_751 = tpu.vector_load_idx %arg9[%broadcast_in_dim3A_749] : memref<512xi32, #tpu.memory_space<vmem>>[vector<16xi32>], vector<16xi32>,
      %gather3A_752 = tpu.vector_load_idx %arg11[%broadcast_in_dim3A_749] : memref<512xf32, #tpu.memory_space<vmem>>[vector<16xi32>], vector<16xf32>,
      %gather3A_753 = tpu.vector_load_idx %arg13[%broadcast_in_dim3A_750, %iota3A] : memref<128x16xf32, #tpu.memory_space<vmem>>[vector<16xi32>, vector<16xi32>], vector<16xf32>,
      %and3A_754 = arith.constant 127 : i32
      %and3A_755 = vector.broadcast %and3A_754 : i32 to vector<16xi32>
      %and3A_756 = arith.andi %gather3A_751, %and3A_755 : vector<16xi32>
      %gather3A_757 = tpu.vector_load_idx %arg14[%broadcast_in_dim3A_750, %and3A_756] : memref<128x128xf32, #tpu.memory_space<vmem>>[vector<16xi32>, vector<16xi32>], vector<16xf32>,
      %shift_right_arithmetic3A_758 = arith.constant 3 : i32
      %shift_right_arithmetic3A_759 = arith.shrsi %add3A_748, %shift_right_arithmetic3A_758 : i32
      %and3A_760 = arith.constant 7 : i32
      %and3A_761 = arith.andi %add3A_748, %and3A_760 : i32
      %mul3A_762 = arith.constant 16 : i32
      %mul3A_763 = arith.muli %and3A_761, %mul3A_762 : i32
      %mul3A_764 = arith.mulf %gather3A_752, %get3A_225 : vector<16xf32>
      %add3A_765 = arith.addf %mul3A_764, %gather3A_753 : vector<16xf32>
      %swap3A_766 = arith.index_cast %shift_right_arithmetic3A_759 : i32 to index
      %swap3A_767 = arith.index_cast %mul3A_763 : i32 to index
      %swap3A_768 = tpu.vector_load %arg15[%swap3A_766, %swap3A_767] {strides = array<i32>} : memref<64x128xf32, #tpu.memory_space<vmem>>, vector<16xf32>,
      tpu.vector_store %arg15[%swap3A_766, %swap3A_767], %add3A_765 {strides = array<i32>} : memref<64x128xf32, #tpu.memory_space<vmem>>, vector<16xf32>,
      %mul3A_769 = arith.mulf %gather3A_757, %gather3A_752 : vector<16xf32>
      %swap3A_770 = arith.index_cast %shift_right_arithmetic3A_759 : i32 to index
      %swap3A_771 = arith.index_cast %mul3A_763 : i32 to index
      %swap3A_772 = tpu.vector_load %arg16[%swap3A_770, %swap3A_771] {strides = array<i32>} : memref<64x128xf32, #tpu.memory_space<vmem>>, vector<16xf32>,
      tpu.vector_store %arg16[%swap3A_770, %swap3A_771], %mul3A_769 {strides = array<i32>} : memref<64x128xf32, #tpu.memory_space<vmem>>, vector<16xf32>,
      %mul3A_773 = arith.constant 16 : i32
      %mul3A_774 = arith.muli %scan3A_325, %mul3A_773 : i32
      %add3A_775 = arith.constant 15 : i32
      %add3A_776 = arith.addi %mul3A_774, %add3A_775 : i32
      %add3A_777 = arith.constant 384 : i32
      %add3A_778 = arith.addi %add3A_777, %add3A_776 : i32
      %broadcast_in_dim3A_779 = vector.broadcast %add3A_778 : i32 to vector<16xi32>
      %broadcast_in_dim3A_780 = vector.broadcast %add3A_776 : i32 to vector<16xi32>
      %gather3A_781 = tpu.vector_load_idx %arg9[%broadcast_in_dim3A_779] : memref<512xi32, #tpu.memory_space<vmem>>[vector<16xi32>], vector<16xi32>,
      %gather3A_782 = tpu.vector_load_idx %arg11[%broadcast_in_dim3A_779] : memref<512xf32, #tpu.memory_space<vmem>>[vector<16xi32>], vector<16xf32>,
      %gather3A_783 = tpu.vector_load_idx %arg13[%broadcast_in_dim3A_780, %iota3A] : memref<128x16xf32, #tpu.memory_space<vmem>>[vector<16xi32>, vector<16xi32>], vector<16xf32>,
      %and3A_784 = arith.constant 127 : i32
      %and3A_785 = vector.broadcast %and3A_784 : i32 to vector<16xi32>
      %and3A_786 = arith.andi %gather3A_781, %and3A_785 : vector<16xi32>
      %gather3A_787 = tpu.vector_load_idx %arg14[%broadcast_in_dim3A_780, %and3A_786] : memref<128x128xf32, #tpu.memory_space<vmem>>[vector<16xi32>, vector<16xi32>], vector<16xf32>,
      %shift_right_arithmetic3A_788 = arith.constant 3 : i32
      %shift_right_arithmetic3A_789 = arith.shrsi %add3A_778, %shift_right_arithmetic3A_788 : i32
      %and3A_790 = arith.constant 7 : i32
      %and3A_791 = arith.andi %add3A_778, %and3A_790 : i32
      %mul3A_792 = arith.constant 16 : i32
      %mul3A_793 = arith.muli %and3A_791, %mul3A_792 : i32
      %mul3A_794 = arith.mulf %gather3A_782, %get3A_225 : vector<16xf32>
      %add3A_795 = arith.addf %mul3A_794, %gather3A_783 : vector<16xf32>
      %swap3A_796 = arith.index_cast %shift_right_arithmetic3A_789 : i32 to index
      %swap3A_797 = arith.index_cast %mul3A_793 : i32 to index
      %swap3A_798 = tpu.vector_load %arg15[%swap3A_796, %swap3A_797] {strides = array<i32>} : memref<64x128xf32, #tpu.memory_space<vmem>>, vector<16xf32>,
      tpu.vector_store %arg15[%swap3A_796, %swap3A_797], %add3A_795 {strides = array<i32>} : memref<64x128xf32, #tpu.memory_space<vmem>>, vector<16xf32>,
      %mul3A_799 = arith.mulf %gather3A_787, %gather3A_782 : vector<16xf32>
      %swap3A_800 = arith.index_cast %shift_right_arithmetic3A_789 : i32 to index
      %swap3A_801 = arith.index_cast %mul3A_793 : i32 to index
      %swap3A_802 = tpu.vector_load %arg16[%swap3A_800, %swap3A_801] {strides = array<i32>} : memref<64x128xf32, #tpu.memory_space<vmem>>, vector<16xf32>,
      tpu.vector_store %arg16[%swap3A_800, %swap3A_801], %mul3A_799 {strides = array<i32>} : memref<64x128xf32, #tpu.memory_space<vmem>>, vector<16xf32>,
    }
    %scan3A_322 = arith.constant 8 : i32
    %mul3A_323 = arith.constant 64 : i32
    %mul3A_324 = arith.muli %add3A, %mul3A_323 : i32
    "tpu.region"() ({
      %run_scoped3A = tpu.sem_alloc : memref<!tpu.dma_semaphore, #tpu.memory_space<semaphore_mem>>
      %dma_start3A_325 = arith.constant 0 : i32
      %dma_start3A_326 = tpu.memref_slice %arg7[%mul3A_324, %dma_start3A_325] : memref<2048x128xf32, #tpu.memory_space<hbm>> -> memref<64x128xf32, #tpu.memory_space<hbm>>
      %dma_start3A_327 = arith.constant 0 : i32
      %dma_start3A_328 = tpu.memref_slice %arg7[%mul3A_324, %dma_start3A_327] : memref<2048x128xf32, #tpu.memory_space<hbm>> -> memref<64x128xf32, #tpu.memory_space<hbm>>
      tpu.enqueue_dma source(%arg15 : memref<64x128xf32, #tpu.memory_space<vmem>>) target(%dma_start3A_328 : memref<64x128xf32, #tpu.memory_space<hbm>>) target_semaphore(%run_scoped3A : memref<!tpu.dma_semaphore, #tpu.memory_space<semaphore_mem>>)
      %dma_wait3A_329 = arith.constant 0 : i32
      %dma_wait3A_330 = tpu.memref_slice %arg7[%mul3A_324, %dma_wait3A_329] : memref<2048x128xf32, #tpu.memory_space<hbm>> -> memref<64x128xf32, #tpu.memory_space<hbm>>
      %dma_wait3A_331 = arith.constant 0 : i32
      %dma_wait3A_332 = tpu.memref_slice %arg7[%mul3A_324, %dma_wait3A_331] : memref<2048x128xf32, #tpu.memory_space<hbm>> -> memref<64x128xf32, #tpu.memory_space<hbm>>
      tpu.wait_dma2 semaphore(%run_scoped3A : memref<!tpu.dma_semaphore, #tpu.memory_space<semaphore_mem>>) src(%arg15 : memref<64x128xf32, #tpu.memory_space<vmem>>) dst(%dma_wait3A_332 : memref<64x128xf32, #tpu.memory_space<hbm>>)
      tpu.yield
    }) : () -> ()
    "tpu.region"() ({
      %run_scoped3A = tpu.sem_alloc : memref<!tpu.dma_semaphore, #tpu.memory_space<semaphore_mem>>
      %dma_start3A_325 = arith.constant 0 : i32
      %dma_start3A_326 = tpu.memref_slice %arg8[%mul3A_324, %dma_start3A_325] : memref<2048x128xf32, #tpu.memory_space<hbm>> -> memref<64x128xf32, #tpu.memory_space<hbm>>
      %dma_start3A_327 = arith.constant 0 : i32
      %dma_start3A_328 = tpu.memref_slice %arg8[%mul3A_324, %dma_start3A_327] : memref<2048x128xf32, #tpu.memory_space<hbm>> -> memref<64x128xf32, #tpu.memory_space<hbm>>
      tpu.enqueue_dma source(%arg16 : memref<64x128xf32, #tpu.memory_space<vmem>>) target(%dma_start3A_328 : memref<64x128xf32, #tpu.memory_space<hbm>>) target_semaphore(%run_scoped3A : memref<!tpu.dma_semaphore, #tpu.memory_space<semaphore_mem>>)
      %dma_wait3A_329 = arith.constant 0 : i32
      %dma_wait3A_330 = tpu.memref_slice %arg8[%mul3A_324, %dma_wait3A_329] : memref<2048x128xf32, #tpu.memory_space<hbm>> -> memref<64x128xf32, #tpu.memory_space<hbm>>
      %dma_wait3A_331 = arith.constant 0 : i32
      %dma_wait3A_332 = tpu.memref_slice %arg8[%mul3A_324, %dma_wait3A_331] : memref<2048x128xf32, #tpu.memory_space<hbm>> -> memref<64x128xf32, #tpu.memory_space<hbm>>
      tpu.wait_dma2 semaphore(%run_scoped3A : memref<!tpu.dma_semaphore, #tpu.memory_space<semaphore_mem>>) src(%arg16 : memref<64x128xf32, #tpu.memory_space<vmem>>) dst(%dma_wait3A_332 : memref<64x128xf32, #tpu.memory_space<hbm>>)
      tpu.yield
    }) : () -> ()
    return
  }
}

module attributes {stable_mosaic.version = 14 : i64} {
  func.func @_dense_body(%arg0: memref<2048x128xf32, #tpu.memory_space<vmem>>, %arg1: memref<2048x128xf32, #tpu.memory_space<vmem>>, %arg2: memref<2048x128xf32, #tpu.memory_space<vmem>>, %arg3: memref<256x512xf32, #tpu.memory_space<vmem>>, %arg4: memref<1x512xf32, #tpu.memory_space<vmem>>, %arg5: memref<2048x512xf32, #tpu.memory_space<vmem>>) attributes {dimension_semantics = [], scalar_prefetch = 0 : i64, scratch_operands = 0 : i64, tpu.core_type = #tpu.core_type<tc>} {
    %get3A = arith.constant 0 : index
    %get3A_0 = arith.constant 0 : index
    %get3A_1 = vector.load %arg1[%get3A, %get3A_0] : memref<2048x128xf32, #tpu.memory_space<vmem>>, vector<2048x128xf32>
    %get3A_2 = arith.constant 0 : index
    %get3A_3 = arith.constant 0 : index
    %get3A_4 = vector.load %arg0[%get3A_2, %get3A_3] : memref<2048x128xf32, #tpu.memory_space<vmem>>, vector<2048x128xf32>
    %sin3A = math.sin %get3A_4 : vector<2048x128xf32>
    %mul3A = arith.mulf %get3A_1, %sin3A : vector<2048x128xf32>
    %get3A_5 = arith.constant 0 : index
    %get3A_6 = arith.constant 0 : index
    %get3A_7 = vector.load %arg2[%get3A_5, %get3A_6] : memref<2048x128xf32, #tpu.memory_space<vmem>>, vector<2048x128xf32>
    %concatenate3A = tpu.concatenate %mul3A, %get3A_7 in 1 : vector<2048x128xf32>, vector<2048x128xf32> -> vector<2048x256xf32>
    %get3A_8 = arith.constant 0 : index
    %get3A_9 = arith.constant 0 : index
    %get3A_10 = vector.load %arg3[%get3A_8, %get3A_9] : memref<256x512xf32, #tpu.memory_space<vmem>>, vector<256x512xf32>
    %dot_general3A = arith.constant dense<0.000000e+00> : vector<2048x512xf32>
    %dot_general3A_11 = tpu.matmul %concatenate3A, %get3A_10, %dot_general3A {dimension_numbers = #tpu.dot_dimension_numbers<[1], [0], [0], [1], [0, 0, 1, 1], [], []>, transpose_lhs_hint = false} : vector<2048x256xf32>, vector<256x512xf32>, vector<2048x512xf32> -> vector<2048x512xf32>
    %get3A_12 = arith.constant 0 : index
    %get3A_13 = arith.constant 0 : index
    %get3A_14 = vector.load %arg4[%get3A_12, %get3A_13] : memref<1x512xf32, #tpu.memory_space<vmem>>, vector<1x512xf32>
    %add3A = vector.broadcast %get3A_14 : vector<1x512xf32> to vector<2048x512xf32>
    %add3A_15 = arith.addf %dot_general3A_11, %add3A : vector<2048x512xf32>
    %tanh3A = math.tanh %add3A_15 : vector<2048x512xf32>
    %reduce_sum3A = arith.constant dense<0.000000e+00> : vector<512xf32>
    %reduce_sum3A_16 = vector.multi_reduction <add>, %tanh3A, %reduce_sum3A [0] : vector<2048x512xf32> to vector<512xf32>
    %broadcast_in_dim3A = vector.shape_cast %reduce_sum3A_16 : vector<512xf32> to vector<1x512xf32>
    %slice3A = vector.extract_strided_slice %broadcast_in_dim3A {offsets = [0, 0], sizes = [1, 64], strides = [1, 1]} : vector<1x512xf32> to vector<1x64xf32>
    %slice3A_17 = vector.extract_strided_slice %broadcast_in_dim3A {offsets = [0, 64], sizes = [1, 64], strides = [1, 1]} : vector<1x512xf32> to vector<1x64xf32>
    %add3A_18 = arith.addf %slice3A, %slice3A_17 : vector<1x64xf32>
    %slice3A_19 = vector.extract_strided_slice %broadcast_in_dim3A {offsets = [0, 128], sizes = [1, 64], strides = [1, 1]} : vector<1x512xf32> to vector<1x64xf32>
    %add3A_20 = arith.addf %add3A_18, %slice3A_19 : vector<1x64xf32>
    %slice3A_21 = vector.extract_strided_slice %broadcast_in_dim3A {offsets = [0, 192], sizes = [1, 64], strides = [1, 1]} : vector<1x512xf32> to vector<1x64xf32>
    %add3A_22 = arith.addf %add3A_20, %slice3A_21 : vector<1x64xf32>
    %slice3A_23 = vector.extract_strided_slice %broadcast_in_dim3A {offsets = [0, 256], sizes = [1, 64], strides = [1, 1]} : vector<1x512xf32> to vector<1x64xf32>
    %add3A_24 = arith.addf %add3A_22, %slice3A_23 : vector<1x64xf32>
    %slice3A_25 = vector.extract_strided_slice %broadcast_in_dim3A {offsets = [0, 320], sizes = [1, 64], strides = [1, 1]} : vector<1x512xf32> to vector<1x64xf32>
    %add3A_26 = arith.addf %add3A_24, %slice3A_25 : vector<1x64xf32>
    %slice3A_27 = vector.extract_strided_slice %broadcast_in_dim3A {offsets = [0, 384], sizes = [1, 64], strides = [1, 1]} : vector<1x512xf32> to vector<1x64xf32>
    %add3A_28 = arith.addf %add3A_26, %slice3A_27 : vector<1x64xf32>
    %slice3A_29 = vector.extract_strided_slice %broadcast_in_dim3A {offsets = [0, 448], sizes = [1, 64], strides = [1, 1]} : vector<1x512xf32> to vector<1x64xf32>
    %add3A_30 = arith.addf %add3A_28, %slice3A_29 : vector<1x64xf32>
    %mul3A_31 = arith.constant 6.10351563E-5 : f32
    %mul3A_32 = vector.broadcast %mul3A_31 : f32 to vector<1x64xf32>
    %mul3A_33 = arith.mulf %add3A_30, %mul3A_32 : vector<1x64xf32>
    %concatenate3A_34 = tpu.concatenate %mul3A_33, %mul3A_33, %mul3A_33, %mul3A_33, %mul3A_33, %mul3A_33, %mul3A_33, %mul3A_33 in 1 : vector<1x64xf32>, vector<1x64xf32>, vector<1x64xf32>, vector<1x64xf32>, vector<1x64xf32>, vector<1x64xf32>, vector<1x64xf32>, vector<1x64xf32> -> vector<1x512xf32>
    %sub3A = vector.broadcast %concatenate3A_34 : vector<1x512xf32> to vector<2048x512xf32>
    %sub3A_35 = arith.subf %tanh3A, %sub3A : vector<2048x512xf32>
    %swap3A = arith.constant 0 : index
    %swap3A_36 = arith.constant 0 : index
    %swap3A_37 = vector.load %arg5[%swap3A, %swap3A_36] : memref<2048x512xf32, #tpu.memory_space<vmem>>, vector<2048x512xf32>
    tpu.vector_store %arg5[%swap3A, %swap3A_36], %sub3A_35 {strides = array<i32>} : memref<2048x512xf32, #tpu.memory_space<vmem>>, vector<2048x512xf32>,
    return
  }
}

</mosaic_0001>

<sc_bundles>
// kernel: kernel.5.cloned.1.call-start
scs
__scs_entry_jumppad:
0x0: {  	(pc) =	sbr.rel $0x88, $3  }
0x1: {  	(tag) =	ssettag $0x0;
	lr =	simm.s32 $0x1  }
0x2: {  	[smem:$0x3F99] =	sst lr;
	_ =	strace $0xD0000000  }
0x3: {  	_ = 	snop  }
0x4: {  	_ = 	snop  }
0x5: {  	_ = 	snop  }
0x6: {  	_ = 	snop  }
0x7: {  	_ = 	snop  }
__scs_overlays_trampoline_lowered:
0x8: {  	[smem:$0x3FA8] =	sst s0  }
0x9: {  	[smem:$0x3FA9] =	sst s1  }
0xa: {  	[smem:$0x3FAA] =	sst s2  }
0xb: {  	[smem:$0x3FAB] =	sst s3  }
0xc: {  	[smem:$0x3FAC] =	sst s4  }
0xd: {  	[smem:$0x3FAD] =	sst s5  }
0xe: {  	[smem:$0x3FAE] =	sst s6  }
0xf: {  	[smem:$0x3FAF] =	sst s7  }
0x10: {  	[smem:$0x3FB0] =	sst s8  }
0x11: {  	[smem:$0x3FB1] =	sst s9;
	s0 =	simm.s32 @!p0 $0x0  }
0x12: {  	s1 =	sld [smem:$0x3F97];
	s0 =	simm.s32 @p0 $0x1  }
0x13: {  	[smem:$0x3FB2] =	sst s0;
	s0 =	simm.s32 @!p1 $0x0  }
0x14: {  	s2 =	sld [smem:$0x3F96];
	s0 =	simm.s32 @p1 $0x1  }
0x15: {  	[smem:$0x3FB3] =	sst s0;
	s0 =	simm.s32 @!p2 $0x0  }
0x16: {  	s3 =	sld [smem:$0x3FDB];
	s0 =	simm.s32 @p2 $0x1  }
0x17: {  	s4 =	simm.s32 $0x1BF5;
	[smem:$0x3FB5] =	sst s0  }
0x18: {  	s0 =	sld [smem:$0x3F98];
	_ =	swait.ge [sflag:s4], $0x0  }
0x19: {  	s7 =	sld [smem:$0x3F99]  }
0x1a: {  	s8 =	sadd.s32 $0xFFFFE003, lr  }
0x1b: {  	s9 =	sadd.s32 $0xFFFFFEF7, lr;
	s5 =	simm.s32 $0xFFFFFFFF;
	p2 =	slt.u32 s8, $0xFFFFF086  }
0x1c: {  	p1 =	slt.u32 s9, $0xF7A;
	s5 =	simm.s32 @!p2 $0x0  }
0x1d: {  	s5 =	simm.s32 @p1 $0x1;
	p0 =	seq.s32 s7, s2  }
0x1e: {  	s7 =	smul.u32 @!p0 $0xF7A, s2;
	p2 =	seq.s32 @!p0 s5, $0x0  }
0x1f: {  	s9 =	smul.u32 $0xF7A, s1;
	s8 =	simm.s32 @!p0 $0x1BF5;
	p2 =	por !p2, p0  }
0x20: {  	[sflag:s8] =	ssyncset.s32 @!p0 $0xFFFFF086;
	s6 =	sadd.s32 @!p0 s3, s7;
	s7 =	simm.s32 @!p0 $0x108  }
0x21: {  	s3 =	sadd.s32 s3, s9;
	s6 =	sadd.s32 @!p0 $0x88, s6;
	s7 =	simm.s32 @p2 $0x1082  }
0x22: {  	[simem:s7], [sflag:s8] =	dma.local @!p0 [hbm:s6], $0xF7A  }
0x23: {  	s9 =	sor.u32 $0xD0000000, s2;
	s6 =	simm.s32 $0x108;
	_ =	swait.ge @!p0 [sflag:s8], $0x0  }
0x24: {  	s3 =	sadd.s32 $0x88, s3;
	s6 =	simm.s32 @!p1 $0x1082;
	[sflag:s4] =	ssyncset.s32 $0xFFFFF086  }
0x25: {  	[simem:s6], [sflag:s4] =	dma.local [hbm:s3], $0xF7A  }
0x26: {  	[smem:$0x3F99] =	sst s1;
	(tag) =	ssettag s2;
	_ =	strace s9  }
0x27: {  	s1 =	sld [smem:$0x3FA9]  }
0x28: {  	s2 =	sld [smem:$0x3FAA]  }
0x29: {  	s4 =	sld [smem:$0x3FAC]  }
0x2a: {  	p0 =	seq.s32 s5, $0x0;
	s5 =	sld [smem:$0x3FAD]  }
0x2b: {  	s6 =	sld [smem:$0x3FAE]  }
0x2c: {  	s7 =	sld [smem:$0x3FAF]  }
0x2d: {  	s3 =	simm.s32 $0x108;
	s8 =	sld [smem:$0x3FB0]  }
0x2e: {  	s3 =	simm.s32 @!p0 $0x1082;
	s9 =	sld [smem:$0x3FB1]  }
0x2f: {  	lr =	sadd.s32 s0, s3;
	s0 =	sld [smem:$0x3FA8]  }
0x30: {  	s3 =	sld [smem:$0x3FAB]  }
0x31: {  	[smem:$0x3FB4] =	sst s10  }
0x32: {  	s10 =	sld [smem:$0x3FB2];
	_ =	sdelay $0x3  }
0x33: {  	p0 =	seq.s32 s10, $0x1;
	s10 =	sld [smem:$0x3FB4];
	_ =	sdelay $0x3  }
0x34: {  	[smem:$0x3FB4] =	sst s10  }
0x35: {  	s10 =	sld [smem:$0x3FB3];
	_ =	sdelay $0x3  }
0x36: {  	p1 =	seq.s32 s10, $0x1;
	s10 =	sld [smem:$0x3FB4];
	_ =	sdelay $0x3  }
0x37: {  	[smem:$0x3FB4] =	sst s10  }
0x38: {  	s10 =	sld [smem:$0x3FB5]  }
0x39: {  	_ = 	snop;
	(pc) =	sbr.ind lr, $3  }
0x3a: {  	_ = 	snop  }
0x3b: {  	_ = 	snop  }
0x3c: {  	p2 =	seq.s32 s10, $0x1;
	s10 =	sld [smem:$0x3FB4]  }
0x3d: {  	_ =	shalt  }
0x3e: {  	_ =	shalt  }
0x3f: {  	_ =	shalt  }
0x40: {  	_ =	shalt  }
0x41: {  	_ =	shalt  }
0x42: {  	_ =	shalt  }
0x43: {  	_ =	shalt  }
0x44: {  	_ =	shalt  }
0x45: {  	_ =	shalt  }
0x46: {  	_ =	shalt  }
0x47: {  	_ =	shalt  }
0x48: {  	_ =	shalt  }
0x49: {  	_ =	shalt  }
0x4a: {  	_ =	shalt  }
0x4b: {  	_ =	shalt  }
0x4c: {  	_ =	shalt  }
0x4d: {  	_ =	shalt  }
0x4e: {  	_ =	shalt  }
0x4f: {  	_ =	shalt  }
0x50: {  	_ =	shalt  }
0x51: {  	_ =	shalt  }
0x52: {  	_ =	shalt  }
0x53: {  	_ =	shalt  }
0x54: {  	_ =	shalt  }
0x55: {  	_ =	shalt  }
0x56: {  	_ =	shalt  }
0x57: {  	_ =	shalt  }
0x58: {  	_ =	shalt  }
0x59: {  	_ =	shalt  }
0x5a: {  	_ =	shalt  }
0x5b: {  	_ =	shalt  }
0x5c: {  	_ =	shalt  }
0x5d: {  	_ =	shalt  }
0x5e: {  	_ =	shalt  }
0x5f: {  	_ =	shalt  }
0x60: {  	_ =	shalt  }
0x61: {  	_ =	shalt  }
0x62: {  	_ =	shalt  }
0x63: {  	_ =	shalt  }
0x64: {  	_ =	shalt  }
0x65: {  	_ =	shalt  }
0x66: {  	_ =	shalt  }
0x67: {  	_ =	shalt  }
0x68: {  	_ =	shalt  }
0x69: {  	_ =	shalt  }
0x6a: {  	_ =	shalt  }
0x6b: {  	_ =	shalt  }
0x6c: {  	_ =	shalt  }
0x6d: {  	_ =	shalt  }
0x6e: {  	_ =	shalt  }
0x6f: {  	_ =	shalt  }
0x70: {  	_ =	shalt  }
0x71: {  	_ =	shalt  }
0x72: {  	_ =	shalt  }
0x73: {  	_ =	shalt  }
0x74: {  	_ =	shalt  }
0x75: {  	_ =	shalt  }
0x76: {  	_ =	shalt  }
0x77: {  	_ =	shalt  }
0x78: {  	_ =	shalt  }
0x79: {  	_ =	shalt  }
0x7a: {  	_ =	shalt  }
0x7b: {  	_ =	shalt  }
0x7c: {  	_ =	shalt  }
0x7d: {  	_ =	shalt  }
0x7e: {  	_ =	shalt  }
0x7f: {  	_ =	shalt  }
0x80: {  	_ =	shalt  }
0x81: {  	_ =	shalt  }
0x82: {  	_ =	shalt  }
0x83: {  	_ =	shalt  }
0x84: {  	_ =	shalt  }
0x85: {  	_ =	shalt  }
0x86: {  	_ =	shalt  }
0x87: {  	_ =	shalt  }
.Lfunc_end0:
.L_simem_size_0:
called_computation_lowered:
.L_overlay_start_0:
0x88: {  	s2 =	sld [smem:$0x3FD9]  }
0x89: {  	s3 =	sld [smem:$0x3FFE];
	_ =	sdelay $0x1  }
0x8a: {  	s1 =	srdreg.scid  }
0x8b: {  	s0 =	sand.u32 $0x1, s1  }
0x8c: {  	s17 =	sshll.u32 s0, $0xA;
	s2 =	sadd.s32 s3, s2  }
0x8d: {  	s2 =	sadd.s32 s2, s17  }
0x8e: {  	[smem:$0x3FC0] =	sst s2  }
0x8f: {  	_ = 	snop  }
0x90: {  	s2 =	sld [smem:$0x3FC9];
	(tm) =	ssettm $0x1  }
0x91: {  	s18 =	sld [smem:$0x3FFB];
	_ =	sdelay $0x3  }
0x92: {  	_ =	strace s18  }
0x93: {  	s3 =	sld [smem:$0x3FFC];
	_ =	sdelay $0x3  }
0x94: {  	_ =	strace s3  }
0x95: {  	s3 =	sld [smem:$0x3FFD];
	_ =	sdelay $0x3  }
0x96: {  	_ =	strace s3  }
0x97: {  	_ =	strace $0x8FFFFFFF  }
0x98: {  	s19 =	sld [smem:$0x3FDB];
	_ =	sdelay $0x1  }
0x99: {  	s4 =	simm.s32 $_scs_section_size  }
0x9a: {  	s5 =	simm.s32 $_size__tile_overlayer_lowered;
	s6 =	simm.s32 $_tile_overlayer_lowered  }
0x9b: {  	s22 =	simm.s32 $0x1BFF;
	s21 =	sshll.u32 s6, $0x1;
	s3 =	sadd.s32 s4, s19  }
0x9c: {  	s7 =	simm.s32 $0x0;
	s20 =	sshll.u32 s5, $0x1;
	s5 =	sadd.s32 s21, s3  }
0x9d: {  	[timem:s7], [sflag:s22] =	dma.local [hbm:s5], s20  }
0x9e: {  	_ =	swait.ge [sflag:s22], s20  }
0x9f: {  	s4 =	ssub.s32 $0x0, s20;
	[sflag:s22] =	ssyncset.done $0x0  }
0xa0: {  	[sflag:s22] =	ssyncadd.s32 s4;
	_ =	sdelay $0x1  }
0xa1: {  	s23 =	simm.s32 $0x1B8B  }
0xa2: {  	_ =	swait.ge [sflag:s23], $0x1  }
0xa3: {  	[sflag:s23] =	ssyncset.done $0x0  }
0xa4: {  	s25 =	simm.s32 $0x1B8E;
	s24 =	sld [smem:$0x3FFE];
	[sflag:s23] =	ssyncadd.s32 $0xFFFFFFFF  }
0xa5: {  	s26 =	simm.s32 $execute0_lowered;
	[smem:$0x3FD2] =	sst s25  }
0xa6: {  	s5 =	sshll.u32 s26, $0x1;
	_ =	strace $0x80000046;
	[dreg:$0x1] =	wrdreg $0xFFFFFFFF  }
0xa7: {  	s28 =	simm.s32 $_size_execute0_lowered;
	s3 =	sadd.s32 s3, s5;
	[dreg:$0x0] =	wrdreg $0x0  }
0xa8: {  	s5 =	sshll.u32 s28, $0x1;
	[dreg:$0x2] =	wrdreg s3  }
0xa9: {  	[dreg:$0x3] =	wrdreg s5  }
0xaa: {  	[dreg:$0x4] =	wrdreg $0xC0  }
0xab: {  	_ =	task [dreg:s7], $0x5FFFF  }
0xac: {  	[dreg:$0x1] =	wrdreg $0xFFFFFFFF  }
0xad: {  	[dreg:$0x0] =	wrdreg $0x60  }
0xae: {  	[dreg:$0x2] =	wrdreg s2  }
0xaf: {  	[dreg:$0x3] =	wrdreg s24  }
0xb0: {  	[dreg:$0x4] =	wrdreg $0x9  }
0xb1: {  	_ =	task.clear_ibuf [dreg:s7], $0x5FFFF;
	_ =	strace $0x90000046  }
0xb2: {  	s29 =	simm.s32 $0x9;
	_ =	strace $0x80000048  }
0xb3: {  	_ =	swait.ge [sflag:s29], $0x1  }
0xb4: {  	[sflag:s29] =	ssyncadd.s32 $0xFFFFFFFF  }
0xb5: {  	_ =	strace $0x90000048  }
0xb6: {  	_ =	sfence  }
0xb7: {  	s30 =	sld [smem:$0x0];
	_ =	sdelay $0x2  }
0xb8: {  	s31 =	sshll.u32 s1, $0xD;
	s1 =	sshrl.u32 s1, $0x2  }
0xb9: {  	s3 =	sand.u32 $0x4000, s31;
	s1 =	sadd.s32 s1, s30  }
0xba: {  	s0 =	sor.u32 s3, s0;
	s1 =	sshll.u32 s1, $0x11  }
0xbb: {  	s0 =	sor.u32 s1, s0  }
0xbc: {  	s0 =	sadd.s32 $0x8F2B, s0  }
0xbd: {  	[sflag:s0] =	ssyncadd.remote.s32 $0x1  }
0xbe: {  	_ =	sfence.sel $0xFFFF  }
0xbf: {  	[dreg:$0x0] =	wrdreg $0xFFFFFFFF;
	(pc) =	sbr.abs _section_cstart, $3  }
0xc0: {  	[dreg:$0x1] =	wrdreg $0xFFFFFFFF  }
0xc1: {  	_ =	task.clear_ibuf [dreg:s7], $0x2FFFF;
	_ =	strace $0x9FFFFFFF  }
0xc2: {  	(tm) =	ssettm $0x7FFFFFFF  }
0xc3: {  	_ =	shalt  }
tec
execute0_lowered:
.L_overlay_start_1:
0x0: {  	(tag) =	ssettag $0x1  }
0x1: {  	s4 =	rddreg [dreg:$0x0]  }
0x2: {  	s5 =	rddreg [dreg:$0x1]  }
0x3: {  	s0 =	rddreg [dreg:$0x2];
	s2 =	simm.s32 $0x0;
	s3 =	srdreg.scid  }
0x4: {  	s1 =	stileid.u32;
	s9 =	simm.s32 $0x200;
	s10 =	simm.s32 $0x1  }
0x5: {  	s11 =	simm.s32 $0x100;
	s12 =	simm.s32 $0x180;
	s13 =	simm.s32 $0xA00  }
0x6: {  	s14 =	simm.s32 $0x0;
	s6 =	sand.u32 $0x1, s3;
	s30 =	sshll.u32 s1, $0x1  }
0x7: {  	[smem:$0x7FF] =	sst s2;
	s3 =	sadd.s32 $0x188C00, s5;
	s7 =	sor.u32 s6, s30  }
0x8: {  	_ =	strace $0x80000047;
	s6 =	ssub.s32 $0x2, s6;
	s8 =	sshll.u32 s7, $0xA  }
0x9: {  	s31 =	sshrl.u32 s6, $0x1;
	s7 =	sshll.u32 s7, $0x6;
	s5 =	sadd.s32 s8, s5  }
0xa: {  	s6 =	ssub.s32 s6, s31;
	s4 =	sadd.s32 s4, s7;
	s7 =	simm.s32 $0x2  }
0xb: {  	v0 =	vlaneseq.u32;
	s8 =	simm.s32 $0x80;
	s5 =	sadd.s32 $0x2200, s5;
	s6 =	smax.u32 s6, $0x1  }
.LBB2_1:
0xc: {  	[tilespmem:s2], [sflag:$0x2] =	stream.linear.gather [hbm4b:s4+s2], $0x200, $0x38;
	[tilespmem:$0x2A00] =	vst v63  }
0xd: {  	_ =	swait.ge [sflag:s7], $0x200  }
0xe: {  	s15 =	simm.s32 $0x0;
	[sflag:s7] =	ssyncset.done $0x0  }
0xf: {  	v1 =	vor.u32 s15, v0;
	[sflag:s7] =	ssyncadd.s32 $0xFFFFFE00  }
0x10: {  	[tilespmem:s9], [sflag:$0x1] =	stream.indirect.gather [hbm4b:s3+s8], $0x10, s2, s8, $0xb8;
	[tilespmem:$0x2A00] =	vst v63  }
0x11: {  	_ =	swait.ge [sflag:s10], $0x800  }
0x12: {  	[sflag:s10] =	ssyncset.done $0x0  }
0x13: {  	[sflag:s10] =	ssyncadd.s32 $0xFFFFF800  }
0x14: {  	s17 =	simm.s32 $0x10;
	v1 =	vld.idx.msk [tilespmem:v1+s9+$0x0], $0xffff  }
0x15: {  	v2 =	vor.u32 s17, v0;
	_ =	sdelay $0x2  }
0x16: {  	s15 =	simm.s32 $0xA80  }
0x17: {  	[tilespmem:s15+$0xFFFFFF80] =	vst v1  }
0x18: {  	s16 =	simm.s32 $0x20;
	v1 =	vld.idx.msk [tilespmem:v2+s9+$0x0], $0xffff  }
0x19: {  	v2 =	vor.u32 s16, v0;
	_ =	sdelay $0x3  }
0x1a: {  	[tilespmem:s15+$0xFFFFFF90] =	vst v1  }
0x1b: {  	s18 =	simm.s32 $0x30;
	v1 =	vld.idx.msk [tilespmem:v2+s9+$0x0], $0xffff  }
0x1c: {  	v2 =	vor.u32 s18, v0;
	_ =	sdelay $0x3  }
0x1d: {  	[tilespmem:s15+$0xFFFFFFA0] =	vst v1  }
0x1e: {  	s19 =	simm.s32 $0x40;
	v1 =	vld.idx.msk [tilespmem:v2+s9+$0x0], $0xffff  }
0x1f: {  	v2 =	vor.u32 s19, v0;
	_ =	sdelay $0x3  }
0x20: {  	[tilespmem:s15+$0xFFFFFFB0] =	vst v1  }
0x21: {  	s20 =	simm.s32 $0x50;
	v1 =	vld.idx.msk [tilespmem:v2+s9+$0x0], $0xffff  }
0x22: {  	v2 =	vor.u32 s20, v0;
	_ =	sdelay $0x3  }
0x23: {  	[tilespmem:s15+$0xFFFFFFC0] =	vst v1  }
0x24: {  	s21 =	simm.s32 $0x60;
	v1 =	vld.idx.msk [tilespmem:v2+s9+$0x0], $0xffff  }
0x25: {  	v2 =	vor.u32 s21, v0;
	_ =	sdelay $0x3  }
0x26: {  	[tilespmem:s15+$0xFFFFFFD0] =	vst v1  }
0x27: {  	s22 =	simm.s32 $0x70;
	v1 =	vld.idx.msk [tilespmem:v2+s9+$0x0], $0xffff  }
0x28: {  	v2 =	vor.u32 s22, v0;
	_ =	sdelay $0x3  }
0x29: {  	[tilespmem:s15+$0xFFFFFFE0] =	vst v1  }
0x2a: {  	s23 =	simm.s32 $0x80;
	v1 =	vld.idx.msk [tilespmem:v2+s9+$0x0], $0xffff  }
0x2b: {  	v2 =	vor.u32 s23, v0;
	_ =	sdelay $0x3  }
0x2c: {  	[tilespmem:s15+$0xFFFFFFF0] =	vst v1  }
0x2d: {  	s24 =	simm.s32 $0x90;
	v1 =	vld.idx.msk [tilespmem:v2+s9+$0x0], $0xffff  }
0x2e: {  	v2 =	vor.u32 s24, v0;
	_ =	sdelay $0x3  }
0x2f: {  	[tilespmem:s15+$0x0] =	vst v1  }
0x30: {  	s25 =	simm.s32 $0xA0;
	v1 =	vld.idx.msk [tilespmem:v2+s9+$0x0], $0xffff  }
0x31: {  	v2 =	vor.u32 s25, v0;
	_ =	sdelay $0x3  }
0x32: {  	[tilespmem:s15+$0x10] =	vst v1  }
0x33: {  	s26 =	simm.s32 $0xB0;
	v1 =	vld.idx.msk [tilespmem:v2+s9+$0x0], $0xffff  }
0x34: {  	v2 =	vor.u32 s26, v0;
	_ =	sdelay $0x3  }
0x35: {  	[tilespmem:s15+$0x20] =	vst v1  }
0x36: {  	s28 =	simm.s32 $0xC0;
	v1 =	vld.idx.msk [tilespmem:v2+s9+$0x0], $0xffff  }
0x37: {  	v2 =	vor.u32 s28, v0;
	_ =	sdelay $0x3  }
0x38: {  	[tilespmem:s15+$0x30] =	vst v1  }
0x39: {  	s29 =	simm.s32 $0xD0;
	v1 =	vld.idx.msk [tilespmem:v2+s9+$0x0], $0xffff  }
0x3a: {  	v2 =	vor.u32 s29, v0;
	_ =	sdelay $0x3  }
0x3b: {  	[tilespmem:s15+$0x40] =	vst v1  }
0x3c: {  	s30 =	simm.s32 $0xE0;
	v1 =	vld.idx.msk [tilespmem:v2+s9+$0x0], $0xffff  }
0x3d: {  	v2 =	vor.u32 s30, v0;
	_ =	sdelay $0x3  }
0x3e: {  	[tilespmem:s15+$0x50] =	vst v1  }
0x3f: {  	s31 =	simm.s32 $0xF0;
	v1 =	vld.idx.msk [tilespmem:v2+s9+$0x0], $0xffff  }
0x40: {  	v2 =	vor.u32 s31, v0;
	_ =	sdelay $0x3  }
0x41: {  	[tilespmem:s15+$0x60] =	vst v1  }
0x42: {  	s17 =	simm.s32 $0x2F;
	s16 =	simm.s32 $0x1F0;
	v1 =	vld.idx.msk [tilespmem:v2+s9+$0x0], $0xffff  }
.LBB2_2:
0x43: {  	p0 =	sne.s32 s17, $0x7F;
	s18 =	sadd.s32 $0xFFFFFF10, s16  }
0x44: {  	v2 =	vor.u32 s18, v0;
	_ =	sdelay $0x3  }
0x45: {  	[tilespmem:s15+$0x70] =	vst v1  }
0x46: {  	v1 =	vld.idx.msk [tilespmem:v2+s9+$0x0], $0xffff  }
0x47: {  	s18 =	sadd.s32 $0xFFFFFF20, s16  }
0x48: {  	v2 =	vor.u32 s18, v0;
	_ =	sdelay $0x2  }
0x49: {  	s15 =	sadd.s32 $0x100, s15  }
0x4a: {  	[tilespmem:s15+$0xFFFFFF80] =	vst v1  }
0x4b: {  	v1 =	vld.idx.msk [tilespmem:v2+s9+$0x0], $0xffff  }
0x4c: {  	s18 =	sadd.s32 $0xFFFFFF30, s16  }
0x4d: {  	v2 =	vor.u32 s18, v0;
	_ =	sdelay $0x3  }
0x4e: {  	[tilespmem:s15+$0xFFFFFF90] =	vst v1  }
0x4f: {  	v1 =	vld.idx.msk [tilespmem:v2+s9+$0x0], $0xffff  }
0x50: {  	s18 =	sadd.s32 $0xFFFFFF40, s16  }
0x51: {  	v2 =	vor.u32 s18, v0;
	_ =	sdelay $0x3  }
0x52: {  	[tilespmem:s15+$0xFFFFFFA0] =	vst v1  }
0x53: {  	v1 =	vld.idx.msk [tilespmem:v2+s9+$0x0], $0xffff  }
0x54: {  	s18 =	sadd.s32 $0xFFFFFF50, s16  }
0x55: {  	v2 =	vor.u32 s18, v0;
	_ =	sdelay $0x3  }
0x56: {  	[tilespmem:s15+$0xFFFFFFB0] =	vst v1  }
0x57: {  	v1 =	vld.idx.msk [tilespmem:v2+s9+$0x0], $0xffff  }
0x58: {  	s18 =	sadd.s32 $0xFFFFFF60, s16  }
0x59: {  	v2 =	vor.u32 s18, v0;
	_ =	sdelay $0x3  }
0x5a: {  	[tilespmem:s15+$0xFFFFFFC0] =	vst v1  }
0x5b: {  	v1 =	vld.idx.msk [tilespmem:v2+s9+$0x0], $0xffff  }
0x5c: {  	s18 =	sadd.s32 $0xFFFFFF70, s16  }
0x5d: {  	v2 =	vor.u32 s18, v0;
	_ =	sdelay $0x3  }
0x5e: {  	[tilespmem:s15+$0xFFFFFFD0] =	vst v1  }
0x5f: {  	v1 =	vld.idx.msk [tilespmem:v2+s9+$0x0], $0xffff  }
0x60: {  	s18 =	sadd.s32 $0xFFFFFF80, s16  }
0x61: {  	v2 =	vor.u32 s18, v0;
	_ =	sdelay $0x3  }
0x62: {  	[tilespmem:s15+$0xFFFFFFE0] =	vst v1  }
0x63: {  	v1 =	vld.idx.msk [tilespmem:v2+s9+$0x0], $0xffff  }
0x64: {  	s18 =	sadd.s32 $0xFFFFFF90, s16  }
0x65: {  	v2 =	vor.u32 s18, v0;
	_ =	sdelay $0x3  }
0x66: {  	[tilespmem:s15+$0xFFFFFFF0] =	vst v1  }
0x67: {  	v1 =	vld.idx.msk [tilespmem:v2+s9+$0x0], $0xffff  }
0x68: {  	s18 =	sadd.s32 $0xFFFFFFA0, s16  }
0x69: {  	v2 =	vor.u32 s18, v0;
	_ =	sdelay $0x3  }
0x6a: {  	[tilespmem:s15+$0x0] =	vst v1  }
0x6b: {  	v1 =	vld.idx.msk [tilespmem:v2+s9+$0x0], $0xffff  }
0x6c: {  	s18 =	sadd.s32 $0xFFFFFFB0, s16  }
0x6d: {  	v2 =	vor.u32 s18, v0;
	_ =	sdelay $0x3  }
0x6e: {  	[tilespmem:s15+$0x10] =	vst v1  }
0x6f: {  	v1 =	vld.idx.msk [tilespmem:v2+s9+$0x0], $0xffff  }
0x70: {  	s18 =	sadd.s32 $0xFFFFFFC0, s16  }
0x71: {  	v2 =	vor.u32 s18, v0;
	_ =	sdelay $0x3  }
0x72: {  	[tilespmem:s15+$0x20] =	vst v1  }
0x73: {  	v1 =	vld.idx.msk [tilespmem:v2+s9+$0x0], $0xffff  }
0x74: {  	s18 =	sadd.s32 $0xFFFFFFD0, s16  }
0x75: {  	v2 =	vor.u32 s18, v0;
	_ =	sdelay $0x3  }
0x76: {  	[tilespmem:s15+$0x30] =	vst v1  }
0x77: {  	v1 =	vld.idx.msk [tilespmem:v2+s9+$0x0], $0xffff  }
0x78: {  	s18 =	sadd.s32 $0xFFFFFFE0, s16  }
0x79: {  	v2 =	vor.u32 s18, v0;
	_ =	sdelay $0x3  }
0x7a: {  	[tilespmem:s15+$0x40] =	vst v1  }
0x7b: {  	v1 =	vld.idx.msk [tilespmem:v2+s9+$0x0], $0xffff  }
0x7c: {  	s18 =	sadd.s32 $0xFFFFFFF0, s16  }
0x7d: {  	v2 =	vor.u32 s18, v0;
	_ =	sdelay $0x3  }
0x7e: {  	[tilespmem:s15+$0x50] =	vst v1  }
0x7f: {  	v1 =	vld.idx.msk [tilespmem:v2+s9+$0x0], $0xffff;
	_ =	sdelay $0x1  }
0x80: {  	v2 =	vor.u32 s16, v0  }
.Ltmp0:
0x81: {  	(pc) =	sbr.rel @p0 .LBB2_2-.Ltmp0, $3  }
0x82: {  	_ =	sdelay $0x1  }
0x83: {  	[tilespmem:s15+$0x60] =	vst v1  }
0x84: {  	s16 =	sshll.u32 s17, $0x4;
	s17 =	sadd.s32 $0x10, s17;
	v1 =	vld.idx.msk [tilespmem:v2+s9+$0x0], $0xffff  }
0x85: {  	s17 =	sadd.s32 $0xFFFFFF10, s16  }
0x86: {  	v2 =	vor.u32 s17, v0;
	_ =	sdelay $0x3  }
0x87: {  	[tilespmem:s15+$0x70] =	vst v1  }
0x88: {  	s30 =	sadd.s32 $0xFFFFFF20, s16;
	v1 =	vld.idx.msk [tilespmem:v2+s9+$0x0], $0xffff  }
0x89: {  	v2 =	vor.u32 s30, v0;
	_ =	sdelay $0x2  }
0x8a: {  	s15 =	sadd.s32 $0x100, s15  }
0x8b: {  	[tilespmem:s15+$0xFFFFFF80] =	vst v1  }
0x8c: {  	s31 =	sadd.s32 $0xFFFFFF30, s16;
	v1 =	vld.idx.msk [tilespmem:v2+s9+$0x0], $0xffff  }
0x8d: {  	v2 =	vor.u32 s31, v0;
	_ =	sdelay $0x3  }
0x8e: {  	[tilespmem:s15+$0xFFFFFF90] =	vst v1  }
0x8f: {  	s18 =	sadd.s32 $0xFFFFFF40, s16;
	v1 =	vld.idx.msk [tilespmem:v2+s9+$0x0], $0xffff  }
0x90: {  	v2 =	vor.u32 s18, v0;
	_ =	sdelay $0x3  }
0x91: {  	[tilespmem:s15+$0xFFFFFFA0] =	vst v1  }
0x92: {  	s19 =	sadd.s32 $0xFFFFFF50, s16;
	v1 =	vld.idx.msk [tilespmem:v2+s9+$0x0], $0xffff  }
0x93: {  	v2 =	vor.u32 s19, v0;
	_ =	sdelay $0x3  }
0x94: {  	[tilespmem:s15+$0xFFFFFFB0] =	vst v1  }
0x95: {  	s20 =	sadd.s32 $0xFFFFFF60, s16;
	v1 =	vld.idx.msk [tilespmem:v2+s9+$0x0], $0xffff  }
0x96: {  	v2 =	vor.u32 s20, v0;
	_ =	sdelay $0x3  }
0x97: {  	[tilespmem:s15+$0xFFFFFFC0] =	vst v1  }
0x98: {  	s21 =	sadd.s32 $0xFFFFFF70, s16;
	v1 =	vld.idx.msk [tilespmem:v2+s9+$0x0], $0xffff  }
0x99: {  	v2 =	vor.u32 s21, v0;
	_ =	sdelay $0x3  }
0x9a: {  	[tilespmem:s15+$0xFFFFFFD0] =	vst v1  }
0x9b: {  	s22 =	sadd.s32 $0xFFFFFF80, s16;
	v1 =	vld.idx.msk [tilespmem:v2+s9+$0x0], $0xffff  }
0x9c: {  	v2 =	vor.u32 s22, v0;
	_ =	sdelay $0x3  }
0x9d: {  	[tilespmem:s15+$0xFFFFFFE0] =	vst v1  }
0x9e: {  	s23 =	sadd.s32 $0xFFFFFF90, s16;
	v1 =	vld.idx.msk [tilespmem:v2+s9+$0x0], $0xffff  }
0x9f: {  	v2 =	vor.u32 s23, v0;
	_ =	sdelay $0x3  }
0xa0: {  	[tilespmem:s15+$0xFFFFFFF0] =	vst v1  }
0xa1: {  	s24 =	sadd.s32 $0xFFFFFFA0, s16;
	v1 =	vld.idx.msk [tilespmem:v2+s9+$0x0], $0xffff  }
0xa2: {  	v2 =	vor.u32 s24, v0;
	_ =	sdelay $0x3  }
0xa3: {  	[tilespmem:s15+$0x0] =	vst v1  }
0xa4: {  	s25 =	sadd.s32 $0xFFFFFFB0, s16;
	v1 =	vld.idx.msk [tilespmem:v2+s9+$0x0], $0xffff  }
0xa5: {  	v2 =	vor.u32 s25, v0;
	_ =	sdelay $0x3  }
0xa6: {  	[tilespmem:s15+$0x10] =	vst v1  }
0xa7: {  	s26 =	sadd.s32 $0xFFFFFFC0, s16;
	v1 =	vld.idx.msk [tilespmem:v2+s9+$0x0], $0xffff  }
0xa8: {  	v2 =	vor.u32 s26, v0;
	_ =	sdelay $0x3  }
0xa9: {  	[tilespmem:s15+$0x20] =	vst v1  }
0xaa: {  	s28 =	sadd.s32 $0xFFFFFFD0, s16;
	v1 =	vld.idx.msk [tilespmem:v2+s9+$0x0], $0xffff  }
0xab: {  	v2 =	vor.u32 s28, v0;
	_ =	sdelay $0x3  }
0xac: {  	[tilespmem:s15+$0x30] =	vst v1  }
0xad: {  	s29 =	sadd.s32 $0xFFFFFFE0, s16;
	v1 =	vld.idx.msk [tilespmem:v2+s9+$0x0], $0xffff  }
0xae: {  	v2 =	vor.u32 s29, v0;
	_ =	sdelay $0x3  }
0xaf: {  	[tilespmem:s15+$0x40] =	vst v1  }
0xb0: {  	s30 =	sadd.s32 $0xFFFFFFF0, s16;
	v1 =	vld.idx.msk [tilespmem:v2+s9+$0x0], $0xffff  }
0xb1: {  	v2 =	vor.u32 s30, v0;
	_ =	sdelay $0x3  }
0xb2: {  	[tilespmem:s15+$0x50] =	vst v1  }
0xb3: {  	v1 =	vld.idx.msk [tilespmem:v2+s9+$0x0], $0xffff  }
0xb4: {  	v2 =	vor.u32 s16, v0;
	_ =	sdelay $0x3  }
0xb5: {  	[tilespmem:s15+$0x60] =	vst v1  }
0xb6: {  	v1 =	vld.idx.msk [tilespmem:v2+s9+$0x0], $0xffff;
	_ =	sdelay $0x3  }
0xb7: {  	s31 =	simm.s32 $0x0  }
0xb8: {  	[tilespmem:s15+$0x70] =	vst v1;
	v1 =	vor.u32 s31, v0  }
0xb9: {  	[tilespmem:s9], [sflag:$0x1] =	stream.indirect.gather [hbm4b:s3+s8], $0x10, s8, s8, $0xb8;
	[tilespmem:$0x2A00] =	vst v63  }
0xba: {  	_ =	swait.ge [sflag:s10], $0x800  }
0xbb: {  	[sflag:s10] =	ssyncset.done $0x0  }
0xbc: {  	[sflag:s10] =	ssyncadd.s32 $0xFFFFF800  }
0xbd: {  	s16 =	simm.s32 $0x10;
	v1 =	vld.idx.msk [tilespmem:v1+s9+$0x0], $0xffff  }
0xbe: {  	v2 =	vor.u32 s16, v0;
	_ =	sdelay $0x2  }
0xbf: {  	s15 =	simm.s32 $0x12F0  }
0xc0: {  	[tilespmem:s15+$0xFFFFFF10] =	vst v1  }
0xc1: {  	s17 =	simm.s32 $0x20;
	v1 =	vld.idx.msk [tilespmem:v2+s9+$0x0], $0xffff  }
0xc2: {  	v2 =	vor.u32 s17, v0;
	_ =	sdelay $0x3  }
0xc3: {  	[tilespmem:s15+$0xFFFFFF20] =	vst v1  }
0xc4: {  	s18 =	simm.s32 $0x30;
	v1 =	vld.idx.msk [tilespmem:v2+s9+$0x0], $0xffff  }
0xc5: {  	v2 =	vor.u32 s18, v0;
	_ =	sdelay $0x3  }
0xc6: {  	[tilespmem:s15+$0xFFFFFF30] =	vst v1  }
0xc7: {  	s19 =	simm.s32 $0x40;
	v1 =	vld.idx.msk [tilespmem:v2+s9+$0x0], $0xffff  }
0xc8: {  	v2 =	vor.u32 s19, v0;
	_ =	sdelay $0x3  }
0xc9: {  	[tilespmem:s15+$0xFFFFFF40] =	vst v1  }
0xca: {  	s20 =	simm.s32 $0x50;
	v1 =	vld.idx.msk [tilespmem:v2+s9+$0x0], $0xffff  }
0xcb: {  	v2 =	vor.u32 s20, v0;
	_ =	sdelay $0x3  }
0xcc: {  	[tilespmem:s15+$0xFFFFFF50] =	vst v1  }
0xcd: {  	s21 =	simm.s32 $0x60;
	v1 =	vld.idx.msk [tilespmem:v2+s9+$0x0], $0xffff  }
0xce: {  	v2 =	vor.u32 s21, v0;
	_ =	sdelay $0x3  }
0xcf: {  	[tilespmem:s15+$0xFFFFFF60] =	vst v1  }
0xd0: {  	s22 =	simm.s32 $0x70;
	v1 =	vld.idx.msk [tilespmem:v2+s9+$0x0], $0xffff  }
0xd1: {  	v2 =	vor.u32 s22, v0;
	_ =	sdelay $0x3  }
0xd2: {  	[tilespmem:s15+$0xFFFFFF70] =	vst v1  }
0xd3: {  	s23 =	simm.s32 $0x80;
	v1 =	vld.idx.msk [tilespmem:v2+s9+$0x0], $0xffff  }
0xd4: {  	v2 =	vor.u32 s23, v0;
	_ =	sdelay $0x3  }
0xd5: {  	[tilespmem:s15+$0xFFFFFF80] =	vst v1  }
0xd6: {  	s24 =	simm.s32 $0x90;
	v1 =	vld.idx.msk [tilespmem:v2+s9+$0x0], $0xffff  }
0xd7: {  	v2 =	vor.u32 s24, v0;
	_ =	sdelay $0x3  }
0xd8: {  	[tilespmem:s15+$0xFFFFFF90] =	vst v1  }
0xd9: {  	s25 =	simm.s32 $0xA0;
	v1 =	vld.idx.msk [tilespmem:v2+s9+$0x0], $0xffff  }
0xda: {  	v2 =	vor.u32 s25, v0;
	_ =	sdelay $0x3  }
0xdb: {  	[tilespmem:s15+$0xFFFFFFA0] =	vst v1  }
0xdc: {  	s26 =	simm.s32 $0xB0;
	v1 =	vld.idx.msk [tilespmem:v2+s9+$0x0], $0xffff  }
0xdd: {  	v2 =	vor.u32 s26, v0;
	_ =	sdelay $0x3  }
0xde: {  	[tilespmem:s15+$0xFFFFFFB0] =	vst v1  }
0xdf: {  	s28 =	simm.s32 $0xC0;
	v1 =	vld.idx.msk [tilespmem:v2+s9+$0x0], $0xffff  }
0xe0: {  	v2 =	vor.u32 s28, v0;
	_ =	sdelay $0x3  }
0xe1: {  	[tilespmem:s15+$0xFFFFFFC0] =	vst v1  }
0xe2: {  	s29 =	simm.s32 $0xD0;
	v1 =	vld.idx.msk [tilespmem:v2+s9+$0x0], $0xffff  }
0xe3: {  	v2 =	vor.u32 s29, v0;
	_ =	sdelay $0x3  }
0xe4: {  	[tilespmem:s15+$0xFFFFFFD0] =	vst v1  }
0xe5: {  	s30 =	simm.s32 $0xE0;
	v1 =	vld.idx.msk [tilespmem:v2+s9+$0x0], $0xffff  }
0xe6: {  	v2 =	vor.u32 s30, v0;
	_ =	sdelay $0x3  }
0xe7: {  	[tilespmem:s15+$0xFFFFFFE0] =	vst v1  }
0xe8: {  	s31 =	simm.s32 $0xF0;
	v1 =	vld.idx.msk [tilespmem:v2+s9+$0x0], $0xffff  }
0xe9: {  	v2 =	vor.u32 s31, v0;
	_ =	sdelay $0x3  }
0xea: {  	[tilespmem:s15+$0xFFFFFFF0] =	vst v1  }
0xeb: {  	s16 =	simm.s32 $0x1F0;
	s17 =	simm.s32 $0x2F;
	v1 =	vld.idx.msk [tilespmem:v2+s9+$0x0], $0xffff  }
.LBB2_4:
0xec: {  	p0 =	sne.s32 s17, $0x7F;
	s18 =	sadd.s32 $0xFFFFFF10, s16  }
0xed: {  	v2 =	vor.u32 s18, v0;
	_ =	sdelay $0x3  }
0xee: {  	[tilespmem:s15+$0x0] =	vst v1  }
0xef: {  	v1 =	vld.idx.msk [tilespmem:v2+s9+$0x0], $0xffff  }
0xf0: {  	s18 =	sadd.s32 $0xFFFFFF20, s16  }
0xf1: {  	v2 =	vor.u32 s18, v0;
	_ =	sdelay $0x2  }
0xf2: {  	s15 =	sadd.s32 $0x100, s15  }
0xf3: {  	[tilespmem:s15+$0xFFFFFF10] =	vst v1  }
0xf4: {  	v1 =	vld.idx.msk [tilespmem:v2+s9+$0x0], $0xffff  }
0xf5: {  	s18 =	sadd.s32 $0xFFFFFF30, s16  }
0xf6: {  	v2 =	vor.u32 s18, v0;
	_ =	sdelay $0x3  }
0xf7: {  	[tilespmem:s15+$0xFFFFFF20] =	vst v1  }
0xf8: {  	v1 =	vld.idx.msk [tilespmem:v2+s9+$0x0], $0xffff  }
0xf9: {  	s18 =	sadd.s32 $0xFFFFFF40, s16  }
0xfa: {  	v2 =	vor.u32 s18, v0;
	_ =	sdelay $0x3  }
0xfb: {  	[tilespmem:s15+$0xFFFFFF30] =	vst v1  }
0xfc: {  	v1 =	vld.idx.msk [tilespmem:v2+s9+$0x0], $0xffff  }
0xfd: {  	s18 =	sadd.s32 $0xFFFFFF50, s16  }
0xfe: {  	v2 =	vor.u32 s18, v0;
	_ =	sdelay $0x3  }
0xff: {  	[tilespmem:s15+$0xFFFFFF40] =	vst v1  }
0x100: {  	v1 =	vld.idx.msk [tilespmem:v2+s9+$0x0], $0xffff  }
0x101: {  	s18 =	sadd.s32 $0xFFFFFF60, s16  }
0x102: {  	v2 =	vor.u32 s18, v0;
	_ =	sdelay $0x3  }
0x103: {  	[tilespmem:s15+$0xFFFFFF50] =	vst v1  }
0x104: {  	v1 =	vld.idx.msk [tilespmem:v2+s9+$0x0], $0xffff  }
0x105: {  	s18 =	sadd.s32 $0xFFFFFF70, s16  }
0x106: {  	v2 =	vor.u32 s18, v0;
	_ =	sdelay $0x3  }
0x107: {  	[tilespmem:s15+$0xFFFFFF60] =	vst v1  }
0x108: {  	v1 =	vld.idx.msk [tilespmem:v2+s9+$0x0], $0xffff  }
0x109: {  	s18 =	sadd.s32 $0xFFFFFF80, s16  }
0x10a: {  	v2 =	vor.u32 s18, v0;
	_ =	sdelay $0x3  }
0x10b: {  	[tilespmem:s15+$0xFFFFFF70] =	vst v1  }
0x10c: {  	v1 =	vld.idx.msk [tilespmem:v2+s9+$0x0], $0xffff  }
0x10d: {  	s18 =	sadd.s32 $0xFFFFFF90, s16  }
0x10e: {  	v2 =	vor.u32 s18, v0;
	_ =	sdelay $0x3  }
0x10f: {  	[tilespmem:s15+$0xFFFFFF80] =	vst v1  }
0x110: {  	v1 =	vld.idx.msk [tilespmem:v2+s9+$0x0], $0xffff  }
0x111: {  	s18 =	sadd.s32 $0xFFFFFFA0, s16  }
0x112: {  	v2 =	vor.u32 s18, v0;
	_ =	sdelay $0x3  }
0x113: {  	[tilespmem:s15+$0xFFFFFF90] =	vst v1  }
0x114: {  	v1 =	vld.idx.msk [tilespmem:v2+s9+$0x0], $0xffff  }
0x115: {  	s18 =	sadd.s32 $0xFFFFFFB0, s16  }
0x116: {  	v2 =	vor.u32 s18, v0;
	_ =	sdelay $0x3  }
0x117: {  	[tilespmem:s15+$0xFFFFFFA0] =	vst v1  }
0x118: {  	v1 =	vld.idx.msk [tilespmem:v2+s9+$0x0], $0xffff  }
0x119: {  	s18 =	sadd.s32 $0xFFFFFFC0, s16  }
0x11a: {  	v2 =	vor.u32 s18, v0;
	_ =	sdelay $0x3  }
0x11b: {  	[tilespmem:s15+$0xFFFFFFB0] =	vst v1  }
0x11c: {  	v1 =	vld.idx.msk [tilespmem:v2+s9+$0x0], $0xffff  }
0x11d: {  	s18 =	sadd.s32 $0xFFFFFFD0, s16  }
0x11e: {  	v2 =	vor.u32 s18, v0;
	_ =	sdelay $0x3  }
0x11f: {  	[tilespmem:s15+$0xFFFFFFC0] =	vst v1  }
0x120: {  	v1 =	vld.idx.msk [tilespmem:v2+s9+$0x0], $0xffff  }
0x121: {  	s18 =	sadd.s32 $0xFFFFFFE0, s16  }
0x122: {  	v2 =	vor.u32 s18, v0;
	_ =	sdelay $0x3  }
0x123: {  	[tilespmem:s15+$0xFFFFFFD0] =	vst v1  }
0x124: {  	v1 =	vld.idx.msk [tilespmem:v2+s9+$0x0], $0xffff  }
0x125: {  	s18 =	sadd.s32 $0xFFFFFFF0, s16  }
0x126: {  	v2 =	vor.u32 s18, v0;
	_ =	sdelay $0x3  }
0x127: {  	[tilespmem:s15+$0xFFFFFFE0] =	vst v1  }
0x128: {  	v1 =	vld.idx.msk [tilespmem:v2+s9+$0x0], $0xffff;
	_ =	sdelay $0x1  }
0x129: {  	v2 =	vor.u32 s16, v0  }
.Ltmp1:
0x12a: {  	(pc) =	sbr.rel @p0 .LBB2_4-.Ltmp1, $3  }
0x12b: {  	_ =	sdelay $0x1  }
0x12c: {  	[tilespmem:s15+$0xFFFFFFF0] =	vst v1  }
0x12d: {  	s16 =	sshll.u32 s17, $0x4;
	s17 =	sadd.s32 $0x10, s17;
	v1 =	vld.idx.msk [tilespmem:v2+s9+$0x0], $0xffff  }
0x12e: {  	s17 =	sadd.s32 $0xFFFFFF10, s16  }
0x12f: {  	v2 =	vor.u32 s17, v0;
	_ =	sdelay $0x3  }
0x130: {  	[tilespmem:s15+$0x0] =	vst v1  }
0x131: {  	s30 =	sadd.s32 $0xFFFFFF20, s16;
	v1 =	vld.idx.msk [tilespmem:v2+s9+$0x0], $0xffff  }
0x132: {  	v2 =	vor.u32 s30, v0;
	_ =	sdelay $0x2  }
0x133: {  	s15 =	sadd.s32 $0x100, s15  }
0x134: {  	[tilespmem:s15+$0xFFFFFF10] =	vst v1  }
0x135: {  	s31 =	sadd.s32 $0xFFFFFF30, s16;
	v1 =	vld.idx.msk [tilespmem:v2+s9+$0x0], $0xffff  }
0x136: {  	v2 =	vor.u32 s31, v0;
	_ =	sdelay $0x3  }
0x137: {  	[tilespmem:s15+$0xFFFFFF20] =	vst v1  }
0x138: {  	s18 =	sadd.s32 $0xFFFFFF40, s16;
	v1 =	vld.idx.msk [tilespmem:v2+s9+$0x0], $0xffff  }
0x139: {  	v2 =	vor.u32 s18, v0;
	_ =	sdelay $0x3  }
0x13a: {  	[tilespmem:s15+$0xFFFFFF30] =	vst v1  }
0x13b: {  	s19 =	sadd.s32 $0xFFFFFF50, s16;
	v1 =	vld.idx.msk [tilespmem:v2+s9+$0x0], $0xffff  }
0x13c: {  	v2 =	vor.u32 s19, v0;
	_ =	sdelay $0x3  }
0x13d: {  	[tilespmem:s15+$0xFFFFFF40] =	vst v1  }
0x13e: {  	s20 =	sadd.s32 $0xFFFFFF60, s16;
	v1 =	vld.idx.msk [tilespmem:v2+s9+$0x0], $0xffff  }
0x13f: {  	v2 =	vor.u32 s20, v0;
	_ =	sdelay $0x3  }
0x140: {  	[tilespmem:s15+$0xFFFFFF50] =	vst v1  }
0x141: {  	s21 =	sadd.s32 $0xFFFFFF70, s16;
	v1 =	vld.idx.msk [tilespmem:v2+s9+$0x0], $0xffff  }
0x142: {  	v2 =	vor.u32 s21, v0;
	_ =	sdelay $0x3  }
0x143: {  	[tilespmem:s15+$0xFFFFFF60] =	vst v1  }
0x144: {  	s22 =	sadd.s32 $0xFFFFFF80, s16;
	v1 =	vld.idx.msk [tilespmem:v2+s9+$0x0], $0xffff  }
0x145: {  	v2 =	vor.u32 s22, v0;
	_ =	sdelay $0x3  }
0x146: {  	[tilespmem:s15+$0xFFFFFF70] =	vst v1  }
0x147: {  	s23 =	sadd.s32 $0xFFFFFF90, s16;
	v1 =	vld.idx.msk [tilespmem:v2+s9+$0x0], $0xffff  }
0x148: {  	v2 =	vor.u32 s23, v0;
	_ =	sdelay $0x3  }
0x149: {  	[tilespmem:s15+$0xFFFFFF80] =	vst v1  }
0x14a: {  	s24 =	sadd.s32 $0xFFFFFFA0, s16;
	v1 =	vld.idx.msk [tilespmem:v2+s9+$0x0], $0xffff  }
0x14b: {  	v2 =	vor.u32 s24, v0;
	_ =	sdelay $0x3  }
0x14c: {  	[tilespmem:s15+$0xFFFFFF90] =	vst v1  }
0x14d: {  	s25 =	sadd.s32 $0xFFFFFFB0, s16;
	v1 =	vld.idx.msk [tilespmem:v2+s9+$0x0], $0xffff  }
0x14e: {  	v2 =	vor.u32 s25, v0;
	_ =	sdelay $0x3  }
0x14f: {  	[tilespmem:s15+$0xFFFFFFA0] =	vst v1  }
0x150: {  	s26 =	sadd.s32 $0xFFFFFFC0, s16;
	v1 =	vld.idx.msk [tilespmem:v2+s9+$0x0], $0xffff  }
0x151: {  	v2 =	vor.u32 s26, v0;
	_ =	sdelay $0x3  }
0x152: {  	[tilespmem:s15+$0xFFFFFFB0] =	vst v1  }
0x153: {  	s28 =	sadd.s32 $0xFFFFFFD0, s16;
	v1 =	vld.idx.msk [tilespmem:v2+s9+$0x0], $0xffff  }
0x154: {  	v2 =	vor.u32 s28, v0;
	_ =	sdelay $0x3  }
0x155: {  	[tilespmem:s15+$0xFFFFFFC0] =	vst v1  }
0x156: {  	s29 =	sadd.s32 $0xFFFFFFE0, s16;
	v1 =	vld.idx.msk [tilespmem:v2+s9+$0x0], $0xffff  }
0x157: {  	v2 =	vor.u32 s29, v0;
	_ =	sdelay $0x3  }
0x158: {  	[tilespmem:s15+$0xFFFFFFD0] =	vst v1  }
0x159: {  	s30 =	sadd.s32 $0xFFFFFFF0, s16;
	v1 =	vld.idx.msk [tilespmem:v2+s9+$0x0], $0xffff  }
0x15a: {  	v2 =	vor.u32 s30, v0;
	_ =	sdelay $0x3  }
0x15b: {  	[tilespmem:s15+$0xFFFFFFE0] =	vst v1  }
0x15c: {  	v1 =	vld.idx.msk [tilespmem:v2+s9+$0x0], $0xffff  }
0x15d: {  	v2 =	vor.u32 s16, v0;
	_ =	sdelay $0x3  }
0x15e: {  	[tilespmem:s15+$0xFFFFFFF0] =	vst v1  }
0x15f: {  	v1 =	vld.idx.msk [tilespmem:v2+s9+$0x0], $0xffff;
	_ =	sdelay $0x3  }
0x160: {  	s31 =	simm.s32 $0x0  }
0x161: {  	[tilespmem:s15+$0x0] =	vst v1;
	v1 =	vor.u32 s31, v0  }
0x162: {  	[tilespmem:s9], [sflag:$0x1] =	stream.indirect.gather [hbm4b:s3+s8], $0x10, s11, s8, $0xb8;
	[tilespmem:$0x2A00] =	vst v63  }
0x163: {  	_ =	swait.ge [sflag:s10], $0x800  }
0x164: {  	[sflag:s10] =	ssyncset.done $0x0  }
0x165: {  	[sflag:s10] =	ssyncadd.s32 $0xFFFFF800  }
0x166: {  	s16 =	simm.s32 $0x10;
	v1 =	vld.idx.msk [tilespmem:v1+s9+$0x0], $0xffff  }
0x167: {  	v2 =	vor.u32 s16, v0;
	_ =	sdelay $0x2  }
0x168: {  	s15 =	simm.s32 $0x1AF0  }
0x169: {  	[tilespmem:s15+$0xFFFFFF10] =	vst v1  }
0x16a: {  	s17 =	simm.s32 $0x20;
	v1 =	vld.idx.msk [tilespmem:v2+s9+$0x0], $0xffff  }
0x16b: {  	v2 =	vor.u32 s17, v0;
	_ =	sdelay $0x3  }
0x16c: {  	[tilespmem:s15+$0xFFFFFF20] =	vst v1  }
0x16d: {  	s18 =	simm.s32 $0x30;
	v1 =	vld.idx.msk [tilespmem:v2+s9+$0x0], $0xffff  }
0x16e: {  	v2 =	vor.u32 s18, v0;
	_ =	sdelay $0x3  }
0x16f: {  	[tilespmem:s15+$0xFFFFFF30] =	vst v1  }
0x170: {  	s19 =	simm.s32 $0x40;
	v1 =	vld.idx.msk [tilespmem:v2+s9+$0x0], $0xffff  }
0x171: {  	v2 =	vor.u32 s19, v0;
	_ =	sdelay $0x3  }
0x172: {  	[tilespmem:s15+$0xFFFFFF40] =	vst v1  }
0x173: {  	s20 =	simm.s32 $0x50;
	v1 =	vld.idx.msk [tilespmem:v2+s9+$0x0], $0xffff  }
0x174: {  	v2 =	vor.u32 s20, v0;
	_ =	sdelay $0x3  }
0x175: {  	[tilespmem:s15+$0xFFFFFF50] =	vst v1  }
0x176: {  	s21 =	simm.s32 $0x60;
	v1 =	vld.idx.msk [tilespmem:v2+s9+$0x0], $0xffff  }
0x177: {  	v2 =	vor.u32 s21, v0;
	_ =	sdelay $0x3  }
0x178: {  	[tilespmem:s15+$0xFFFFFF60] =	vst v1  }
0x179: {  	s22 =	simm.s32 $0x70;
	v1 =	vld.idx.msk [tilespmem:v2+s9+$0x0], $0xffff  }
0x17a: {  	v2 =	vor.u32 s22, v0;
	_ =	sdelay $0x3  }
0x17b: {  	[tilespmem:s15+$0xFFFFFF70] =	vst v1  }
0x17c: {  	s23 =	simm.s32 $0x80;
	v1 =	vld.idx.msk [tilespmem:v2+s9+$0x0], $0xffff  }
0x17d: {  	v2 =	vor.u32 s23, v0;
	_ =	sdelay $0x3  }
0x17e: {  	[tilespmem:s15+$0xFFFFFF80] =	vst v1  }
0x17f: {  	s24 =	simm.s32 $0x90;
	v1 =	vld.idx.msk [tilespmem:v2+s9+$0x0], $0xffff  }
0x180: {  	v2 =	vor.u32 s24, v0;
	_ =	sdelay $0x3  }
0x181: {  	[tilespmem:s15+$0xFFFFFF90] =	vst v1  }
0x182: {  	s25 =	simm.s32 $0xA0;
	v1 =	vld.idx.msk [tilespmem:v2+s9+$0x0], $0xffff  }
0x183: {  	v2 =	vor.u32 s25, v0;
	_ =	sdelay $0x3  }
0x184: {  	[tilespmem:s15+$0xFFFFFFA0] =	vst v1  }
0x185: {  	s26 =	simm.s32 $0xB0;
	v1 =	vld.idx.msk [tilespmem:v2+s9+$0x0], $0xffff  }
0x186: {  	v2 =	vor.u32 s26, v0;
	_ =	sdelay $0x3  }
0x187: {  	[tilespmem:s15+$0xFFFFFFB0] =	vst v1  }
0x188: {  	s28 =	simm.s32 $0xC0;
	v1 =	vld.idx.msk [tilespmem:v2+s9+$0x0], $0xffff  }
0x189: {  	v2 =	vor.u32 s28, v0;
	_ =	sdelay $0x3  }
0x18a: {  	[tilespmem:s15+$0xFFFFFFC0] =	vst v1  }
0x18b: {  	s29 =	simm.s32 $0xD0;
	v1 =	vld.idx.msk [tilespmem:v2+s9+$0x0], $0xffff  }
0x18c: {  	v2 =	vor.u32 s29, v0;
	_ =	sdelay $0x3  }
0x18d: {  	[tilespmem:s15+$0xFFFFFFD0] =	vst v1  }
0x18e: {  	s30 =	simm.s32 $0xE0;
	v1 =	vld.idx.msk [tilespmem:v2+s9+$0x0], $0xffff  }
0x18f: {  	v2 =	vor.u32 s30, v0;
	_ =	sdelay $0x3  }
0x190: {  	[tilespmem:s15+$0xFFFFFFE0] =	vst v1  }
0x191: {  	s31 =	simm.s32 $0xF0;
	v1 =	vld.idx.msk [tilespmem:v2+s9+$0x0], $0xffff  }
0x192: {  	v2 =	vor.u32 s31, v0;
	_ =	sdelay $0x3  }
0x193: {  	[tilespmem:s15+$0xFFFFFFF0] =	vst v1  }
0x194: {  	s16 =	simm.s32 $0x1F0;
	s17 =	simm.s32 $0x2F;
	v1 =	vld.idx.msk [tilespmem:v2+s9+$0x0], $0xffff  }
.LBB2_6:
0x195: {  	p0 =	sne.s32 s17, $0x7F;
	s18 =	sadd.s32 $0xFFFFFF10, s16  }
0x196: {  	v2 =	vor.u32 s18, v0;
	_ =	sdelay $0x3  }
0x197: {  	[tilespmem:s15+$0x0] =	vst v1  }
0x198: {  	v1 =	vld.idx.msk [tilespmem:v2+s9+$0x0], $0xffff  }
0x199: {  	s18 =	sadd.s32 $0xFFFFFF20, s16  }
0x19a: {  	v2 =	vor.u32 s18, v0;
	_ =	sdelay $0x2  }
0x19b: {  	s15 =	sadd.s32 $0x100, s15  }
0x19c: {  	[tilespmem:s15+$0xFFFFFF10] =	vst v1  }
0x19d: {  	v1 =	vld.idx.msk [tilespmem:v2+s9+$0x0], $0xffff  }
0x19e: {  	s18 =	sadd.s32 $0xFFFFFF30, s16  }
0x19f: {  	v2 =	vor.u32 s18, v0;
	_ =	sdelay $0x3  }
0x1a0: {  	[tilespmem:s15+$0xFFFFFF20] =	vst v1  }
0x1a1: {  	v1 =	vld.idx.msk [tilespmem:v2+s9+$0x0], $0xffff  }
0x1a2: {  	s18 =	sadd.s32 $0xFFFFFF40, s16  }
0x1a3: {  	v2 =	vor.u32 s18, v0;
	_ =	sdelay $0x3  }
0x1a4: {  	[tilespmem:s15+$0xFFFFFF30] =	vst v1  }
0x1a5: {  	v1 =	vld.idx.msk [tilespmem:v2+s9+$0x0], $0xffff  }
0x1a6: {  	s18 =	sadd.s32 $0xFFFFFF50, s16  }
0x1a7: {  	v2 =	vor.u32 s18, v0;
	_ =	sdelay $0x3  }
0x1a8: {  	[tilespmem:s15+$0xFFFFFF40] =	vst v1  }
0x1a9: {  	v1 =	vld.idx.msk [tilespmem:v2+s9+$0x0], $0xffff  }
0x1aa: {  	s18 =	sadd.s32 $0xFFFFFF60, s16  }
0x1ab: {  	v2 =	vor.u32 s18, v0;
	_ =	sdelay $0x3  }
0x1ac: {  	[tilespmem:s15+$0xFFFFFF50] =	vst v1  }
0x1ad: {  	v1 =	vld.idx.msk [tilespmem:v2+s9+$0x0], $0xffff  }
0x1ae: {  	s18 =	sadd.s32 $0xFFFFFF70, s16  }
0x1af: {  	v2 =	vor.u32 s18, v0;
	_ =	sdelay $0x3  }
0x1b0: {  	[tilespmem:s15+$0xFFFFFF60] =	vst v1  }
0x1b1: {  	v1 =	vld.idx.msk [tilespmem:v2+s9+$0x0], $0xffff  }
0x1b2: {  	s18 =	sadd.s32 $0xFFFFFF80, s16  }
0x1b3: {  	v2 =	vor.u32 s18, v0;
	_ =	sdelay $0x3  }
0x1b4: {  	[tilespmem:s15+$0xFFFFFF70] =	vst v1  }
0x1b5: {  	v1 =	vld.idx.msk [tilespmem:v2+s9+$0x0], $0xffff  }
0x1b6: {  	s18 =	sadd.s32 $0xFFFFFF90, s16  }
0x1b7: {  	v2 =	vor.u32 s18, v0;
	_ =	sdelay $0x3  }
0x1b8: {  	[tilespmem:s15+$0xFFFFFF80] =	vst v1  }
0x1b9: {  	v1 =	vld.idx.msk [tilespmem:v2+s9+$0x0], $0xffff  }
0x1ba: {  	s18 =	sadd.s32 $0xFFFFFFA0, s16  }
0x1bb: {  	v2 =	vor.u32 s18, v0;
	_ =	sdelay $0x3  }
0x1bc: {  	[tilespmem:s15+$0xFFFFFF90] =	vst v1  }
0x1bd: {  	v1 =	vld.idx.msk [tilespmem:v2+s9+$0x0], $0xffff  }
0x1be: {  	s18 =	sadd.s32 $0xFFFFFFB0, s16  }
0x1bf: {  	v2 =	vor.u32 s18, v0;
	_ =	sdelay $0x3  }
0x1c0: {  	[tilespmem:s15+$0xFFFFFFA0] =	vst v1  }
0x1c1: {  	v1 =	vld.idx.msk [tilespmem:v2+s9+$0x0], $0xffff  }
0x1c2: {  	s18 =	sadd.s32 $0xFFFFFFC0, s16  }
0x1c3: {  	v2 =	vor.u32 s18, v0;
	_ =	sdelay $0x3  }
0x1c4: {  	[tilespmem:s15+$0xFFFFFFB0] =	vst v1  }
0x1c5: {  	v1 =	vld.idx.msk [tilespmem:v2+s9+$0x0], $0xffff  }
0x1c6: {  	s18 =	sadd.s32 $0xFFFFFFD0, s16  }
0x1c7: {  	v2 =	vor.u32 s18, v0;
	_ =	sdelay $0x3  }
0x1c8: {  	[tilespmem:s15+$0xFFFFFFC0] =	vst v1  }
0x1c9: {  	v1 =	vld.idx.msk [tilespmem:v2+s9+$0x0], $0xffff  }
0x1ca: {  	s18 =	sadd.s32 $0xFFFFFFE0, s16  }
0x1cb: {  	v2 =	vor.u32 s18, v0;
	_ =	sdelay $0x3  }
0x1cc: {  	[tilespmem:s15+$0xFFFFFFD0] =	vst v1  }
0x1cd: {  	v1 =	vld.idx.msk [tilespmem:v2+s9+$0x0], $0xffff  }
0x1ce: {  	s18 =	sadd.s32 $0xFFFFFFF0, s16  }
0x1cf: {  	v2 =	vor.u32 s18, v0;
	_ =	sdelay $0x3  }
0x1d0: {  	[tilespmem:s15+$0xFFFFFFE0] =	vst v1  }
0x1d1: {  	v1 =	vld.idx.msk [tilespmem:v2+s9+$0x0], $0xffff;
	_ =	sdelay $0x1  }
0x1d2: {  	v2 =	vor.u32 s16, v0  }
.Ltmp2:
0x1d3: {  	(pc) =	sbr.rel @p0 .LBB2_6-.Ltmp2, $3  }
0x1d4: {  	_ =	sdelay $0x1  }
0x1d5: {  	[tilespmem:s15+$0xFFFFFFF0] =	vst v1  }
0x1d6: {  	s16 =	sshll.u32 s17, $0x4;
	s17 =	sadd.s32 $0x10, s17;
	v1 =	vld.idx.msk [tilespmem:v2+s9+$0x0], $0xffff  }
0x1d7: {  	s17 =	sadd.s32 $0xFFFFFF10, s16  }
0x1d8: {  	v2 =	vor.u32 s17, v0;
	_ =	sdelay $0x3  }
0x1d9: {  	[tilespmem:s15+$0x0] =	vst v1  }
0x1da: {  	s30 =	sadd.s32 $0xFFFFFF20, s16;
	v1 =	vld.idx.msk [tilespmem:v2+s9+$0x0], $0xffff  }
0x1db: {  	v2 =	vor.u32 s30, v0;
	_ =	sdelay $0x2  }
0x1dc: {  	s15 =	sadd.s32 $0x100, s15  }
0x1dd: {  	[tilespmem:s15+$0xFFFFFF10] =	vst v1  }
0x1de: {  	s31 =	sadd.s32 $0xFFFFFF30, s16;
	v1 =	vld.idx.msk [tilespmem:v2+s9+$0x0], $0xffff  }
0x1df: {  	v2 =	vor.u32 s31, v0;
	_ =	sdelay $0x3  }
0x1e0: {  	[tilespmem:s15+$0xFFFFFF20] =	vst v1  }
0x1e1: {  	s18 =	sadd.s32 $0xFFFFFF40, s16;
	v1 =	vld.idx.msk [tilespmem:v2+s9+$0x0], $0xffff  }
0x1e2: {  	v2 =	vor.u32 s18, v0;
	_ =	sdelay $0x3  }
0x1e3: {  	[tilespmem:s15+$0xFFFFFF30] =	vst v1  }
0x1e4: {  	s19 =	sadd.s32 $0xFFFFFF50, s16;
	v1 =	vld.idx.msk [tilespmem:v2+s9+$0x0], $0xffff  }
0x1e5: {  	v2 =	vor.u32 s19, v0;
	_ =	sdelay $0x3  }
0x1e6: {  	[tilespmem:s15+$0xFFFFFF40] =	vst v1  }
0x1e7: {  	s20 =	sadd.s32 $0xFFFFFF60, s16;
	v1 =	vld.idx.msk [tilespmem:v2+s9+$0x0], $0xffff  }
0x1e8: {  	v2 =	vor.u32 s20, v0;
	_ =	sdelay $0x3  }
0x1e9: {  	[tilespmem:s15+$0xFFFFFF50] =	vst v1  }
0x1ea: {  	s21 =	sadd.s32 $0xFFFFFF70, s16;
	v1 =	vld.idx.msk [tilespmem:v2+s9+$0x0], $0xffff  }
0x1eb: {  	v2 =	vor.u32 s21, v0;
	_ =	sdelay $0x3  }
0x1ec: {  	[tilespmem:s15+$0xFFFFFF60] =	vst v1  }
0x1ed: {  	s22 =	sadd.s32 $0xFFFFFF80, s16;
	v1 =	vld.idx.msk [tilespmem:v2+s9+$0x0], $0xffff  }
0x1ee: {  	v2 =	vor.u32 s22, v0;
	_ =	sdelay $0x3  }
0x1ef: {  	[tilespmem:s15+$0xFFFFFF70] =	vst v1  }
0x1f0: {  	s23 =	sadd.s32 $0xFFFFFF90, s16;
	v1 =	vld.idx.msk [tilespmem:v2+s9+$0x0], $0xffff  }
0x1f1: {  	v2 =	vor.u32 s23, v0;
	_ =	sdelay $0x3  }
0x1f2: {  	[tilespmem:s15+$0xFFFFFF80] =	vst v1  }
0x1f3: {  	s24 =	sadd.s32 $0xFFFFFFA0, s16;
	v1 =	vld.idx.msk [tilespmem:v2+s9+$0x0], $0xffff  }
0x1f4: {  	v2 =	vor.u32 s24, v0;
	_ =	sdelay $0x3  }
0x1f5: {  	[tilespmem:s15+$0xFFFFFF90] =	vst v1  }
0x1f6: {  	s25 =	sadd.s32 $0xFFFFFFB0, s16;
	v1 =	vld.idx.msk [tilespmem:v2+s9+$0x0], $0xffff  }
0x1f7: {  	v2 =	vor.u32 s25, v0;
	_ =	sdelay $0x3  }
0x1f8: {  	[tilespmem:s15+$0xFFFFFFA0] =	vst v1  }
0x1f9: {  	s26 =	sadd.s32 $0xFFFFFFC0, s16;
	v1 =	vld.idx.msk [tilespmem:v2+s9+$0x0], $0xffff  }
0x1fa: {  	v2 =	vor.u32 s26, v0;
	_ =	sdelay $0x3  }
0x1fb: {  	[tilespmem:s15+$0xFFFFFFB0] =	vst v1  }
0x1fc: {  	s28 =	sadd.s32 $0xFFFFFFD0, s16;
	v1 =	vld.idx.msk [tilespmem:v2+s9+$0x0], $0xffff  }
0x1fd: {  	v2 =	vor.u32 s28, v0;
	_ =	sdelay $0x3  }
0x1fe: {  	[tilespmem:s15+$0xFFFFFFC0] =	vst v1  }
0x1ff: {  	s29 =	sadd.s32 $0xFFFFFFE0, s16;
	v1 =	vld.idx.msk [tilespmem:v2+s9+$0x0], $0xffff  }
0x200: {  	v2 =	vor.u32 s29, v0;
	_ =	sdelay $0x3  }
0x201: {  	[tilespmem:s15+$0xFFFFFFD0] =	vst v1  }
0x202: {  	s30 =	sadd.s32 $0xFFFFFFF0, s16;
	v1 =	vld.idx.msk [tilespmem:v2+s9+$0x0], $0xffff  }
0x203: {  	v2 =	vor.u32 s30, v0;
	_ =	sdelay $0x3  }
0x204: {  	[tilespmem:s15+$0xFFFFFFE0] =	vst v1  }
0x205: {  	v1 =	vld.idx.msk [tilespmem:v2+s9+$0x0], $0xffff  }
0x206: {  	v2 =	vor.u32 s16, v0;
	_ =	sdelay $0x3  }
0x207: {  	[tilespmem:s15+$0xFFFFFFF0] =	vst v1  }
0x208: {  	v1 =	vld.idx.msk [tilespmem:v2+s9+$0x0], $0xffff;
	_ =	sdelay $0x3  }
0x209: {  	s31 =	simm.s32 $0x0  }
0x20a: {  	[tilespmem:s15+$0x0] =	vst v1;
	v1 =	vor.u32 s31, v0  }
0x20b: {  	[tilespmem:s9], [sflag:$0x1] =	stream.indirect.gather [hbm4b:s3+s8], $0x10, s12, s8, $0xb8;
	[tilespmem:$0x2A00] =	vst v63  }
0x20c: {  	_ =	swait.ge [sflag:s10], $0x800  }
0x20d: {  	[sflag:s10] =	ssyncset.done $0x0  }
0x20e: {  	[sflag:s10] =	ssyncadd.s32 $0xFFFFF800  }
0x20f: {  	s16 =	simm.s32 $0x10;
	v1 =	vld.idx.msk [tilespmem:v1+s9+$0x0], $0xffff  }
0x210: {  	v2 =	vor.u32 s16, v0;
	_ =	sdelay $0x2  }
0x211: {  	s15 =	simm.s32 $0x22F0  }
0x212: {  	[tilespmem:s15+$0xFFFFFF10] =	vst v1  }
0x213: {  	s17 =	simm.s32 $0x20;
	v1 =	vld.idx.msk [tilespmem:v2+s9+$0x0], $0xffff  }
0x214: {  	v2 =	vor.u32 s17, v0;
	_ =	sdelay $0x3  }
0x215: {  	[tilespmem:s15+$0xFFFFFF20] =	vst v1  }
0x216: {  	s18 =	simm.s32 $0x30;
	v1 =	vld.idx.msk [tilespmem:v2+s9+$0x0], $0xffff  }
0x217: {  	v2 =	vor.u32 s18, v0;
	_ =	sdelay $0x3  }
0x218: {  	[tilespmem:s15+$0xFFFFFF30] =	vst v1  }
0x219: {  	s19 =	simm.s32 $0x40;
	v1 =	vld.idx.msk [tilespmem:v2+s9+$0x0], $0xffff  }
0x21a: {  	v2 =	vor.u32 s19, v0;
	_ =	sdelay $0x3  }
0x21b: {  	[tilespmem:s15+$0xFFFFFF40] =	vst v1  }
0x21c: {  	s20 =	simm.s32 $0x50;
	v1 =	vld.idx.msk [tilespmem:v2+s9+$0x0], $0xffff  }
0x21d: {  	v2 =	vor.u32 s20, v0;
	_ =	sdelay $0x3  }
0x21e: {  	[tilespmem:s15+$0xFFFFFF50] =	vst v1  }
0x21f: {  	s21 =	simm.s32 $0x60;
	v1 =	vld.idx.msk [tilespmem:v2+s9+$0x0], $0xffff  }
0x220: {  	v2 =	vor.u32 s21, v0;
	_ =	sdelay $0x3  }
0x221: {  	[tilespmem:s15+$0xFFFFFF60] =	vst v1  }
0x222: {  	s22 =	simm.s32 $0x70;
	v1 =	vld.idx.msk [tilespmem:v2+s9+$0x0], $0xffff  }
0x223: {  	v2 =	vor.u32 s22, v0;
	_ =	sdelay $0x3  }
0x224: {  	[tilespmem:s15+$0xFFFFFF70] =	vst v1  }
0x225: {  	s23 =	simm.s32 $0x80;
	v1 =	vld.idx.msk [tilespmem:v2+s9+$0x0], $0xffff  }
0x226: {  	v2 =	vor.u32 s23, v0;
	_ =	sdelay $0x3  }
0x227: {  	[tilespmem:s15+$0xFFFFFF80] =	vst v1  }
0x228: {  	s24 =	simm.s32 $0x90;
	v1 =	vld.idx.msk [tilespmem:v2+s9+$0x0], $0xffff  }
0x229: {  	v2 =	vor.u32 s24, v0;
	_ =	sdelay $0x3  }
0x22a: {  	[tilespmem:s15+$0xFFFFFF90] =	vst v1  }
0x22b: {  	s25 =	simm.s32 $0xA0;
	v1 =	vld.idx.msk [tilespmem:v2+s9+$0x0], $0xffff  }
0x22c: {  	v2 =	vor.u32 s25, v0;
	_ =	sdelay $0x3  }
0x22d: {  	[tilespmem:s15+$0xFFFFFFA0] =	vst v1  }
0x22e: {  	s26 =	simm.s32 $0xB0;
	v1 =	vld.idx.msk [tilespmem:v2+s9+$0x0], $0xffff  }
0x22f: {  	v2 =	vor.u32 s26, v0;
	_ =	sdelay $0x3  }
0x230: {  	[tilespmem:s15+$0xFFFFFFB0] =	vst v1  }
0x231: {  	s28 =	simm.s32 $0xC0;
	v1 =	vld.idx.msk [tilespmem:v2+s9+$0x0], $0xffff  }
0x232: {  	v2 =	vor.u32 s28, v0;
	_ =	sdelay $0x3  }
0x233: {  	[tilespmem:s15+$0xFFFFFFC0] =	vst v1  }
0x234: {  	s29 =	simm.s32 $0xD0;
	v1 =	vld.idx.msk [tilespmem:v2+s9+$0x0], $0xffff  }
0x235: {  	v2 =	vor.u32 s29, v0;
	_ =	sdelay $0x3  }
0x236: {  	[tilespmem:s15+$0xFFFFFFD0] =	vst v1  }
0x237: {  	s30 =	simm.s32 $0xE0;
	v1 =	vld.idx.msk [tilespmem:v2+s9+$0x0], $0xffff  }
0x238: {  	v2 =	vor.u32 s30, v0;
	_ =	sdelay $0x3  }
0x239: {  	[tilespmem:s15+$0xFFFFFFE0] =	vst v1  }
0x23a: {  	s31 =	simm.s32 $0xF0;
	v1 =	vld.idx.msk [tilespmem:v2+s9+$0x0], $0xffff  }
0x23b: {  	v2 =	vor.u32 s31, v0;
	_ =	sdelay $0x3  }
0x23c: {  	[tilespmem:s15+$0xFFFFFFF0] =	vst v1  }
0x23d: {  	s16 =	simm.s32 $0x1F0;
	s17 =	simm.s32 $0x2F;
	v1 =	vld.idx.msk [tilespmem:v2+s9+$0x0], $0xffff  }
.LBB2_8:
0x23e: {  	p0 =	sne.s32 s17, $0x7F;
	s18 =	sadd.s32 $0xFFFFFF10, s16  }
0x23f: {  	v2 =	vor.u32 s18, v0;
	_ =	sdelay $0x3  }
0x240: {  	[tilespmem:s15+$0x0] =	vst v1  }
0x241: {  	v1 =	vld.idx.msk [tilespmem:v2+s9+$0x0], $0xffff  }
0x242: {  	s18 =	sadd.s32 $0xFFFFFF20, s16  }
0x243: {  	v2 =	vor.u32 s18, v0;
	_ =	sdelay $0x2  }
0x244: {  	s15 =	sadd.s32 $0x100, s15  }
0x245: {  	[tilespmem:s15+$0xFFFFFF10] =	vst v1  }
0x246: {  	v1 =	vld.idx.msk [tilespmem:v2+s9+$0x0], $0xffff  }
0x247: {  	s18 =	sadd.s32 $0xFFFFFF30, s16  }
0x248: {  	v2 =	vor.u32 s18, v0;
	_ =	sdelay $0x3  }
0x249: {  	[tilespmem:s15+$0xFFFFFF20] =	vst v1  }
0x24a: {  	v1 =	vld.idx.msk [tilespmem:v2+s9+$0x0], $0xffff  }
0x24b: {  	s18 =	sadd.s32 $0xFFFFFF40, s16  }
0x24c: {  	v2 =	vor.u32 s18, v0;
	_ =	sdelay $0x3  }
0x24d: {  	[tilespmem:s15+$0xFFFFFF30] =	vst v1  }
0x24e: {  	v1 =	vld.idx.msk [tilespmem:v2+s9+$0x0], $0xffff  }
0x24f: {  	s18 =	sadd.s32 $0xFFFFFF50, s16  }
0x250: {  	v2 =	vor.u32 s18, v0;
	_ =	sdelay $0x3  }
0x251: {  	[tilespmem:s15+$0xFFFFFF40] =	vst v1  }
0x252: {  	v1 =	vld.idx.msk [tilespmem:v2+s9+$0x0], $0xffff  }
0x253: {  	s18 =	sadd.s32 $0xFFFFFF60, s16  }
0x254: {  	v2 =	vor.u32 s18, v0;
	_ =	sdelay $0x3  }
0x255: {  	[tilespmem:s15+$0xFFFFFF50] =	vst v1  }
0x256: {  	v1 =	vld.idx.msk [tilespmem:v2+s9+$0x0], $0xffff  }
0x257: {  	s18 =	sadd.s32 $0xFFFFFF70, s16  }
0x258: {  	v2 =	vor.u32 s18, v0;
	_ =	sdelay $0x3  }
0x259: {  	[tilespmem:s15+$0xFFFFFF60] =	vst v1  }
0x25a: {  	v1 =	vld.idx.msk [tilespmem:v2+s9+$0x0], $0xffff  }
0x25b: {  	s18 =	sadd.s32 $0xFFFFFF80, s16  }
0x25c: {  	v2 =	vor.u32 s18, v0;
	_ =	sdelay $0x3  }
0x25d: {  	[tilespmem:s15+$0xFFFFFF70] =	vst v1  }
0x25e: {  	v1 =	vld.idx.msk [tilespmem:v2+s9+$0x0], $0xffff  }
0x25f: {  	s18 =	sadd.s32 $0xFFFFFF90, s16  }
0x260: {  	v2 =	vor.u32 s18, v0;
	_ =	sdelay $0x3  }
0x261: {  	[tilespmem:s15+$0xFFFFFF80] =	vst v1  }
0x262: {  	v1 =	vld.idx.msk [tilespmem:v2+s9+$0x0], $0xffff  }
0x263: {  	s18 =	sadd.s32 $0xFFFFFFA0, s16  }
0x264: {  	v2 =	vor.u32 s18, v0;
	_ =	sdelay $0x3  }
0x265: {  	[tilespmem:s15+$0xFFFFFF90] =	vst v1  }
0x266: {  	v1 =	vld.idx.msk [tilespmem:v2+s9+$0x0], $0xffff  }
0x267: {  	s18 =	sadd.s32 $0xFFFFFFB0, s16  }
0x268: {  	v2 =	vor.u32 s18, v0;
	_ =	sdelay $0x3  }
0x269: {  	[tilespmem:s15+$0xFFFFFFA0] =	vst v1  }
0x26a: {  	v1 =	vld.idx.msk [tilespmem:v2+s9+$0x0], $0xffff  }
0x26b: {  	s18 =	sadd.s32 $0xFFFFFFC0, s16  }
0x26c: {  	v2 =	vor.u32 s18, v0;
	_ =	sdelay $0x3  }
0x26d: {  	[tilespmem:s15+$0xFFFFFFB0] =	vst v1  }
0x26e: {  	v1 =	vld.idx.msk [tilespmem:v2+s9+$0x0], $0xffff  }
0x26f: {  	s18 =	sadd.s32 $0xFFFFFFD0, s16  }
0x270: {  	v2 =	vor.u32 s18, v0;
	_ =	sdelay $0x3  }
0x271: {  	[tilespmem:s15+$0xFFFFFFC0] =	vst v1  }
0x272: {  	v1 =	vld.idx.msk [tilespmem:v2+s9+$0x0], $0xffff  }
0x273: {  	s18 =	sadd.s32 $0xFFFFFFE0, s16  }
0x274: {  	v2 =	vor.u32 s18, v0;
	_ =	sdelay $0x3  }
0x275: {  	[tilespmem:s15+$0xFFFFFFD0] =	vst v1  }
0x276: {  	v1 =	vld.idx.msk [tilespmem:v2+s9+$0x0], $0xffff  }
0x277: {  	s18 =	sadd.s32 $0xFFFFFFF0, s16  }
0x278: {  	v2 =	vor.u32 s18, v0;
	_ =	sdelay $0x3  }
0x279: {  	[tilespmem:s15+$0xFFFFFFE0] =	vst v1  }
0x27a: {  	v1 =	vld.idx.msk [tilespmem:v2+s9+$0x0], $0xffff;
	_ =	sdelay $0x1  }
0x27b: {  	v2 =	vor.u32 s16, v0  }
.Ltmp3:
0x27c: {  	(pc) =	sbr.rel @p0 .LBB2_8-.Ltmp3, $3  }
0x27d: {  	_ =	sdelay $0x1  }
0x27e: {  	[tilespmem:s15+$0xFFFFFFF0] =	vst v1  }
0x27f: {  	s16 =	sshll.u32 s17, $0x4;
	s17 =	sadd.s32 $0x10, s17;
	v1 =	vld.idx.msk [tilespmem:v2+s9+$0x0], $0xffff  }
0x280: {  	s17 =	sadd.s32 $0xFFFFFF10, s16  }
0x281: {  	v2 =	vor.u32 s17, v0;
	_ =	sdelay $0x3  }
0x282: {  	[tilespmem:s15+$0x0] =	vst v1  }
0x283: {  	s31 =	sadd.s32 $0xFFFFFF20, s16;
	v1 =	vld.idx.msk [tilespmem:v2+s9+$0x0], $0xffff  }
0x284: {  	v2 =	vor.u32 s31, v0;
	_ =	sdelay $0x2  }
0x285: {  	s15 =	sadd.s32 $0x100, s15  }
0x286: {  	[tilespmem:s15+$0xFFFFFF10] =	vst v1  }
0x287: {  	s18 =	sadd.s32 $0xFFFFFF30, s16;
	v1 =	vld.idx.msk [tilespmem:v2+s9+$0x0], $0xffff  }
0x288: {  	v2 =	vor.u32 s18, v0;
	_ =	sdelay $0x3  }
0x289: {  	[tilespmem:s15+$0xFFFFFF20] =	vst v1  }
0x28a: {  	s19 =	sadd.s32 $0xFFFFFF40, s16;
	v1 =	vld.idx.msk [tilespmem:v2+s9+$0x0], $0xffff  }
0x28b: {  	v2 =	vor.u32 s19, v0;
	_ =	sdelay $0x3  }
0x28c: {  	[tilespmem:s15+$0xFFFFFF30] =	vst v1  }
0x28d: {  	s20 =	sadd.s32 $0xFFFFFF50, s16;
	v1 =	vld.idx.msk [tilespmem:v2+s9+$0x0], $0xffff  }
0x28e: {  	v2 =	vor.u32 s20, v0;
	_ =	sdelay $0x3  }
0x28f: {  	[tilespmem:s15+$0xFFFFFF40] =	vst v1  }
0x290: {  	s21 =	sadd.s32 $0xFFFFFF60, s16;
	v1 =	vld.idx.msk [tilespmem:v2+s9+$0x0], $0xffff  }
0x291: {  	v2 =	vor.u32 s21, v0;
	_ =	sdelay $0x3  }
0x292: {  	[tilespmem:s15+$0xFFFFFF50] =	vst v1  }
0x293: {  	s22 =	sadd.s32 $0xFFFFFF70, s16;
	v1 =	vld.idx.msk [tilespmem:v2+s9+$0x0], $0xffff  }
0x294: {  	v2 =	vor.u32 s22, v0;
	_ =	sdelay $0x3  }
0x295: {  	[tilespmem:s15+$0xFFFFFF60] =	vst v1  }
0x296: {  	s23 =	sadd.s32 $0xFFFFFF80, s16;
	v1 =	vld.idx.msk [tilespmem:v2+s9+$0x0], $0xffff  }
0x297: {  	v2 =	vor.u32 s23, v0;
	_ =	sdelay $0x3  }
0x298: {  	[tilespmem:s15+$0xFFFFFF70] =	vst v1  }
0x299: {  	s24 =	sadd.s32 $0xFFFFFF90, s16;
	v1 =	vld.idx.msk [tilespmem:v2+s9+$0x0], $0xffff  }
0x29a: {  	v2 =	vor.u32 s24, v0;
	_ =	sdelay $0x3  }
0x29b: {  	[tilespmem:s15+$0xFFFFFF80] =	vst v1  }
0x29c: {  	s25 =	sadd.s32 $0xFFFFFFA0, s16;
	v1 =	vld.idx.msk [tilespmem:v2+s9+$0x0], $0xffff  }
0x29d: {  	v2 =	vor.u32 s25, v0;
	_ =	sdelay $0x3  }
0x29e: {  	[tilespmem:s15+$0xFFFFFF90] =	vst v1  }
0x29f: {  	s26 =	sadd.s32 $0xFFFFFFB0, s16;
	v1 =	vld.idx.msk [tilespmem:v2+s9+$0x0], $0xffff  }
0x2a0: {  	v2 =	vor.u32 s26, v0;
	_ =	sdelay $0x3  }
0x2a1: {  	[tilespmem:s15+$0xFFFFFFA0] =	vst v1  }
0x2a2: {  	s28 =	sadd.s32 $0xFFFFFFC0, s16;
	v1 =	vld.idx.msk [tilespmem:v2+s9+$0x0], $0xffff  }
0x2a3: {  	v2 =	vor.u32 s28, v0;
	_ =	sdelay $0x3  }
0x2a4: {  	[tilespmem:s15+$0xFFFFFFB0] =	vst v1  }
0x2a5: {  	s29 =	sadd.s32 $0xFFFFFFD0, s16;
	v1 =	vld.idx.msk [tilespmem:v2+s9+$0x0], $0xffff  }
0x2a6: {  	v2 =	vor.u32 s29, v0;
	_ =	sdelay $0x3  }
0x2a7: {  	[tilespmem:s15+$0xFFFFFFC0] =	vst v1  }
0x2a8: {  	s30 =	sadd.s32 $0xFFFFFFE0, s16;
	v1 =	vld.idx.msk [tilespmem:v2+s9+$0x0], $0xffff  }
0x2a9: {  	v2 =	vor.u32 s30, v0;
	_ =	sdelay $0x3  }
0x2aa: {  	[tilespmem:s15+$0xFFFFFFD0] =	vst v1  }
0x2ab: {  	s31 =	sadd.s32 $0xFFFFFFF0, s16;
	v1 =	vld.idx.msk [tilespmem:v2+s9+$0x0], $0xffff  }
0x2ac: {  	v2 =	vor.u32 s31, v0;
	_ =	sdelay $0x3  }
0x2ad: {  	[tilespmem:s15+$0xFFFFFFE0] =	vst v1  }
0x2ae: {  	v1 =	vld.idx.msk [tilespmem:v2+s9+$0x0], $0xffff  }
0x2af: {  	v2 =	vor.u32 s16, v0;
	_ =	sdelay $0x3  }
0x2b0: {  	[tilespmem:s15+$0xFFFFFFF0] =	vst v1  }
0x2b1: {  	v1 =	vld.idx.msk [tilespmem:v2+s9+$0x0], $0xffff;
	_ =	sdelay $0x2  }
0x2b2: {  	s14 =	sadd.s32 $0x1, s14  }
0x2b3: {  	p0 =	sne.s32 s14, s6  }
.Ltmp4:
0x2b4: {  	[tilespmem:s15+$0x0] =	vst v1;
	(pc) =	sbr.rel @p0 .LBB2_1-.Ltmp4, $4  }
0x2b5: {  	[hbm4b:s5+s2] =	stream.linear.scatter [tilespmem:s13], [sflag:$0x2], $0x2000, $0x38;
	[tilespmem:$0x2A00] =	vst v63  }
0x2b6: {  	_ =	swait.ge [sflag:s7], $0x2000  }
0x2b7: {  	[sflag:s7] =	ssyncset.done $0x0  }
0x2b8: {  	[sflag:s7] =	ssyncadd.s32 $0xFFFFE000  }
0x2b9: {  	_ =	sfence.sel $0x180000  }
0x2ba: {  	[bflag:$0x0] =	sbarrier.arrive $0xFFFF  }
0x2bb: {  	p0 =	sne.s32 s1, $0x0;
	_ =	strace $0x90000047  }
0x2bc: {  	s0 =	sadd.s32 @!p0 $0x100000, s0;
	[bflag:$0x2] =	sbarrier.arrive $0xFFFF  }
0x2bd: {  	[sflag:s0] =	ssyncadd.tile.s32 @!p0 $0x1;
	_ =	shalt  }
.Lfunc_end2:
_tile_overlayer_lowered:
.L_overlay_start_2:
0x2be: {  	(tag) =	ssettag $0x2  }
0x2bf: {  	s0 =	rddreg [dreg:$0x0];
	s2 =	stileid.u32  }
0x2c0: {  	s1 =	rddreg [dreg:$0x1];
	p0 =	sne.s32 s2, $0x0  }
0x2c1: {  	s3 =	rddreg [dreg:$0x2];
	[bflag:$0x3] =	sbarrier.arrive $0xFFFF;
	s2 =	simm.s32 @!p0 $0x1C02  }
0x2c2: {  	[timem:s3], [sflag:s2] =	dma.local @!p0 [hbm:s0], s1  }
0x2c3: {  	s0 =	simm.s32 @!p0 $0x2  }
0x2c4: {  	_ =	swait.ge @!p0 [sflag:s0], s1  }
0x2c5: {  	s1 =	ssub.s32 @!p0 $0x0, s1;
	[sflag:s0] =	ssyncset.done @!p0 $0x0  }
0x2c6: {  	[sflag:s0] =	ssyncadd.s32 @!p0 s1  }
0x2c7: {  	[bflag:$0x3] =	sbarrier.arrive $0xFFFF  }
0x2c8: {  	_ =	shalt  }

// kernel: kernel.8.cloned.1.call-start
scs
__scs_entry_jumppad:
0x0: {  	(pc) =	sbr.rel $0x88, $3  }
0x1: {  	(tag) =	ssettag $0x0;
	lr =	simm.s32 $0x1  }
0x2: {  	[smem:$0x3F99] =	sst lr;
	_ =	strace $0xD0000000  }
0x3: {  	_ = 	snop  }
0x4: {  	_ = 	snop  }
0x5: {  	_ = 	snop  }
0x6: {  	_ = 	snop  }
0x7: {  	_ = 	snop  }
__scs_overlays_trampoline_lowered:
0x8: {  	[smem:$0x3FA8] =	sst s0  }
0x9: {  	[smem:$0x3FA9] =	sst s1  }
0xa: {  	[smem:$0x3FAA] =	sst s2  }
0xb: {  	[smem:$0x3FAB] =	sst s3  }
0xc: {  	[smem:$0x3FAC] =	sst s4  }
0xd: {  	[smem:$0x3FAD] =	sst s5  }
0xe: {  	[smem:$0x3FAE] =	sst s6  }
0xf: {  	[smem:$0x3FAF] =	sst s7  }
0x10: {  	[smem:$0x3FB0] =	sst s8  }
0x11: {  	[smem:$0x3FB1] =	sst s9;
	s0 =	simm.s32 @!p0 $0x0  }
0x12: {  	s1 =	sld [smem:$0x3F97];
	s0 =	simm.s32 @p0 $0x1  }
0x13: {  	[smem:$0x3FB2] =	sst s0;
	s0 =	simm.s32 @!p1 $0x0  }
0x14: {  	s2 =	sld [smem:$0x3F96];
	s0 =	simm.s32 @p1 $0x1  }
0x15: {  	[smem:$0x3FB3] =	sst s0;
	s0 =	simm.s32 @!p2 $0x0  }
0x16: {  	s3 =	sld [smem:$0x3FDB];
	s0 =	simm.s32 @p2 $0x1  }
0x17: {  	s4 =	simm.s32 $0x1BF5;
	[smem:$0x3FB5] =	sst s0  }
0x18: {  	s0 =	sld [smem:$0x3F98];
	_ =	swait.ge [sflag:s4], $0x0  }
0x19: {  	s7 =	sld [smem:$0x3F99]  }
0x1a: {  	s8 =	sadd.s32 $0xFFFFE003, lr  }
0x1b: {  	s9 =	sadd.s32 $0xFFFFFEF7, lr;
	s5 =	simm.s32 $0xFFFFFFFF;
	p2 =	slt.u32 s8, $0xFFFFF086  }
0x1c: {  	p1 =	slt.u32 s9, $0xF7A;
	s5 =	simm.s32 @!p2 $0x0  }
0x1d: {  	s5 =	simm.s32 @p1 $0x1;
	p0 =	seq.s32 s7, s2  }
0x1e: {  	s7 =	smul.u32 @!p0 $0xF7A, s2;
	p2 =	seq.s32 @!p0 s5, $0x0  }
0x1f: {  	s9 =	smul.u32 $0xF7A, s1;
	s8 =	simm.s32 @!p0 $0x1BF5;
	p2 =	por !p2, p0  }
0x20: {  	[sflag:s8] =	ssyncset.s32 @!p0 $0xFFFFF086;
	s6 =	sadd.s32 @!p0 s3, s7;
	s7 =	simm.s32 @!p0 $0x108  }
0x21: {  	s3 =	sadd.s32 s3, s9;
	s6 =	sadd.s32 @!p0 $0x88, s6;
	s7 =	simm.s32 @p2 $0x1082  }
0x22: {  	[simem:s7], [sflag:s8] =	dma.local @!p0 [hbm:s6], $0xF7A  }
0x23: {  	s9 =	sor.u32 $0xD0000000, s2;
	s6 =	simm.s32 $0x108;
	_ =	swait.ge @!p0 [sflag:s8], $0x0  }
0x24: {  	s3 =	sadd.s32 $0x88, s3;
	s6 =	simm.s32 @!p1 $0x1082;
	[sflag:s4] =	ssyncset.s32 $0xFFFFF086  }
0x25: {  	[simem:s6], [sflag:s4] =	dma.local [hbm:s3], $0xF7A  }
0x26: {  	[smem:$0x3F99] =	sst s1;
	(tag) =	ssettag s2;
	_ =	strace s9  }
0x27: {  	s1 =	sld [smem:$0x3FA9]  }
0x28: {  	s2 =	sld [smem:$0x3FAA]  }
0x29: {  	s4 =	sld [smem:$0x3FAC]  }
0x2a: {  	p0 =	seq.s32 s5, $0x0;
	s5 =	sld [smem:$0x3FAD]  }
0x2b: {  	s6 =	sld [smem:$0x3FAE]  }
0x2c: {  	s7 =	sld [smem:$0x3FAF]  }
0x2d: {  	s3 =	simm.s32 $0x108;
	s8 =	sld [smem:$0x3FB0]  }
0x2e: {  	s3 =	simm.s32 @!p0 $0x1082;
	s9 =	sld [smem:$0x3FB1]  }
0x2f: {  	lr =	sadd.s32 s0, s3;
	s0 =	sld [smem:$0x3FA8]  }
0x30: {  	s3 =	sld [smem:$0x3FAB]  }
0x31: {  	[smem:$0x3FB4] =	sst s10  }
0x32: {  	s10 =	sld [smem:$0x3FB2];
	_ =	sdelay $0x3  }
0x33: {  	p0 =	seq.s32 s10, $0x1;
	s10 =	sld [smem:$0x3FB4];
	_ =	sdelay $0x3  }
0x34: {  	[smem:$0x3FB4] =	sst s10  }
0x35: {  	s10 =	sld [smem:$0x3FB3];
	_ =	sdelay $0x3  }
0x36: {  	p1 =	seq.s32 s10, $0x1;
	s10 =	sld [smem:$0x3FB4];
	_ =	sdelay $0x3  }
0x37: {  	[smem:$0x3FB4] =	sst s10  }
0x38: {  	s10 =	sld [smem:$0x3FB5]  }
0x39: {  	_ = 	snop;
	(pc) =	sbr.ind lr, $3  }
0x3a: {  	_ = 	snop  }
0x3b: {  	_ = 	snop  }
0x3c: {  	p2 =	seq.s32 s10, $0x1;
	s10 =	sld [smem:$0x3FB4]  }
0x3d: {  	_ =	shalt  }
0x3e: {  	_ =	shalt  }
0x3f: {  	_ =	shalt  }
0x40: {  	_ =	shalt  }
0x41: {  	_ =	shalt  }
0x42: {  	_ =	shalt  }
0x43: {  	_ =	shalt  }
0x44: {  	_ =	shalt  }
0x45: {  	_ =	shalt  }
0x46: {  	_ =	shalt  }
0x47: {  	_ =	shalt  }
0x48: {  	_ =	shalt  }
0x49: {  	_ =	shalt  }
0x4a: {  	_ =	shalt  }
0x4b: {  	_ =	shalt  }
0x4c: {  	_ =	shalt  }
0x4d: {  	_ =	shalt  }
0x4e: {  	_ =	shalt  }
0x4f: {  	_ =	shalt  }
0x50: {  	_ =	shalt  }
0x51: {  	_ =	shalt  }
0x52: {  	_ =	shalt  }
0x53: {  	_ =	shalt  }
0x54: {  	_ =	shalt  }
0x55: {  	_ =	shalt  }
0x56: {  	_ =	shalt  }
0x57: {  	_ =	shalt  }
0x58: {  	_ =	shalt  }
0x59: {  	_ =	shalt  }
0x5a: {  	_ =	shalt  }
0x5b: {  	_ =	shalt  }
0x5c: {  	_ =	shalt  }
0x5d: {  	_ =	shalt  }
0x5e: {  	_ =	shalt  }
0x5f: {  	_ =	shalt  }
0x60: {  	_ =	shalt  }
0x61: {  	_ =	shalt  }
0x62: {  	_ =	shalt  }
0x63: {  	_ =	shalt  }
0x64: {  	_ =	shalt  }
0x65: {  	_ =	shalt  }
0x66: {  	_ =	shalt  }
0x67: {  	_ =	shalt  }
0x68: {  	_ =	shalt  }
0x69: {  	_ =	shalt  }
0x6a: {  	_ =	shalt  }
0x6b: {  	_ =	shalt  }
0x6c: {  	_ =	shalt  }
0x6d: {  	_ =	shalt  }
0x6e: {  	_ =	shalt  }
0x6f: {  	_ =	shalt  }
0x70: {  	_ =	shalt  }
0x71: {  	_ =	shalt  }
0x72: {  	_ =	shalt  }
0x73: {  	_ =	shalt  }
0x74: {  	_ =	shalt  }
0x75: {  	_ =	shalt  }
0x76: {  	_ =	shalt  }
0x77: {  	_ =	shalt  }
0x78: {  	_ =	shalt  }
0x79: {  	_ =	shalt  }
0x7a: {  	_ =	shalt  }
0x7b: {  	_ =	shalt  }
0x7c: {  	_ =	shalt  }
0x7d: {  	_ =	shalt  }
0x7e: {  	_ =	shalt  }
0x7f: {  	_ =	shalt  }
0x80: {  	_ =	shalt  }
0x81: {  	_ =	shalt  }
0x82: {  	_ =	shalt  }
0x83: {  	_ =	shalt  }
0x84: {  	_ =	shalt  }
0x85: {  	_ =	shalt  }
0x86: {  	_ =	shalt  }
0x87: {  	_ =	shalt  }
.Lfunc_end0:
.L_simem_size_0:
called_computation.1_lowered:
.L_overlay_start_0:
0x88: {  	s2 =	sld [smem:$0x3FD9]  }
0x89: {  	s3 =	sld [smem:$0x3FFE];
	_ =	sdelay $0x1  }
0x8a: {  	s1 =	srdreg.scid  }
0x8b: {  	s0 =	sand.u32 $0x1, s1  }
0x8c: {  	s17 =	sshll.u32 s0, $0xA;
	s2 =	sadd.s32 s3, s2  }
0x8d: {  	s2 =	sadd.s32 s2, s17  }
0x8e: {  	[smem:$0x3FC0] =	sst s2  }
0x8f: {  	_ = 	snop  }
0x90: {  	s4 =	sld [smem:$0x3FC9]  }
0x91: {  	s5 =	sld [smem:$0x3FC8]  }
0x92: {  	s6 =	sld [smem:$0x3FC4]  }
0x93: {  	s18 =	sld [smem:$0x3FD0];
	(tm) =	ssettm $0x1  }
0x94: {  	s19 =	sld [smem:$0x3FFB];
	_ =	sdelay $0x3  }
0x95: {  	_ =	strace s19  }
0x96: {  	s2 =	sld [smem:$0x3FFC];
	_ =	sdelay $0x3  }
0x97: {  	_ =	strace s2  }
0x98: {  	s2 =	sld [smem:$0x3FFD];
	_ =	sdelay $0x3  }
0x99: {  	_ =	strace s2  }
0x9a: {  	_ =	strace $0x8FFFFFFF  }
0x9b: {  	s20 =	sld [smem:$0x3FDB];
	_ =	sdelay $0x1  }
0x9c: {  	s7 =	simm.s32 $_scs_section_size  }
0x9d: {  	s8 =	simm.s32 $_size__tile_overlayer_lowered;
	s9 =	simm.s32 $_tile_overlayer_lowered  }
0x9e: {  	s10 =	simm.s32 $0x1BFF;
	s21 =	sshll.u32 s9, $0x1;
	s7 =	sadd.s32 s7, s20  }
0x9f: {  	s22 =	simm.s32 $0x0;
	s8 =	sshll.u32 s8, $0x1;
	s9 =	sadd.s32 s21, s7  }
0xa0: {  	[timem:s22], [sflag:s10] =	dma.local [hbm:s9], s8  }
0xa1: {  	_ =	swait.ge [sflag:s10], s8  }
0xa2: {  	s8 =	ssub.s32 $0x0, s8;
	[sflag:s10] =	ssyncset.done $0x0  }
0xa3: {  	[sflag:s10] =	ssyncadd.s32 s8;
	_ =	sdelay $0x1  }
0xa4: {  	s23 =	simm.s32 $0x1B8B  }
0xa5: {  	_ =	swait.ge [sflag:s23], $0x1  }
0xa6: {  	[sflag:s23] =	ssyncset.done $0x0  }
0xa7: {  	[sflag:s23] =	ssyncadd.s32 $0xFFFFFFFF  }
0xa8: {  	s8 =	sld [smem:$0x0]  }
0xa9: {  	s9 =	sand.u32 $0xFFFFFFFE, s1  }
0xaa: {  	p0 =	sne.s32 s1, s9  }
0xab: {  	s9 =	sshll.u32 @p0 s9, $0xE  }
0xac: {  	s9 =	sadd.s32 @p0 $0x11B8D, s9;
	s10 =	sshll.u32 @p0 s8, $0x11  }
0xad: {  	s9 =	sor.u32 @p0 s10, s9  }
0xae: {  	[sflag:s9] =	ssyncadd.remote.s32 @p0 $0x1;
	_ =	sdelay $0x1  }
0xaf: {  	s9 =	simm.s32 @p0 $0x1B8D  }
0xb0: {  	_ =	swait.eq @p0 [sflag:s9], $0x1  }
0xb1: {  	[sflag:s9] =	ssyncadd.s32 @p0 $0xFFFFFFFF  }
0xb2: {  	s10 =	sshll.u32 @!p0 s1, $0xE  }
0xb3: {  	s10 =	sor.u32 @!p0 $0x4000, s10;
	s9 =	simm.s32 @!p0 $0x1B8D  }
0xb4: {  	s8 =	sshll.u32 @!p0 s8, $0x11;
	s10 =	sadd.s32 @!p0 $0x11B8D, s10;
	_ =	swait.eq @!p0 [sflag:s9], $0x1  }
0xb5: {  	s8 =	sor.u32 @!p0 s8, s10;
	[sflag:s9] =	ssyncadd.s32 @!p0 $0xFFFFFFFF  }
0xb6: {  	s25 =	simm.s32 $0x1B8E;
	s24 =	sld [smem:$0x3FFE];
	[sflag:s8] =	ssyncadd.remote.s32 @!p0 $0x1  }
0xb7: {  	s26 =	simm.s32 $execute0_lowered;
	[smem:$0x3FD2] =	sst s25  }
0xb8: {  	s9 =	sshll.u32 s26, $0x1;
	_ =	strace $0x80000049;
	[dreg:$0x1] =	wrdreg $0xFFFFFFFF  }
0xb9: {  	s28 =	simm.s32 $_size_execute0_lowered;
	s7 =	sadd.s32 s7, s9;
	[dreg:$0x0] =	wrdreg $0x0  }
0xba: {  	s9 =	sshll.u32 s28, $0x1;
	[dreg:$0x2] =	wrdreg s7  }
0xbb: {  	[dreg:$0x3] =	wrdreg s9  }
0xbc: {  	[dreg:$0x4] =	wrdreg $0xC0  }
0xbd: {  	_ =	task [dreg:s22], $0x5FFFF  }
0xbe: {  	[dreg:$0x1] =	wrdreg $0xFFFFFFFF  }
0xbf: {  	[dreg:$0x0] =	wrdreg $0x60  }
0xc0: {  	[dreg:$0x2] =	wrdreg s4  }
0xc1: {  	[dreg:$0x3] =	wrdreg s5  }
0xc2: {  	[dreg:$0x4] =	wrdreg s6  }
0xc3: {  	[dreg:$0x5] =	wrdreg s24  }
0xc4: {  	[dreg:$0x6] =	wrdreg s18  }
0xc5: {  	[dreg:$0x7] =	wrdreg $0xA  }
0xc6: {  	_ =	task.clear_ibuf [dreg:s22], $0x8FFFF;
	_ =	strace $0x90000049  }
0xc7: {  	s29 =	simm.s32 $0xA;
	_ =	strace $0x8000004B  }
0xc8: {  	_ =	swait.ge [sflag:s29], $0x1  }
0xc9: {  	[sflag:s29] =	ssyncadd.s32 $0xFFFFFFFF  }
0xca: {  	_ =	strace $0x9000004B  }
0xcb: {  	_ =	sfence  }
0xcc: {  	s30 =	sld [smem:$0x0];
	_ =	sdelay $0x2  }
0xcd: {  	s31 =	sshll.u32 s1, $0xD;
	s1 =	sshrl.u32 s1, $0x2  }
0xce: {  	s4 =	sand.u32 $0x4000, s31;
	s1 =	sadd.s32 s1, s30  }
0xcf: {  	s0 =	sor.u32 s4, s0;
	s1 =	sshll.u32 s1, $0x11  }
0xd0: {  	s0 =	sor.u32 s1, s0  }
0xd1: {  	s0 =	sadd.s32 $0x8F2B, s0  }
0xd2: {  	[sflag:s0] =	ssyncadd.remote.s32 $0x1  }
0xd3: {  	_ =	sfence.sel $0xFFFF  }
0xd4: {  	[dreg:$0x0] =	wrdreg $0xFFFFFFFF;
	(pc) =	sbr.abs _section_cstart, $3  }
0xd5: {  	[dreg:$0x1] =	wrdreg $0xFFFFFFFF  }
0xd6: {  	_ =	task.clear_ibuf [dreg:s22], $0x2FFFF;
	_ =	strace $0x9FFFFFFF  }
0xd7: {  	(tm) =	ssettm $0x7FFFFFFF  }
tec
execute0_lowered:
.L_overlay_start_1:
0x0: {  	(tag) =	ssettag $0x1  }
0x1: {  	s6 =	rddreg [dreg:$0x0]  }
0x2: {  	s7 =	rddreg [dreg:$0x1]  }
0x3: {  	s1 =	rddreg [dreg:$0x2]  }
0x4: {  	s8 =	rddreg [dreg:$0x3]  }
0x5: {  	s9 =	rddreg [dreg:$0x4]  }
0x6: {  	s0 =	rddreg [dreg:$0x5];
	s3 =	simm.s32 $0x0  }
0x7: {  	s4 =	srdreg.scid;
	s2 =	stileid.u32;
	s15 =	simm.s32 $0x610  }
0x8: {  	s16 =	simm.s32 $0x200;
	s17 =	simm.s32 $0xE10;
	s18 =	simm.s32 $0x1  }
0x9: {  	s19 =	simm.s32 $0x280;
	s20 =	simm.s32 $0x100;
	s21 =	simm.s32 $0x300  }
0xa: {  	s22 =	simm.s32 $0x180;
	s23 =	simm.s32 $0x380;
	s24 =	simm.s32 $0x4E10  }
0xb: {  	s25 =	simm.s32 $0x6E10;
	s26 =	simm.s32 $0x0;
	[smem:$0x7FF] =	sst s3  }
0xc: {  	s5 =	sand.u32 $0x1, s4;
	s10 =	sshll.u32 s2, $0x1;
	s4 =	sadd.s32 $0x3B000, s8  }
0xd: {  	_ =	strace $0x8000004A;
	s10 =	sor.u32 s5, s10;
	s11 =	ssub.s32 $0x2, s5  }
0xe: {  	s5 =	sadd.s32 $0xA200, s8;
	s12 =	sshll.u32 s10, $0xA;
	s13 =	sshrl.u32 s11, $0x1  }
0xf: {  	s31 =	sshll.u32 s10, $0x6;
	s14 =	sadd.s32 s12, s8;
	s11 =	ssub.s32 s11, s13  }
0x10: {  	s6 =	sadd.s32 s6, s31;
	s7 =	sadd.s32 s7, s31;
	s8 =	sadd.s32 s9, s12  }
0x11: {  	v1 =	vimm.s32 $0x0;
	vm0 =	vcmask $0x300;
	s12 =	simm.s32 $0x400;
	s13 =	simm.s32 $0x600;
	s9 =	sadd.s32 $0x3E200, s14  }
0x12: {  	v0 =	vlaneseq.u32;
	v1 =	vsel vm0, $0x3, v1;
	s10 =	smax.u32 s11, $0x1;
	s11 =	simm.s32 $0x2;
	s14 =	simm.s32 $0x80  }
.LBB2_1:
0x13: {  	[tilespmem:s3], [sflag:$0x2] =	stream.linear.gather [hbm4b:s6+s3], $0x200, $0x38;
	[tilespmem:$0x8E10] =	vst v63  }
0x14: {  	_ =	swait.ge [sflag:s11], $0x200  }
0x15: {  	[sflag:s11] =	ssyncset.done $0x0  }
0x16: {  	[sflag:s11] =	ssyncadd.s32 $0xFFFFFE00  }
0x17: {  	[tilespmem:s12], [sflag:$0x2] =	stream.linear.gather [hbm4b:s7+s3], $0x200, $0x38;
	[tilespmem:$0x8E10] =	vst v63  }
0x18: {  	_ =	swait.ge [sflag:s11], $0x200  }
0x19: {  	[sflag:s11] =	ssyncset.done $0x0  }
0x1a: {  	[sflag:s11] =	ssyncadd.s32 $0xFFFFFE00  }
0x1b: {  	[tilespmem:s13], [sflag:$0x2] =	stream.linear.gather [hbm4b:s1+s3], $0x10, $0x38;
	[tilespmem:$0x8E10] =	vst v63  }
0x1c: {  	_ =	swait.ge [sflag:s11], $0x10  }
0x1d: {  	[sflag:s11] =	ssyncset.done $0x0  }
0x1e: {  	[sflag:s11] =	ssyncadd.s32 $0xFFFFFFF0  }
0x1f: {  	v2 =	vld [tilespmem:$0x0]  }
0x20: {  	v3 =	vld [tilespmem:$0x10]  }
0x21: {  	v4 =	vld [tilespmem:$0x20]  }
0x22: {  	v5 =	vld [tilespmem:$0x30]  }
0x23: {  	v6 =	vld [tilespmem:$0x40]  }
0x24: {  	v7 =	vld [tilespmem:$0x50];
	v2 =	vshra.s32 v2, $0x7  }
0x25: {  	[tilespmem:$0x200] =	vst v2;
	v2 =	vshra.s32 v3, $0x7;
	v3 =	vld [tilespmem:$0x60]  }
0x26: {  	v44 =	vld [tilespmem:$0x70];
	[tilespmem:$0x210] =	vst v2;
	v2 =	vshra.s32 v4, $0x7  }
0x27: {  	v45 =	vld [tilespmem:$0x80];
	[tilespmem:$0x220] =	vst v2;
	v2 =	vshra.s32 v5, $0x7  }
0x28: {  	v46 =	vld [tilespmem:$0x90];
	[tilespmem:$0x230] =	vst v2;
	v2 =	vshra.s32 v6, $0x7  }
0x29: {  	v47 =	vld [tilespmem:$0xA0];
	[tilespmem:$0x240] =	vst v2;
	v2 =	vshra.s32 v7, $0x7  }
0x2a: {  	[tilespmem:$0x250] =	vst v2;
	v2 =	vshra.s32 v3, $0x7;
	v3 =	vld [tilespmem:$0xB0]  }
0x2b: {  	v48 =	vld [tilespmem:$0xC0];
	[tilespmem:$0x260] =	vst v2;
	v2 =	vshra.s32 v44, $0x7  }
0x2c: {  	v49 =	vld [tilespmem:$0xD0];
	[tilespmem:$0x270] =	vst v2;
	v2 =	vshra.s32 v45, $0x7  }
0x2d: {  	v50 =	vld [tilespmem:$0xE0];
	[tilespmem:$0x280] =	vst v2;
	v2 =	vshra.s32 v46, $0x7  }
0x2e: {  	v51 =	vld [tilespmem:$0xF0];
	[tilespmem:$0x290] =	vst v2;
	v2 =	vshra.s32 v47, $0x7  }
0x2f: {  	[tilespmem:$0x2A0] =	vst v2;
	v2 =	vshra.s32 v3, $0x7;
	v3 =	vld [tilespmem:$0x100]  }
0x30: {  	v52 =	vld [tilespmem:$0x110];
	[tilespmem:$0x2B0] =	vst v2;
	v2 =	vshra.s32 v48, $0x7  }
0x31: {  	v53 =	vld [tilespmem:$0x120];
	[tilespmem:$0x2C0] =	vst v2;
	v2 =	vshra.s32 v49, $0x7  }
0x32: {  	v54 =	vld [tilespmem:$0x130];
	[tilespmem:$0x2D0] =	vst v2;
	v2 =	vshra.s32 v50, $0x7  }
0x33: {  	v55 =	vld [tilespmem:$0x140];
	[tilespmem:$0x2E0] =	vst v2;
	v2 =	vshra.s32 v51, $0x7  }
0x34: {  	[tilespmem:$0x2F0] =	vst v2;
	v2 =	vshra.s32 v3, $0x7;
	v3 =	vld [tilespmem:$0x150]  }
0x35: {  	v56 =	vld [tilespmem:$0x160];
	[tilespmem:$0x300] =	vst v2;
	v2 =	vshra.s32 v52, $0x7  }
0x36: {  	v57 =	vld [tilespmem:$0x170];
	[tilespmem:$0x310] =	vst v2;
	v2 =	vshra.s32 v53, $0x7  }
0x37: {  	v58 =	vld [tilespmem:$0x180];
	[tilespmem:$0x320] =	vst v2;
	v2 =	vshra.s32 v54, $0x7  }
0x38: {  	v59 =	vld [tilespmem:$0x190];
	[tilespmem:$0x330] =	vst v2;
	v2 =	vshra.s32 v55, $0x7  }
0x39: {  	[tilespmem:$0x340] =	vst v2;
	v2 =	vshra.s32 v3, $0x7;
	v3 =	vld [tilespmem:$0x1A0]  }
0x3a: {  	v60 =	vld [tilespmem:$0x1B0];
	[tilespmem:$0x350] =	vst v2;
	v2 =	vshra.s32 v56, $0x7  }
0x3b: {  	v61 =	vld [tilespmem:$0x1C0];
	[tilespmem:$0x360] =	vst v2;
	v2 =	vshra.s32 v57, $0x7  }
0x3c: {  	v62 =	vld [tilespmem:$0x1D0];
	[tilespmem:$0x370] =	vst v2;
	v2 =	vshra.s32 v58, $0x7  }
0x3d: {  	v63 =	vld [tilespmem:$0x1E0];
	[tilespmem:$0x380] =	vst v2;
	v2 =	vshra.s32 v59, $0x7  }
0x3e: {  	[tilespmem:$0x390] =	vst v2;
	v2 =	vshra.s32 v3, $0x7;
	v3 =	vld [tilespmem:$0x1F0]  }
0x3f: {  	[tilespmem:$0x3A0] =	vst v2;
	v2 =	vshra.s32 v60, $0x7  }
0x40: {  	[tilespmem:$0x3B0] =	vst v2;
	v2 =	vshra.s32 v61, $0x7  }
0x41: {  	[tilespmem:$0x3C0] =	vst v2;
	v2 =	vshra.s32 v62, $0x7  }
0x42: {  	[tilespmem:$0x3D0] =	vst v2;
	v2 =	vshra.s32 v63, $0x7  }
0x43: {  	[tilespmem:$0x3E0] =	vst v2;
	v2 =	vshra.s32 v3, $0x7  }
0x44: {  	[tilespmem:$0x3F0] =	vst v2  }
0x45: {  	v2 =	vld [tilespmem:$0x600];
	[tilespmem:s15], [sflag:$0x1] =	stream.indirect.gather [hbm4b:s5+s14], $0x10, s3, s14, $0xb8  }
0x46: {  	_ = 	snop  }
0x47: {  	[tilespmem:s17], [sflag:$0x1] =	stream.indirect.gather [hbm4b:s4+s14], $0x80, s16, s14, $0xb8;
	[tilespmem:$0x8E10] =	vst v63  }
0x48: {  	_ =	swait.ge [sflag:s18], $0x800  }
0x49: {  	[sflag:s18] =	ssyncset.done $0x0  }
0x4a: {  	[sflag:s18] =	ssyncadd.s32 $0xFFFFF800  }
0x4b: {  	_ =	swait.ge [sflag:s18], $0x4000  }
0x4c: {  	s28 =	simm.s32 $0xF;
	[sflag:s18] =	ssyncset.done $0x0  }
0x4d: {  	s29 =	simm.s32 $0x4E90;
	s30 =	simm.s32 $0x6E90;
	[sflag:s18] =	ssyncadd.s32 $0xFFFFC000  }
.LBB2_2:
0x4e: {  	s31 =	sadd.s32 $0xFFFFFFF1, s28  }
0x4f: {  	v3 =	vmov s31;
	_ =	sdelay $0x4  }
0x50: {  	v4 =	vld.idx.msk [tilespmem:v3+s3+$0x0], $0xffff;
	_ =	sdelay $0x3  }
0x51: {  	v5 =	vshll.u32 v3, $0x4  }
0x52: {  	v6 =	vshll.u32 v3, $0x7;
	v5 =	vor.u32 v0, v5;
	v4 =	vand.u32 $0x7F, v4  }
0x53: {  	v4 =	vor.u32 v6, v4;
	_ =	sdelay $0x1  }
0x54: {  	v3 =	vld.idx.msk [tilespmem:v3+s12+$0x0], $0xffff;
	_ =	sdelay $0x1  }
0x55: {  	v5 =	vld.idx.msk [tilespmem:v5+s15+$0x0], $0xffff  }
0x56: {  	v4 =	vld.idx.msk [tilespmem:v4+s17+$0x0], $0xffff;
	_ =	sdelay $0x1  }
0x57: {  	s31 =	sadd.s32 $0xFFFFFFF2, s28;
	v44 =	vmul.f32 v3, v2  }
0x58: {  	v7 =	vmov s31  }
0x59: {  	v5 =	vadd.f32 v5, v44  }
0x5a: {  	v3 =	vmul.f32 v4, v3  }
0x5b: {  	[tilespmem:s29+$0xFFFFFF80] =	vst v5  }
0x5c: {  	[tilespmem:s30+$0xFFFFFF80] =	vst v3  }
0x5d: {  	v3 =	vld.idx.msk [tilespmem:v7+s3+$0x0], $0xffff;
	_ =	sdelay $0x3  }
0x5e: {  	v45 =	vshll.u32 v7, $0x4  }
0x5f: {  	v46 =	vshll.u32 v7, $0x7;
	v4 =	vor.u32 v0, v45;
	v3 =	vand.u32 $0x7F, v3  }
0x60: {  	v3 =	vor.u32 v46, v3;
	_ =	sdelay $0x1  }
0x61: {  	v47 =	vld.idx.msk [tilespmem:v7+s12+$0x0], $0xffff;
	_ =	sdelay $0x1  }
0x62: {  	v4 =	vld.idx.msk [tilespmem:v4+s15+$0x0], $0xffff  }
0x63: {  	v3 =	vld.idx.msk [tilespmem:v3+s17+$0x0], $0xffff;
	_ =	sdelay $0x1  }
0x64: {  	s31 =	sadd.s32 $0xFFFFFFF3, s28;
	v48 =	vmul.f32 v47, v2  }
0x65: {  	v49 =	vmov s31  }
0x66: {  	v4 =	vadd.f32 v4, v48  }
0x67: {  	v3 =	vmul.f32 v3, v47  }
0x68: {  	[tilespmem:s29+$0xFFFFFF90] =	vst v4  }
0x69: {  	[tilespmem:s30+$0xFFFFFF90] =	vst v3  }
0x6a: {  	v3 =	vld.idx.msk [tilespmem:v49+s3+$0x0], $0xffff;
	_ =	sdelay $0x3  }
0x6b: {  	v50 =	vshll.u32 v49, $0x4  }
0x6c: {  	v51 =	vshll.u32 v49, $0x7;
	v4 =	vor.u32 v0, v50;
	v3 =	vand.u32 $0x7F, v3  }
0x6d: {  	v3 =	vor.u32 v51, v3;
	_ =	sdelay $0x1  }
0x6e: {  	v52 =	vld.idx.msk [tilespmem:v49+s12+$0x0], $0xffff;
	_ =	sdelay $0x1  }
0x6f: {  	v4 =	vld.idx.msk [tilespmem:v4+s15+$0x0], $0xffff  }
0x70: {  	v3 =	vld.idx.msk [tilespmem:v3+s17+$0x0], $0xffff;
	_ =	sdelay $0x1  }
0x71: {  	s31 =	sadd.s32 $0xFFFFFFF4, s28;
	v53 =	vmul.f32 v52, v2  }
0x72: {  	v54 =	vmov s31  }
0x73: {  	v4 =	vadd.f32 v4, v53  }
0x74: {  	v3 =	vmul.f32 v3, v52  }
0x75: {  	[tilespmem:s29+$0xFFFFFFA0] =	vst v4  }
0x76: {  	[tilespmem:s30+$0xFFFFFFA0] =	vst v3  }
0x77: {  	v3 =	vld.idx.msk [tilespmem:v54+s3+$0x0], $0xffff;
	_ =	sdelay $0x3  }
0x78: {  	v55 =	vshll.u32 v54, $0x4  }
0x79: {  	v56 =	vshll.u32 v54, $0x7;
	v4 =	vor.u32 v0, v55;
	v3 =	vand.u32 $0x7F, v3  }
0x7a: {  	v3 =	vor.u32 v56, v3;
	_ =	sdelay $0x1  }
0x7b: {  	v57 =	vld.idx.msk [tilespmem:v54+s12+$0x0], $0xffff;
	_ =	sdelay $0x1  }
0x7c: {  	v4 =	vld.idx.msk [tilespmem:v4+s15+$0x0], $0xffff  }
0x7d: {  	v3 =	vld.idx.msk [tilespmem:v3+s17+$0x0], $0xffff;
	_ =	sdelay $0x1  }
0x7e: {  	s31 =	sadd.s32 $0xFFFFFFF5, s28;
	v58 =	vmul.f32 v57, v2  }
0x7f: {  	v59 =	vmov s31  }
0x80: {  	v4 =	vadd.f32 v4, v58  }
0x81: {  	v3 =	vmul.f32 v3, v57  }
0x82: {  	[tilespmem:s29+$0xFFFFFFB0] =	vst v4  }
0x83: {  	[tilespmem:s30+$0xFFFFFFB0] =	vst v3  }
0x84: {  	v3 =	vld.idx.msk [tilespmem:v59+s3+$0x0], $0xffff;
	_ =	sdelay $0x3  }
0x85: {  	v60 =	vshll.u32 v59, $0x4  }
0x86: {  	v61 =	vshll.u32 v59, $0x7;
	v4 =	vor.u32 v0, v60;
	v3 =	vand.u32 $0x7F, v3  }
0x87: {  	v3 =	vor.u32 v61, v3;
	_ =	sdelay $0x1  }
0x88: {  	v62 =	vld.idx.msk [tilespmem:v59+s12+$0x0], $0xffff;
	_ =	sdelay $0x1  }
0x89: {  	v4 =	vld.idx.msk [tilespmem:v4+s15+$0x0], $0xffff  }
0x8a: {  	v3 =	vld.idx.msk [tilespmem:v3+s17+$0x0], $0xffff;
	_ =	sdelay $0x1  }
0x8b: {  	s31 =	sadd.s32 $0xFFFFFFF6, s28;
	v63 =	vmul.f32 v62, v2  }
0x8c: {  	v9 =	vmov s31  }
0x8d: {  	v4 =	vadd.f32 v4, v63  }
0x8e: {  	v3 =	vmul.f32 v3, v62  }
0x8f: {  	[tilespmem:s29+$0xFFFFFFC0] =	vst v4  }
0x90: {  	[tilespmem:s30+$0xFFFFFFC0] =	vst v3  }
0x91: {  	v3 =	vld.idx.msk [tilespmem:v9+s3+$0x0], $0xffff;
	_ =	sdelay $0x3  }
0x92: {  	v10 =	vshll.u32 v9, $0x4  }
0x93: {  	v11 =	vshll.u32 v9, $0x7;
	v4 =	vor.u32 v0, v10;
	v3 =	vand.u32 $0x7F, v3  }
0x94: {  	v3 =	vor.u32 v11, v3;
	_ =	sdelay $0x1  }
0x95: {  	v12 =	vld.idx.msk [tilespmem:v9+s12+$0x0], $0xffff;
	_ =	sdelay $0x1  }
0x96: {  	v4 =	vld.idx.msk [tilespmem:v4+s15+$0x0], $0xffff  }
0x97: {  	v3 =	vld.idx.msk [tilespmem:v3+s17+$0x0], $0xffff;
	_ =	sdelay $0x1  }
0x98: {  	s31 =	sadd.s32 $0xFFFFFFF7, s28;
	v13 =	vmul.f32 v12, v2  }
0x99: {  	v14 =	vmov s31  }
0x9a: {  	v4 =	vadd.f32 v4, v13  }
0x9b: {  	v3 =	vmul.f32 v3, v12  }
0x9c: {  	[tilespmem:s29+$0xFFFFFFD0] =	vst v4  }
0x9d: {  	[tilespmem:s30+$0xFFFFFFD0] =	vst v3  }
0x9e: {  	v3 =	vld.idx.msk [tilespmem:v14+s3+$0x0], $0xffff;
	_ =	sdelay $0x3  }
0x9f: {  	v15 =	vshll.u32 v14, $0x4  }
0xa0: {  	v16 =	vshll.u32 v14, $0x7;
	v4 =	vor.u32 v0, v15;
	v3 =	vand.u32 $0x7F, v3  }
0xa1: {  	v3 =	vor.u32 v16, v3;
	_ =	sdelay $0x1  }
0xa2: {  	v17 =	vld.idx.msk [tilespmem:v14+s12+$0x0], $0xffff;
	_ =	sdelay $0x1  }
0xa3: {  	v4 =	vld.idx.msk [tilespmem:v4+s15+$0x0], $0xffff  }
0xa4: {  	v3 =	vld.idx.msk [tilespmem:v3+s17+$0x0], $0xffff;
	_ =	sdelay $0x1  }
0xa5: {  	s31 =	sadd.s32 $0xFFFFFFF8, s28;
	v18 =	vmul.f32 v17, v2  }
0xa6: {  	v19 =	vmov s31  }
0xa7: {  	v4 =	vadd.f32 v4, v18  }
0xa8: {  	v3 =	vmul.f32 v3, v17  }
0xa9: {  	[tilespmem:s29+$0xFFFFFFE0] =	vst v4  }
0xaa: {  	[tilespmem:s30+$0xFFFFFFE0] =	vst v3  }
0xab: {  	v3 =	vld.idx.msk [tilespmem:v19+s3+$0x0], $0xffff;
	_ =	sdelay $0x3  }
0xac: {  	v20 =	vshll.u32 v19, $0x4  }
0xad: {  	v21 =	vshll.u32 v19, $0x7;
	v4 =	vor.u32 v0, v20;
	v3 =	vand.u32 $0x7F, v3  }
0xae: {  	v3 =	vor.u32 v21, v3;
	_ =	sdelay $0x1  }
0xaf: {  	v22 =	vld.idx.msk [tilespmem:v19+s12+$0x0], $0xffff;
	_ =	sdelay $0x1  }
0xb0: {  	v4 =	vld.idx.msk [tilespmem:v4+s15+$0x0], $0xffff  }
0xb1: {  	v3 =	vld.idx.msk [tilespmem:v3+s17+$0x0], $0xffff;
	_ =	sdelay $0x1  }
0xb2: {  	s31 =	sadd.s32 $0xFFFFFFF9, s28;
	v23 =	vmul.f32 v22, v2  }
0xb3: {  	v24 =	vmov s31  }
0xb4: {  	v4 =	vadd.f32 v4, v23  }
0xb5: {  	v3 =	vmul.f32 v3, v22  }
0xb6: {  	[tilespmem:s29+$0xFFFFFFF0] =	vst v4  }
0xb7: {  	[tilespmem:s30+$0xFFFFFFF0] =	vst v3  }
0xb8: {  	v3 =	vld.idx.msk [tilespmem:v24+s3+$0x0], $0xffff;
	_ =	sdelay $0x3  }
0xb9: {  	v25 =	vshll.u32 v24, $0x4  }
0xba: {  	v26 =	vshll.u32 v24, $0x7;
	v4 =	vor.u32 v0, v25;
	v3 =	vand.u32 $0x7F, v3  }
0xbb: {  	v3 =	vor.u32 v26, v3;
	_ =	sdelay $0x1  }
0xbc: {  	v27 =	vld.idx.msk [tilespmem:v24+s12+$0x0], $0xffff;
	_ =	sdelay $0x1  }
0xbd: {  	v4 =	vld.idx.msk [tilespmem:v4+s15+$0x0], $0xffff  }
0xbe: {  	v3 =	vld.idx.msk [tilespmem:v3+s17+$0x0], $0xffff;
	_ =	sdelay $0x1  }
0xbf: {  	s31 =	sadd.s32 $0xFFFFFFFA, s28;
	v28 =	vmul.f32 v27, v2  }
0xc0: {  	v29 =	vmov s31  }
0xc1: {  	v4 =	vadd.f32 v4, v28  }
0xc2: {  	v3 =	vmul.f32 v3, v27  }
0xc3: {  	[tilespmem:s29+$0x0] =	vst v4  }
0xc4: {  	[tilespmem:s30+$0x0] =	vst v3  }
0xc5: {  	v3 =	vld.idx.msk [tilespmem:v29+s3+$0x0], $0xffff;
	_ =	sdelay $0x3  }
0xc6: {  	v30 =	vshll.u32 v29, $0x4  }
0xc7: {  	v31 =	vshll.u32 v29, $0x7;
	v4 =	vor.u32 v0, v30;
	v3 =	vand.u32 $0x7F, v3  }
0xc8: {  	v3 =	vor.u32 v31, v3;
	_ =	sdelay $0x1  }
0xc9: {  	v32 =	vld.idx.msk [tilespmem:v29+s12+$0x0], $0xffff;
	_ =	sdelay $0x1  }
0xca: {  	v4 =	vld.idx.msk [tilespmem:v4+s15+$0x0], $0xffff  }
0xcb: {  	v3 =	vld.idx.msk [tilespmem:v3+s17+$0x0], $0xffff;
	_ =	sdelay $0x1  }
0xcc: {  	s31 =	sadd.s32 $0xFFFFFFFB, s28;
	v33 =	vmul.f32 v32, v2  }
0xcd: {  	v34 =	vmov s31  }
0xce: {  	v4 =	vadd.f32 v4, v33  }
0xcf: {  	v3 =	vmul.f32 v3, v32  }
0xd0: {  	[tilespmem:s29+$0x10] =	vst v4  }
0xd1: {  	[tilespmem:s30+$0x10] =	vst v3  }
0xd2: {  	v3 =	vld.idx.msk [tilespmem:v34+s3+$0x0], $0xffff;
	_ =	sdelay $0x3  }
0xd3: {  	v35 =	vshll.u32 v34, $0x4  }
0xd4: {  	v36 =	vshll.u32 v34, $0x7;
	v4 =	vor.u32 v0, v35;
	v3 =	vand.u32 $0x7F, v3  }
0xd5: {  	v3 =	vor.u32 v36, v3;
	_ =	sdelay $0x1  }
0xd6: {  	v37 =	vld.idx.msk [tilespmem:v34+s12+$0x0], $0xffff;
	_ =	sdelay $0x1  }
0xd7: {  	v4 =	vld.idx.msk [tilespmem:v4+s15+$0x0], $0xffff  }
0xd8: {  	v3 =	vld.idx.msk [tilespmem:v3+s17+$0x0], $0xffff;
	_ =	sdelay $0x1  }
0xd9: {  	s31 =	sadd.s32 $0xFFFFFFFC, s28;
	v38 =	vmul.f32 v37, v2  }
0xda: {  	v39 =	vmov s31  }
0xdb: {  	v4 =	vadd.f32 v4, v38  }
0xdc: {  	v3 =	vmul.f32 v3, v37  }
0xdd: {  	[tilespmem:s29+$0x20] =	vst v4  }
0xde: {  	[tilespmem:s30+$0x20] =	vst v3  }
0xdf: {  	v3 =	vld.idx.msk [tilespmem:v39+s3+$0x0], $0xffff;
	_ =	sdelay $0x3  }
0xe0: {  	v40 =	vshll.u32 v39, $0x4  }
0xe1: {  	v41 =	vshll.u32 v39, $0x7;
	v4 =	vor.u32 v0, v40;
	v3 =	vand.u32 $0x7F, v3  }
0xe2: {  	v3 =	vor.u32 v41, v3;
	_ =	sdelay $0x1  }
0xe3: {  	v42 =	vld.idx.msk [tilespmem:v39+s12+$0x0], $0xffff;
	_ =	sdelay $0x1  }
0xe4: {  	v4 =	vld.idx.msk [tilespmem:v4+s15+$0x0], $0xffff  }
0xe5: {  	v3 =	vld.idx.msk [tilespmem:v3+s17+$0x0], $0xffff;
	_ =	sdelay $0x1  }
0xe6: {  	s31 =	sadd.s32 $0xFFFFFFFD, s28;
	v43 =	vmul.f32 v42, v2  }
0xe7: {  	v44 =	vmov s31  }
0xe8: {  	v4 =	vadd.f32 v4, v43  }
0xe9: {  	v3 =	vmul.f32 v3, v42  }
0xea: {  	[tilespmem:s29+$0x30] =	vst v4  }
0xeb: {  	[tilespmem:s30+$0x30] =	vst v3  }
0xec: {  	v3 =	vld.idx.msk [tilespmem:v44+s3+$0x0], $0xffff;
	_ =	sdelay $0x3  }
0xed: {  	v45 =	vshll.u32 v44, $0x4  }
0xee: {  	v46 =	vshll.u32 v44, $0x7;
	v4 =	vor.u32 v0, v45;
	v3 =	vand.u32 $0x7F, v3  }
0xef: {  	v3 =	vor.u32 v46, v3;
	_ =	sdelay $0x1  }
0xf0: {  	v47 =	vld.idx.msk [tilespmem:v44+s12+$0x0], $0xffff;
	_ =	sdelay $0x1  }
0xf1: {  	v4 =	vld.idx.msk [tilespmem:v4+s15+$0x0], $0xffff  }
0xf2: {  	v3 =	vld.idx.msk [tilespmem:v3+s17+$0x0], $0xffff;
	_ =	sdelay $0x1  }
0xf3: {  	s31 =	sadd.s32 $0xFFFFFFFE, s28;
	v48 =	vmul.f32 v47, v2  }
0xf4: {  	v49 =	vmov s31  }
0xf5: {  	v4 =	vadd.f32 v4, v48  }
0xf6: {  	v3 =	vmul.f32 v3, v47  }
0xf7: {  	[tilespmem:s29+$0x40] =	vst v4  }
0xf8: {  	[tilespmem:s30+$0x40] =	vst v3  }
0xf9: {  	v3 =	vld.idx.msk [tilespmem:v49+s3+$0x0], $0xffff;
	_ =	sdelay $0x3  }
0xfa: {  	v50 =	vshll.u32 v49, $0x4  }
0xfb: {  	v51 =	vshll.u32 v49, $0x7;
	v4 =	vor.u32 v0, v50;
	v3 =	vand.u32 $0x7F, v3  }
0xfc: {  	v3 =	vor.u32 v51, v3;
	_ =	sdelay $0x1  }
0xfd: {  	v52 =	vld.idx.msk [tilespmem:v49+s12+$0x0], $0xffff;
	_ =	sdelay $0x1  }
0xfe: {  	v4 =	vld.idx.msk [tilespmem:v4+s15+$0x0], $0xffff  }
0xff: {  	v3 =	vld.idx.msk [tilespmem:v3+s17+$0x0], $0xffff;
	_ =	sdelay $0x1  }
0x100: {  	s31 =	sadd.s32 $0xFFFFFFFF, s28;
	v53 =	vmul.f32 v52, v2  }
0x101: {  	v54 =	vmov s31  }
0x102: {  	v4 =	vadd.f32 v4, v53  }
0x103: {  	v3 =	vmul.f32 v3, v52  }
0x104: {  	[tilespmem:s29+$0x50] =	vst v4  }
0x105: {  	[tilespmem:s30+$0x50] =	vst v3  }
0x106: {  	v3 =	vld.idx.msk [tilespmem:v54+s3+$0x0], $0xffff;
	_ =	sdelay $0x3  }
0x107: {  	v55 =	vshll.u32 v54, $0x4  }
0x108: {  	v56 =	vshll.u32 v54, $0x7;
	v4 =	vor.u32 v0, v55;
	v3 =	vand.u32 $0x7F, v3  }
0x109: {  	v3 =	vor.u32 v56, v3;
	_ =	sdelay $0x1  }
0x10a: {  	v57 =	vld.idx.msk [tilespmem:v54+s12+$0x0], $0xffff;
	_ =	sdelay $0x1  }
0x10b: {  	v4 =	vld.idx.msk [tilespmem:v4+s15+$0x0], $0xffff  }
0x10c: {  	v3 =	vld.idx.msk [tilespmem:v3+s17+$0x0], $0xffff;
	_ =	sdelay $0x1  }
0x10d: {  	v58 =	vmul.f32 v57, v2  }
0x10e: {  	v59 =	vmov s28  }
0x10f: {  	v4 =	vadd.f32 v4, v58  }
0x110: {  	v3 =	vmul.f32 v3, v57  }
0x111: {  	[tilespmem:s29+$0x60] =	vst v4  }
0x112: {  	[tilespmem:s30+$0x60] =	vst v3  }
0x113: {  	v3 =	vld.idx.msk [tilespmem:v59+s3+$0x0], $0xffff;
	_ =	sdelay $0x3  }
0x114: {  	v60 =	vshll.u32 v59, $0x4  }
0x115: {  	v61 =	vshll.u32 v59, $0x7;
	v4 =	vor.u32 v0, v60;
	v3 =	vand.u32 $0x7F, v3  }
0x116: {  	v3 =	vor.u32 v61, v3;
	_ =	sdelay $0x1  }
0x117: {  	v62 =	vld.idx.msk [tilespmem:v59+s12+$0x0], $0xffff;
	_ =	sdelay $0x1  }
0x118: {  	v4 =	vld.idx.msk [tilespmem:v4+s15+$0x0], $0xffff  }
0x119: {  	v3 =	vld.idx.msk [tilespmem:v3+s17+$0x0], $0xffff;
	_ =	sdelay $0x1  }
0x11a: {  	p0 =	sne.s32 s28, $0x7F;
	v63 =	vmul.f32 v62, v2  }
.Ltmp0:
0x11b: {  	_ = 	snop;
	(pc) =	sbr.rel @p0 .LBB2_2-.Ltmp0, $4  }
0x11c: {  	v4 =	vadd.f32 v4, v63  }
0x11d: {  	v3 =	vmul.f32 v3, v62  }
0x11e: {  	[tilespmem:s29+$0x70] =	vst v4  }
0x11f: {  	s28 =	sadd.s32 $0x10, s28;
	s29 =	sadd.s32 $0x100, s29;
	[tilespmem:s30+$0x70] =	vst v3;
	s30 =	sadd.s32 $0x100, s30  }
0x120: {  	[tilespmem:s15], [sflag:$0x1] =	stream.indirect.gather [hbm4b:s5+s14], $0x10, s14, s14, $0xb8;
	[tilespmem:$0x8E10] =	vst v63  }
0x121: {  	_ = 	snop  }
0x122: {  	[tilespmem:s17], [sflag:$0x1] =	stream.indirect.gather [hbm4b:s4+s14], $0x80, s19, s14, $0xb8;
	[tilespmem:$0x8E10] =	vst v63  }
0x123: {  	_ =	swait.ge [sflag:s18], $0x800  }
0x124: {  	[sflag:s18] =	ssyncset.done $0x0  }
0x125: {  	[sflag:s18] =	ssyncadd.s32 $0xFFFFF800  }
0x126: {  	_ =	swait.ge [sflag:s18], $0x4000  }
0x127: {  	s28 =	simm.s32 $0x8F;
	[sflag:s18] =	ssyncset.done $0x0  }
0x128: {  	s29 =	simm.s32 $0x7700;
	s30 =	simm.s32 $0x5700;
	[sflag:s18] =	ssyncadd.s32 $0xFFFFC000  }
.LBB2_4:
0x129: {  	s31 =	sadd.s32 $0xFFFFFFF1, s28  }
0x12a: {  	v3 =	vmov s31  }
0x12b: {  	v3 =	vshrl.u32 v3, $0x3  }
0x12c: {  	v3 =	vshll.u32 v3, v1  }
0x12d: {  	v3 =	vbroadcast v3, $0x0;
	_ =	sdelay $0x5  }
0x12e: {  	v4 =	vld.idx.msk [tilespmem:v3+s3+$0x0], $0xffff;
	_ =	sdelay $0x1  }
0x12f: {  	s31 =	sadd.s32 $0xFFFFFF71, s28  }
0x130: {  	v5 =	vmov s31  }
0x131: {  	v6 =	vshll.u32 v5, $0x4  }
0x132: {  	v5 =	vshll.u32 v5, $0x7;
	v6 =	vor.u32 v0, v6;
	v4 =	vand.u32 $0x7F, v4  }
0x133: {  	v4 =	vor.u32 v5, v4;
	_ =	sdelay $0x1  }
0x134: {  	s31 =	sadd.s32 $0xFFFFFFF2, s28;
	v3 =	vld.idx.msk [tilespmem:v3+s12+$0x0], $0xffff  }
0x135: {  	v44 =	vmov s31  }
0x136: {  	v6 =	vld.idx.msk [tilespmem:v6+s15+$0x0], $0xffff;
	v5 =	vshrl.u32 v44, $0x3  }
0x137: {  	v5 =	vshll.u32 v5, v1;
	v4 =	vld.idx.msk [tilespmem:v4+s17+$0x0], $0xffff  }
0x138: {  	v5 =	vadd.s32 $0x1, v5  }
0x139: {  	v7 =	vmul.f32 v3, v2;
	v5 =	vbroadcast v5, $0x0;
	_ =	sdelay $0x1  }
0x13a: {  	v6 =	vadd.f32 v6, v7  }
0x13b: {  	v3 =	vmul.f32 v4, v3  }
0x13c: {  	[tilespmem:s30+$0xFFFFFF10] =	vst v6  }
0x13d: {  	[tilespmem:s29+$0xFFFFFF10] =	vst v3  }
0x13e: {  	v3 =	vld.idx.msk [tilespmem:v5+s3+$0x0], $0xffff;
	_ =	sdelay $0x1  }
0x13f: {  	s31 =	sadd.s32 $0xFFFFFF72, s28  }
0x140: {  	v45 =	vmov s31  }
0x141: {  	v46 =	vshll.u32 v45, $0x4  }
0x142: {  	v6 =	vor.u32 v0, v46;
	v4 =	vshll.u32 v45, $0x7;
	v3 =	vand.u32 $0x7F, v3  }
0x143: {  	v3 =	vor.u32 v4, v3;
	_ =	sdelay $0x1  }
0x144: {  	s31 =	sadd.s32 $0xFFFFFFF3, s28;
	v47 =	vld.idx.msk [tilespmem:v5+s12+$0x0], $0xffff  }
0x145: {  	v48 =	vmov s31  }
0x146: {  	v6 =	vld.idx.msk [tilespmem:v6+s15+$0x0], $0xffff;
	v5 =	vshrl.u32 v48, $0x3  }
0x147: {  	v5 =	vshll.u32 v5, v1;
	v3 =	vld.idx.msk [tilespmem:v3+s17+$0x0], $0xffff  }
0x148: {  	v5 =	vadd.s32 $0x2, v5  }
0x149: {  	v5 =	vbroadcast v5, $0x0;
	v49 =	vmul.f32 v47, v2;
	_ =	sdelay $0x1  }
0x14a: {  	v6 =	vadd.f32 v6, v49  }
0x14b: {  	v3 =	vmul.f32 v3, v47  }
0x14c: {  	[tilespmem:s30+$0xFFFFFF20] =	vst v6  }
0x14d: {  	[tilespmem:s29+$0xFFFFFF20] =	vst v3  }
0x14e: {  	v3 =	vld.idx.msk [tilespmem:v5+s3+$0x0], $0xffff;
	_ =	sdelay $0x1  }
0x14f: {  	s31 =	sadd.s32 $0xFFFFFF73, s28  }
0x150: {  	v50 =	vmov s31  }
0x151: {  	v51 =	vshll.u32 v50, $0x4  }
0x152: {  	v4 =	vshll.u32 v50, $0x7;
	v6 =	vor.u32 v0, v51;
	v3 =	vand.u32 $0x7F, v3  }
0x153: {  	v3 =	vor.u32 v4, v3;
	_ =	sdelay $0x1  }
0x154: {  	s31 =	sadd.s32 $0xFFFFFFF4, s28;
	v52 =	vld.idx.msk [tilespmem:v5+s12+$0x0], $0xffff  }
0x155: {  	v53 =	vmov s31  }
0x156: {  	v6 =	vld.idx.msk [tilespmem:v6+s15+$0x0], $0xffff;
	v5 =	vshrl.u32 v53, $0x3  }
0x157: {  	v5 =	vshll.u32 v5, v1;
	v3 =	vld.idx.msk [tilespmem:v3+s17+$0x0], $0xffff  }
0x158: {  	v5 =	vadd.s32 $0x3, v5  }
0x159: {  	v5 =	vbroadcast v5, $0x0;
	v54 =	vmul.f32 v52, v2;
	_ =	sdelay $0x1  }
0x15a: {  	v6 =	vadd.f32 v6, v54  }
0x15b: {  	v3 =	vmul.f32 v3, v52  }
0x15c: {  	[tilespmem:s30+$0xFFFFFF30] =	vst v6  }
0x15d: {  	[tilespmem:s29+$0xFFFFFF30] =	vst v3  }
0x15e: {  	v3 =	vld.idx.msk [tilespmem:v5+s3+$0x0], $0xffff;
	_ =	sdelay $0x1  }
0x15f: {  	s31 =	sadd.s32 $0xFFFFFF74, s28  }
0x160: {  	v55 =	vmov s31  }
0x161: {  	v56 =	vshll.u32 v55, $0x4  }
0x162: {  	v4 =	vshll.u32 v55, $0x7;
	v6 =	vor.u32 v0, v56;
	v3 =	vand.u32 $0x7F, v3  }
0x163: {  	v3 =	vor.u32 v4, v3;
	_ =	sdelay $0x1  }
0x164: {  	s31 =	sadd.s32 $0xFFFFFFF5, s28;
	v57 =	vld.idx.msk [tilespmem:v5+s12+$0x0], $0xffff  }
0x165: {  	v58 =	vmov s31  }
0x166: {  	v6 =	vld.idx.msk [tilespmem:v6+s15+$0x0], $0xffff;
	v5 =	vshrl.u32 v58, $0x3  }
0x167: {  	v5 =	vshll.u32 v5, v1;
	v3 =	vld.idx.msk [tilespmem:v3+s17+$0x0], $0xffff  }
0x168: {  	v5 =	vadd.s32 $0x4, v5  }
0x169: {  	v5 =	vbroadcast v5, $0x0;
	v59 =	vmul.f32 v57, v2;
	_ =	sdelay $0x1  }
0x16a: {  	v6 =	vadd.f32 v6, v59  }
0x16b: {  	v3 =	vmul.f32 v3, v57  }
0x16c: {  	[tilespmem:s30+$0xFFFFFF40] =	vst v6  }
0x16d: {  	[tilespmem:s29+$0xFFFFFF40] =	vst v3  }
0x16e: {  	v3 =	vld.idx.msk [tilespmem:v5+s3+$0x0], $0xffff;
	_ =	sdelay $0x1  }
0x16f: {  	s31 =	sadd.s32 $0xFFFFFF75, s28  }
0x170: {  	v60 =	vmov s31  }
0x171: {  	v61 =	vshll.u32 v60, $0x4  }
0x172: {  	v4 =	vshll.u32 v60, $0x7;
	v6 =	vor.u32 v0, v61;
	v3 =	vand.u32 $0x7F, v3  }
0x173: {  	v3 =	vor.u32 v4, v3;
	_ =	sdelay $0x1  }
0x174: {  	s31 =	sadd.s32 $0xFFFFFFF6, s28;
	v62 =	vld.idx.msk [tilespmem:v5+s12+$0x0], $0xffff  }
0x175: {  	v63 =	vmov s31  }
0x176: {  	v6 =	vld.idx.msk [tilespmem:v6+s15+$0x0], $0xffff;
	v5 =	vshrl.u32 v63, $0x3  }
0x177: {  	v5 =	vshll.u32 v5, v1;
	v3 =	vld.idx.msk [tilespmem:v3+s17+$0x0], $0xffff  }
0x178: {  	v5 =	vadd.s32 $0x5, v5  }
0x179: {  	v5 =	vbroadcast v5, $0x0;
	v9 =	vmul.f32 v62, v2;
	_ =	sdelay $0x1  }
0x17a: {  	v6 =	vadd.f32 v6, v9  }
0x17b: {  	v3 =	vmul.f32 v3, v62  }
0x17c: {  	[tilespmem:s30+$0xFFFFFF50] =	vst v6  }
0x17d: {  	[tilespmem:s29+$0xFFFFFF50] =	vst v3  }
0x17e: {  	v3 =	vld.idx.msk [tilespmem:v5+s3+$0x0], $0xffff;
	_ =	sdelay $0x1  }
0x17f: {  	s31 =	sadd.s32 $0xFFFFFF76, s28  }
0x180: {  	v10 =	vmov s31  }
0x181: {  	v11 =	vshll.u32 v10, $0x4  }
0x182: {  	v4 =	vshll.u32 v10, $0x7;
	v6 =	vor.u32 v0, v11;
	v3 =	vand.u32 $0x7F, v3  }
0x183: {  	v3 =	vor.u32 v4, v3;
	_ =	sdelay $0x1  }
0x184: {  	s31 =	sadd.s32 $0xFFFFFFF7, s28;
	v12 =	vld.idx.msk [tilespmem:v5+s12+$0x0], $0xffff  }
0x185: {  	v13 =	vmov s31  }
0x186: {  	v6 =	vld.idx.msk [tilespmem:v6+s15+$0x0], $0xffff;
	v5 =	vshrl.u32 v13, $0x3  }
0x187: {  	v5 =	vshll.u32 v5, v1;
	v3 =	vld.idx.msk [tilespmem:v3+s17+$0x0], $0xffff  }
0x188: {  	v5 =	vadd.s32 $0x6, v5  }
0x189: {  	v5 =	vbroadcast v5, $0x0;
	v14 =	vmul.f32 v12, v2;
	_ =	sdelay $0x1  }
0x18a: {  	v6 =	vadd.f32 v6, v14  }
0x18b: {  	v3 =	vmul.f32 v3, v12  }
0x18c: {  	[tilespmem:s30+$0xFFFFFF60] =	vst v6  }
0x18d: {  	[tilespmem:s29+$0xFFFFFF60] =	vst v3  }
0x18e: {  	v3 =	vld.idx.msk [tilespmem:v5+s3+$0x0], $0xffff;
	_ =	sdelay $0x1  }
0x18f: {  	s31 =	sadd.s32 $0xFFFFFF77, s28  }
0x190: {  	v15 =	vmov s31  }
0x191: {  	v16 =	vshll.u32 v15, $0x4  }
0x192: {  	v4 =	vshll.u32 v15, $0x7;
	v6 =	vor.u32 v0, v16;
	v3 =	vand.u32 $0x7F, v3  }
0x193: {  	v3 =	vor.u32 v4, v3;
	_ =	sdelay $0x1  }
0x194: {  	s31 =	sadd.s32 $0xFFFFFFF8, s28;
	v17 =	vld.idx.msk [tilespmem:v5+s12+$0x0], $0xffff  }
0x195: {  	v18 =	vmov s31  }
0x196: {  	v6 =	vld.idx.msk [tilespmem:v6+s15+$0x0], $0xffff;
	v5 =	vshrl.u32 v18, $0x3  }
0x197: {  	v5 =	vshll.u32 v5, v1;
	v3 =	vld.idx.msk [tilespmem:v3+s17+$0x0], $0xffff  }
0x198: {  	v5 =	vadd.s32 $0x7, v5  }
0x199: {  	v5 =	vbroadcast v5, $0x0;
	v19 =	vmul.f32 v17, v2;
	_ =	sdelay $0x1  }
0x19a: {  	v6 =	vadd.f32 v6, v19  }
0x19b: {  	v3 =	vmul.f32 v3, v17  }
0x19c: {  	[tilespmem:s30+$0xFFFFFF70] =	vst v6  }
0x19d: {  	[tilespmem:s29+$0xFFFFFF70] =	vst v3  }
0x19e: {  	v3 =	vld.idx.msk [tilespmem:v5+s3+$0x0], $0xffff;
	_ =	sdelay $0x1  }
0x19f: {  	s31 =	sadd.s32 $0xFFFFFF78, s28  }
0x1a0: {  	v20 =	vmov s31  }
0x1a1: {  	v21 =	vshll.u32 v20, $0x4  }
0x1a2: {  	v4 =	vshll.u32 v20, $0x7;
	v6 =	vor.u32 v0, v21;
	v3 =	vand.u32 $0x7F, v3  }
0x1a3: {  	v3 =	vor.u32 v4, v3;
	_ =	sdelay $0x1  }
0x1a4: {  	v22 =	vld.idx.msk [tilespmem:v5+s12+$0x0], $0xffff  }
0x1a5: {  	s31 =	sadd.s32 $0xFFFFFFF9, s28  }
0x1a6: {  	v24 =	vmov s31;
	v23 =	vld.idx.msk [tilespmem:v6+s15+$0x0], $0xffff  }
0x1a7: {  	v6 =	vshrl.u32 v24, $0x3;
	v3 =	vld.idx.msk [tilespmem:v3+s17+$0x0], $0xffff  }
0x1a8: {  	v6 =	vshll.u32 v6, v1  }
0x1a9: {  	v6 =	vbroadcast v6, $0x0;
	v25 =	vmul.f32 v22, v2;
	_ =	sdelay $0x1  }
0x1aa: {  	v5 =	vadd.f32 v23, v25  }
0x1ab: {  	v3 =	vmul.f32 v3, v22  }
0x1ac: {  	[tilespmem:s30+$0xFFFFFF80] =	vst v5  }
0x1ad: {  	[tilespmem:s29+$0xFFFFFF80] =	vst v3  }
0x1ae: {  	v3 =	vld.idx.msk [tilespmem:v6+s3+$0x0], $0xffff;
	_ =	sdelay $0x1  }
0x1af: {  	s31 =	sadd.s32 $0xFFFFFF79, s28  }
0x1b0: {  	v26 =	vmov s31  }
0x1b1: {  	v27 =	vshll.u32 v26, $0x4  }
0x1b2: {  	v4 =	vshll.u32 v26, $0x7;
	v5 =	vor.u32 v0, v27;
	v3 =	vand.u32 $0x7F, v3  }
0x1b3: {  	v3 =	vor.u32 v4, v3;
	_ =	sdelay $0x1  }
0x1b4: {  	s31 =	sadd.s32 $0xFFFFFFFA, s28;
	v28 =	vld.idx.msk [tilespmem:v6+s12+$0x0], $0xffff  }
0x1b5: {  	v29 =	vmov s31  }
0x1b6: {  	v5 =	vld.idx.msk [tilespmem:v5+s15+$0x0], $0xffff;
	v6 =	vshrl.u32 v29, $0x3  }
0x1b7: {  	v6 =	vshll.u32 v6, v1;
	v3 =	vld.idx.msk [tilespmem:v3+s17+$0x0], $0xffff  }
0x1b8: {  	v6 =	vadd.s32 $0x1, v6  }
0x1b9: {  	v6 =	vbroadcast v6, $0x0;
	v30 =	vmul.f32 v28, v2;
	_ =	sdelay $0x1  }
0x1ba: {  	v5 =	vadd.f32 v5, v30  }
0x1bb: {  	v3 =	vmul.f32 v3, v28  }
0x1bc: {  	[tilespmem:s30+$0xFFFFFF90] =	vst v5  }
0x1bd: {  	[tilespmem:s29+$0xFFFFFF90] =	vst v3  }
0x1be: {  	v3 =	vld.idx.msk [tilespmem:v6+s3+$0x0], $0xffff;
	_ =	sdelay $0x1  }
0x1bf: {  	s31 =	sadd.s32 $0xFFFFFF7A, s28  }
0x1c0: {  	v31 =	vmov s31  }
0x1c1: {  	v32 =	vshll.u32 v31, $0x4  }
0x1c2: {  	v4 =	vshll.u32 v31, $0x7;
	v5 =	vor.u32 v0, v32;
	v3 =	vand.u32 $0x7F, v3  }
0x1c3: {  	v3 =	vor.u32 v4, v3;
	_ =	sdelay $0x1  }
0x1c4: {  	s31 =	sadd.s32 $0xFFFFFFFB, s28;
	v33 =	vld.idx.msk [tilespmem:v6+s12+$0x0], $0xffff  }
0x1c5: {  	v34 =	vmov s31  }
0x1c6: {  	v5 =	vld.idx.msk [tilespmem:v5+s15+$0x0], $0xffff;
	v6 =	vshrl.u32 v34, $0x3  }
0x1c7: {  	v6 =	vshll.u32 v6, v1;
	v3 =	vld.idx.msk [tilespmem:v3+s17+$0x0], $0xffff  }
0x1c8: {  	v6 =	vadd.s32 $0x2, v6  }
0x1c9: {  	v6 =	vbroadcast v6, $0x0;
	v35 =	vmul.f32 v33, v2;
	_ =	sdelay $0x1  }
0x1ca: {  	v5 =	vadd.f32 v5, v35  }
0x1cb: {  	v3 =	vmul.f32 v3, v33  }
0x1cc: {  	[tilespmem:s30+$0xFFFFFFA0] =	vst v5  }
0x1cd: {  	[tilespmem:s29+$0xFFFFFFA0] =	vst v3  }
0x1ce: {  	v3 =	vld.idx.msk [tilespmem:v6+s3+$0x0], $0xffff;
	_ =	sdelay $0x1  }
0x1cf: {  	s31 =	sadd.s32 $0xFFFFFF7B, s28  }
0x1d0: {  	v36 =	vmov s31  }
0x1d1: {  	v37 =	vshll.u32 v36, $0x4  }
0x1d2: {  	v4 =	vshll.u32 v36, $0x7;
	v5 =	vor.u32 v0, v37;
	v3 =	vand.u32 $0x7F, v3  }
0x1d3: {  	v3 =	vor.u32 v4, v3;
	_ =	sdelay $0x1  }
0x1d4: {  	s31 =	sadd.s32 $0xFFFFFFFC, s28;
	v38 =	vld.idx.msk [tilespmem:v6+s12+$0x0], $0xffff  }
0x1d5: {  	v39 =	vmov s31  }
0x1d6: {  	v5 =	vld.idx.msk [tilespmem:v5+s15+$0x0], $0xffff;
	v6 =	vshrl.u32 v39, $0x3  }
0x1d7: {  	v6 =	vshll.u32 v6, v1;
	v3 =	vld.idx.msk [tilespmem:v3+s17+$0x0], $0xffff  }
0x1d8: {  	v6 =	vadd.s32 $0x3, v6  }
0x1d9: {  	v6 =	vbroadcast v6, $0x0;
	v40 =	vmul.f32 v38, v2;
	_ =	sdelay $0x1  }
0x1da: {  	v5 =	vadd.f32 v5, v40  }
0x1db: {  	v3 =	vmul.f32 v3, v38  }
0x1dc: {  	[tilespmem:s30+$0xFFFFFFB0] =	vst v5  }
0x1dd: {  	[tilespmem:s29+$0xFFFFFFB0] =	vst v3  }
0x1de: {  	v3 =	vld.idx.msk [tilespmem:v6+s3+$0x0], $0xffff;
	_ =	sdelay $0x1  }
0x1df: {  	s31 =	sadd.s32 $0xFFFFFF7C, s28  }
0x1e0: {  	v41 =	vmov s31  }
0x1e1: {  	v42 =	vshll.u32 v41, $0x4  }
0x1e2: {  	v4 =	vshll.u32 v41, $0x7;
	v5 =	vor.u32 v0, v42;
	v3 =	vand.u32 $0x7F, v3  }
0x1e3: {  	v3 =	vor.u32 v4, v3;
	_ =	sdelay $0x1  }
0x1e4: {  	s31 =	sadd.s32 $0xFFFFFFFD, s28;
	v43 =	vld.idx.msk [tilespmem:v6+s12+$0x0], $0xffff  }
0x1e5: {  	v44 =	vmov s31  }
0x1e6: {  	v5 =	vld.idx.msk [tilespmem:v5+s15+$0x0], $0xffff;
	v6 =	vshrl.u32 v44, $0x3  }
0x1e7: {  	v6 =	vshll.u32 v6, v1;
	v3 =	vld.idx.msk [tilespmem:v3+s17+$0x0], $0xffff  }
0x1e8: {  	v6 =	vadd.s32 $0x4, v6  }
0x1e9: {  	v6 =	vbroadcast v6, $0x0;
	v45 =	vmul.f32 v43, v2;
	_ =	sdelay $0x1  }
0x1ea: {  	v5 =	vadd.f32 v5, v45  }
0x1eb: {  	v3 =	vmul.f32 v3, v43  }
0x1ec: {  	[tilespmem:s30+$0xFFFFFFC0] =	vst v5  }
0x1ed: {  	[tilespmem:s29+$0xFFFFFFC0] =	vst v3  }
0x1ee: {  	v3 =	vld.idx.msk [tilespmem:v6+s3+$0x0], $0xffff;
	_ =	sdelay $0x1  }
0x1ef: {  	s31 =	sadd.s32 $0xFFFFFF7D, s28  }
0x1f0: {  	v46 =	vmov s31  }
0x1f1: {  	v47 =	vshll.u32 v46, $0x4  }
0x1f2: {  	v4 =	vshll.u32 v46, $0x7;
	v5 =	vor.u32 v0, v47;
	v3 =	vand.u32 $0x7F, v3  }
0x1f3: {  	v3 =	vor.u32 v4, v3;
	_ =	sdelay $0x1  }
0x1f4: {  	s31 =	sadd.s32 $0xFFFFFFFE, s28;
	v48 =	vld.idx.msk [tilespmem:v6+s12+$0x0], $0xffff  }
0x1f5: {  	v49 =	vmov s31  }
0x1f6: {  	v5 =	vld.idx.msk [tilespmem:v5+s15+$0x0], $0xffff;
	v6 =	vshrl.u32 v49, $0x3  }
0x1f7: {  	v6 =	vshll.u32 v6, v1;
	v3 =	vld.idx.msk [tilespmem:v3+s17+$0x0], $0xffff  }
0x1f8: {  	v6 =	vadd.s32 $0x5, v6  }
0x1f9: {  	v6 =	vbroadcast v6, $0x0;
	v50 =	vmul.f32 v48, v2;
	_ =	sdelay $0x1  }
0x1fa: {  	v5 =	vadd.f32 v5, v50  }
0x1fb: {  	v3 =	vmul.f32 v3, v48  }
0x1fc: {  	[tilespmem:s30+$0xFFFFFFD0] =	vst v5  }
0x1fd: {  	[tilespmem:s29+$0xFFFFFFD0] =	vst v3  }
0x1fe: {  	v3 =	vld.idx.msk [tilespmem:v6+s3+$0x0], $0xffff;
	_ =	sdelay $0x1  }
0x1ff: {  	s31 =	sadd.s32 $0xFFFFFF7E, s28  }
0x200: {  	v51 =	vmov s31  }
0x201: {  	v52 =	vshll.u32 v51, $0x4  }
0x202: {  	v4 =	vshll.u32 v51, $0x7;
	v5 =	vor.u32 v0, v52;
	v3 =	vand.u32 $0x7F, v3  }
0x203: {  	v3 =	vor.u32 v4, v3;
	_ =	sdelay $0x1  }
0x204: {  	s31 =	sadd.s32 $0xFFFFFFFF, s28;
	v53 =	vld.idx.msk [tilespmem:v6+s12+$0x0], $0xffff  }
0x205: {  	v54 =	vmov s31  }
0x206: {  	v5 =	vld.idx.msk [tilespmem:v5+s15+$0x0], $0xffff;
	v6 =	vshrl.u32 v54, $0x3  }
0x207: {  	v6 =	vshll.u32 v6, v1;
	v3 =	vld.idx.msk [tilespmem:v3+s17+$0x0], $0xffff  }
0x208: {  	v6 =	vadd.s32 $0x6, v6  }
0x209: {  	v6 =	vbroadcast v6, $0x0;
	v55 =	vmul.f32 v53, v2;
	_ =	sdelay $0x1  }
0x20a: {  	v5 =	vadd.f32 v5, v55  }
0x20b: {  	v3 =	vmul.f32 v3, v53  }
0x20c: {  	[tilespmem:s30+$0xFFFFFFE0] =	vst v5  }
0x20d: {  	[tilespmem:s29+$0xFFFFFFE0] =	vst v3  }
0x20e: {  	v3 =	vld.idx.msk [tilespmem:v6+s3+$0x0], $0xffff;
	_ =	sdelay $0x1  }
0x20f: {  	s31 =	sadd.s32 $0xFFFFFF7F, s28  }
0x210: {  	v56 =	vmov s31  }
0x211: {  	v57 =	vshll.u32 v56, $0x4  }
0x212: {  	v4 =	vshll.u32 v56, $0x7;
	v5 =	vor.u32 v0, v57;
	v3 =	vand.u32 $0x7F, v3  }
0x213: {  	v3 =	vor.u32 v4, v3;
	_ =	sdelay $0x1  }
0x214: {  	v58 =	vld.idx.msk [tilespmem:v6+s12+$0x0], $0xffff  }
0x215: {  	v59 =	vmov s28  }
0x216: {  	v5 =	vld.idx.msk [tilespmem:v5+s15+$0x0], $0xffff;
	v6 =	vshrl.u32 v59, $0x3  }
0x217: {  	v6 =	vshll.u32 v6, v1;
	v3 =	vld.idx.msk [tilespmem:v3+s17+$0x0], $0xffff  }
0x218: {  	v6 =	vadd.s32 $0x7, v6  }
0x219: {  	v6 =	vbroadcast v6, $0x0;
	v60 =	vmul.f32 v58, v2;
	_ =	sdelay $0x1  }
0x21a: {  	v5 =	vadd.f32 v5, v60  }
0x21b: {  	v3 =	vmul.f32 v3, v58  }
0x21c: {  	[tilespmem:s30+$0xFFFFFFF0] =	vst v5  }
0x21d: {  	[tilespmem:s29+$0xFFFFFFF0] =	vst v3  }
0x21e: {  	v3 =	vld.idx.msk [tilespmem:v6+s3+$0x0], $0xffff;
	_ =	sdelay $0x1  }
0x21f: {  	s31 =	sadd.s32 $0xFFFFFF80, s28  }
0x220: {  	v61 =	vmov s31  }
0x221: {  	v62 =	vshll.u32 v61, $0x4  }
0x222: {  	v4 =	vshll.u32 v61, $0x7;
	v5 =	vor.u32 v0, v62;
	v3 =	vand.u32 $0x7F, v3  }
0x223: {  	v3 =	vor.u32 v4, v3;
	_ =	sdelay $0x1  }
0x224: {  	v63 =	vld.idx.msk [tilespmem:v6+s12+$0x0], $0xffff;
	_ =	sdelay $0x1  }
0x225: {  	v5 =	vld.idx.msk [tilespmem:v5+s15+$0x0], $0xffff  }
0x226: {  	v3 =	vld.idx.msk [tilespmem:v3+s17+$0x0], $0xffff;
	_ =	sdelay $0x1  }
0x227: {  	p0 =	sne.s32 s28, $0xFF;
	v6 =	vmul.f32 v63, v2  }
.Ltmp1:
0x228: {  	_ = 	snop;
	(pc) =	sbr.rel @p0 .LBB2_4-.Ltmp1, $4  }
0x229: {  	v5 =	vadd.f32 v5, v6  }
0x22a: {  	v3 =	vmul.f32 v3, v63  }
0x22b: {  	[tilespmem:s30+$0x0] =	vst v5  }
0x22c: {  	s28 =	sadd.s32 $0x10, s28;
	s30 =	sadd.s32 $0x100, s30;
	[tilespmem:s29+$0x0] =	vst v3;
	s29 =	sadd.s32 $0x100, s29  }
0x22d: {  	[tilespmem:s15], [sflag:$0x1] =	stream.indirect.gather [hbm4b:s5+s14], $0x10, s20, s14, $0xb8;
	[tilespmem:$0x8E10] =	vst v63  }
0x22e: {  	_ = 	snop  }
0x22f: {  	[tilespmem:s17], [sflag:$0x1] =	stream.indirect.gather [hbm4b:s4+s14], $0x80, s21, s14, $0xb8;
	[tilespmem:$0x8E10] =	vst v63  }
0x230: {  	_ =	swait.ge [sflag:s18], $0x800  }
0x231: {  	[sflag:s18] =	ssyncset.done $0x0  }
0x232: {  	[sflag:s18] =	ssyncadd.s32 $0xFFFFF800  }
0x233: {  	_ =	swait.ge [sflag:s18], $0x4000  }
0x234: {  	s28 =	simm.s32 $0x10F;
	[sflag:s18] =	ssyncset.done $0x0  }
0x235: {  	s29 =	simm.s32 $0x7F00;
	s30 =	simm.s32 $0x5F00;
	[sflag:s18] =	ssyncadd.s32 $0xFFFFC000  }
.LBB2_6:
0x236: {  	s31 =	sadd.s32 $0xFFFFFFF1, s28  }
0x237: {  	v3 =	vmov s31  }
0x238: {  	v3 =	vshrl.u32 v3, $0x3  }
0x239: {  	v3 =	vshll.u32 v3, v1  }
0x23a: {  	v3 =	vbroadcast v3, $0x0;
	_ =	sdelay $0x5  }
0x23b: {  	v4 =	vld.idx.msk [tilespmem:v3+s3+$0x0], $0xffff;
	_ =	sdelay $0x1  }
0x23c: {  	s31 =	sadd.s32 $0xFFFFFEF1, s28  }
0x23d: {  	v5 =	vmov s31  }
0x23e: {  	v6 =	vshll.u32 v5, $0x4  }
0x23f: {  	v5 =	vshll.u32 v5, $0x7;
	v6 =	vor.u32 v0, v6;
	v4 =	vand.u32 $0x7F, v4  }
0x240: {  	v4 =	vor.u32 v5, v4;
	_ =	sdelay $0x1  }
0x241: {  	s31 =	sadd.s32 $0xFFFFFFF2, s28;
	v3 =	vld.idx.msk [tilespmem:v3+s12+$0x0], $0xffff  }
0x242: {  	v44 =	vmov s31  }
0x243: {  	v6 =	vld.idx.msk [tilespmem:v6+s15+$0x0], $0xffff;
	v5 =	vshrl.u32 v44, $0x3  }
0x244: {  	v5 =	vshll.u32 v5, v1;
	v4 =	vld.idx.msk [tilespmem:v4+s17+$0x0], $0xffff  }
0x245: {  	v5 =	vadd.s32 $0x1, v5  }
0x246: {  	v7 =	vmul.f32 v3, v2;
	v5 =	vbroadcast v5, $0x0;
	_ =	sdelay $0x1  }
0x247: {  	v6 =	vadd.f32 v6, v7  }
0x248: {  	v3 =	vmul.f32 v4, v3  }
0x249: {  	[tilespmem:s30+$0xFFFFFF10] =	vst v6  }
0x24a: {  	[tilespmem:s29+$0xFFFFFF10] =	vst v3  }
0x24b: {  	v3 =	vld.idx.msk [tilespmem:v5+s3+$0x0], $0xffff;
	_ =	sdelay $0x1  }
0x24c: {  	s31 =	sadd.s32 $0xFFFFFEF2, s28  }
0x24d: {  	v45 =	vmov s31  }
0x24e: {  	v46 =	vshll.u32 v45, $0x4  }
0x24f: {  	v6 =	vor.u32 v0, v46;
	v4 =	vshll.u32 v45, $0x7;
	v3 =	vand.u32 $0x7F, v3  }
0x250: {  	v3 =	vor.u32 v4, v3;
	_ =	sdelay $0x1  }
0x251: {  	s31 =	sadd.s32 $0xFFFFFFF3, s28;
	v47 =	vld.idx.msk [tilespmem:v5+s12+$0x0], $0xffff  }
0x252: {  	v48 =	vmov s31  }
0x253: {  	v6 =	vld.idx.msk [tilespmem:v6+s15+$0x0], $0xffff;
	v5 =	vshrl.u32 v48, $0x3  }
0x254: {  	v5 =	vshll.u32 v5, v1;
	v3 =	vld.idx.msk [tilespmem:v3+s17+$0x0], $0xffff  }
0x255: {  	v5 =	vadd.s32 $0x2, v5  }
0x256: {  	v5 =	vbroadcast v5, $0x0;
	v49 =	vmul.f32 v47, v2;
	_ =	sdelay $0x1  }
0x257: {  	v6 =	vadd.f32 v6, v49  }
0x258: {  	v3 =	vmul.f32 v3, v47  }
0x259: {  	[tilespmem:s30+$0xFFFFFF20] =	vst v6  }
0x25a: {  	[tilespmem:s29+$0xFFFFFF20] =	vst v3  }
0x25b: {  	v3 =	vld.idx.msk [tilespmem:v5+s3+$0x0], $0xffff;
	_ =	sdelay $0x1  }
0x25c: {  	s31 =	sadd.s32 $0xFFFFFEF3, s28  }
0x25d: {  	v50 =	vmov s31  }
0x25e: {  	v51 =	vshll.u32 v50, $0x4  }
0x25f: {  	v4 =	vshll.u32 v50, $0x7;
	v6 =	vor.u32 v0, v51;
	v3 =	vand.u32 $0x7F, v3  }
0x260: {  	v3 =	vor.u32 v4, v3;
	_ =	sdelay $0x1  }
0x261: {  	s31 =	sadd.s32 $0xFFFFFFF4, s28;
	v52 =	vld.idx.msk [tilespmem:v5+s12+$0x0], $0xffff  }
0x262: {  	v53 =	vmov s31  }
0x263: {  	v6 =	vld.idx.msk [tilespmem:v6+s15+$0x0], $0xffff;
	v5 =	vshrl.u32 v53, $0x3  }
0x264: {  	v5 =	vshll.u32 v5, v1;
	v3 =	vld.idx.msk [tilespmem:v3+s17+$0x0], $0xffff  }
0x265: {  	v5 =	vadd.s32 $0x3, v5  }
0x266: {  	v5 =	vbroadcast v5, $0x0;
	v54 =	vmul.f32 v52, v2;
	_ =	sdelay $0x1  }
0x267: {  	v6 =	vadd.f32 v6, v54  }
0x268: {  	v3 =	vmul.f32 v3, v52  }
0x269: {  	[tilespmem:s30+$0xFFFFFF30] =	vst v6  }
0x26a: {  	[tilespmem:s29+$0xFFFFFF30] =	vst v3  }
0x26b: {  	v3 =	vld.idx.msk [tilespmem:v5+s3+$0x0], $0xffff;
	_ =	sdelay $0x1  }
0x26c: {  	s31 =	sadd.s32 $0xFFFFFEF4, s28  }
0x26d: {  	v55 =	vmov s31  }
0x26e: {  	v56 =	vshll.u32 v55, $0x4  }
0x26f: {  	v4 =	vshll.u32 v55, $0x7;
	v6 =	vor.u32 v0, v56;
	v3 =	vand.u32 $0x7F, v3  }
0x270: {  	v3 =	vor.u32 v4, v3;
	_ =	sdelay $0x1  }
0x271: {  	s31 =	sadd.s32 $0xFFFFFFF5, s28;
	v57 =	vld.idx.msk [tilespmem:v5+s12+$0x0], $0xffff  }
0x272: {  	v58 =	vmov s31  }
0x273: {  	v6 =	vld.idx.msk [tilespmem:v6+s15+$0x0], $0xffff;
	v5 =	vshrl.u32 v58, $0x3  }
0x274: {  	v5 =	vshll.u32 v5, v1;
	v3 =	vld.idx.msk [tilespmem:v3+s17+$0x0], $0xffff  }
0x275: {  	v5 =	vadd.s32 $0x4, v5  }
0x276: {  	v5 =	vbroadcast v5, $0x0;
	v59 =	vmul.f32 v57, v2;
	_ =	sdelay $0x1  }
0x277: {  	v6 =	vadd.f32 v6, v59  }
0x278: {  	v3 =	vmul.f32 v3, v57  }
0x279: {  	[tilespmem:s30+$0xFFFFFF40] =	vst v6  }
0x27a: {  	[tilespmem:s29+$0xFFFFFF40] =	vst v3  }
0x27b: {  	v3 =	vld.idx.msk [tilespmem:v5+s3+$0x0], $0xffff;
	_ =	sdelay $0x1  }
0x27c: {  	s31 =	sadd.s32 $0xFFFFFEF5, s28  }
0x27d: {  	v60 =	vmov s31  }
0x27e: {  	v61 =	vshll.u32 v60, $0x4  }
0x27f: {  	v4 =	vshll.u32 v60, $0x7;
	v6 =	vor.u32 v0, v61;
	v3 =	vand.u32 $0x7F, v3  }
0x280: {  	v3 =	vor.u32 v4, v3;
	_ =	sdelay $0x1  }
0x281: {  	s31 =	sadd.s32 $0xFFFFFFF6, s28;
	v62 =	vld.idx.msk [tilespmem:v5+s12+$0x0], $0xffff  }
0x282: {  	v63 =	vmov s31  }
0x283: {  	v6 =	vld.idx.msk [tilespmem:v6+s15+$0x0], $0xffff;
	v5 =	vshrl.u32 v63, $0x3  }
0x284: {  	v5 =	vshll.u32 v5, v1;
	v3 =	vld.idx.msk [tilespmem:v3+s17+$0x0], $0xffff  }
0x285: {  	v5 =	vadd.s32 $0x5, v5  }
0x286: {  	v5 =	vbroadcast v5, $0x0;
	v9 =	vmul.f32 v62, v2;
	_ =	sdelay $0x1  }
0x287: {  	v6 =	vadd.f32 v6, v9  }
0x288: {  	v3 =	vmul.f32 v3, v62  }
0x289: {  	[tilespmem:s30+$0xFFFFFF50] =	vst v6  }
0x28a: {  	[tilespmem:s29+$0xFFFFFF50] =	vst v3  }
0x28b: {  	v3 =	vld.idx.msk [tilespmem:v5+s3+$0x0], $0xffff;
	_ =	sdelay $0x1  }
0x28c: {  	s31 =	sadd.s32 $0xFFFFFEF6, s28  }
0x28d: {  	v10 =	vmov s31  }
0x28e: {  	v11 =	vshll.u32 v10, $0x4  }
0x28f: {  	v4 =	vshll.u32 v10, $0x7;
	v6 =	vor.u32 v0, v11;
	v3 =	vand.u32 $0x7F, v3  }
0x290: {  	v3 =	vor.u32 v4, v3;
	_ =	sdelay $0x1  }
0x291: {  	s31 =	sadd.s32 $0xFFFFFFF7, s28;
	v12 =	vld.idx.msk [tilespmem:v5+s12+$0x0], $0xffff  }
0x292: {  	v13 =	vmov s31  }
0x293: {  	v6 =	vld.idx.msk [tilespmem:v6+s15+$0x0], $0xffff;
	v5 =	vshrl.u32 v13, $0x3  }
0x294: {  	v5 =	vshll.u32 v5, v1;
	v3 =	vld.idx.msk [tilespmem:v3+s17+$0x0], $0xffff  }
0x295: {  	v5 =	vadd.s32 $0x6, v5  }
0x296: {  	v5 =	vbroadcast v5, $0x0;
	v14 =	vmul.f32 v12, v2;
	_ =	sdelay $0x1  }
0x297: {  	v6 =	vadd.f32 v6, v14  }
0x298: {  	v3 =	vmul.f32 v3, v12  }
0x299: {  	[tilespmem:s30+$0xFFFFFF60] =	vst v6  }
0x29a: {  	[tilespmem:s29+$0xFFFFFF60] =	vst v3  }
0x29b: {  	v3 =	vld.idx.msk [tilespmem:v5+s3+$0x0], $0xffff;
	_ =	sdelay $0x1  }
0x29c: {  	s31 =	sadd.s32 $0xFFFFFEF7, s28  }
0x29d: {  	v15 =	vmov s31  }
0x29e: {  	v16 =	vshll.u32 v15, $0x4  }
0x29f: {  	v4 =	vshll.u32 v15, $0x7;
	v6 =	vor.u32 v0, v16;
	v3 =	vand.u32 $0x7F, v3  }
0x2a0: {  	v3 =	vor.u32 v4, v3;
	_ =	sdelay $0x1  }
0x2a1: {  	s31 =	sadd.s32 $0xFFFFFFF8, s28;
	v17 =	vld.idx.msk [tilespmem:v5+s12+$0x0], $0xffff  }
0x2a2: {  	v18 =	vmov s31  }
0x2a3: {  	v6 =	vld.idx.msk [tilespmem:v6+s15+$0x0], $0xffff;
	v5 =	vshrl.u32 v18, $0x3  }
0x2a4: {  	v5 =	vshll.u32 v5, v1;
	v3 =	vld.idx.msk [tilespmem:v3+s17+$0x0], $0xffff  }
0x2a5: {  	v5 =	vadd.s32 $0x7, v5  }
0x2a6: {  	v5 =	vbroadcast v5, $0x0;
	v19 =	vmul.f32 v17, v2;
	_ =	sdelay $0x1  }
0x2a7: {  	v6 =	vadd.f32 v6, v19  }
0x2a8: {  	v3 =	vmul.f32 v3, v17  }
0x2a9: {  	[tilespmem:s30+$0xFFFFFF70] =	vst v6  }
0x2aa: {  	[tilespmem:s29+$0xFFFFFF70] =	vst v3  }
0x2ab: {  	v3 =	vld.idx.msk [tilespmem:v5+s3+$0x0], $0xffff;
	_ =	sdelay $0x1  }
0x2ac: {  	s31 =	sadd.s32 $0xFFFFFEF8, s28  }
0x2ad: {  	v20 =	vmov s31  }
0x2ae: {  	v21 =	vshll.u32 v20, $0x4  }
0x2af: {  	v4 =	vshll.u32 v20, $0x7;
	v6 =	vor.u32 v0, v21;
	v3 =	vand.u32 $0x7F, v3  }
0x2b0: {  	v3 =	vor.u32 v4, v3;
	_ =	sdelay $0x1  }
0x2b1: {  	v22 =	vld.idx.msk [tilespmem:v5+s12+$0x0], $0xffff  }
0x2b2: {  	s31 =	sadd.s32 $0xFFFFFFF9, s28  }
0x2b3: {  	v24 =	vmov s31;
	v23 =	vld.idx.msk [tilespmem:v6+s15+$0x0], $0xffff  }
0x2b4: {  	v6 =	vshrl.u32 v24, $0x3;
	v3 =	vld.idx.msk [tilespmem:v3+s17+$0x0], $0xffff  }
0x2b5: {  	v6 =	vshll.u32 v6, v1  }
0x2b6: {  	v6 =	vbroadcast v6, $0x0;
	v25 =	vmul.f32 v22, v2;
	_ =	sdelay $0x1  }
0x2b7: {  	v5 =	vadd.f32 v23, v25  }
0x2b8: {  	v3 =	vmul.f32 v3, v22  }
0x2b9: {  	[tilespmem:s30+$0xFFFFFF80] =	vst v5  }
0x2ba: {  	[tilespmem:s29+$0xFFFFFF80] =	vst v3  }
0x2bb: {  	v3 =	vld.idx.msk [tilespmem:v6+s3+$0x0], $0xffff;
	_ =	sdelay $0x1  }
0x2bc: {  	s31 =	sadd.s32 $0xFFFFFEF9, s28  }
0x2bd: {  	v26 =	vmov s31  }
0x2be: {  	v27 =	vshll.u32 v26, $0x4  }
0x2bf: {  	v4 =	vshll.u32 v26, $0x7;
	v5 =	vor.u32 v0, v27;
	v3 =	vand.u32 $0x7F, v3  }
0x2c0: {  	v3 =	vor.u32 v4, v3;
	_ =	sdelay $0x1  }
0x2c1: {  	s31 =	sadd.s32 $0xFFFFFFFA, s28;
	v28 =	vld.idx.msk [tilespmem:v6+s12+$0x0], $0xffff  }
0x2c2: {  	v29 =	vmov s31  }
0x2c3: {  	v5 =	vld.idx.msk [tilespmem:v5+s15+$0x0], $0xffff;
	v6 =	vshrl.u32 v29, $0x3  }
0x2c4: {  	v6 =	vshll.u32 v6, v1;
	v3 =	vld.idx.msk [tilespmem:v3+s17+$0x0], $0xffff  }
0x2c5: {  	v6 =	vadd.s32 $0x1, v6  }
0x2c6: {  	v6 =	vbroadcast v6, $0x0;
	v30 =	vmul.f32 v28, v2;
	_ =	sdelay $0x1  }
0x2c7: {  	v5 =	vadd.f32 v5, v30  }
0x2c8: {  	v3 =	vmul.f32 v3, v28  }
0x2c9: {  	[tilespmem:s30+$0xFFFFFF90] =	vst v5  }
0x2ca: {  	[tilespmem:s29+$0xFFFFFF90] =	vst v3  }
0x2cb: {  	v3 =	vld.idx.msk [tilespmem:v6+s3+$0x0], $0xffff;
	_ =	sdelay $0x1  }
0x2cc: {  	s31 =	sadd.s32 $0xFFFFFEFA, s28  }
0x2cd: {  	v31 =	vmov s31  }
0x2ce: {  	v32 =	vshll.u32 v31, $0x4  }
0x2cf: {  	v4 =	vshll.u32 v31, $0x7;
	v5 =	vor.u32 v0, v32;
	v3 =	vand.u32 $0x7F, v3  }
0x2d0: {  	v3 =	vor.u32 v4, v3;
	_ =	sdelay $0x1  }
0x2d1: {  	s31 =	sadd.s32 $0xFFFFFFFB, s28;
	v33 =	vld.idx.msk [tilespmem:v6+s12+$0x0], $0xffff  }
0x2d2: {  	v34 =	vmov s31  }
0x2d3: {  	v5 =	vld.idx.msk [tilespmem:v5+s15+$0x0], $0xffff;
	v6 =	vshrl.u32 v34, $0x3  }
0x2d4: {  	v6 =	vshll.u32 v6, v1;
	v3 =	vld.idx.msk [tilespmem:v3+s17+$0x0], $0xffff  }
0x2d5: {  	v6 =	vadd.s32 $0x2, v6  }
0x2d6: {  	v6 =	vbroadcast v6, $0x0;
	v35 =	vmul.f32 v33, v2;
	_ =	sdelay $0x1  }
0x2d7: {  	v5 =	vadd.f32 v5, v35  }
0x2d8: {  	v3 =	vmul.f32 v3, v33  }
0x2d9: {  	[tilespmem:s30+$0xFFFFFFA0] =	vst v5  }
0x2da: {  	[tilespmem:s29+$0xFFFFFFA0] =	vst v3  }
0x2db: {  	v3 =	vld.idx.msk [tilespmem:v6+s3+$0x0], $0xffff;
	_ =	sdelay $0x1  }
0x2dc: {  	s31 =	sadd.s32 $0xFFFFFEFB, s28  }
0x2dd: {  	v36 =	vmov s31  }
0x2de: {  	v37 =	vshll.u32 v36, $0x4  }
0x2df: {  	v4 =	vshll.u32 v36, $0x7;
	v5 =	vor.u32 v0, v37;
	v3 =	vand.u32 $0x7F, v3  }
0x2e0: {  	v3 =	vor.u32 v4, v3;
	_ =	sdelay $0x1  }
0x2e1: {  	s31 =	sadd.s32 $0xFFFFFFFC, s28;
	v38 =	vld.idx.msk [tilespmem:v6+s12+$0x0], $0xffff  }
0x2e2: {  	v39 =	vmov s31  }
0x2e3: {  	v5 =	vld.idx.msk [tilespmem:v5+s15+$0x0], $0xffff;
	v6 =	vshrl.u32 v39, $0x3  }
0x2e4: {  	v6 =	vshll.u32 v6, v1;
	v3 =	vld.idx.msk [tilespmem:v3+s17+$0x0], $0xffff  }
0x2e5: {  	v6 =	vadd.s32 $0x3, v6  }
0x2e6: {  	v6 =	vbroadcast v6, $0x0;
	v40 =	vmul.f32 v38, v2;
	_ =	sdelay $0x1  }
0x2e7: {  	v5 =	vadd.f32 v5, v40  }
0x2e8: {  	v3 =	vmul.f32 v3, v38  }
0x2e9: {  	[tilespmem:s30+$0xFFFFFFB0] =	vst v5  }
0x2ea: {  	[tilespmem:s29+$0xFFFFFFB0] =	vst v3  }
0x2eb: {  	v3 =	vld.idx.msk [tilespmem:v6+s3+$0x0], $0xffff;
	_ =	sdelay $0x1  }
0x2ec: {  	s31 =	sadd.s32 $0xFFFFFEFC, s28  }
0x2ed: {  	v41 =	vmov s31  }
0x2ee: {  	v42 =	vshll.u32 v41, $0x4  }
0x2ef: {  	v4 =	vshll.u32 v41, $0x7;
	v5 =	vor.u32 v0, v42;
	v3 =	vand.u32 $0x7F, v3  }
0x2f0: {  	v3 =	vor.u32 v4, v3;
	_ =	sdelay $0x1  }
0x2f1: {  	s31 =	sadd.s32 $0xFFFFFFFD, s28;
	v43 =	vld.idx.msk [tilespmem:v6+s12+$0x0], $0xffff  }
0x2f2: {  	v44 =	vmov s31  }
0x2f3: {  	v5 =	vld.idx.msk [tilespmem:v5+s15+$0x0], $0xffff;
	v6 =	vshrl.u32 v44, $0x3  }
0x2f4: {  	v6 =	vshll.u32 v6, v1;
	v3 =	vld.idx.msk [tilespmem:v3+s17+$0x0], $0xffff  }
0x2f5: {  	v6 =	vadd.s32 $0x4, v6  }
0x2f6: {  	v6 =	vbroadcast v6, $0x0;
	v45 =	vmul.f32 v43, v2;
	_ =	sdelay $0x1  }
0x2f7: {  	v5 =	vadd.f32 v5, v45  }
0x2f8: {  	v3 =	vmul.f32 v3, v43  }
0x2f9: {  	[tilespmem:s30+$0xFFFFFFC0] =	vst v5  }
0x2fa: {  	[tilespmem:s29+$0xFFFFFFC0] =	vst v3  }
0x2fb: {  	v3 =	vld.idx.msk [tilespmem:v6+s3+$0x0], $0xffff;
	_ =	sdelay $0x1  }
0x2fc: {  	s31 =	sadd.s32 $0xFFFFFEFD, s28  }
0x2fd: {  	v46 =	vmov s31  }
0x2fe: {  	v47 =	vshll.u32 v46, $0x4  }
0x2ff: {  	v4 =	vshll.u32 v46, $0x7;
	v5 =	vor.u32 v0, v47;
	v3 =	vand.u32 $0x7F, v3  }
0x300: {  	v3 =	vor.u32 v4, v3;
	_ =	sdelay $0x1  }
0x301: {  	s31 =	sadd.s32 $0xFFFFFFFE, s28;
	v48 =	vld.idx.msk [tilespmem:v6+s12+$0x0], $0xffff  }
0x302: {  	v49 =	vmov s31  }
0x303: {  	v5 =	vld.idx.msk [tilespmem:v5+s15+$0x0], $0xffff;
	v6 =	vshrl.u32 v49, $0x3  }
0x304: {  	v6 =	vshll.u32 v6, v1;
	v3 =	vld.idx.msk [tilespmem:v3+s17+$0x0], $0xffff  }
0x305: {  	v6 =	vadd.s32 $0x5, v6  }
0x306: {  	v6 =	vbroadcast v6, $0x0;
	v50 =	vmul.f32 v48, v2;
	_ =	sdelay $0x1  }
0x307: {  	v5 =	vadd.f32 v5, v50  }
0x308: {  	v3 =	vmul.f32 v3, v48  }
0x309: {  	[tilespmem:s30+$0xFFFFFFD0] =	vst v5  }
0x30a: {  	[tilespmem:s29+$0xFFFFFFD0] =	vst v3  }
0x30b: {  	v3 =	vld.idx.msk [tilespmem:v6+s3+$0x0], $0xffff;
	_ =	sdelay $0x1  }
0x30c: {  	s31 =	sadd.s32 $0xFFFFFEFE, s28  }
0x30d: {  	v51 =	vmov s31  }
0x30e: {  	v52 =	vshll.u32 v51, $0x4  }
0x30f: {  	v4 =	vshll.u32 v51, $0x7;
	v5 =	vor.u32 v0, v52;
	v3 =	vand.u32 $0x7F, v3  }
0x310: {  	v3 =	vor.u32 v4, v3;
	_ =	sdelay $0x1  }
0x311: {  	s31 =	sadd.s32 $0xFFFFFFFF, s28;
	v53 =	vld.idx.msk [tilespmem:v6+s12+$0x0], $0xffff  }
0x312: {  	v54 =	vmov s31  }
0x313: {  	v5 =	vld.idx.msk [tilespmem:v5+s15+$0x0], $0xffff;
	v6 =	vshrl.u32 v54, $0x3  }
0x314: {  	v6 =	vshll.u32 v6, v1;
	v3 =	vld.idx.msk [tilespmem:v3+s17+$0x0], $0xffff  }
0x315: {  	v6 =	vadd.s32 $0x6, v6  }
0x316: {  	v6 =	vbroadcast v6, $0x0;
	v55 =	vmul.f32 v53, v2;
	_ =	sdelay $0x1  }
0x317: {  	v5 =	vadd.f32 v5, v55  }
0x318: {  	v3 =	vmul.f32 v3, v53  }
0x319: {  	[tilespmem:s30+$0xFFFFFFE0] =	vst v5  }
0x31a: {  	[tilespmem:s29+$0xFFFFFFE0] =	vst v3  }
0x31b: {  	v3 =	vld.idx.msk [tilespmem:v6+s3+$0x0], $0xffff;
	_ =	sdelay $0x1  }
0x31c: {  	s31 =	sadd.s32 $0xFFFFFEFF, s28  }
0x31d: {  	v56 =	vmov s31  }
0x31e: {  	v57 =	vshll.u32 v56, $0x4  }
0x31f: {  	v4 =	vshll.u32 v56, $0x7;
	v5 =	vor.u32 v0, v57;
	v3 =	vand.u32 $0x7F, v3  }
0x320: {  	v3 =	vor.u32 v4, v3;
	_ =	sdelay $0x1  }
0x321: {  	v58 =	vld.idx.msk [tilespmem:v6+s12+$0x0], $0xffff  }
0x322: {  	v59 =	vmov s28  }
0x323: {  	v5 =	vld.idx.msk [tilespmem:v5+s15+$0x0], $0xffff;
	v6 =	vshrl.u32 v59, $0x3  }
0x324: {  	v6 =	vshll.u32 v6, v1;
	v3 =	vld.idx.msk [tilespmem:v3+s17+$0x0], $0xffff  }
0x325: {  	v6 =	vadd.s32 $0x7, v6  }
0x326: {  	v6 =	vbroadcast v6, $0x0;
	v60 =	vmul.f32 v58, v2;
	_ =	sdelay $0x1  }
0x327: {  	v5 =	vadd.f32 v5, v60  }
0x328: {  	v3 =	vmul.f32 v3, v58  }
0x329: {  	[tilespmem:s30+$0xFFFFFFF0] =	vst v5  }
0x32a: {  	[tilespmem:s29+$0xFFFFFFF0] =	vst v3  }
0x32b: {  	v3 =	vld.idx.msk [tilespmem:v6+s3+$0x0], $0xffff;
	_ =	sdelay $0x1  }
0x32c: {  	s31 =	sadd.s32 $0xFFFFFF00, s28  }
0x32d: {  	v61 =	vmov s31  }
0x32e: {  	v62 =	vshll.u32 v61, $0x4  }
0x32f: {  	v4 =	vshll.u32 v61, $0x7;
	v5 =	vor.u32 v0, v62;
	v3 =	vand.u32 $0x7F, v3  }
0x330: {  	v3 =	vor.u32 v4, v3;
	_ =	sdelay $0x1  }
0x331: {  	v63 =	vld.idx.msk [tilespmem:v6+s12+$0x0], $0xffff;
	_ =	sdelay $0x1  }
0x332: {  	v5 =	vld.idx.msk [tilespmem:v5+s15+$0x0], $0xffff  }
0x333: {  	v3 =	vld.idx.msk [tilespmem:v3+s17+$0x0], $0xffff;
	_ =	sdelay $0x1  }
0x334: {  	p0 =	sne.s32 s28, $0x17F;
	v6 =	vmul.f32 v63, v2  }
.Ltmp2:
0x335: {  	_ = 	snop;
	(pc) =	sbr.rel @p0 .LBB2_6-.Ltmp2, $4  }
0x336: {  	v5 =	vadd.f32 v5, v6  }
0x337: {  	v3 =	vmul.f32 v3, v63  }
0x338: {  	[tilespmem:s30+$0x0] =	vst v5  }
0x339: {  	s28 =	sadd.s32 $0x10, s28;
	s30 =	sadd.s32 $0x100, s30;
	[tilespmem:s29+$0x0] =	vst v3;
	s29 =	sadd.s32 $0x100, s29  }
0x33a: {  	[tilespmem:s15], [sflag:$0x1] =	stream.indirect.gather [hbm4b:s5+s14], $0x10, s22, s14, $0xb8;
	[tilespmem:$0x8E10] =	vst v63  }
0x33b: {  	_ = 	snop  }
0x33c: {  	[tilespmem:s17], [sflag:$0x1] =	stream.indirect.gather [hbm4b:s4+s14], $0x80, s23, s14, $0xb8;
	[tilespmem:$0x8E10] =	vst v63  }
0x33d: {  	_ =	swait.ge [sflag:s18], $0x800  }
0x33e: {  	[sflag:s18] =	ssyncset.done $0x0  }
0x33f: {  	[sflag:s18] =	ssyncadd.s32 $0xFFFFF800  }
0x340: {  	_ =	swait.ge [sflag:s18], $0x4000  }
0x341: {  	s28 =	simm.s32 $0x18F;
	[sflag:s18] =	ssyncset.done $0x0  }
0x342: {  	s29 =	simm.s32 $0x8700;
	s30 =	simm.s32 $0x6700;
	[sflag:s18] =	ssyncadd.s32 $0xFFFFC000  }
.LBB2_8:
0x343: {  	s31 =	sadd.s32 $0xFFFFFFF1, s28  }
0x344: {  	v3 =	vmov s31  }
0x345: {  	v3 =	vshrl.u32 v3, $0x3  }
0x346: {  	v3 =	vshll.u32 v3, v1  }
0x347: {  	v3 =	vbroadcast v3, $0x0;
	_ =	sdelay $0x5  }
0x348: {  	v4 =	vld.idx.msk [tilespmem:v3+s3+$0x0], $0xffff;
	_ =	sdelay $0x1  }
0x349: {  	s31 =	sadd.s32 $0xFFFFFE71, s28  }
0x34a: {  	v5 =	vmov s31  }
0x34b: {  	v6 =	vshll.u32 v5, $0x4  }
0x34c: {  	v5 =	vshll.u32 v5, $0x7;
	v6 =	vor.u32 v0, v6;
	v4 =	vand.u32 $0x7F, v4  }
0x34d: {  	v4 =	vor.u32 v5, v4;
	_ =	sdelay $0x1  }
0x34e: {  	s31 =	sadd.s32 $0xFFFFFFF2, s28;
	v3 =	vld.idx.msk [tilespmem:v3+s12+$0x0], $0xffff  }
0x34f: {  	v44 =	vmov s31  }
0x350: {  	v6 =	vld.idx.msk [tilespmem:v6+s15+$0x0], $0xffff;
	v5 =	vshrl.u32 v44, $0x3  }
0x351: {  	v5 =	vshll.u32 v5, v1;
	v4 =	vld.idx.msk [tilespmem:v4+s17+$0x0], $0xffff  }
0x352: {  	v5 =	vadd.s32 $0x1, v5  }
0x353: {  	v7 =	vmul.f32 v3, v2;
	v5 =	vbroadcast v5, $0x0;
	_ =	sdelay $0x1  }
0x354: {  	v6 =	vadd.f32 v6, v7  }
0x355: {  	v3 =	vmul.f32 v4, v3  }
0x356: {  	[tilespmem:s30+$0xFFFFFF10] =	vst v6  }
0x357: {  	[tilespmem:s29+$0xFFFFFF10] =	vst v3  }
0x358: {  	v3 =	vld.idx.msk [tilespmem:v5+s3+$0x0], $0xffff;
	_ =	sdelay $0x1  }
0x359: {  	s31 =	sadd.s32 $0xFFFFFE72, s28  }
0x35a: {  	v45 =	vmov s31  }
0x35b: {  	v46 =	vshll.u32 v45, $0x4  }
0x35c: {  	v6 =	vor.u32 v0, v46;
	v4 =	vshll.u32 v45, $0x7;
	v3 =	vand.u32 $0x7F, v3  }
0x35d: {  	v3 =	vor.u32 v4, v3;
	_ =	sdelay $0x1  }
0x35e: {  	s31 =	sadd.s32 $0xFFFFFFF3, s28;
	v47 =	vld.idx.msk [tilespmem:v5+s12+$0x0], $0xffff  }
0x35f: {  	v48 =	vmov s31  }
0x360: {  	v6 =	vld.idx.msk [tilespmem:v6+s15+$0x0], $0xffff;
	v5 =	vshrl.u32 v48, $0x3  }
0x361: {  	v5 =	vshll.u32 v5, v1;
	v3 =	vld.idx.msk [tilespmem:v3+s17+$0x0], $0xffff  }
0x362: {  	v5 =	vadd.s32 $0x2, v5  }
0x363: {  	v5 =	vbroadcast v5, $0x0;
	v49 =	vmul.f32 v47, v2;
	_ =	sdelay $0x1  }
0x364: {  	v6 =	vadd.f32 v6, v49  }
0x365: {  	v3 =	vmul.f32 v3, v47  }
0x366: {  	[tilespmem:s30+$0xFFFFFF20] =	vst v6  }
0x367: {  	[tilespmem:s29+$0xFFFFFF20] =	vst v3  }
0x368: {  	v3 =	vld.idx.msk [tilespmem:v5+s3+$0x0], $0xffff;
	_ =	sdelay $0x1  }
0x369: {  	s31 =	sadd.s32 $0xFFFFFE73, s28  }
0x36a: {  	v50 =	vmov s31  }
0x36b: {  	v51 =	vshll.u32 v50, $0x4  }
0x36c: {  	v4 =	vshll.u32 v50, $0x7;
	v6 =	vor.u32 v0, v51;
	v3 =	vand.u32 $0x7F, v3  }
0x36d: {  	v3 =	vor.u32 v4, v3;
	_ =	sdelay $0x1  }
0x36e: {  	s31 =	sadd.s32 $0xFFFFFFF4, s28;
	v52 =	vld.idx.msk [tilespmem:v5+s12+$0x0], $0xffff  }
0x36f: {  	v53 =	vmov s31  }
0x370: {  	v6 =	vld.idx.msk [tilespmem:v6+s15+$0x0], $0xffff;
	v5 =	vshrl.u32 v53, $0x3  }
0x371: {  	v5 =	vshll.u32 v5, v1;
	v3 =	vld.idx.msk [tilespmem:v3+s17+$0x0], $0xffff  }
0x372: {  	v5 =	vadd.s32 $0x3, v5  }
0x373: {  	v5 =	vbroadcast v5, $0x0;
	v54 =	vmul.f32 v52, v2;
	_ =	sdelay $0x1  }
0x374: {  	v6 =	vadd.f32 v6, v54  }
0x375: {  	v3 =	vmul.f32 v3, v52  }
0x376: {  	[tilespmem:s30+$0xFFFFFF30] =	vst v6  }
0x377: {  	[tilespmem:s29+$0xFFFFFF30] =	vst v3  }
0x378: {  	v3 =	vld.idx.msk [tilespmem:v5+s3+$0x0], $0xffff;
	_ =	sdelay $0x1  }
0x379: {  	s31 =	sadd.s32 $0xFFFFFE74, s28  }
0x37a: {  	v55 =	vmov s31  }
0x37b: {  	v56 =	vshll.u32 v55, $0x4  }
0x37c: {  	v4 =	vshll.u32 v55, $0x7;
	v6 =	vor.u32 v0, v56;
	v3 =	vand.u32 $0x7F, v3  }
0x37d: {  	v3 =	vor.u32 v4, v3;
	_ =	sdelay $0x1  }
0x37e: {  	s31 =	sadd.s32 $0xFFFFFFF5, s28;
	v57 =	vld.idx.msk [tilespmem:v5+s12+$0x0], $0xffff  }
0x37f: {  	v58 =	vmov s31  }
0x380: {  	v6 =	vld.idx.msk [tilespmem:v6+s15+$0x0], $0xffff;
	v5 =	vshrl.u32 v58, $0x3  }
0x381: {  	v5 =	vshll.u32 v5, v1;
	v3 =	vld.idx.msk [tilespmem:v3+s17+$0x0], $0xffff  }
0x382: {  	v5 =	vadd.s32 $0x4, v5  }
0x383: {  	v5 =	vbroadcast v5, $0x0;
	v59 =	vmul.f32 v57, v2;
	_ =	sdelay $0x1  }
0x384: {  	v6 =	vadd.f32 v6, v59  }
0x385: {  	v3 =	vmul.f32 v3, v57  }
0x386: {  	[tilespmem:s30+$0xFFFFFF40] =	vst v6  }
0x387: {  	[tilespmem:s29+$0xFFFFFF40] =	vst v3  }
0x388: {  	v3 =	vld.idx.msk [tilespmem:v5+s3+$0x0], $0xffff;
	_ =	sdelay $0x1  }
0x389: {  	s31 =	sadd.s32 $0xFFFFFE75, s28  }
0x38a: {  	v60 =	vmov s31  }
0x38b: {  	v61 =	vshll.u32 v60, $0x4  }
0x38c: {  	v4 =	vshll.u32 v60, $0x7;
	v6 =	vor.u32 v0, v61;
	v3 =	vand.u32 $0x7F, v3  }
0x38d: {  	v3 =	vor.u32 v4, v3;
	_ =	sdelay $0x1  }
0x38e: {  	s31 =	sadd.s32 $0xFFFFFFF6, s28;
	v62 =	vld.idx.msk [tilespmem:v5+s12+$0x0], $0xffff  }
0x38f: {  	v63 =	vmov s31  }
0x390: {  	v6 =	vld.idx.msk [tilespmem:v6+s15+$0x0], $0xffff;
	v5 =	vshrl.u32 v63, $0x3  }
0x391: {  	v5 =	vshll.u32 v5, v1;
	v3 =	vld.idx.msk [tilespmem:v3+s17+$0x0], $0xffff  }
0x392: {  	v5 =	vadd.s32 $0x5, v5  }
0x393: {  	v5 =	vbroadcast v5, $0x0;
	v9 =	vmul.f32 v62, v2;
	_ =	sdelay $0x1  }
0x394: {  	v6 =	vadd.f32 v6, v9  }
0x395: {  	v3 =	vmul.f32 v3, v62  }
0x396: {  	[tilespmem:s30+$0xFFFFFF50] =	vst v6  }
0x397: {  	[tilespmem:s29+$0xFFFFFF50] =	vst v3  }
0x398: {  	v3 =	vld.idx.msk [tilespmem:v5+s3+$0x0], $0xffff;
	_ =	sdelay $0x1  }
0x399: {  	s31 =	sadd.s32 $0xFFFFFE76, s28  }
0x39a: {  	v10 =	vmov s31  }
0x39b: {  	v11 =	vshll.u32 v10, $0x4  }
0x39c: {  	v4 =	vshll.u32 v10, $0x7;
	v6 =	vor.u32 v0, v11;
	v3 =	vand.u32 $0x7F, v3  }
0x39d: {  	v3 =	vor.u32 v4, v3;
	_ =	sdelay $0x1  }
0x39e: {  	s31 =	sadd.s32 $0xFFFFFFF7, s28;
	v12 =	vld.idx.msk [tilespmem:v5+s12+$0x0], $0xffff  }
0x39f: {  	v13 =	vmov s31  }
0x3a0: {  	v6 =	vld.idx.msk [tilespmem:v6+s15+$0x0], $0xffff;
	v5 =	vshrl.u32 v13, $0x3  }
0x3a1: {  	v5 =	vshll.u32 v5, v1;
	v3 =	vld.idx.msk [tilespmem:v3+s17+$0x0], $0xffff  }
0x3a2: {  	v5 =	vadd.s32 $0x6, v5  }
0x3a3: {  	v5 =	vbroadcast v5, $0x0;
	v14 =	vmul.f32 v12, v2;
	_ =	sdelay $0x1  }
0x3a4: {  	v6 =	vadd.f32 v6, v14  }
0x3a5: {  	v3 =	vmul.f32 v3, v12  }
0x3a6: {  	[tilespmem:s30+$0xFFFFFF60] =	vst v6  }
0x3a7: {  	[tilespmem:s29+$0xFFFFFF60] =	vst v3  }
0x3a8: {  	v3 =	vld.idx.msk [tilespmem:v5+s3+$0x0], $0xffff;
	_ =	sdelay $0x1  }
0x3a9: {  	s31 =	sadd.s32 $0xFFFFFE77, s28  }
0x3aa: {  	v15 =	vmov s31  }
0x3ab: {  	v16 =	vshll.u32 v15, $0x4  }
0x3ac: {  	v4 =	vshll.u32 v15, $0x7;
	v6 =	vor.u32 v0, v16;
	v3 =	vand.u32 $0x7F, v3  }
0x3ad: {  	v3 =	vor.u32 v4, v3;
	_ =	sdelay $0x1  }
0x3ae: {  	s31 =	sadd.s32 $0xFFFFFFF8, s28;
	v17 =	vld.idx.msk [tilespmem:v5+s12+$0x0], $0xffff  }
0x3af: {  	v18 =	vmov s31  }
0x3b0: {  	v6 =	vld.idx.msk [tilespmem:v6+s15+$0x0], $0xffff;
	v5 =	vshrl.u32 v18, $0x3  }
0x3b1: {  	v5 =	vshll.u32 v5, v1;
	v3 =	vld.idx.msk [tilespmem:v3+s17+$0x0], $0xffff  }
0x3b2: {  	v5 =	vadd.s32 $0x7, v5  }
0x3b3: {  	v5 =	vbroadcast v5, $0x0;
	v19 =	vmul.f32 v17, v2;
	_ =	sdelay $0x1  }
0x3b4: {  	v6 =	vadd.f32 v6, v19  }
0x3b5: {  	v3 =	vmul.f32 v3, v17  }
0x3b6: {  	[tilespmem:s30+$0xFFFFFF70] =	vst v6  }
0x3b7: {  	[tilespmem:s29+$0xFFFFFF70] =	vst v3  }
0x3b8: {  	v3 =	vld.idx.msk [tilespmem:v5+s3+$0x0], $0xffff;
	_ =	sdelay $0x1  }
0x3b9: {  	s31 =	sadd.s32 $0xFFFFFE78, s28  }
0x3ba: {  	v20 =	vmov s31  }
0x3bb: {  	v21 =	vshll.u32 v20, $0x4  }
0x3bc: {  	v4 =	vshll.u32 v20, $0x7;
	v6 =	vor.u32 v0, v21;
	v3 =	vand.u32 $0x7F, v3  }
0x3bd: {  	v3 =	vor.u32 v4, v3;
	_ =	sdelay $0x1  }
0x3be: {  	v22 =	vld.idx.msk [tilespmem:v5+s12+$0x0], $0xffff  }
0x3bf: {  	s31 =	sadd.s32 $0xFFFFFFF9, s28  }
0x3c0: {  	v24 =	vmov s31;
	v23 =	vld.idx.msk [tilespmem:v6+s15+$0x0], $0xffff  }
0x3c1: {  	v6 =	vshrl.u32 v24, $0x3;
	v3 =	vld.idx.msk [tilespmem:v3+s17+$0x0], $0xffff  }
0x3c2: {  	v6 =	vshll.u32 v6, v1  }
0x3c3: {  	v6 =	vbroadcast v6, $0x0;
	v25 =	vmul.f32 v22, v2;
	_ =	sdelay $0x1  }
0x3c4: {  	v5 =	vadd.f32 v23, v25  }
0x3c5: {  	v3 =	vmul.f32 v3, v22  }
0x3c6: {  	[tilespmem:s30+$0xFFFFFF80] =	vst v5  }
0x3c7: {  	[tilespmem:s29+$0xFFFFFF80] =	vst v3  }
0x3c8: {  	v3 =	vld.idx.msk [tilespmem:v6+s3+$0x0], $0xffff;
	_ =	sdelay $0x1  }
0x3c9: {  	s31 =	sadd.s32 $0xFFFFFE79, s28  }
0x3ca: {  	v26 =	vmov s31  }
0x3cb: {  	v27 =	vshll.u32 v26, $0x4  }
0x3cc: {  	v4 =	vshll.u32 v26, $0x7;
	v5 =	vor.u32 v0, v27;
	v3 =	vand.u32 $0x7F, v3  }
0x3cd: {  	v3 =	vor.u32 v4, v3;
	_ =	sdelay $0x1  }
0x3ce: {  	s31 =	sadd.s32 $0xFFFFFFFA, s28;
	v28 =	vld.idx.msk [tilespmem:v6+s12+$0x0], $0xffff  }
0x3cf: {  	v29 =	vmov s31  }
0x3d0: {  	v5 =	vld.idx.msk [tilespmem:v5+s15+$0x0], $0xffff;
	v6 =	vshrl.u32 v29, $0x3  }
0x3d1: {  	v6 =	vshll.u32 v6, v1;
	v3 =	vld.idx.msk [tilespmem:v3+s17+$0x0], $0xffff  }
0x3d2: {  	v6 =	vadd.s32 $0x1, v6  }
0x3d3: {  	v6 =	vbroadcast v6, $0x0;
	v30 =	vmul.f32 v28, v2;
	_ =	sdelay $0x1  }
0x3d4: {  	v5 =	vadd.f32 v5, v30  }
0x3d5: {  	v3 =	vmul.f32 v3, v28  }
0x3d6: {  	[tilespmem:s30+$0xFFFFFF90] =	vst v5  }
0x3d7: {  	[tilespmem:s29+$0xFFFFFF90] =	vst v3  }
0x3d8: {  	v3 =	vld.idx.msk [tilespmem:v6+s3+$0x0], $0xffff;
	_ =	sdelay $0x1  }
0x3d9: {  	s31 =	sadd.s32 $0xFFFFFE7A, s28  }
0x3da: {  	v31 =	vmov s31  }
0x3db: {  	v32 =	vshll.u32 v31, $0x4  }
0x3dc: {  	v4 =	vshll.u32 v31, $0x7;
	v5 =	vor.u32 v0, v32;
	v3 =	vand.u32 $0x7F, v3  }
0x3dd: {  	v3 =	vor.u32 v4, v3;
	_ =	sdelay $0x1  }
0x3de: {  	s31 =	sadd.s32 $0xFFFFFFFB, s28;
	v33 =	vld.idx.msk [tilespmem:v6+s12+$0x0], $0xffff  }
0x3df: {  	v34 =	vmov s31  }
0x3e0: {  	v5 =	vld.idx.msk [tilespmem:v5+s15+$0x0], $0xffff;
	v6 =	vshrl.u32 v34, $0x3  }
0x3e1: {  	v6 =	vshll.u32 v6, v1;
	v3 =	vld.idx.msk [tilespmem:v3+s17+$0x0], $0xffff  }
0x3e2: {  	v6 =	vadd.s32 $0x2, v6  }
0x3e3: {  	v6 =	vbroadcast v6, $0x0;
	v35 =	vmul.f32 v33, v2;
	_ =	sdelay $0x1  }
0x3e4: {  	v5 =	vadd.f32 v5, v35  }
0x3e5: {  	v3 =	vmul.f32 v3, v33  }
0x3e6: {  	[tilespmem:s30+$0xFFFFFFA0] =	vst v5  }
0x3e7: {  	[tilespmem:s29+$0xFFFFFFA0] =	vst v3  }
0x3e8: {  	v3 =	vld.idx.msk [tilespmem:v6+s3+$0x0], $0xffff;
	_ =	sdelay $0x1  }
0x3e9: {  	s31 =	sadd.s32 $0xFFFFFE7B, s28  }
0x3ea: {  	v36 =	vmov s31  }
0x3eb: {  	v37 =	vshll.u32 v36, $0x4  }
0x3ec: {  	v4 =	vshll.u32 v36, $0x7;
	v5 =	vor.u32 v0, v37;
	v3 =	vand.u32 $0x7F, v3  }
0x3ed: {  	v3 =	vor.u32 v4, v3;
	_ =	sdelay $0x1  }
0x3ee: {  	s31 =	sadd.s32 $0xFFFFFFFC, s28;
	v38 =	vld.idx.msk [tilespmem:v6+s12+$0x0], $0xffff  }
0x3ef: {  	v39 =	vmov s31  }
0x3f0: {  	v5 =	vld.idx.msk [tilespmem:v5+s15+$0x0], $0xffff;
	v6 =	vshrl.u32 v39, $0x3  }
0x3f1: {  	v6 =	vshll.u32 v6, v1;
	v3 =	vld.idx.msk [tilespmem:v3+s17+$0x0], $0xffff  }
0x3f2: {  	v6 =	vadd.s32 $0x3, v6  }
0x3f3: {  	v6 =	vbroadcast v6, $0x0;
	v40 =	vmul.f32 v38, v2;
	_ =	sdelay $0x1  }
0x3f4: {  	v5 =	vadd.f32 v5, v40  }
0x3f5: {  	v3 =	vmul.f32 v3, v38  }
0x3f6: {  	[tilespmem:s30+$0xFFFFFFB0] =	vst v5  }
0x3f7: {  	[tilespmem:s29+$0xFFFFFFB0] =	vst v3  }
0x3f8: {  	v3 =	vld.idx.msk [tilespmem:v6+s3+$0x0], $0xffff;
	_ =	sdelay $0x1  }
0x3f9: {  	s31 =	sadd.s32 $0xFFFFFE7C, s28  }
0x3fa: {  	v41 =	vmov s31  }
0x3fb: {  	v42 =	vshll.u32 v41, $0x4  }
0x3fc: {  	v4 =	vshll.u32 v41, $0x7;
	v5 =	vor.u32 v0, v42;
	v3 =	vand.u32 $0x7F, v3  }
0x3fd: {  	v3 =	vor.u32 v4, v3;
	_ =	sdelay $0x1  }
0x3fe: {  	s31 =	sadd.s32 $0xFFFFFFFD, s28;
	v43 =	vld.idx.msk [tilespmem:v6+s12+$0x0], $0xffff  }
0x3ff: {  	v44 =	vmov s31  }
0x400: {  	v5 =	vld.idx.msk [tilespmem:v5+s15+$0x0], $0xffff;
	v6 =	vshrl.u32 v44, $0x3  }
0x401: {  	v6 =	vshll.u32 v6, v1;
	v3 =	vld.idx.msk [tilespmem:v3+s17+$0x0], $0xffff  }
0x402: {  	v6 =	vadd.s32 $0x4, v6  }
0x403: {  	v6 =	vbroadcast v6, $0x0;
	v45 =	vmul.f32 v43, v2;
	_ =	sdelay $0x1  }
0x404: {  	v5 =	vadd.f32 v5, v45  }
0x405: {  	v3 =	vmul.f32 v3, v43  }
0x406: {  	[tilespmem:s30+$0xFFFFFFC0] =	vst v5  }
0x407: {  	[tilespmem:s29+$0xFFFFFFC0] =	vst v3  }
0x408: {  	v3 =	vld.idx.msk [tilespmem:v6+s3+$0x0], $0xffff;
	_ =	sdelay $0x1  }
0x409: {  	s31 =	sadd.s32 $0xFFFFFE7D, s28  }
0x40a: {  	v46 =	vmov s31  }
0x40b: {  	v47 =	vshll.u32 v46, $0x4  }
0x40c: {  	v4 =	vshll.u32 v46, $0x7;
	v5 =	vor.u32 v0, v47;
	v3 =	vand.u32 $0x7F, v3  }
0x40d: {  	v3 =	vor.u32 v4, v3;
	_ =	sdelay $0x1  }
0x40e: {  	s31 =	sadd.s32 $0xFFFFFFFE, s28;
	v48 =	vld.idx.msk [tilespmem:v6+s12+$0x0], $0xffff  }
0x40f: {  	v49 =	vmov s31  }
0x410: {  	v5 =	vld.idx.msk [tilespmem:v5+s15+$0x0], $0xffff;
	v6 =	vshrl.u32 v49, $0x3  }
0x411: {  	v6 =	vshll.u32 v6, v1;
	v3 =	vld.idx.msk [tilespmem:v3+s17+$0x0], $0xffff  }
0x412: {  	v6 =	vadd.s32 $0x5, v6  }
0x413: {  	v6 =	vbroadcast v6, $0x0;
	v50 =	vmul.f32 v48, v2;
	_ =	sdelay $0x1  }
0x414: {  	v5 =	vadd.f32 v5, v50  }
0x415: {  	v3 =	vmul.f32 v3, v48  }
0x416: {  	[tilespmem:s30+$0xFFFFFFD0] =	vst v5  }
0x417: {  	[tilespmem:s29+$0xFFFFFFD0] =	vst v3  }
0x418: {  	v3 =	vld.idx.msk [tilespmem:v6+s3+$0x0], $0xffff;
	_ =	sdelay $0x1  }
0x419: {  	s31 =	sadd.s32 $0xFFFFFE7E, s28  }
0x41a: {  	v51 =	vmov s31  }
0x41b: {  	v52 =	vshll.u32 v51, $0x4  }
0x41c: {  	v4 =	vshll.u32 v51, $0x7;
	v5 =	vor.u32 v0, v52;
	v3 =	vand.u32 $0x7F, v3  }
0x41d: {  	v3 =	vor.u32 v4, v3;
	_ =	sdelay $0x1  }
0x41e: {  	s31 =	sadd.s32 $0xFFFFFFFF, s28;
	v53 =	vld.idx.msk [tilespmem:v6+s12+$0x0], $0xffff  }
0x41f: {  	v54 =	vmov s31  }
0x420: {  	v5 =	vld.idx.msk [tilespmem:v5+s15+$0x0], $0xffff;
	v6 =	vshrl.u32 v54, $0x3  }
0x421: {  	v6 =	vshll.u32 v6, v1;
	v3 =	vld.idx.msk [tilespmem:v3+s17+$0x0], $0xffff  }
0x422: {  	v6 =	vadd.s32 $0x6, v6  }
0x423: {  	v6 =	vbroadcast v6, $0x0;
	v55 =	vmul.f32 v53, v2;
	_ =	sdelay $0x1  }
0x424: {  	v5 =	vadd.f32 v5, v55  }
0x425: {  	v3 =	vmul.f32 v3, v53  }
0x426: {  	[tilespmem:s30+$0xFFFFFFE0] =	vst v5  }
0x427: {  	[tilespmem:s29+$0xFFFFFFE0] =	vst v3  }
0x428: {  	v3 =	vld.idx.msk [tilespmem:v6+s3+$0x0], $0xffff;
	_ =	sdelay $0x1  }
0x429: {  	s31 =	sadd.s32 $0xFFFFFE7F, s28  }
0x42a: {  	v56 =	vmov s31  }
0x42b: {  	v57 =	vshll.u32 v56, $0x4  }
0x42c: {  	v4 =	vshll.u32 v56, $0x7;
	v5 =	vor.u32 v0, v57;
	v3 =	vand.u32 $0x7F, v3  }
0x42d: {  	v3 =	vor.u32 v4, v3;
	_ =	sdelay $0x1  }
0x42e: {  	v58 =	vld.idx.msk [tilespmem:v6+s12+$0x0], $0xffff  }
0x42f: {  	v59 =	vmov s28  }
0x430: {  	v5 =	vld.idx.msk [tilespmem:v5+s15+$0x0], $0xffff;
	v6 =	vshrl.u32 v59, $0x3  }
0x431: {  	v6 =	vshll.u32 v6, v1;
	v3 =	vld.idx.msk [tilespmem:v3+s17+$0x0], $0xffff  }
0x432: {  	v6 =	vadd.s32 $0x7, v6  }
0x433: {  	v6 =	vbroadcast v6, $0x0;
	v60 =	vmul.f32 v58, v2;
	_ =	sdelay $0x1  }
0x434: {  	v5 =	vadd.f32 v5, v60  }
0x435: {  	v3 =	vmul.f32 v3, v58  }
0x436: {  	[tilespmem:s30+$0xFFFFFFF0] =	vst v5  }
0x437: {  	[tilespmem:s29+$0xFFFFFFF0] =	vst v3  }
0x438: {  	v3 =	vld.idx.msk [tilespmem:v6+s3+$0x0], $0xffff;
	_ =	sdelay $0x1  }
0x439: {  	s31 =	sadd.s32 $0xFFFFFE80, s28  }
0x43a: {  	v61 =	vmov s31  }
0x43b: {  	v62 =	vshll.u32 v61, $0x4  }
0x43c: {  	v4 =	vshll.u32 v61, $0x7;
	v5 =	vor.u32 v0, v62;
	v3 =	vand.u32 $0x7F, v3  }
0x43d: {  	v3 =	vor.u32 v4, v3;
	_ =	sdelay $0x1  }
0x43e: {  	v63 =	vld.idx.msk [tilespmem:v6+s12+$0x0], $0xffff;
	_ =	sdelay $0x1  }
0x43f: {  	v5 =	vld.idx.msk [tilespmem:v5+s15+$0x0], $0xffff  }
0x440: {  	v3 =	vld.idx.msk [tilespmem:v3+s17+$0x0], $0xffff;
	_ =	sdelay $0x1  }
0x441: {  	p0 =	sne.s32 s28, $0x1FF;
	v6 =	vmul.f32 v63, v2  }
.Ltmp3:
0x442: {  	_ = 	snop;
	(pc) =	sbr.rel @p0 .LBB2_8-.Ltmp3, $4  }
0x443: {  	v5 =	vadd.f32 v5, v6  }
0x444: {  	v3 =	vmul.f32 v3, v63  }
0x445: {  	[tilespmem:s30+$0x0] =	vst v5  }
0x446: {  	s28 =	sadd.s32 $0x10, s28;
	s30 =	sadd.s32 $0x100, s30;
	[tilespmem:s29+$0x0] =	vst v3;
	s29 =	sadd.s32 $0x100, s29  }
0x447: {  	[hbm4b:s8+s3] =	stream.linear.scatter [tilespmem:s24], [sflag:$0x2], $0x2000, $0x38;
	[tilespmem:$0x8E10] =	vst v63  }
0x448: {  	s26 =	sadd.s32 $0x1, s26;
	_ =	swait.ge [sflag:s11], $0x2000  }
0x449: {  	p0 =	sne.s32 s26, s10;
	[sflag:s11] =	ssyncset.done $0x0  }
.Ltmp4:
0x44a: {  	[sflag:s11] =	ssyncadd.s32 $0xFFFFE000;
	(pc) =	sbr.rel @p0 .LBB2_1-.Ltmp4, $4  }
0x44b: {  	[hbm4b:s9+s3] =	stream.linear.scatter [tilespmem:s25], [sflag:$0x2], $0x2000, $0x38;
	[tilespmem:$0x8E10] =	vst v63  }
0x44c: {  	_ =	swait.ge [sflag:s11], $0x2000  }
0x44d: {  	[sflag:s11] =	ssyncset.done $0x0  }
0x44e: {  	[sflag:s11] =	ssyncadd.s32 $0xFFFFE000  }
0x44f: {  	_ =	sfence.sel $0x180000  }
0x450: {  	[bflag:$0x0] =	sbarrier.arrive $0xFFFF  }
0x451: {  	p0 =	sne.s32 s2, $0x0;
	_ =	strace $0x9000004A  }
0x452: {  	s0 =	sadd.s32 @!p0 $0x100000, s0;
	[bflag:$0x2] =	sbarrier.arrive $0xFFFF  }
0x453: {  	[sflag:s0] =	ssyncadd.tile.s32 @!p0 $0x1;
	_ =	shalt  }
.Lfunc_end2:
_tile_overlayer_lowered:
.L_overlay_start_2:
0x454: {  	(tag) =	ssettag $0x2  }
0x455: {  	s0 =	rddreg [dreg:$0x0];
	s2 =	stileid.u32  }
0x456: {  	s1 =	rddreg [dreg:$0x1];
	p0 =	sne.s32 s2, $0x0  }
0x457: {  	s3 =	rddreg [dreg:$0x2];
	[bflag:$0x3] =	sbarrier.arrive $0xFFFF;
	s2 =	simm.s32 @!p0 $0x1C02  }
0x458: {  	[timem:s3], [sflag:s2] =	dma.local @!p0 [hbm:s0], s1  }
0x459: {  	s0 =	simm.s32 @!p0 $0x2  }
0x45a: {  	_ =	swait.ge @!p0 [sflag:s0], s1  }
0x45b: {  	s1 =	ssub.s32 @!p0 $0x0, s1;
	[sflag:s0] =	ssyncset.done @!p0 $0x0  }
0x45c: {  	[sflag:s0] =	ssyncadd.s32 @!p0 s1  }
0x45d: {  	[bflag:$0x3] =	sbarrier.arrive $0xFFFF  }
0x45e: {  	_ =	shalt  }

</sc_bundles>
